<compile_context>
chip_gen: v7x
topology: tpu7x:2x2x1
jax: 0.10.2.dev20260603
libtpu: 0.0.44.dev20260713+nightly
codegen_flags: <defaults>
</compile_context>

<pallas_src>
import functools

import jax
import jax.numpy as jnp
from jax import lax
from jax.experimental import pallas as pl
from jax.experimental.pallas import tpu as pltpu
from jax.experimental.pallas import tpu_sc as plsc

_T = 2
_N = 10000
_E = 160000
_ND = 128
_D = 64

_NW = 32
_ROWS = _T * _E
_RPW = _ROWS // _NW
_C = 80
_NCH = _RPW // _C
_ACC_N = _T * _N
_APT = _ACC_N // 16
_ACW = 80

_EB = 3200
_NEB = _E // _EB
_LROWS = _ROWS // 128
_NB = 2000
_NNB = (_T * _N) // _NB


def _ln(h, g, b):
    m = h.mean(-1, keepdims=True)
    v = ((h - m) ** 2).mean(-1, keepdims=True)
    return (h - m) / jnp.sqrt(v + 1e-5) * g + b


def _k1_body(x_ref, cw1, cb1, cw2, cb2, cw3, cb3, nw1, nb1, ng1, nB1, nw2,
             nb2, qw, qb, qkq_w, center_ref, hn_ref, qkq_ref):
    x = x_ref[...]
    h = jax.nn.relu(jnp.dot(x, cw1[...], preferred_element_type=jnp.float32) + cb1[...])
    h = jax.nn.relu(jnp.dot(h, cw2[...], preferred_element_type=jnp.float32) + cb2[...])
    center = jnp.dot(h, cw3[...], preferred_element_type=jnp.float32) + cb3[...]
    center_ref[...] = center
    q = jnp.dot(center, qw[...], preferred_element_type=jnp.float32) + qb[...]
    qkq_ref[...] = jnp.dot(q, qkq_w[...], preferred_element_type=jnp.float32)
    hn = jnp.dot(x, nw1[...], preferred_element_type=jnp.float32) + nb1[...]
    hn = jax.nn.relu(_ln(hn, ng1[...], nB1[...]))
    hn_ref[...] = jnp.dot(hn, nw2[...], preferred_element_type=jnp.float32) + nb2[...]


def _k1(x2, p):
    scale = _D ** (-0.5)
    qkq_w = jnp.concatenate(
        [p['kW'] * scale, jnp.broadcast_to(p['kb'][:, None] * scale, (_D, 16))], axis=1)
    row = lambda i: (i, 0)
    full = lambda i: (0, 0)
    w2 = pl.BlockSpec((_ND, _D), full)
    w1 = pl.BlockSpec((1, _D), full)
    dd = pl.BlockSpec((_D, _D), full)
    return pl.pallas_call(
        _k1_body,
        grid=(_NNB,),
        in_specs=[pl.BlockSpec((_NB, _ND), row),
                  w2, w1, dd, w1, dd, w1,
                  w2, w1, w1, w1, dd, w1,
                  dd, w1,
                  pl.BlockSpec((_D, _ACW), full)],
        out_specs=[pl.BlockSpec((_NB, _D), row),
                   pl.BlockSpec((_NB, _D), row),
                   pl.BlockSpec((_NB, _ACW), row)],
        out_shape=[jax.ShapeDtypeStruct((_T * _N, _D), jnp.float32),
                   jax.ShapeDtypeStruct((_T * _N, _D), jnp.float32),
                   jax.ShapeDtypeStruct((_T * _N, _ACW), jnp.float32)],
    )(x2,
      p['cW1'].T, p['cb1'][None], p['cW2'].T, p['cb2'][None], p['cW3'].T,
      p['cb3'][None],
      p['nW1'].T, p['nb1'][None], p['ng1'][None], p['nB1'][None], p['nW2'].T,
      p['nb2'][None],
      p['qW'].T, p['qb'][None], qkq_w)


def _k2_body(ea_ref, ew1, eb1, eg1, eB1, ew2, eb2, he_ref):
    h = jnp.dot(ea_ref[...], ew1[...], preferred_element_type=jnp.float32) + eb1[...]
    h = jax.nn.relu(_ln(h, eg1[...], eB1[...]))
    he_ref[...] = jnp.dot(h, ew2[...], preferred_element_type=jnp.float32) + eb2[...]


def _k2(edge_attr, p):
    row = lambda i: (i, 0)
    full = lambda i: (0, 0)
    w1 = pl.BlockSpec((1, _D), full)
    return pl.pallas_call(
        _k2_body,
        grid=(_E // 4000,),
        in_specs=[pl.BlockSpec((4000, 16), row),
                  pl.BlockSpec((16, _D), full), w1, w1, w1,
                  pl.BlockSpec((_D, _D), full), w1],
        out_specs=pl.BlockSpec((4000, _D), row),
        out_shape=jax.ShapeDtypeStruct((_E, _D), jnp.float32),
    )(edge_attr, p['eW1'].T, p['eb1'][None], p['eg1'][None], p['eB1'][None],
      p['eW2'].T, p['eb2'][None])


def _k3_body(hn_tab, qkq_tab, src2, dst2, hn_out, qkq_out,
             sidx_v, didx_v, buf64, buf80, sem):
    c = lax.axis_index("c")
    s = lax.axis_index("s")
    wid = s * 2 + c
    base = wid * _RPW

    pltpu.sync_copy(src2.at[pl.ds(base, _RPW)], sidx_v)
    pltpu.sync_copy(dst2.at[pl.ds(base, _RPW)], didx_v)

    def body(j, carry):
        off = base + j * _C
        d64 = pltpu.async_copy(
            hn_tab.at[sidx_v.at[pl.ds(j * _C, _C)]], buf64, sem)
        d80 = pltpu.async_copy(
            qkq_tab.at[didx_v.at[pl.ds(j * _C, _C)]], buf80, sem)
        d64.wait()
        d80.wait()
        pltpu.sync_copy(buf64, hn_out.at[pl.ds(off, _C)])
        pltpu.sync_copy(buf80, qkq_out.at[pl.ds(off, _C)])
        return carry

    lax.fori_loop(0, _NCH, body, 0)


def _sc_mesh():
    return plsc.VectorSubcoreMesh(core_axis_name="c", subcore_axis_name="s")


def _k3(hn, qkq, src2, dst2):
    f = pl.kernel(
        _k3_body, mesh=_sc_mesh(),
        out_type=[jax.ShapeDtypeStruct((_ROWS, _D), jnp.float32),
                  jax.ShapeDtypeStruct((_ROWS, _ACW), jnp.float32)],
        scratch_types=[pltpu.VMEM((_RPW,), jnp.int32),
                       pltpu.VMEM((_RPW,), jnp.int32),
                       pltpu.VMEM((_C, _D), jnp.float32),
                       pltpu.VMEM((_C, _ACW), jnp.float32),
                       pltpu.SemaphoreType.DMA],
        compiler_params=pltpu.CompilerParams(use_tc_tiling_on_sc=False),
    )
    return f(hn, qkq, src2, dst2)


def _k4_body(hn_ref, he_ref, qkq_ref, ag1, aB1, aw, ab, ag2, aB2,
             nbr_ref, l_ref):
    s = hn_ref[...] + he_ref[...]
    s = jax.nn.relu(_ln(s, ag1[...], aB1[...]))
    s = jnp.dot(s, aw[...], preferred_element_type=jnp.float32) + ab[...]
    nbr = _ln(s, ag2[...], aB2[...])
    nbr_ref[...] = nbr
    l = jnp.sum(qkq_ref[:, :_D] * nbr, axis=-1) + qkq_ref[:, _D]
    l_ref[...] = l.reshape(1, _EB // 128, 128)


def _k4(hn_g, he, qkq_g, p):
    row_t = lambda t, e: (t * _NEB + e, 0)
    row_e = lambda t, e: (e, 0)
    full = lambda t, e: (0, 0)
    w1 = pl.BlockSpec((1, _D), full)
    return pl.pallas_call(
        _k4_body,
        grid=(_T, _NEB),
        in_specs=[pl.BlockSpec((_EB, _D), row_t),
                  pl.BlockSpec((_EB, _D), row_e),
                  pl.BlockSpec((_EB, _ACW), row_t),
                  w1, w1, pl.BlockSpec((_D, _D), full), w1, w1, w1],
        out_specs=[pl.BlockSpec((_EB, _D), row_t),
                   pl.BlockSpec((1, _EB // 128, 128),
                                lambda t, e: (t * _NEB + e, 0, 0))],
        out_shape=[jax.ShapeDtypeStruct((_ROWS, _D), jnp.float32),
                   jax.ShapeDtypeStruct((_T * _NEB, _EB // 128, 128),
                                        jnp.float32)],
    )(hn_g, he, qkq_g, p['ag1'][None], p['aB1'][None], p['aW'].T,
      p['ab'][None], p['ag2'][None], p['aB2'][None])


def _k5_body(l_ref, w_ref, z_ref):
    l = l_ref[0]
    m = jnp.max(l)
    w = jnp.exp(l - m)
    w_ref[0] = w
    z_ref[0] = jnp.full((8, 128), jnp.sum(w), jnp.float32)


def _k5(l3):
    return pl.pallas_call(
        _k5_body,
        grid=(_T,),
        in_specs=[pl.BlockSpec((1, _E // 128, 128), lambda t: (t, 0, 0))],
        out_specs=[pl.BlockSpec((1, _E // 128, 128), lambda t: (t, 0, 0)),
                   pl.BlockSpec((1, 8, 128), lambda t: (t, 0, 0))],
        out_shape=[jax.ShapeDtypeStruct((_T, _E // 128, 128), jnp.float32),
                   jax.ShapeDtypeStruct((_T, 8, 128), jnp.float32)],
    )(l3)


_CS = 80
_NCHS = _RPW // _CS
_CC = 50


def _k6_body(nbr, w3, dst3, out, idx2, nbr_v, w_v, sbuf, accum, sem):
    c = lax.axis_index("c")
    s = lax.axis_index("s")
    wid = s * 2 + c
    base = wid * _RPW
    zeros = jnp.zeros((16,), jnp.float32)

    pltpu.sync_copy(dst3.at[wid], idx2)

    def zrow(r, carry):
        for k in range(_ACW // 16):
            sbuf[r, pl.ds(k * 16, 16)] = zeros
        return carry

    lax.fori_loop(0, _CC, zrow, 0)
    for k in range(_APT // _CC):
        pltpu.sync_copy(sbuf.at[pl.ds(0, _CC)],
                        accum.at[pl.ds(s * _APT + k * _CC, _CC)])
    plsc.subcore_barrier()

    def chunk(j, carry):
        off = base + j * _CS
        d_nbr = pltpu.async_copy(nbr.at[pl.ds(off, _CS)], nbr_v, sem)
        pltpu.sync_copy(w3.at[wid, j], w_v)
        d_nbr.wait()

        def grp(i, carry2):
            wv16 = w_v[pl.ds(i * 16, 16)]
            for jj in range(16):
                e = i * 16 + jj
                w = wv16[jj]
                for k in range(_D // 16):
                    sbuf[e, pl.ds(k * 16, 16)] = nbr_v[e, pl.ds(k * 16, 16)] * w
                sbuf[e, pl.ds(_D, 16)] = jnp.full((16,), w, jnp.float32)
            return carry2

        lax.fori_loop(0, _CS // 16, grp, 0)
        pltpu.sync_copy(sbuf, accum.at[idx2.at[j]], add=True)
        return carry

    lax.fori_loop(0, _NCHS, chunk, 0)
    plsc.subcore_barrier()

    def cout(k, carry):
        r = s * _APT + k * _CC
        pltpu.sync_copy(accum.at[pl.ds(r, _CC)], sbuf.at[pl.ds(0, _CC)])
        pltpu.sync_copy(sbuf.at[pl.ds(0, _CC)],
                        out.at[pl.ds(c * _ACC_N + r, _CC)])
        return carry

    lax.fori_loop(0, _APT // _CC, cout, 0)


def _k6(nbr, wflat, dst2):
    f = pl.kernel(
        _k6_body, mesh=_sc_mesh(),
        out_type=jax.ShapeDtypeStruct((2 * _ACC_N, _ACW), jnp.float32),
        scratch_types=[pltpu.VMEM((_NCHS, _CS), jnp.int32),
                       pltpu.VMEM((_CS, _D), jnp.float32),
                       pltpu.VMEM((_CS,), jnp.float32),
                       pltpu.VMEM((_CS, _ACW), jnp.float32),
                       pltpu.VMEM_SHARED((_ACC_N, _ACW), jnp.float32),
                       pltpu.SemaphoreType.DMA],
        compiler_params=pltpu.CompilerParams(use_tc_tiling_on_sc=False),
    )
    return f(nbr, wflat.reshape(_NW, _NCHS, _CS), dst2.reshape(_NW, _NCHS, _CS))


def _k7_body(center_ref, part_ref, z_ref, vw, vb, gw1, gw2, gb, sw, sb,
             n1g, n1b, m1w, m1b, m2w, m2b, n2g, n2b, out_ref):
    acc = part_ref[0] + part_ref[1]
    S = acc[:, :_D]
    wsum = acc[:, _D:_D + 1]
    z = z_ref[0, 0, 0]
    msg = (jnp.dot(S, vw[...], preferred_element_type=jnp.float32)
           + wsum * vb[...]) / z
    center = center_ref[...]
    gate = jax.nn.sigmoid(
        jnp.dot(center, gw1[...], preferred_element_type=jnp.float32)
        + jnp.dot(msg, gw2[...], preferred_element_type=jnp.float32) + gb[...])
    o = gate * (jnp.dot(center, sw[...], preferred_element_type=jnp.float32)
                + sb[...]) + (1.0 - gate) * msg
    o = center + _ln(o, n1g[...], n1b[...])
    mlp = jax.nn.relu(jnp.dot(o, m1w[...], preferred_element_type=jnp.float32)
                      + m1b[...])
    mlp = jnp.dot(mlp, m2w[...], preferred_element_type=jnp.float32) + m2b[...]
    out_ref[...] = o + _ln(mlp, n2g[...], n2b[...])


def _k7(center, parts, zarr, p):
    row = lambda i: (i, 0)
    full = lambda i: (0, 0)
    w1 = pl.BlockSpec((1, _D), full)
    dd = pl.BlockSpec((_D, _D), full)
    return pl.pallas_call(
        _k7_body,
        grid=(_NNB,),
        in_specs=[pl.BlockSpec((_NB, _D), row),
                  pl.BlockSpec((2, _NB, _ACW), lambda i: (0, i, 0)),
                  pl.BlockSpec((1, 8, 128), lambda i: (i // (_NNB // _T), 0, 0)),
                  dd, w1, dd, dd, w1, dd, w1, w1, w1,
                  pl.BlockSpec((_D, 4 * _D), full),
                  pl.BlockSpec((1, 4 * _D), full),
                  pl.BlockSpec((4 * _D, _D), full), w1, w1, w1],
        out_specs=pl.BlockSpec((_NB, _D), row),
        out_shape=jax.ShapeDtypeStruct((_T * _N, _D), jnp.float32),
    )(center, parts, zarr,
      p['vW'].T, p['vb'][None], p['gW'][:, :_D].T, p['gW'][:, _D:].T,
      p['gb'][None], p['sW'].T, p['sb'][None], p['n1g'][None], p['n1b'][None],
      p['m1W'].T, p['m1b'][None], p['m2W'].T, p['m2b'][None], p['n2g'][None],
      p['n2b'][None])


def kernel(x, edge_index, edge_attr, params):
    p = params
    x2 = x.reshape(_T * _N, _ND)
    src = edge_index[0].astype(jnp.int32)
    dst = edge_index[1].astype(jnp.int32)
    src2 = jnp.concatenate([src, src + _N])
    dst2 = jnp.concatenate([dst, dst + _N])

    center, hn, qkq = _k1(x2, p)
    he = _k2(edge_attr, p)
    hn_g, qkq_g = _k3(hn, qkq, src2, dst2)
    nbr, l2 = _k4(hn_g, he, qkq_g, p)
    w3, zarr = _k5(l2.reshape(_T, _E // 128, 128))
    parts = _k6(nbr, w3.reshape(_ROWS), dst2)
    out2 = _k7(center, parts.reshape(2, _ACC_N, _ACW), zarr, p)
    return out2.reshape(_T, _N, _D)

# --- scband reference (transcript-rebuilt; emitter-appended) ---
"""Pipeline reference for scband-aaencoder-42236708389200 (READ-ONLY COPY).

The authoritative reference and input builder live on the scoring server;
editing this copy changes nothing except your own understanding.
"""

import jax, jax.numpy as jnp
import numpy as np

T = 2
N = 10000
E = 160000
NODE_DIM = 128
EDGE_DIM = 16
D = 64


def _lin(x, W, b):
    return x @ W.T + b


def _ln(x, g, b):
    m = x.mean(-1, keepdims=True)
    v = ((x - m) ** 2).mean(-1, keepdims=True)
    return (x - m) / jnp.sqrt(v + 1e-5) * g + b


def _make_params(key):
    ks = jax.random.split(key, 16)

    def w(i, shape):
        return jax.random.normal(ks[i], shape, jnp.float32) * 0.02

    p = {}
    # center_embed: SingleInputEmbedding (Linear-relu-Linear-relu-Linear)
    p['cW1'] = w(0, (D, NODE_DIM)); p['cb1'] = jnp.zeros((D,), jnp.float32)
    p['cW2'] = w(1, (D, D)); p['cb2'] = jnp.zeros((D,), jnp.float32)
    p['cW3'] = w(2, (D, D)); p['cb3'] = jnp.zeros((D,), jnp.float32)
    # nbr_embed: MultipleInputEmbedding node branch (Linear-LN-relu-Linear)
    p['nW1'] = w(3, (D, NODE_DIM)); p['nb1'] = jnp.zeros((D,), jnp.float32)
    p['ng1'] = jnp.ones((D,), jnp.float32); p['nB1'] = jnp.zeros((D,), jnp.float32)
    p['nW2'] = w(4, (D, D)); p['nb2'] = jnp.zeros((D,), jnp.float32)
    # nbr_embed: edge branch
    p['eW1'] = w(5, (D, EDGE_DIM)); p['eb1'] = jnp.zeros((D,), jnp.float32)
    p['eg1'] = jnp.ones((D,), jnp.float32); p['eB1'] = jnp.zeros((D,), jnp.float32)
    p['eW2'] = w(6, (D, D)); p['eb2'] = jnp.zeros((D,), jnp.float32)
    # nbr_embed: aggr (LN-relu-Linear-LN)
    p['ag1'] = jnp.ones((D,), jnp.float32); p['aB1'] = jnp.zeros((D,), jnp.float32)
    p['aW'] = w(7, (D, D)); p['ab'] = jnp.zeros((D,), jnp.float32)
    p['ag2'] = jnp.ones((D,), jnp.float32); p['aB2'] = jnp.zeros((D,), jnp.float32)
    # attention projections
    p['qW'] = w(8, (D, D)); p['qb'] = jnp.zeros((D,), jnp.float32)
    p['kW'] = w(9, (D, D)); p['kb'] = jnp.zeros((D,), jnp.float32)
    p['vW'] = w(10, (D, D)); p['vb'] = jnp.zeros((D,), jnp.float32)
    p['gW'] = w(11, (D, 2 * D)); p['gb'] = jnp.zeros((D,), jnp.float32)
    p['sW'] = w(12, (D, D)); p['sb'] = jnp.zeros((D,), jnp.float32)
    # mlp
    p['m1W'] = w(13, (4 * D, D)); p['m1b'] = jnp.zeros((4 * D,), jnp.float32)
    p['m2W'] = w(14, (D, 4 * D)); p['m2b'] = jnp.zeros((D,), jnp.float32)
    # norms
    p['n1g'] = jnp.ones((D,), jnp.float32); p['n1b'] = jnp.zeros((D,), jnp.float32)
    p['n2g'] = jnp.ones((D,), jnp.float32); p['n2b'] = jnp.zeros((D,), jnp.float32)
    return p


def setup_inputs(seed: int = 0):
    key = jax.random.key(seed)
    k1, k2, k3, k4 = jax.random.split(key, 4)
    x = jax.random.normal(k1, (T, N, NODE_DIM), jnp.float32)
    edge_index = jax.random.randint(k2, (2, E), 0, N)
    edge_attr = jax.random.normal(k3, (E, EDGE_DIM), jnp.float32)
    params = _make_params(k4)
    return {'x': x, 'edge_index': edge_index, 'edge_attr': edge_attr, 'params': params}


def _forward(x, edge_attr, params, edge_index):
    p = params
    src_idx = edge_index[0]
    dst_idx = edge_index[1]
    # center embed (parallel branch, rotate_mat=None): reshape then SingleInputEmbedding
    xc = x.reshape(T, -1, x.shape[-1])
    h = jax.nn.relu(_lin(xc, p['cW1'], p['cb1']))
    h = jax.nn.relu(_lin(h, p['cW2'], p['cb2']))
    center = _lin(h, p['cW3'], p['cb3'])  # [T, N, D]
    # nbr embed: gather src node feats + broadcast edge_attr, per-branch embed, sum, aggr
    node_part = x[:, src_idx]  # [T, E, NODE_DIM] gather
    edge_part = jnp.broadcast_to(edge_attr[None, :, :], (x.shape[0], E, EDGE_DIM))
    hn = _lin(node_part, p['nW1'], p['nb1'])
    hn = jax.nn.relu(_ln(hn, p['ng1'], p['nB1']))
    hn = _lin(hn, p['nW2'], p['nb2'])
    he = _lin(edge_part, p['eW1'], p['eb1'])
    he = jax.nn.relu(_ln(he, p['eg1'], p['eB1']))
    he = _lin(he, p['eW2'], p['eb2'])
    s = hn + he
    s = jax.nn.relu(_ln(s, p['ag1'], p['aB1']))
    s = _lin(s, p['aW'], p['ab'])
    nbr = _ln(s, p['ag2'], p['aB2'])  # [T, E, D]
    q = _lin(center, p['qW'], p['qb'])[:, dst_idx]  # [T, E, D] gather
    k = _lin(nbr, p['kW'], p['kb'])
    v = _lin(nbr, p['vW'], p['vb'])
    scale = q.shape[-1] ** (-0.5)
    attn = jnp.sum(q * k, axis=-1) * scale  # [T, E]
    attn = jax.nn.softmax(attn, axis=-1)
    messages = v * attn[..., None]  # [T, E, D]
    messages = jax.vmap(lambda m: jax.ops.segment_sum(m, dst_idx, num_segments=center.shape[1]))(messages)  # [T, N, D] scatter-add
    gate_in = jnp.concatenate([center, messages], axis=-1)
    gate = jax.nn.sigmoid(_lin(gate_in, p['gW'], p['gb']))
    out = gate * _lin(center, p['sW'], p['sb']) + (1 - gate) * messages
    out = center + _ln(out, p['n1g'], p['n1b'])
    mlp = _lin(jax.nn.relu(_lin(out, p['m1W'], p['m1b'])), p['m2W'], p['m2b'])
    out = out + _ln(mlp, p['n2g'], p['n2b'])
    return out


def reference(x, edge_index, edge_attr, params):
    return _forward(x, edge_attr, params, edge_index)

if __name__ == "__main__":
    import jax
    _d = setup_inputs()
    print(jax.jit(kernel)(*tuple(_d.values())))

</pallas_src>

<mosaic_0001>
#map = affine_map<(d0, d1) -> (0, 0)>
#map1 = affine_map<(d0, d1) -> (0, 0, 0)>
module attributes {stable_mosaic.version = 14 : i64} {
  func.func @_k6_body(%arg0: i32, %arg1: i32, %arg2: memref<320000x64xf32, #tpu.memory_space<hbm>>, %arg3: memref<32x125x80xf32, #tpu.memory_space<hbm>>, %arg4: memref<32x125x80xi32, #tpu.memory_space<hbm>>, %arg5: memref<40000x80xf32, #tpu.memory_space<hbm>>, %arg6: memref<125x80xi32, #tpu.memory_space<vmem>>, %arg7: memref<80x64xf32, #tpu.memory_space<vmem>>, %arg8: memref<80xf32, #tpu.memory_space<vmem>>, %arg9: memref<80x80xf32, #tpu.memory_space<vmem>>, %arg10: memref<20000x80xf32, #tpu.memory_space<vmem_shared>>, %arg11: memref<!tpu.dma_semaphore, #tpu.memory_space<semaphore_mem>>) attributes {dimension_semantics = [#tpu.dimension_semantics<core_parallel>, #tpu.dimension_semantics<subcore_parallel>], iteration_bounds = array<i64: 2, 16>, scalar_prefetch = 0 : i64, scratch_operands = 6 : i64, tpu.core_type = #tpu.core_type<sc_vector_subcore>, window_params = [{transform_indices = #map}, {transform_indices = #map1}, {transform_indices = #map1}, {transform_indices = #map}]} {
    %mul3A = arith.constant 2 : i32
    %mul3A_0 = arith.muli %arg1, %mul3A : i32
    %add3A = arith.addi %mul3A_0, %arg0 : i32
    %mul3A_1 = arith.constant 10000 : i32
    %mul3A_2 = arith.muli %add3A, %mul3A_1 : i32
    %broadcast_in_dim3A = arith.constant 0.000000e+00 : f32
    %broadcast_in_dim3A_3 = vector.broadcast %broadcast_in_dim3A : f32 to vector<16xf32>
    "tpu.region"() ({
      %run_scoped3A = tpu.sem_alloc : memref<!tpu.dma_semaphore, #tpu.memory_space<semaphore_mem>>
      %dma_start3A = arith.constant 0 : i32
      %dma_start3A_122 = arith.constant 0 : i32
      %dma_start3A_123 = tpu.memref_slice %arg4[%add3A, %dma_start3A, %dma_start3A_122] : memref<32x125x80xi32, #tpu.memory_space<hbm>> -> memref<1x125x80xi32, #tpu.memory_space<hbm>>
      %dma_start3A_124 = tpu.memref_squeeze %dma_start3A_123 : memref<1x125x80xi32, #tpu.memory_space<hbm>> -> memref<125x80xi32, #tpu.memory_space<hbm>>
      %dma_start3A_125 = arith.constant 0 : i32
      %dma_start3A_126 = arith.constant 0 : i32
      %dma_start3A_127 = tpu.memref_slice %arg4[%add3A, %dma_start3A_125, %dma_start3A_126] : memref<32x125x80xi32, #tpu.memory_space<hbm>> -> memref<1x125x80xi32, #tpu.memory_space<hbm>>
      %dma_start3A_128 = tpu.memref_squeeze %dma_start3A_127 : memref<1x125x80xi32, #tpu.memory_space<hbm>> -> memref<125x80xi32, #tpu.memory_space<hbm>>
      tpu.enqueue_dma source(%dma_start3A_128 : memref<125x80xi32, #tpu.memory_space<hbm>>) target(%arg6 : memref<125x80xi32, #tpu.memory_space<vmem>>) target_semaphore(%run_scoped3A : memref<!tpu.dma_semaphore, #tpu.memory_space<semaphore_mem>>)
      %dma_wait3A = arith.constant 0 : i32
      %dma_wait3A_129 = arith.constant 0 : i32
      %dma_wait3A_130 = tpu.memref_slice %arg4[%add3A, %dma_wait3A, %dma_wait3A_129] : memref<32x125x80xi32, #tpu.memory_space<hbm>> -> memref<1x125x80xi32, #tpu.memory_space<hbm>>
      %dma_wait3A_131 = tpu.memref_squeeze %dma_wait3A_130 : memref<1x125x80xi32, #tpu.memory_space<hbm>> -> memref<125x80xi32, #tpu.memory_space<hbm>>
      %dma_wait3A_132 = arith.constant 0 : i32
      %dma_wait3A_133 = arith.constant 0 : i32
      %dma_wait3A_134 = tpu.memref_slice %arg4[%add3A, %dma_wait3A_132, %dma_wait3A_133] : memref<32x125x80xi32, #tpu.memory_space<hbm>> -> memref<1x125x80xi32, #tpu.memory_space<hbm>>
      %dma_wait3A_135 = tpu.memref_squeeze %dma_wait3A_134 : memref<1x125x80xi32, #tpu.memory_space<hbm>> -> memref<125x80xi32, #tpu.memory_space<hbm>>
      tpu.wait_dma2 semaphore(%run_scoped3A : memref<!tpu.dma_semaphore, #tpu.memory_space<semaphore_mem>>) src(%dma_wait3A_135 : memref<125x80xi32, #tpu.memory_space<hbm>>) dst(%arg6 : memref<125x80xi32, #tpu.memory_space<vmem>>)
      tpu.yield
    }) : () -> ()
    %scan3A = arith.constant 0 : i32
    %scan3A_4 = arith.constant 0 : i32
    %scan3A_5 = arith.constant 50 : i32
    %scan3A_6 = arith.addi %scan3A_4, %scan3A_5 : i32
    %scan3A_7 = arith.constant 1 : i32
    scf.for %scan3A_122 = %scan3A_4 to %scan3A_6 step %scan3A_7  : i32 {
      %swap3A = arith.index_cast %scan3A_122 : i32 to index
      %swap3A_123 = arith.constant 0 : index
      %swap3A_124 = tpu.vector_load %arg9[%swap3A, %swap3A_123] {strides = array<i32>} : memref<80x80xf32, #tpu.memory_space<vmem>>, vector<1x16xf32>,
      %swap3A_125 = vector.shape_cast %swap3A_124 : vector<1x16xf32> to vector<16xf32>
      %swap3A_126 = vector.shape_cast %broadcast_in_dim3A_3 : vector<16xf32> to vector<1x16xf32>
      tpu.vector_store %arg9[%swap3A, %swap3A_123], %swap3A_126 {strides = array<i32>} : memref<80x80xf32, #tpu.memory_space<vmem>>, vector<1x16xf32>,
      %swap3A_127 = arith.index_cast %scan3A_122 : i32 to index
      %swap3A_128 = arith.constant 16 : index
      %swap3A_129 = tpu.vector_load %arg9[%swap3A_127, %swap3A_128] {strides = array<i32>} : memref<80x80xf32, #tpu.memory_space<vmem>>, vector<1x16xf32>,
      %swap3A_130 = vector.shape_cast %swap3A_129 : vector<1x16xf32> to vector<16xf32>
      %swap3A_131 = vector.shape_cast %broadcast_in_dim3A_3 : vector<16xf32> to vector<1x16xf32>
      tpu.vector_store %arg9[%swap3A_127, %swap3A_128], %swap3A_131 {strides = array<i32>} : memref<80x80xf32, #tpu.memory_space<vmem>>, vector<1x16xf32>,
      %swap3A_132 = arith.index_cast %scan3A_122 : i32 to index
      %swap3A_133 = arith.constant 32 : index
      %swap3A_134 = tpu.vector_load %arg9[%swap3A_132, %swap3A_133] {strides = array<i32>} : memref<80x80xf32, #tpu.memory_space<vmem>>, vector<1x16xf32>,
      %swap3A_135 = vector.shape_cast %swap3A_134 : vector<1x16xf32> to vector<16xf32>
      %swap3A_136 = vector.shape_cast %broadcast_in_dim3A_3 : vector<16xf32> to vector<1x16xf32>
      tpu.vector_store %arg9[%swap3A_132, %swap3A_133], %swap3A_136 {strides = array<i32>} : memref<80x80xf32, #tpu.memory_space<vmem>>, vector<1x16xf32>,
      %swap3A_137 = arith.index_cast %scan3A_122 : i32 to index
      %swap3A_138 = arith.constant 48 : index
      %swap3A_139 = tpu.vector_load %arg9[%swap3A_137, %swap3A_138] {strides = array<i32>} : memref<80x80xf32, #tpu.memory_space<vmem>>, vector<1x16xf32>,
      %swap3A_140 = vector.shape_cast %swap3A_139 : vector<1x16xf32> to vector<16xf32>
      %swap3A_141 = vector.shape_cast %broadcast_in_dim3A_3 : vector<16xf32> to vector<1x16xf32>
      tpu.vector_store %arg9[%swap3A_137, %swap3A_138], %swap3A_141 {strides = array<i32>} : memref<80x80xf32, #tpu.memory_space<vmem>>, vector<1x16xf32>,
      %swap3A_142 = arith.index_cast %scan3A_122 : i32 to index
      %swap3A_143 = arith.constant 64 : index
      %swap3A_144 = tpu.vector_load %arg9[%swap3A_142, %swap3A_143] {strides = array<i32>} : memref<80x80xf32, #tpu.memory_space<vmem>>, vector<1x16xf32>,
      %swap3A_145 = vector.shape_cast %swap3A_144 : vector<1x16xf32> to vector<16xf32>
      %swap3A_146 = vector.shape_cast %broadcast_in_dim3A_3 : vector<16xf32> to vector<1x16xf32>
      tpu.vector_store %arg9[%swap3A_142, %swap3A_143], %swap3A_146 {strides = array<i32>} : memref<80x80xf32, #tpu.memory_space<vmem>>, vector<1x16xf32>,
    }
    %scan3A_8 = arith.constant 50 : i32
    %mul3A_9 = arith.constant 1250 : i32
    %mul3A_10 = arith.muli %arg1, %mul3A_9 : i32
    %add3A_11 = arith.constant 0 : i32
    %add3A_12 = arith.addi %mul3A_10, %add3A_11 : i32
    "tpu.region"() ({
      %run_scoped3A = tpu.sem_alloc : memref<!tpu.dma_semaphore, #tpu.memory_space<semaphore_mem>>
      %dma_start3A = arith.constant 0 : i32
      %dma_start3A_122 = arith.constant 0 : i32
      %dma_start3A_123 = tpu.memref_slice %arg9[%dma_start3A, %dma_start3A_122] : memref<80x80xf32, #tpu.memory_space<vmem>> -> memref<50x80xf32, #tpu.memory_space<vmem>>
      %dma_start3A_124 = arith.constant 0 : i32
      %dma_start3A_125 = tpu.memref_slice %arg10[%add3A_12, %dma_start3A_124] : memref<20000x80xf32, #tpu.memory_space<vmem_shared>> -> memref<50x80xf32, #tpu.memory_space<vmem_shared>>
      %dma_start3A_126 = arith.constant 0 : i32
      %dma_start3A_127 = tpu.memref_slice %arg10[%add3A_12, %dma_start3A_126] : memref<20000x80xf32, #tpu.memory_space<vmem_shared>> -> memref<50x80xf32, #tpu.memory_space<vmem_shared>>
      %dma_start3A_128 = arith.constant 0 : i32
      %dma_start3A_129 = arith.constant 0 : i32
      %dma_start3A_130 = tpu.memref_slice %arg9[%dma_start3A_128, %dma_start3A_129] : memref<80x80xf32, #tpu.memory_space<vmem>> -> memref<50x80xf32, #tpu.memory_space<vmem>>
      tpu.enqueue_dma source(%dma_start3A_130 : memref<50x80xf32, #tpu.memory_space<vmem>>) target(%dma_start3A_127 : memref<50x80xf32, #tpu.memory_space<vmem_shared>>) target_semaphore(%run_scoped3A : memref<!tpu.dma_semaphore, #tpu.memory_space<semaphore_mem>>)
      %dma_wait3A = arith.constant 0 : i32
      %dma_wait3A_131 = arith.constant 0 : i32
      %dma_wait3A_132 = tpu.memref_slice %arg9[%dma_wait3A, %dma_wait3A_131] : memref<80x80xf32, #tpu.memory_space<vmem>> -> memref<50x80xf32, #tpu.memory_space<vmem>>
      %dma_wait3A_133 = arith.constant 0 : i32
      %dma_wait3A_134 = tpu.memref_slice %arg10[%add3A_12, %dma_wait3A_133] : memref<20000x80xf32, #tpu.memory_space<vmem_shared>> -> memref<50x80xf32, #tpu.memory_space<vmem_shared>>
      %dma_wait3A_135 = arith.constant 0 : i32
      %dma_wait3A_136 = tpu.memref_slice %arg10[%add3A_12, %dma_wait3A_135] : memref<20000x80xf32, #tpu.memory_space<vmem_shared>> -> memref<50x80xf32, #tpu.memory_space<vmem_shared>>
      %dma_wait3A_137 = arith.constant 0 : i32
      %dma_wait3A_138 = arith.constant 0 : i32
      %dma_wait3A_139 = tpu.memref_slice %arg9[%dma_wait3A_137, %dma_wait3A_138] : memref<80x80xf32, #tpu.memory_space<vmem>> -> memref<50x80xf32, #tpu.memory_space<vmem>>
      tpu.wait_dma2 semaphore(%run_scoped3A : memref<!tpu.dma_semaphore, #tpu.memory_space<semaphore_mem>>) src(%dma_wait3A_139 : memref<50x80xf32, #tpu.memory_space<vmem>>) dst(%dma_wait3A_136 : memref<50x80xf32, #tpu.memory_space<vmem_shared>>)
      tpu.yield
    }) : () -> ()
    %mul3A_13 = arith.constant 1250 : i32
    %mul3A_14 = arith.muli %arg1, %mul3A_13 : i32
    %add3A_15 = arith.constant 50 : i32
    %add3A_16 = arith.addi %mul3A_14, %add3A_15 : i32
    "tpu.region"() ({
      %run_scoped3A = tpu.sem_alloc : memref<!tpu.dma_semaphore, #tpu.memory_space<semaphore_mem>>
      %dma_start3A = arith.constant 0 : i32
      %dma_start3A_122 = arith.constant 0 : i32
      %dma_start3A_123 = tpu.memref_slice %arg9[%dma_start3A, %dma_start3A_122] : memref<80x80xf32, #tpu.memory_space<vmem>> -> memref<50x80xf32, #tpu.memory_space<vmem>>
      %dma_start3A_124 = arith.constant 0 : i32
      %dma_start3A_125 = tpu.memref_slice %arg10[%add3A_16, %dma_start3A_124] : memref<20000x80xf32, #tpu.memory_space<vmem_shared>> -> memref<50x80xf32, #tpu.memory_space<vmem_shared>>
      %dma_start3A_126 = arith.constant 0 : i32
      %dma_start3A_127 = tpu.memref_slice %arg10[%add3A_16, %dma_start3A_126] : memref<20000x80xf32, #tpu.memory_space<vmem_shared>> -> memref<50x80xf32, #tpu.memory_space<vmem_shared>>
      %dma_start3A_128 = arith.constant 0 : i32
      %dma_start3A_129 = arith.constant 0 : i32
      %dma_start3A_130 = tpu.memref_slice %arg9[%dma_start3A_128, %dma_start3A_129] : memref<80x80xf32, #tpu.memory_space<vmem>> -> memref<50x80xf32, #tpu.memory_space<vmem>>
      tpu.enqueue_dma source(%dma_start3A_130 : memref<50x80xf32, #tpu.memory_space<vmem>>) target(%dma_start3A_127 : memref<50x80xf32, #tpu.memory_space<vmem_shared>>) target_semaphore(%run_scoped3A : memref<!tpu.dma_semaphore, #tpu.memory_space<semaphore_mem>>)
      %dma_wait3A = arith.constant 0 : i32
      %dma_wait3A_131 = arith.constant 0 : i32
      %dma_wait3A_132 = tpu.memref_slice %arg9[%dma_wait3A, %dma_wait3A_131] : memref<80x80xf32, #tpu.memory_space<vmem>> -> memref<50x80xf32, #tpu.memory_space<vmem>>
      %dma_wait3A_133 = arith.constant 0 : i32
      %dma_wait3A_134 = tpu.memref_slice %arg10[%add3A_16, %dma_wait3A_133] : memref<20000x80xf32, #tpu.memory_space<vmem_shared>> -> memref<50x80xf32, #tpu.memory_space<vmem_shared>>
      %dma_wait3A_135 = arith.constant 0 : i32
      %dma_wait3A_136 = tpu.memref_slice %arg10[%add3A_16, %dma_wait3A_135] : memref<20000x80xf32, #tpu.memory_space<vmem_shared>> -> memref<50x80xf32, #tpu.memory_space<vmem_shared>>
      %dma_wait3A_137 = arith.constant 0 : i32
      %dma_wait3A_138 = arith.constant 0 : i32
      %dma_wait3A_139 = tpu.memref_slice %arg9[%dma_wait3A_137, %dma_wait3A_138] : memref<80x80xf32, #tpu.memory_space<vmem>> -> memref<50x80xf32, #tpu.memory_space<vmem>>
      tpu.wait_dma2 semaphore(%run_scoped3A : memref<!tpu.dma_semaphore, #tpu.memory_space<semaphore_mem>>) src(%dma_wait3A_139 : memref<50x80xf32, #tpu.memory_space<vmem>>) dst(%dma_wait3A_136 : memref<50x80xf32, #tpu.memory_space<vmem_shared>>)
      tpu.yield
    }) : () -> ()
    %mul3A_17 = arith.constant 1250 : i32
    %mul3A_18 = arith.muli %arg1, %mul3A_17 : i32
    %add3A_19 = arith.constant 100 : i32
    %add3A_20 = arith.addi %mul3A_18, %add3A_19 : i32
    "tpu.region"() ({
      %run_scoped3A = tpu.sem_alloc : memref<!tpu.dma_semaphore, #tpu.memory_space<semaphore_mem>>
      %dma_start3A = arith.constant 0 : i32
      %dma_start3A_122 = arith.constant 0 : i32
      %dma_start3A_123 = tpu.memref_slice %arg9[%dma_start3A, %dma_start3A_122] : memref<80x80xf32, #tpu.memory_space<vmem>> -> memref<50x80xf32, #tpu.memory_space<vmem>>
      %dma_start3A_124 = arith.constant 0 : i32
      %dma_start3A_125 = tpu.memref_slice %arg10[%add3A_20, %dma_start3A_124] : memref<20000x80xf32, #tpu.memory_space<vmem_shared>> -> memref<50x80xf32, #tpu.memory_space<vmem_shared>>
      %dma_start3A_126 = arith.constant 0 : i32
      %dma_start3A_127 = tpu.memref_slice %arg10[%add3A_20, %dma_start3A_126] : memref<20000x80xf32, #tpu.memory_space<vmem_shared>> -> memref<50x80xf32, #tpu.memory_space<vmem_shared>>
      %dma_start3A_128 = arith.constant 0 : i32
      %dma_start3A_129 = arith.constant 0 : i32
      %dma_start3A_130 = tpu.memref_slice %arg9[%dma_start3A_128, %dma_start3A_129] : memref<80x80xf32, #tpu.memory_space<vmem>> -> memref<50x80xf32, #tpu.memory_space<vmem>>
      tpu.enqueue_dma source(%dma_start3A_130 : memref<50x80xf32, #tpu.memory_space<vmem>>) target(%dma_start3A_127 : memref<50x80xf32, #tpu.memory_space<vmem_shared>>) target_semaphore(%run_scoped3A : memref<!tpu.dma_semaphore, #tpu.memory_space<semaphore_mem>>)
      %dma_wait3A = arith.constant 0 : i32
      %dma_wait3A_131 = arith.constant 0 : i32
      %dma_wait3A_132 = tpu.memref_slice %arg9[%dma_wait3A, %dma_wait3A_131] : memref<80x80xf32, #tpu.memory_space<vmem>> -> memref<50x80xf32, #tpu.memory_space<vmem>>
      %dma_wait3A_133 = arith.constant 0 : i32
      %dma_wait3A_134 = tpu.memref_slice %arg10[%add3A_20, %dma_wait3A_133] : memref<20000x80xf32, #tpu.memory_space<vmem_shared>> -> memref<50x80xf32, #tpu.memory_space<vmem_shared>>
      %dma_wait3A_135 = arith.constant 0 : i32
      %dma_wait3A_136 = tpu.memref_slice %arg10[%add3A_20, %dma_wait3A_135] : memref<20000x80xf32, #tpu.memory_space<vmem_shared>> -> memref<50x80xf32, #tpu.memory_space<vmem_shared>>
      %dma_wait3A_137 = arith.constant 0 : i32
      %dma_wait3A_138 = arith.constant 0 : i32
      %dma_wait3A_139 = tpu.memref_slice %arg9[%dma_wait3A_137, %dma_wait3A_138] : memref<80x80xf32, #tpu.memory_space<vmem>> -> memref<50x80xf32, #tpu.memory_space<vmem>>
      tpu.wait_dma2 semaphore(%run_scoped3A : memref<!tpu.dma_semaphore, #tpu.memory_space<semaphore_mem>>) src(%dma_wait3A_139 : memref<50x80xf32, #tpu.memory_space<vmem>>) dst(%dma_wait3A_136 : memref<50x80xf32, #tpu.memory_space<vmem_shared>>)
      tpu.yield
    }) : () -> ()
    %mul3A_21 = arith.constant 1250 : i32
    %mul3A_22 = arith.muli %arg1, %mul3A_21 : i32
    %add3A_23 = arith.constant 150 : i32
    %add3A_24 = arith.addi %mul3A_22, %add3A_23 : i32
    "tpu.region"() ({
      %run_scoped3A = tpu.sem_alloc : memref<!tpu.dma_semaphore, #tpu.memory_space<semaphore_mem>>
      %dma_start3A = arith.constant 0 : i32
      %dma_start3A_122 = arith.constant 0 : i32
      %dma_start3A_123 = tpu.memref_slice %arg9[%dma_start3A, %dma_start3A_122] : memref<80x80xf32, #tpu.memory_space<vmem>> -> memref<50x80xf32, #tpu.memory_space<vmem>>
      %dma_start3A_124 = arith.constant 0 : i32
      %dma_start3A_125 = tpu.memref_slice %arg10[%add3A_24, %dma_start3A_124] : memref<20000x80xf32, #tpu.memory_space<vmem_shared>> -> memref<50x80xf32, #tpu.memory_space<vmem_shared>>
      %dma_start3A_126 = arith.constant 0 : i32
      %dma_start3A_127 = tpu.memref_slice %arg10[%add3A_24, %dma_start3A_126] : memref<20000x80xf32, #tpu.memory_space<vmem_shared>> -> memref<50x80xf32, #tpu.memory_space<vmem_shared>>
      %dma_start3A_128 = arith.constant 0 : i32
      %dma_start3A_129 = arith.constant 0 : i32
      %dma_start3A_130 = tpu.memref_slice %arg9[%dma_start3A_128, %dma_start3A_129] : memref<80x80xf32, #tpu.memory_space<vmem>> -> memref<50x80xf32, #tpu.memory_space<vmem>>
      tpu.enqueue_dma source(%dma_start3A_130 : memref<50x80xf32, #tpu.memory_space<vmem>>) target(%dma_start3A_127 : memref<50x80xf32, #tpu.memory_space<vmem_shared>>) target_semaphore(%run_scoped3A : memref<!tpu.dma_semaphore, #tpu.memory_space<semaphore_mem>>)
      %dma_wait3A = arith.constant 0 : i32
      %dma_wait3A_131 = arith.constant 0 : i32
      %dma_wait3A_132 = tpu.memref_slice %arg9[%dma_wait3A, %dma_wait3A_131] : memref<80x80xf32, #tpu.memory_space<vmem>> -> memref<50x80xf32, #tpu.memory_space<vmem>>
      %dma_wait3A_133 = arith.constant 0 : i32
      %dma_wait3A_134 = tpu.memref_slice %arg10[%add3A_24, %dma_wait3A_133] : memref<20000x80xf32, #tpu.memory_space<vmem_shared>> -> memref<50x80xf32, #tpu.memory_space<vmem_shared>>
      %dma_wait3A_135 = arith.constant 0 : i32
      %dma_wait3A_136 = tpu.memref_slice %arg10[%add3A_24, %dma_wait3A_135] : memref<20000x80xf32, #tpu.memory_space<vmem_shared>> -> memref<50x80xf32, #tpu.memory_space<vmem_shared>>
      %dma_wait3A_137 = arith.constant 0 : i32
      %dma_wait3A_138 = arith.constant 0 : i32
      %dma_wait3A_139 = tpu.memref_slice %arg9[%dma_wait3A_137, %dma_wait3A_138] : memref<80x80xf32, #tpu.memory_space<vmem>> -> memref<50x80xf32, #tpu.memory_space<vmem>>
      tpu.wait_dma2 semaphore(%run_scoped3A : memref<!tpu.dma_semaphore, #tpu.memory_space<semaphore_mem>>) src(%dma_wait3A_139 : memref<50x80xf32, #tpu.memory_space<vmem>>) dst(%dma_wait3A_136 : memref<50x80xf32, #tpu.memory_space<vmem_shared>>)
      tpu.yield
    }) : () -> ()
    %mul3A_25 = arith.constant 1250 : i32
    %mul3A_26 = arith.muli %arg1, %mul3A_25 : i32
    %add3A_27 = arith.constant 200 : i32
    %add3A_28 = arith.addi %mul3A_26, %add3A_27 : i32
    "tpu.region"() ({
      %run_scoped3A = tpu.sem_alloc : memref<!tpu.dma_semaphore, #tpu.memory_space<semaphore_mem>>
      %dma_start3A = arith.constant 0 : i32
      %dma_start3A_122 = arith.constant 0 : i32
      %dma_start3A_123 = tpu.memref_slice %arg9[%dma_start3A, %dma_start3A_122] : memref<80x80xf32, #tpu.memory_space<vmem>> -> memref<50x80xf32, #tpu.memory_space<vmem>>
      %dma_start3A_124 = arith.constant 0 : i32
      %dma_start3A_125 = tpu.memref_slice %arg10[%add3A_28, %dma_start3A_124] : memref<20000x80xf32, #tpu.memory_space<vmem_shared>> -> memref<50x80xf32, #tpu.memory_space<vmem_shared>>
      %dma_start3A_126 = arith.constant 0 : i32
      %dma_start3A_127 = tpu.memref_slice %arg10[%add3A_28, %dma_start3A_126] : memref<20000x80xf32, #tpu.memory_space<vmem_shared>> -> memref<50x80xf32, #tpu.memory_space<vmem_shared>>
      %dma_start3A_128 = arith.constant 0 : i32
      %dma_start3A_129 = arith.constant 0 : i32
      %dma_start3A_130 = tpu.memref_slice %arg9[%dma_start3A_128, %dma_start3A_129] : memref<80x80xf32, #tpu.memory_space<vmem>> -> memref<50x80xf32, #tpu.memory_space<vmem>>
      tpu.enqueue_dma source(%dma_start3A_130 : memref<50x80xf32, #tpu.memory_space<vmem>>) target(%dma_start3A_127 : memref<50x80xf32, #tpu.memory_space<vmem_shared>>) target_semaphore(%run_scoped3A : memref<!tpu.dma_semaphore, #tpu.memory_space<semaphore_mem>>)
      %dma_wait3A = arith.constant 0 : i32
      %dma_wait3A_131 = arith.constant 0 : i32
      %dma_wait3A_132 = tpu.memref_slice %arg9[%dma_wait3A, %dma_wait3A_131] : memref<80x80xf32, #tpu.memory_space<vmem>> -> memref<50x80xf32, #tpu.memory_space<vmem>>
      %dma_wait3A_133 = arith.constant 0 : i32
      %dma_wait3A_134 = tpu.memref_slice %arg10[%add3A_28, %dma_wait3A_133] : memref<20000x80xf32, #tpu.memory_space<vmem_shared>> -> memref<50x80xf32, #tpu.memory_space<vmem_shared>>
      %dma_wait3A_135 = arith.constant 0 : i32
      %dma_wait3A_136 = tpu.memref_slice %arg10[%add3A_28, %dma_wait3A_135] : memref<20000x80xf32, #tpu.memory_space<vmem_shared>> -> memref<50x80xf32, #tpu.memory_space<vmem_shared>>
      %dma_wait3A_137 = arith.constant 0 : i32
      %dma_wait3A_138 = arith.constant 0 : i32
      %dma_wait3A_139 = tpu.memref_slice %arg9[%dma_wait3A_137, %dma_wait3A_138] : memref<80x80xf32, #tpu.memory_space<vmem>> -> memref<50x80xf32, #tpu.memory_space<vmem>>
      tpu.wait_dma2 semaphore(%run_scoped3A : memref<!tpu.dma_semaphore, #tpu.memory_space<semaphore_mem>>) src(%dma_wait3A_139 : memref<50x80xf32, #tpu.memory_space<vmem>>) dst(%dma_wait3A_136 : memref<50x80xf32, #tpu.memory_space<vmem_shared>>)
      tpu.yield
    }) : () -> ()
    %mul3A_29 = arith.constant 1250 : i32
    %mul3A_30 = arith.muli %arg1, %mul3A_29 : i32
    %add3A_31 = arith.constant 250 : i32
    %add3A_32 = arith.addi %mul3A_30, %add3A_31 : i32
    "tpu.region"() ({
      %run_scoped3A = tpu.sem_alloc : memref<!tpu.dma_semaphore, #tpu.memory_space<semaphore_mem>>
      %dma_start3A = arith.constant 0 : i32
      %dma_start3A_122 = arith.constant 0 : i32
      %dma_start3A_123 = tpu.memref_slice %arg9[%dma_start3A, %dma_start3A_122] : memref<80x80xf32, #tpu.memory_space<vmem>> -> memref<50x80xf32, #tpu.memory_space<vmem>>
      %dma_start3A_124 = arith.constant 0 : i32
      %dma_start3A_125 = tpu.memref_slice %arg10[%add3A_32, %dma_start3A_124] : memref<20000x80xf32, #tpu.memory_space<vmem_shared>> -> memref<50x80xf32, #tpu.memory_space<vmem_shared>>
      %dma_start3A_126 = arith.constant 0 : i32
      %dma_start3A_127 = tpu.memref_slice %arg10[%add3A_32, %dma_start3A_126] : memref<20000x80xf32, #tpu.memory_space<vmem_shared>> -> memref<50x80xf32, #tpu.memory_space<vmem_shared>>
      %dma_start3A_128 = arith.constant 0 : i32
      %dma_start3A_129 = arith.constant 0 : i32
      %dma_start3A_130 = tpu.memref_slice %arg9[%dma_start3A_128, %dma_start3A_129] : memref<80x80xf32, #tpu.memory_space<vmem>> -> memref<50x80xf32, #tpu.memory_space<vmem>>
      tpu.enqueue_dma source(%dma_start3A_130 : memref<50x80xf32, #tpu.memory_space<vmem>>) target(%dma_start3A_127 : memref<50x80xf32, #tpu.memory_space<vmem_shared>>) target_semaphore(%run_scoped3A : memref<!tpu.dma_semaphore, #tpu.memory_space<semaphore_mem>>)
      %dma_wait3A = arith.constant 0 : i32
      %dma_wait3A_131 = arith.constant 0 : i32
      %dma_wait3A_132 = tpu.memref_slice %arg9[%dma_wait3A, %dma_wait3A_131] : memref<80x80xf32, #tpu.memory_space<vmem>> -> memref<50x80xf32, #tpu.memory_space<vmem>>
      %dma_wait3A_133 = arith.constant 0 : i32
      %dma_wait3A_134 = tpu.memref_slice %arg10[%add3A_32, %dma_wait3A_133] : memref<20000x80xf32, #tpu.memory_space<vmem_shared>> -> memref<50x80xf32, #tpu.memory_space<vmem_shared>>
      %dma_wait3A_135 = arith.constant 0 : i32
      %dma_wait3A_136 = tpu.memref_slice %arg10[%add3A_32, %dma_wait3A_135] : memref<20000x80xf32, #tpu.memory_space<vmem_shared>> -> memref<50x80xf32, #tpu.memory_space<vmem_shared>>
      %dma_wait3A_137 = arith.constant 0 : i32
      %dma_wait3A_138 = arith.constant 0 : i32
      %dma_wait3A_139 = tpu.memref_slice %arg9[%dma_wait3A_137, %dma_wait3A_138] : memref<80x80xf32, #tpu.memory_space<vmem>> -> memref<50x80xf32, #tpu.memory_space<vmem>>
      tpu.wait_dma2 semaphore(%run_scoped3A : memref<!tpu.dma_semaphore, #tpu.memory_space<semaphore_mem>>) src(%dma_wait3A_139 : memref<50x80xf32, #tpu.memory_space<vmem>>) dst(%dma_wait3A_136 : memref<50x80xf32, #tpu.memory_space<vmem_shared>>)
      tpu.yield
    }) : () -> ()
    %mul3A_33 = arith.constant 1250 : i32
    %mul3A_34 = arith.muli %arg1, %mul3A_33 : i32
    %add3A_35 = arith.constant 300 : i32
    %add3A_36 = arith.addi %mul3A_34, %add3A_35 : i32
    "tpu.region"() ({
      %run_scoped3A = tpu.sem_alloc : memref<!tpu.dma_semaphore, #tpu.memory_space<semaphore_mem>>
      %dma_start3A = arith.constant 0 : i32
      %dma_start3A_122 = arith.constant 0 : i32
      %dma_start3A_123 = tpu.memref_slice %arg9[%dma_start3A, %dma_start3A_122] : memref<80x80xf32, #tpu.memory_space<vmem>> -> memref<50x80xf32, #tpu.memory_space<vmem>>
      %dma_start3A_124 = arith.constant 0 : i32
      %dma_start3A_125 = tpu.memref_slice %arg10[%add3A_36, %dma_start3A_124] : memref<20000x80xf32, #tpu.memory_space<vmem_shared>> -> memref<50x80xf32, #tpu.memory_space<vmem_shared>>
      %dma_start3A_126 = arith.constant 0 : i32
      %dma_start3A_127 = tpu.memref_slice %arg10[%add3A_36, %dma_start3A_126] : memref<20000x80xf32, #tpu.memory_space<vmem_shared>> -> memref<50x80xf32, #tpu.memory_space<vmem_shared>>
      %dma_start3A_128 = arith.constant 0 : i32
      %dma_start3A_129 = arith.constant 0 : i32
      %dma_start3A_130 = tpu.memref_slice %arg9[%dma_start3A_128, %dma_start3A_129] : memref<80x80xf32, #tpu.memory_space<vmem>> -> memref<50x80xf32, #tpu.memory_space<vmem>>
      tpu.enqueue_dma source(%dma_start3A_130 : memref<50x80xf32, #tpu.memory_space<vmem>>) target(%dma_start3A_127 : memref<50x80xf32, #tpu.memory_space<vmem_shared>>) target_semaphore(%run_scoped3A : memref<!tpu.dma_semaphore, #tpu.memory_space<semaphore_mem>>)
      %dma_wait3A = arith.constant 0 : i32
      %dma_wait3A_131 = arith.constant 0 : i32
      %dma_wait3A_132 = tpu.memref_slice %arg9[%dma_wait3A, %dma_wait3A_131] : memref<80x80xf32, #tpu.memory_space<vmem>> -> memref<50x80xf32, #tpu.memory_space<vmem>>
      %dma_wait3A_133 = arith.constant 0 : i32
      %dma_wait3A_134 = tpu.memref_slice %arg10[%add3A_36, %dma_wait3A_133] : memref<20000x80xf32, #tpu.memory_space<vmem_shared>> -> memref<50x80xf32, #tpu.memory_space<vmem_shared>>
      %dma_wait3A_135 = arith.constant 0 : i32
      %dma_wait3A_136 = tpu.memref_slice %arg10[%add3A_36, %dma_wait3A_135] : memref<20000x80xf32, #tpu.memory_space<vmem_shared>> -> memref<50x80xf32, #tpu.memory_space<vmem_shared>>
      %dma_wait3A_137 = arith.constant 0 : i32
      %dma_wait3A_138 = arith.constant 0 : i32
      %dma_wait3A_139 = tpu.memref_slice %arg9[%dma_wait3A_137, %dma_wait3A_138] : memref<80x80xf32, #tpu.memory_space<vmem>> -> memref<50x80xf32, #tpu.memory_space<vmem>>
      tpu.wait_dma2 semaphore(%run_scoped3A : memref<!tpu.dma_semaphore, #tpu.memory_space<semaphore_mem>>) src(%dma_wait3A_139 : memref<50x80xf32, #tpu.memory_space<vmem>>) dst(%dma_wait3A_136 : memref<50x80xf32, #tpu.memory_space<vmem_shared>>)
      tpu.yield
    }) : () -> ()
    %mul3A_37 = arith.constant 1250 : i32
    %mul3A_38 = arith.muli %arg1, %mul3A_37 : i32
    %add3A_39 = arith.constant 350 : i32
    %add3A_40 = arith.addi %mul3A_38, %add3A_39 : i32
    "tpu.region"() ({
      %run_scoped3A = tpu.sem_alloc : memref<!tpu.dma_semaphore, #tpu.memory_space<semaphore_mem>>
      %dma_start3A = arith.constant 0 : i32
      %dma_start3A_122 = arith.constant 0 : i32
      %dma_start3A_123 = tpu.memref_slice %arg9[%dma_start3A, %dma_start3A_122] : memref<80x80xf32, #tpu.memory_space<vmem>> -> memref<50x80xf32, #tpu.memory_space<vmem>>
      %dma_start3A_124 = arith.constant 0 : i32
      %dma_start3A_125 = tpu.memref_slice %arg10[%add3A_40, %dma_start3A_124] : memref<20000x80xf32, #tpu.memory_space<vmem_shared>> -> memref<50x80xf32, #tpu.memory_space<vmem_shared>>
      %dma_start3A_126 = arith.constant 0 : i32
      %dma_start3A_127 = tpu.memref_slice %arg10[%add3A_40, %dma_start3A_126] : memref<20000x80xf32, #tpu.memory_space<vmem_shared>> -> memref<50x80xf32, #tpu.memory_space<vmem_shared>>
      %dma_start3A_128 = arith.constant 0 : i32
      %dma_start3A_129 = arith.constant 0 : i32
      %dma_start3A_130 = tpu.memref_slice %arg9[%dma_start3A_128, %dma_start3A_129] : memref<80x80xf32, #tpu.memory_space<vmem>> -> memref<50x80xf32, #tpu.memory_space<vmem>>
      tpu.enqueue_dma source(%dma_start3A_130 : memref<50x80xf32, #tpu.memory_space<vmem>>) target(%dma_start3A_127 : memref<50x80xf32, #tpu.memory_space<vmem_shared>>) target_semaphore(%run_scoped3A : memref<!tpu.dma_semaphore, #tpu.memory_space<semaphore_mem>>)
      %dma_wait3A = arith.constant 0 : i32
      %dma_wait3A_131 = arith.constant 0 : i32
      %dma_wait3A_132 = tpu.memref_slice %arg9[%dma_wait3A, %dma_wait3A_131] : memref<80x80xf32, #tpu.memory_space<vmem>> -> memref<50x80xf32, #tpu.memory_space<vmem>>
      %dma_wait3A_133 = arith.constant 0 : i32
      %dma_wait3A_134 = tpu.memref_slice %arg10[%add3A_40, %dma_wait3A_133] : memref<20000x80xf32, #tpu.memory_space<vmem_shared>> -> memref<50x80xf32, #tpu.memory_space<vmem_shared>>
      %dma_wait3A_135 = arith.constant 0 : i32
      %dma_wait3A_136 = tpu.memref_slice %arg10[%add3A_40, %dma_wait3A_135] : memref<20000x80xf32, #tpu.memory_space<vmem_shared>> -> memref<50x80xf32, #tpu.memory_space<vmem_shared>>
      %dma_wait3A_137 = arith.constant 0 : i32
      %dma_wait3A_138 = arith.constant 0 : i32
      %dma_wait3A_139 = tpu.memref_slice %arg9[%dma_wait3A_137, %dma_wait3A_138] : memref<80x80xf32, #tpu.memory_space<vmem>> -> memref<50x80xf32, #tpu.memory_space<vmem>>
      tpu.wait_dma2 semaphore(%run_scoped3A : memref<!tpu.dma_semaphore, #tpu.memory_space<semaphore_mem>>) src(%dma_wait3A_139 : memref<50x80xf32, #tpu.memory_space<vmem>>) dst(%dma_wait3A_136 : memref<50x80xf32, #tpu.memory_space<vmem_shared>>)
      tpu.yield
    }) : () -> ()
    %mul3A_41 = arith.constant 1250 : i32
    %mul3A_42 = arith.muli %arg1, %mul3A_41 : i32
    %add3A_43 = arith.constant 400 : i32
    %add3A_44 = arith.addi %mul3A_42, %add3A_43 : i32
    "tpu.region"() ({
      %run_scoped3A = tpu.sem_alloc : memref<!tpu.dma_semaphore, #tpu.memory_space<semaphore_mem>>
      %dma_start3A = arith.constant 0 : i32
      %dma_start3A_122 = arith.constant 0 : i32
      %dma_start3A_123 = tpu.memref_slice %arg9[%dma_start3A, %dma_start3A_122] : memref<80x80xf32, #tpu.memory_space<vmem>> -> memref<50x80xf32, #tpu.memory_space<vmem>>
      %dma_start3A_124 = arith.constant 0 : i32
      %dma_start3A_125 = tpu.memref_slice %arg10[%add3A_44, %dma_start3A_124] : memref<20000x80xf32, #tpu.memory_space<vmem_shared>> -> memref<50x80xf32, #tpu.memory_space<vmem_shared>>
      %dma_start3A_126 = arith.constant 0 : i32
      %dma_start3A_127 = tpu.memref_slice %arg10[%add3A_44, %dma_start3A_126] : memref<20000x80xf32, #tpu.memory_space<vmem_shared>> -> memref<50x80xf32, #tpu.memory_space<vmem_shared>>
      %dma_start3A_128 = arith.constant 0 : i32
      %dma_start3A_129 = arith.constant 0 : i32
      %dma_start3A_130 = tpu.memref_slice %arg9[%dma_start3A_128, %dma_start3A_129] : memref<80x80xf32, #tpu.memory_space<vmem>> -> memref<50x80xf32, #tpu.memory_space<vmem>>
      tpu.enqueue_dma source(%dma_start3A_130 : memref<50x80xf32, #tpu.memory_space<vmem>>) target(%dma_start3A_127 : memref<50x80xf32, #tpu.memory_space<vmem_shared>>) target_semaphore(%run_scoped3A : memref<!tpu.dma_semaphore, #tpu.memory_space<semaphore_mem>>)
      %dma_wait3A = arith.constant 0 : i32
      %dma_wait3A_131 = arith.constant 0 : i32
      %dma_wait3A_132 = tpu.memref_slice %arg9[%dma_wait3A, %dma_wait3A_131] : memref<80x80xf32, #tpu.memory_space<vmem>> -> memref<50x80xf32, #tpu.memory_space<vmem>>
      %dma_wait3A_133 = arith.constant 0 : i32
      %dma_wait3A_134 = tpu.memref_slice %arg10[%add3A_44, %dma_wait3A_133] : memref<20000x80xf32, #tpu.memory_space<vmem_shared>> -> memref<50x80xf32, #tpu.memory_space<vmem_shared>>
      %dma_wait3A_135 = arith.constant 0 : i32
      %dma_wait3A_136 = tpu.memref_slice %arg10[%add3A_44, %dma_wait3A_135] : memref<20000x80xf32, #tpu.memory_space<vmem_shared>> -> memref<50x80xf32, #tpu.memory_space<vmem_shared>>
      %dma_wait3A_137 = arith.constant 0 : i32
      %dma_wait3A_138 = arith.constant 0 : i32
      %dma_wait3A_139 = tpu.memref_slice %arg9[%dma_wait3A_137, %dma_wait3A_138] : memref<80x80xf32, #tpu.memory_space<vmem>> -> memref<50x80xf32, #tpu.memory_space<vmem>>
      tpu.wait_dma2 semaphore(%run_scoped3A : memref<!tpu.dma_semaphore, #tpu.memory_space<semaphore_mem>>) src(%dma_wait3A_139 : memref<50x80xf32, #tpu.memory_space<vmem>>) dst(%dma_wait3A_136 : memref<50x80xf32, #tpu.memory_space<vmem_shared>>)
      tpu.yield
    }) : () -> ()
    %mul3A_45 = arith.constant 1250 : i32
    %mul3A_46 = arith.muli %arg1, %mul3A_45 : i32
    %add3A_47 = arith.constant 450 : i32
    %add3A_48 = arith.addi %mul3A_46, %add3A_47 : i32
    "tpu.region"() ({
      %run_scoped3A = tpu.sem_alloc : memref<!tpu.dma_semaphore, #tpu.memory_space<semaphore_mem>>
      %dma_start3A = arith.constant 0 : i32
      %dma_start3A_122 = arith.constant 0 : i32
      %dma_start3A_123 = tpu.memref_slice %arg9[%dma_start3A, %dma_start3A_122] : memref<80x80xf32, #tpu.memory_space<vmem>> -> memref<50x80xf32, #tpu.memory_space<vmem>>
      %dma_start3A_124 = arith.constant 0 : i32
      %dma_start3A_125 = tpu.memref_slice %arg10[%add3A_48, %dma_start3A_124] : memref<20000x80xf32, #tpu.memory_space<vmem_shared>> -> memref<50x80xf32, #tpu.memory_space<vmem_shared>>
      %dma_start3A_126 = arith.constant 0 : i32
      %dma_start3A_127 = tpu.memref_slice %arg10[%add3A_48, %dma_start3A_126] : memref<20000x80xf32, #tpu.memory_space<vmem_shared>> -> memref<50x80xf32, #tpu.memory_space<vmem_shared>>
      %dma_start3A_128 = arith.constant 0 : i32
      %dma_start3A_129 = arith.constant 0 : i32
      %dma_start3A_130 = tpu.memref_slice %arg9[%dma_start3A_128, %dma_start3A_129] : memref<80x80xf32, #tpu.memory_space<vmem>> -> memref<50x80xf32, #tpu.memory_space<vmem>>
      tpu.enqueue_dma source(%dma_start3A_130 : memref<50x80xf32, #tpu.memory_space<vmem>>) target(%dma_start3A_127 : memref<50x80xf32, #tpu.memory_space<vmem_shared>>) target_semaphore(%run_scoped3A : memref<!tpu.dma_semaphore, #tpu.memory_space<semaphore_mem>>)
      %dma_wait3A = arith.constant 0 : i32
      %dma_wait3A_131 = arith.constant 0 : i32
      %dma_wait3A_132 = tpu.memref_slice %arg9[%dma_wait3A, %dma_wait3A_131] : memref<80x80xf32, #tpu.memory_space<vmem>> -> memref<50x80xf32, #tpu.memory_space<vmem>>
      %dma_wait3A_133 = arith.constant 0 : i32
      %dma_wait3A_134 = tpu.memref_slice %arg10[%add3A_48, %dma_wait3A_133] : memref<20000x80xf32, #tpu.memory_space<vmem_shared>> -> memref<50x80xf32, #tpu.memory_space<vmem_shared>>
      %dma_wait3A_135 = arith.constant 0 : i32
      %dma_wait3A_136 = tpu.memref_slice %arg10[%add3A_48, %dma_wait3A_135] : memref<20000x80xf32, #tpu.memory_space<vmem_shared>> -> memref<50x80xf32, #tpu.memory_space<vmem_shared>>
      %dma_wait3A_137 = arith.constant 0 : i32
      %dma_wait3A_138 = arith.constant 0 : i32
      %dma_wait3A_139 = tpu.memref_slice %arg9[%dma_wait3A_137, %dma_wait3A_138] : memref<80x80xf32, #tpu.memory_space<vmem>> -> memref<50x80xf32, #tpu.memory_space<vmem>>
      tpu.wait_dma2 semaphore(%run_scoped3A : memref<!tpu.dma_semaphore, #tpu.memory_space<semaphore_mem>>) src(%dma_wait3A_139 : memref<50x80xf32, #tpu.memory_space<vmem>>) dst(%dma_wait3A_136 : memref<50x80xf32, #tpu.memory_space<vmem_shared>>)
      tpu.yield
    }) : () -> ()
    %mul3A_49 = arith.constant 1250 : i32
    %mul3A_50 = arith.muli %arg1, %mul3A_49 : i32
    %add3A_51 = arith.constant 500 : i32
    %add3A_52 = arith.addi %mul3A_50, %add3A_51 : i32
    "tpu.region"() ({
      %run_scoped3A = tpu.sem_alloc : memref<!tpu.dma_semaphore, #tpu.memory_space<semaphore_mem>>
      %dma_start3A = arith.constant 0 : i32
      %dma_start3A_122 = arith.constant 0 : i32
      %dma_start3A_123 = tpu.memref_slice %arg9[%dma_start3A, %dma_start3A_122] : memref<80x80xf32, #tpu.memory_space<vmem>> -> memref<50x80xf32, #tpu.memory_space<vmem>>
      %dma_start3A_124 = arith.constant 0 : i32
      %dma_start3A_125 = tpu.memref_slice %arg10[%add3A_52, %dma_start3A_124] : memref<20000x80xf32, #tpu.memory_space<vmem_shared>> -> memref<50x80xf32, #tpu.memory_space<vmem_shared>>
      %dma_start3A_126 = arith.constant 0 : i32
      %dma_start3A_127 = tpu.memref_slice %arg10[%add3A_52, %dma_start3A_126] : memref<20000x80xf32, #tpu.memory_space<vmem_shared>> -> memref<50x80xf32, #tpu.memory_space<vmem_shared>>
      %dma_start3A_128 = arith.constant 0 : i32
      %dma_start3A_129 = arith.constant 0 : i32
      %dma_start3A_130 = tpu.memref_slice %arg9[%dma_start3A_128, %dma_start3A_129] : memref<80x80xf32, #tpu.memory_space<vmem>> -> memref<50x80xf32, #tpu.memory_space<vmem>>
      tpu.enqueue_dma source(%dma_start3A_130 : memref<50x80xf32, #tpu.memory_space<vmem>>) target(%dma_start3A_127 : memref<50x80xf32, #tpu.memory_space<vmem_shared>>) target_semaphore(%run_scoped3A : memref<!tpu.dma_semaphore, #tpu.memory_space<semaphore_mem>>)
      %dma_wait3A = arith.constant 0 : i32
      %dma_wait3A_131 = arith.constant 0 : i32
      %dma_wait3A_132 = tpu.memref_slice %arg9[%dma_wait3A, %dma_wait3A_131] : memref<80x80xf32, #tpu.memory_space<vmem>> -> memref<50x80xf32, #tpu.memory_space<vmem>>
      %dma_wait3A_133 = arith.constant 0 : i32
      %dma_wait3A_134 = tpu.memref_slice %arg10[%add3A_52, %dma_wait3A_133] : memref<20000x80xf32, #tpu.memory_space<vmem_shared>> -> memref<50x80xf32, #tpu.memory_space<vmem_shared>>
      %dma_wait3A_135 = arith.constant 0 : i32
      %dma_wait3A_136 = tpu.memref_slice %arg10[%add3A_52, %dma_wait3A_135] : memref<20000x80xf32, #tpu.memory_space<vmem_shared>> -> memref<50x80xf32, #tpu.memory_space<vmem_shared>>
      %dma_wait3A_137 = arith.constant 0 : i32
      %dma_wait3A_138 = arith.constant 0 : i32
      %dma_wait3A_139 = tpu.memref_slice %arg9[%dma_wait3A_137, %dma_wait3A_138] : memref<80x80xf32, #tpu.memory_space<vmem>> -> memref<50x80xf32, #tpu.memory_space<vmem>>
      tpu.wait_dma2 semaphore(%run_scoped3A : memref<!tpu.dma_semaphore, #tpu.memory_space<semaphore_mem>>) src(%dma_wait3A_139 : memref<50x80xf32, #tpu.memory_space<vmem>>) dst(%dma_wait3A_136 : memref<50x80xf32, #tpu.memory_space<vmem_shared>>)
      tpu.yield
    }) : () -> ()
    %mul3A_53 = arith.constant 1250 : i32
    %mul3A_54 = arith.muli %arg1, %mul3A_53 : i32
    %add3A_55 = arith.constant 550 : i32
    %add3A_56 = arith.addi %mul3A_54, %add3A_55 : i32
    "tpu.region"() ({
      %run_scoped3A = tpu.sem_alloc : memref<!tpu.dma_semaphore, #tpu.memory_space<semaphore_mem>>
      %dma_start3A = arith.constant 0 : i32
      %dma_start3A_122 = arith.constant 0 : i32
      %dma_start3A_123 = tpu.memref_slice %arg9[%dma_start3A, %dma_start3A_122] : memref<80x80xf32, #tpu.memory_space<vmem>> -> memref<50x80xf32, #tpu.memory_space<vmem>>
      %dma_start3A_124 = arith.constant 0 : i32
      %dma_start3A_125 = tpu.memref_slice %arg10[%add3A_56, %dma_start3A_124] : memref<20000x80xf32, #tpu.memory_space<vmem_shared>> -> memref<50x80xf32, #tpu.memory_space<vmem_shared>>
      %dma_start3A_126 = arith.constant 0 : i32
      %dma_start3A_127 = tpu.memref_slice %arg10[%add3A_56, %dma_start3A_126] : memref<20000x80xf32, #tpu.memory_space<vmem_shared>> -> memref<50x80xf32, #tpu.memory_space<vmem_shared>>
      %dma_start3A_128 = arith.constant 0 : i32
      %dma_start3A_129 = arith.constant 0 : i32
      %dma_start3A_130 = tpu.memref_slice %arg9[%dma_start3A_128, %dma_start3A_129] : memref<80x80xf32, #tpu.memory_space<vmem>> -> memref<50x80xf32, #tpu.memory_space<vmem>>
      tpu.enqueue_dma source(%dma_start3A_130 : memref<50x80xf32, #tpu.memory_space<vmem>>) target(%dma_start3A_127 : memref<50x80xf32, #tpu.memory_space<vmem_shared>>) target_semaphore(%run_scoped3A : memref<!tpu.dma_semaphore, #tpu.memory_space<semaphore_mem>>)
      %dma_wait3A = arith.constant 0 : i32
      %dma_wait3A_131 = arith.constant 0 : i32
      %dma_wait3A_132 = tpu.memref_slice %arg9[%dma_wait3A, %dma_wait3A_131] : memref<80x80xf32, #tpu.memory_space<vmem>> -> memref<50x80xf32, #tpu.memory_space<vmem>>
      %dma_wait3A_133 = arith.constant 0 : i32
      %dma_wait3A_134 = tpu.memref_slice %arg10[%add3A_56, %dma_wait3A_133] : memref<20000x80xf32, #tpu.memory_space<vmem_shared>> -> memref<50x80xf32, #tpu.memory_space<vmem_shared>>
      %dma_wait3A_135 = arith.constant 0 : i32
      %dma_wait3A_136 = tpu.memref_slice %arg10[%add3A_56, %dma_wait3A_135] : memref<20000x80xf32, #tpu.memory_space<vmem_shared>> -> memref<50x80xf32, #tpu.memory_space<vmem_shared>>
      %dma_wait3A_137 = arith.constant 0 : i32
      %dma_wait3A_138 = arith.constant 0 : i32
      %dma_wait3A_139 = tpu.memref_slice %arg9[%dma_wait3A_137, %dma_wait3A_138] : memref<80x80xf32, #tpu.memory_space<vmem>> -> memref<50x80xf32, #tpu.memory_space<vmem>>
      tpu.wait_dma2 semaphore(%run_scoped3A : memref<!tpu.dma_semaphore, #tpu.memory_space<semaphore_mem>>) src(%dma_wait3A_139 : memref<50x80xf32, #tpu.memory_space<vmem>>) dst(%dma_wait3A_136 : memref<50x80xf32, #tpu.memory_space<vmem_shared>>)
      tpu.yield
    }) : () -> ()
    %mul3A_57 = arith.constant 1250 : i32
    %mul3A_58 = arith.muli %arg1, %mul3A_57 : i32
    %add3A_59 = arith.constant 600 : i32
    %add3A_60 = arith.addi %mul3A_58, %add3A_59 : i32
    "tpu.region"() ({
      %run_scoped3A = tpu.sem_alloc : memref<!tpu.dma_semaphore, #tpu.memory_space<semaphore_mem>>
      %dma_start3A = arith.constant 0 : i32
      %dma_start3A_122 = arith.constant 0 : i32
      %dma_start3A_123 = tpu.memref_slice %arg9[%dma_start3A, %dma_start3A_122] : memref<80x80xf32, #tpu.memory_space<vmem>> -> memref<50x80xf32, #tpu.memory_space<vmem>>
      %dma_start3A_124 = arith.constant 0 : i32
      %dma_start3A_125 = tpu.memref_slice %arg10[%add3A_60, %dma_start3A_124] : memref<20000x80xf32, #tpu.memory_space<vmem_shared>> -> memref<50x80xf32, #tpu.memory_space<vmem_shared>>
      %dma_start3A_126 = arith.constant 0 : i32
      %dma_start3A_127 = tpu.memref_slice %arg10[%add3A_60, %dma_start3A_126] : memref<20000x80xf32, #tpu.memory_space<vmem_shared>> -> memref<50x80xf32, #tpu.memory_space<vmem_shared>>
      %dma_start3A_128 = arith.constant 0 : i32
      %dma_start3A_129 = arith.constant 0 : i32
      %dma_start3A_130 = tpu.memref_slice %arg9[%dma_start3A_128, %dma_start3A_129] : memref<80x80xf32, #tpu.memory_space<vmem>> -> memref<50x80xf32, #tpu.memory_space<vmem>>
      tpu.enqueue_dma source(%dma_start3A_130 : memref<50x80xf32, #tpu.memory_space<vmem>>) target(%dma_start3A_127 : memref<50x80xf32, #tpu.memory_space<vmem_shared>>) target_semaphore(%run_scoped3A : memref<!tpu.dma_semaphore, #tpu.memory_space<semaphore_mem>>)
      %dma_wait3A = arith.constant 0 : i32
      %dma_wait3A_131 = arith.constant 0 : i32
      %dma_wait3A_132 = tpu.memref_slice %arg9[%dma_wait3A, %dma_wait3A_131] : memref<80x80xf32, #tpu.memory_space<vmem>> -> memref<50x80xf32, #tpu.memory_space<vmem>>
      %dma_wait3A_133 = arith.constant 0 : i32
      %dma_wait3A_134 = tpu.memref_slice %arg10[%add3A_60, %dma_wait3A_133] : memref<20000x80xf32, #tpu.memory_space<vmem_shared>> -> memref<50x80xf32, #tpu.memory_space<vmem_shared>>
      %dma_wait3A_135 = arith.constant 0 : i32
      %dma_wait3A_136 = tpu.memref_slice %arg10[%add3A_60, %dma_wait3A_135] : memref<20000x80xf32, #tpu.memory_space<vmem_shared>> -> memref<50x80xf32, #tpu.memory_space<vmem_shared>>
      %dma_wait3A_137 = arith.constant 0 : i32
      %dma_wait3A_138 = arith.constant 0 : i32
      %dma_wait3A_139 = tpu.memref_slice %arg9[%dma_wait3A_137, %dma_wait3A_138] : memref<80x80xf32, #tpu.memory_space<vmem>> -> memref<50x80xf32, #tpu.memory_space<vmem>>
      tpu.wait_dma2 semaphore(%run_scoped3A : memref<!tpu.dma_semaphore, #tpu.memory_space<semaphore_mem>>) src(%dma_wait3A_139 : memref<50x80xf32, #tpu.memory_space<vmem>>) dst(%dma_wait3A_136 : memref<50x80xf32, #tpu.memory_space<vmem_shared>>)
      tpu.yield
    }) : () -> ()
    %mul3A_61 = arith.constant 1250 : i32
    %mul3A_62 = arith.muli %arg1, %mul3A_61 : i32
    %add3A_63 = arith.constant 650 : i32
    %add3A_64 = arith.addi %mul3A_62, %add3A_63 : i32
    "tpu.region"() ({
      %run_scoped3A = tpu.sem_alloc : memref<!tpu.dma_semaphore, #tpu.memory_space<semaphore_mem>>
      %dma_start3A = arith.constant 0 : i32
      %dma_start3A_122 = arith.constant 0 : i32
      %dma_start3A_123 = tpu.memref_slice %arg9[%dma_start3A, %dma_start3A_122] : memref<80x80xf32, #tpu.memory_space<vmem>> -> memref<50x80xf32, #tpu.memory_space<vmem>>
      %dma_start3A_124 = arith.constant 0 : i32
      %dma_start3A_125 = tpu.memref_slice %arg10[%add3A_64, %dma_start3A_124] : memref<20000x80xf32, #tpu.memory_space<vmem_shared>> -> memref<50x80xf32, #tpu.memory_space<vmem_shared>>
      %dma_start3A_126 = arith.constant 0 : i32
      %dma_start3A_127 = tpu.memref_slice %arg10[%add3A_64, %dma_start3A_126] : memref<20000x80xf32, #tpu.memory_space<vmem_shared>> -> memref<50x80xf32, #tpu.memory_space<vmem_shared>>
      %dma_start3A_128 = arith.constant 0 : i32
      %dma_start3A_129 = arith.constant 0 : i32
      %dma_start3A_130 = tpu.memref_slice %arg9[%dma_start3A_128, %dma_start3A_129] : memref<80x80xf32, #tpu.memory_space<vmem>> -> memref<50x80xf32, #tpu.memory_space<vmem>>
      tpu.enqueue_dma source(%dma_start3A_130 : memref<50x80xf32, #tpu.memory_space<vmem>>) target(%dma_start3A_127 : memref<50x80xf32, #tpu.memory_space<vmem_shared>>) target_semaphore(%run_scoped3A : memref<!tpu.dma_semaphore, #tpu.memory_space<semaphore_mem>>)
      %dma_wait3A = arith.constant 0 : i32
      %dma_wait3A_131 = arith.constant 0 : i32
      %dma_wait3A_132 = tpu.memref_slice %arg9[%dma_wait3A, %dma_wait3A_131] : memref<80x80xf32, #tpu.memory_space<vmem>> -> memref<50x80xf32, #tpu.memory_space<vmem>>
      %dma_wait3A_133 = arith.constant 0 : i32
      %dma_wait3A_134 = tpu.memref_slice %arg10[%add3A_64, %dma_wait3A_133] : memref<20000x80xf32, #tpu.memory_space<vmem_shared>> -> memref<50x80xf32, #tpu.memory_space<vmem_shared>>
      %dma_wait3A_135 = arith.constant 0 : i32
      %dma_wait3A_136 = tpu.memref_slice %arg10[%add3A_64, %dma_wait3A_135] : memref<20000x80xf32, #tpu.memory_space<vmem_shared>> -> memref<50x80xf32, #tpu.memory_space<vmem_shared>>
      %dma_wait3A_137 = arith.constant 0 : i32
      %dma_wait3A_138 = arith.constant 0 : i32
      %dma_wait3A_139 = tpu.memref_slice %arg9[%dma_wait3A_137, %dma_wait3A_138] : memref<80x80xf32, #tpu.memory_space<vmem>> -> memref<50x80xf32, #tpu.memory_space<vmem>>
      tpu.wait_dma2 semaphore(%run_scoped3A : memref<!tpu.dma_semaphore, #tpu.memory_space<semaphore_mem>>) src(%dma_wait3A_139 : memref<50x80xf32, #tpu.memory_space<vmem>>) dst(%dma_wait3A_136 : memref<50x80xf32, #tpu.memory_space<vmem_shared>>)
      tpu.yield
    }) : () -> ()
    %mul3A_65 = arith.constant 1250 : i32
    %mul3A_66 = arith.muli %arg1, %mul3A_65 : i32
    %add3A_67 = arith.constant 700 : i32
    %add3A_68 = arith.addi %mul3A_66, %add3A_67 : i32
    "tpu.region"() ({
      %run_scoped3A = tpu.sem_alloc : memref<!tpu.dma_semaphore, #tpu.memory_space<semaphore_mem>>
      %dma_start3A = arith.constant 0 : i32
      %dma_start3A_122 = arith.constant 0 : i32
      %dma_start3A_123 = tpu.memref_slice %arg9[%dma_start3A, %dma_start3A_122] : memref<80x80xf32, #tpu.memory_space<vmem>> -> memref<50x80xf32, #tpu.memory_space<vmem>>
      %dma_start3A_124 = arith.constant 0 : i32
      %dma_start3A_125 = tpu.memref_slice %arg10[%add3A_68, %dma_start3A_124] : memref<20000x80xf32, #tpu.memory_space<vmem_shared>> -> memref<50x80xf32, #tpu.memory_space<vmem_shared>>
      %dma_start3A_126 = arith.constant 0 : i32
      %dma_start3A_127 = tpu.memref_slice %arg10[%add3A_68, %dma_start3A_126] : memref<20000x80xf32, #tpu.memory_space<vmem_shared>> -> memref<50x80xf32, #tpu.memory_space<vmem_shared>>
      %dma_start3A_128 = arith.constant 0 : i32
      %dma_start3A_129 = arith.constant 0 : i32
      %dma_start3A_130 = tpu.memref_slice %arg9[%dma_start3A_128, %dma_start3A_129] : memref<80x80xf32, #tpu.memory_space<vmem>> -> memref<50x80xf32, #tpu.memory_space<vmem>>
      tpu.enqueue_dma source(%dma_start3A_130 : memref<50x80xf32, #tpu.memory_space<vmem>>) target(%dma_start3A_127 : memref<50x80xf32, #tpu.memory_space<vmem_shared>>) target_semaphore(%run_scoped3A : memref<!tpu.dma_semaphore, #tpu.memory_space<semaphore_mem>>)
      %dma_wait3A = arith.constant 0 : i32
      %dma_wait3A_131 = arith.constant 0 : i32
      %dma_wait3A_132 = tpu.memref_slice %arg9[%dma_wait3A, %dma_wait3A_131] : memref<80x80xf32, #tpu.memory_space<vmem>> -> memref<50x80xf32, #tpu.memory_space<vmem>>
      %dma_wait3A_133 = arith.constant 0 : i32
      %dma_wait3A_134 = tpu.memref_slice %arg10[%add3A_68, %dma_wait3A_133] : memref<20000x80xf32, #tpu.memory_space<vmem_shared>> -> memref<50x80xf32, #tpu.memory_space<vmem_shared>>
      %dma_wait3A_135 = arith.constant 0 : i32
      %dma_wait3A_136 = tpu.memref_slice %arg10[%add3A_68, %dma_wait3A_135] : memref<20000x80xf32, #tpu.memory_space<vmem_shared>> -> memref<50x80xf32, #tpu.memory_space<vmem_shared>>
      %dma_wait3A_137 = arith.constant 0 : i32
      %dma_wait3A_138 = arith.constant 0 : i32
      %dma_wait3A_139 = tpu.memref_slice %arg9[%dma_wait3A_137, %dma_wait3A_138] : memref<80x80xf32, #tpu.memory_space<vmem>> -> memref<50x80xf32, #tpu.memory_space<vmem>>
      tpu.wait_dma2 semaphore(%run_scoped3A : memref<!tpu.dma_semaphore, #tpu.memory_space<semaphore_mem>>) src(%dma_wait3A_139 : memref<50x80xf32, #tpu.memory_space<vmem>>) dst(%dma_wait3A_136 : memref<50x80xf32, #tpu.memory_space<vmem_shared>>)
      tpu.yield
    }) : () -> ()
    %mul3A_69 = arith.constant 1250 : i32
    %mul3A_70 = arith.muli %arg1, %mul3A_69 : i32
    %add3A_71 = arith.constant 750 : i32
    %add3A_72 = arith.addi %mul3A_70, %add3A_71 : i32
    "tpu.region"() ({
      %run_scoped3A = tpu.sem_alloc : memref<!tpu.dma_semaphore, #tpu.memory_space<semaphore_mem>>
      %dma_start3A = arith.constant 0 : i32
      %dma_start3A_122 = arith.constant 0 : i32
      %dma_start3A_123 = tpu.memref_slice %arg9[%dma_start3A, %dma_start3A_122] : memref<80x80xf32, #tpu.memory_space<vmem>> -> memref<50x80xf32, #tpu.memory_space<vmem>>
      %dma_start3A_124 = arith.constant 0 : i32
      %dma_start3A_125 = tpu.memref_slice %arg10[%add3A_72, %dma_start3A_124] : memref<20000x80xf32, #tpu.memory_space<vmem_shared>> -> memref<50x80xf32, #tpu.memory_space<vmem_shared>>
      %dma_start3A_126 = arith.constant 0 : i32
      %dma_start3A_127 = tpu.memref_slice %arg10[%add3A_72, %dma_start3A_126] : memref<20000x80xf32, #tpu.memory_space<vmem_shared>> -> memref<50x80xf32, #tpu.memory_space<vmem_shared>>
      %dma_start3A_128 = arith.constant 0 : i32
      %dma_start3A_129 = arith.constant 0 : i32
      %dma_start3A_130 = tpu.memref_slice %arg9[%dma_start3A_128, %dma_start3A_129] : memref<80x80xf32, #tpu.memory_space<vmem>> -> memref<50x80xf32, #tpu.memory_space<vmem>>
      tpu.enqueue_dma source(%dma_start3A_130 : memref<50x80xf32, #tpu.memory_space<vmem>>) target(%dma_start3A_127 : memref<50x80xf32, #tpu.memory_space<vmem_shared>>) target_semaphore(%run_scoped3A : memref<!tpu.dma_semaphore, #tpu.memory_space<semaphore_mem>>)
      %dma_wait3A = arith.constant 0 : i32
      %dma_wait3A_131 = arith.constant 0 : i32
      %dma_wait3A_132 = tpu.memref_slice %arg9[%dma_wait3A, %dma_wait3A_131] : memref<80x80xf32, #tpu.memory_space<vmem>> -> memref<50x80xf32, #tpu.memory_space<vmem>>
      %dma_wait3A_133 = arith.constant 0 : i32
      %dma_wait3A_134 = tpu.memref_slice %arg10[%add3A_72, %dma_wait3A_133] : memref<20000x80xf32, #tpu.memory_space<vmem_shared>> -> memref<50x80xf32, #tpu.memory_space<vmem_shared>>
      %dma_wait3A_135 = arith.constant 0 : i32
      %dma_wait3A_136 = tpu.memref_slice %arg10[%add3A_72, %dma_wait3A_135] : memref<20000x80xf32, #tpu.memory_space<vmem_shared>> -> memref<50x80xf32, #tpu.memory_space<vmem_shared>>
      %dma_wait3A_137 = arith.constant 0 : i32
      %dma_wait3A_138 = arith.constant 0 : i32
      %dma_wait3A_139 = tpu.memref_slice %arg9[%dma_wait3A_137, %dma_wait3A_138] : memref<80x80xf32, #tpu.memory_space<vmem>> -> memref<50x80xf32, #tpu.memory_space<vmem>>
      tpu.wait_dma2 semaphore(%run_scoped3A : memref<!tpu.dma_semaphore, #tpu.memory_space<semaphore_mem>>) src(%dma_wait3A_139 : memref<50x80xf32, #tpu.memory_space<vmem>>) dst(%dma_wait3A_136 : memref<50x80xf32, #tpu.memory_space<vmem_shared>>)
      tpu.yield
    }) : () -> ()
    %mul3A_73 = arith.constant 1250 : i32
    %mul3A_74 = arith.muli %arg1, %mul3A_73 : i32
    %add3A_75 = arith.constant 800 : i32
    %add3A_76 = arith.addi %mul3A_74, %add3A_75 : i32
    "tpu.region"() ({
      %run_scoped3A = tpu.sem_alloc : memref<!tpu.dma_semaphore, #tpu.memory_space<semaphore_mem>>
      %dma_start3A = arith.constant 0 : i32
      %dma_start3A_122 = arith.constant 0 : i32
      %dma_start3A_123 = tpu.memref_slice %arg9[%dma_start3A, %dma_start3A_122] : memref<80x80xf32, #tpu.memory_space<vmem>> -> memref<50x80xf32, #tpu.memory_space<vmem>>
      %dma_start3A_124 = arith.constant 0 : i32
      %dma_start3A_125 = tpu.memref_slice %arg10[%add3A_76, %dma_start3A_124] : memref<20000x80xf32, #tpu.memory_space<vmem_shared>> -> memref<50x80xf32, #tpu.memory_space<vmem_shared>>
      %dma_start3A_126 = arith.constant 0 : i32
      %dma_start3A_127 = tpu.memref_slice %arg10[%add3A_76, %dma_start3A_126] : memref<20000x80xf32, #tpu.memory_space<vmem_shared>> -> memref<50x80xf32, #tpu.memory_space<vmem_shared>>
      %dma_start3A_128 = arith.constant 0 : i32
      %dma_start3A_129 = arith.constant 0 : i32
      %dma_start3A_130 = tpu.memref_slice %arg9[%dma_start3A_128, %dma_start3A_129] : memref<80x80xf32, #tpu.memory_space<vmem>> -> memref<50x80xf32, #tpu.memory_space<vmem>>
      tpu.enqueue_dma source(%dma_start3A_130 : memref<50x80xf32, #tpu.memory_space<vmem>>) target(%dma_start3A_127 : memref<50x80xf32, #tpu.memory_space<vmem_shared>>) target_semaphore(%run_scoped3A : memref<!tpu.dma_semaphore, #tpu.memory_space<semaphore_mem>>)
      %dma_wait3A = arith.constant 0 : i32
      %dma_wait3A_131 = arith.constant 0 : i32
      %dma_wait3A_132 = tpu.memref_slice %arg9[%dma_wait3A, %dma_wait3A_131] : memref<80x80xf32, #tpu.memory_space<vmem>> -> memref<50x80xf32, #tpu.memory_space<vmem>>
      %dma_wait3A_133 = arith.constant 0 : i32
      %dma_wait3A_134 = tpu.memref_slice %arg10[%add3A_76, %dma_wait3A_133] : memref<20000x80xf32, #tpu.memory_space<vmem_shared>> -> memref<50x80xf32, #tpu.memory_space<vmem_shared>>
      %dma_wait3A_135 = arith.constant 0 : i32
      %dma_wait3A_136 = tpu.memref_slice %arg10[%add3A_76, %dma_wait3A_135] : memref<20000x80xf32, #tpu.memory_space<vmem_shared>> -> memref<50x80xf32, #tpu.memory_space<vmem_shared>>
      %dma_wait3A_137 = arith.constant 0 : i32
      %dma_wait3A_138 = arith.constant 0 : i32
      %dma_wait3A_139 = tpu.memref_slice %arg9[%dma_wait3A_137, %dma_wait3A_138] : memref<80x80xf32, #tpu.memory_space<vmem>> -> memref<50x80xf32, #tpu.memory_space<vmem>>
      tpu.wait_dma2 semaphore(%run_scoped3A : memref<!tpu.dma_semaphore, #tpu.memory_space<semaphore_mem>>) src(%dma_wait3A_139 : memref<50x80xf32, #tpu.memory_space<vmem>>) dst(%dma_wait3A_136 : memref<50x80xf32, #tpu.memory_space<vmem_shared>>)
      tpu.yield
    }) : () -> ()
    %mul3A_77 = arith.constant 1250 : i32
    %mul3A_78 = arith.muli %arg1, %mul3A_77 : i32
    %add3A_79 = arith.constant 850 : i32
    %add3A_80 = arith.addi %mul3A_78, %add3A_79 : i32
    "tpu.region"() ({
      %run_scoped3A = tpu.sem_alloc : memref<!tpu.dma_semaphore, #tpu.memory_space<semaphore_mem>>
      %dma_start3A = arith.constant 0 : i32
      %dma_start3A_122 = arith.constant 0 : i32
      %dma_start3A_123 = tpu.memref_slice %arg9[%dma_start3A, %dma_start3A_122] : memref<80x80xf32, #tpu.memory_space<vmem>> -> memref<50x80xf32, #tpu.memory_space<vmem>>
      %dma_start3A_124 = arith.constant 0 : i32
      %dma_start3A_125 = tpu.memref_slice %arg10[%add3A_80, %dma_start3A_124] : memref<20000x80xf32, #tpu.memory_space<vmem_shared>> -> memref<50x80xf32, #tpu.memory_space<vmem_shared>>
      %dma_start3A_126 = arith.constant 0 : i32
      %dma_start3A_127 = tpu.memref_slice %arg10[%add3A_80, %dma_start3A_126] : memref<20000x80xf32, #tpu.memory_space<vmem_shared>> -> memref<50x80xf32, #tpu.memory_space<vmem_shared>>
      %dma_start3A_128 = arith.constant 0 : i32
      %dma_start3A_129 = arith.constant 0 : i32
      %dma_start3A_130 = tpu.memref_slice %arg9[%dma_start3A_128, %dma_start3A_129] : memref<80x80xf32, #tpu.memory_space<vmem>> -> memref<50x80xf32, #tpu.memory_space<vmem>>
      tpu.enqueue_dma source(%dma_start3A_130 : memref<50x80xf32, #tpu.memory_space<vmem>>) target(%dma_start3A_127 : memref<50x80xf32, #tpu.memory_space<vmem_shared>>) target_semaphore(%run_scoped3A : memref<!tpu.dma_semaphore, #tpu.memory_space<semaphore_mem>>)
      %dma_wait3A = arith.constant 0 : i32
      %dma_wait3A_131 = arith.constant 0 : i32
      %dma_wait3A_132 = tpu.memref_slice %arg9[%dma_wait3A, %dma_wait3A_131] : memref<80x80xf32, #tpu.memory_space<vmem>> -> memref<50x80xf32, #tpu.memory_space<vmem>>
      %dma_wait3A_133 = arith.constant 0 : i32
      %dma_wait3A_134 = tpu.memref_slice %arg10[%add3A_80, %dma_wait3A_133] : memref<20000x80xf32, #tpu.memory_space<vmem_shared>> -> memref<50x80xf32, #tpu.memory_space<vmem_shared>>
      %dma_wait3A_135 = arith.constant 0 : i32
      %dma_wait3A_136 = tpu.memref_slice %arg10[%add3A_80, %dma_wait3A_135] : memref<20000x80xf32, #tpu.memory_space<vmem_shared>> -> memref<50x80xf32, #tpu.memory_space<vmem_shared>>
      %dma_wait3A_137 = arith.constant 0 : i32
      %dma_wait3A_138 = arith.constant 0 : i32
      %dma_wait3A_139 = tpu.memref_slice %arg9[%dma_wait3A_137, %dma_wait3A_138] : memref<80x80xf32, #tpu.memory_space<vmem>> -> memref<50x80xf32, #tpu.memory_space<vmem>>
      tpu.wait_dma2 semaphore(%run_scoped3A : memref<!tpu.dma_semaphore, #tpu.memory_space<semaphore_mem>>) src(%dma_wait3A_139 : memref<50x80xf32, #tpu.memory_space<vmem>>) dst(%dma_wait3A_136 : memref<50x80xf32, #tpu.memory_space<vmem_shared>>)
      tpu.yield
    }) : () -> ()
    %mul3A_81 = arith.constant 1250 : i32
    %mul3A_82 = arith.muli %arg1, %mul3A_81 : i32
    %add3A_83 = arith.constant 900 : i32
    %add3A_84 = arith.addi %mul3A_82, %add3A_83 : i32
    "tpu.region"() ({
      %run_scoped3A = tpu.sem_alloc : memref<!tpu.dma_semaphore, #tpu.memory_space<semaphore_mem>>
      %dma_start3A = arith.constant 0 : i32
      %dma_start3A_122 = arith.constant 0 : i32
      %dma_start3A_123 = tpu.memref_slice %arg9[%dma_start3A, %dma_start3A_122] : memref<80x80xf32, #tpu.memory_space<vmem>> -> memref<50x80xf32, #tpu.memory_space<vmem>>
      %dma_start3A_124 = arith.constant 0 : i32
      %dma_start3A_125 = tpu.memref_slice %arg10[%add3A_84, %dma_start3A_124] : memref<20000x80xf32, #tpu.memory_space<vmem_shared>> -> memref<50x80xf32, #tpu.memory_space<vmem_shared>>
      %dma_start3A_126 = arith.constant 0 : i32
      %dma_start3A_127 = tpu.memref_slice %arg10[%add3A_84, %dma_start3A_126] : memref<20000x80xf32, #tpu.memory_space<vmem_shared>> -> memref<50x80xf32, #tpu.memory_space<vmem_shared>>
      %dma_start3A_128 = arith.constant 0 : i32
      %dma_start3A_129 = arith.constant 0 : i32
      %dma_start3A_130 = tpu.memref_slice %arg9[%dma_start3A_128, %dma_start3A_129] : memref<80x80xf32, #tpu.memory_space<vmem>> -> memref<50x80xf32, #tpu.memory_space<vmem>>
      tpu.enqueue_dma source(%dma_start3A_130 : memref<50x80xf32, #tpu.memory_space<vmem>>) target(%dma_start3A_127 : memref<50x80xf32, #tpu.memory_space<vmem_shared>>) target_semaphore(%run_scoped3A : memref<!tpu.dma_semaphore, #tpu.memory_space<semaphore_mem>>)
      %dma_wait3A = arith.constant 0 : i32
      %dma_wait3A_131 = arith.constant 0 : i32
      %dma_wait3A_132 = tpu.memref_slice %arg9[%dma_wait3A, %dma_wait3A_131] : memref<80x80xf32, #tpu.memory_space<vmem>> -> memref<50x80xf32, #tpu.memory_space<vmem>>
      %dma_wait3A_133 = arith.constant 0 : i32
      %dma_wait3A_134 = tpu.memref_slice %arg10[%add3A_84, %dma_wait3A_133] : memref<20000x80xf32, #tpu.memory_space<vmem_shared>> -> memref<50x80xf32, #tpu.memory_space<vmem_shared>>
      %dma_wait3A_135 = arith.constant 0 : i32
      %dma_wait3A_136 = tpu.memref_slice %arg10[%add3A_84, %dma_wait3A_135] : memref<20000x80xf32, #tpu.memory_space<vmem_shared>> -> memref<50x80xf32, #tpu.memory_space<vmem_shared>>
      %dma_wait3A_137 = arith.constant 0 : i32
      %dma_wait3A_138 = arith.constant 0 : i32
      %dma_wait3A_139 = tpu.memref_slice %arg9[%dma_wait3A_137, %dma_wait3A_138] : memref<80x80xf32, #tpu.memory_space<vmem>> -> memref<50x80xf32, #tpu.memory_space<vmem>>
      tpu.wait_dma2 semaphore(%run_scoped3A : memref<!tpu.dma_semaphore, #tpu.memory_space<semaphore_mem>>) src(%dma_wait3A_139 : memref<50x80xf32, #tpu.memory_space<vmem>>) dst(%dma_wait3A_136 : memref<50x80xf32, #tpu.memory_space<vmem_shared>>)
      tpu.yield
    }) : () -> ()
    %mul3A_85 = arith.constant 1250 : i32
    %mul3A_86 = arith.muli %arg1, %mul3A_85 : i32
    %add3A_87 = arith.constant 950 : i32
    %add3A_88 = arith.addi %mul3A_86, %add3A_87 : i32
    "tpu.region"() ({
      %run_scoped3A = tpu.sem_alloc : memref<!tpu.dma_semaphore, #tpu.memory_space<semaphore_mem>>
      %dma_start3A = arith.constant 0 : i32
      %dma_start3A_122 = arith.constant 0 : i32
      %dma_start3A_123 = tpu.memref_slice %arg9[%dma_start3A, %dma_start3A_122] : memref<80x80xf32, #tpu.memory_space<vmem>> -> memref<50x80xf32, #tpu.memory_space<vmem>>
      %dma_start3A_124 = arith.constant 0 : i32
      %dma_start3A_125 = tpu.memref_slice %arg10[%add3A_88, %dma_start3A_124] : memref<20000x80xf32, #tpu.memory_space<vmem_shared>> -> memref<50x80xf32, #tpu.memory_space<vmem_shared>>
      %dma_start3A_126 = arith.constant 0 : i32
      %dma_start3A_127 = tpu.memref_slice %arg10[%add3A_88, %dma_start3A_126] : memref<20000x80xf32, #tpu.memory_space<vmem_shared>> -> memref<50x80xf32, #tpu.memory_space<vmem_shared>>
      %dma_start3A_128 = arith.constant 0 : i32
      %dma_start3A_129 = arith.constant 0 : i32
      %dma_start3A_130 = tpu.memref_slice %arg9[%dma_start3A_128, %dma_start3A_129] : memref<80x80xf32, #tpu.memory_space<vmem>> -> memref<50x80xf32, #tpu.memory_space<vmem>>
      tpu.enqueue_dma source(%dma_start3A_130 : memref<50x80xf32, #tpu.memory_space<vmem>>) target(%dma_start3A_127 : memref<50x80xf32, #tpu.memory_space<vmem_shared>>) target_semaphore(%run_scoped3A : memref<!tpu.dma_semaphore, #tpu.memory_space<semaphore_mem>>)
      %dma_wait3A = arith.constant 0 : i32
      %dma_wait3A_131 = arith.constant 0 : i32
      %dma_wait3A_132 = tpu.memref_slice %arg9[%dma_wait3A, %dma_wait3A_131] : memref<80x80xf32, #tpu.memory_space<vmem>> -> memref<50x80xf32, #tpu.memory_space<vmem>>
      %dma_wait3A_133 = arith.constant 0 : i32
      %dma_wait3A_134 = tpu.memref_slice %arg10[%add3A_88, %dma_wait3A_133] : memref<20000x80xf32, #tpu.memory_space<vmem_shared>> -> memref<50x80xf32, #tpu.memory_space<vmem_shared>>
      %dma_wait3A_135 = arith.constant 0 : i32
      %dma_wait3A_136 = tpu.memref_slice %arg10[%add3A_88, %dma_wait3A_135] : memref<20000x80xf32, #tpu.memory_space<vmem_shared>> -> memref<50x80xf32, #tpu.memory_space<vmem_shared>>
      %dma_wait3A_137 = arith.constant 0 : i32
      %dma_wait3A_138 = arith.constant 0 : i32
      %dma_wait3A_139 = tpu.memref_slice %arg9[%dma_wait3A_137, %dma_wait3A_138] : memref<80x80xf32, #tpu.memory_space<vmem>> -> memref<50x80xf32, #tpu.memory_space<vmem>>
      tpu.wait_dma2 semaphore(%run_scoped3A : memref<!tpu.dma_semaphore, #tpu.memory_space<semaphore_mem>>) src(%dma_wait3A_139 : memref<50x80xf32, #tpu.memory_space<vmem>>) dst(%dma_wait3A_136 : memref<50x80xf32, #tpu.memory_space<vmem_shared>>)
      tpu.yield
    }) : () -> ()
    %mul3A_89 = arith.constant 1250 : i32
    %mul3A_90 = arith.muli %arg1, %mul3A_89 : i32
    %add3A_91 = arith.constant 1000 : i32
    %add3A_92 = arith.addi %mul3A_90, %add3A_91 : i32
    "tpu.region"() ({
      %run_scoped3A = tpu.sem_alloc : memref<!tpu.dma_semaphore, #tpu.memory_space<semaphore_mem>>
      %dma_start3A = arith.constant 0 : i32
      %dma_start3A_122 = arith.constant 0 : i32
      %dma_start3A_123 = tpu.memref_slice %arg9[%dma_start3A, %dma_start3A_122] : memref<80x80xf32, #tpu.memory_space<vmem>> -> memref<50x80xf32, #tpu.memory_space<vmem>>
      %dma_start3A_124 = arith.constant 0 : i32
      %dma_start3A_125 = tpu.memref_slice %arg10[%add3A_92, %dma_start3A_124] : memref<20000x80xf32, #tpu.memory_space<vmem_shared>> -> memref<50x80xf32, #tpu.memory_space<vmem_shared>>
      %dma_start3A_126 = arith.constant 0 : i32
      %dma_start3A_127 = tpu.memref_slice %arg10[%add3A_92, %dma_start3A_126] : memref<20000x80xf32, #tpu.memory_space<vmem_shared>> -> memref<50x80xf32, #tpu.memory_space<vmem_shared>>
      %dma_start3A_128 = arith.constant 0 : i32
      %dma_start3A_129 = arith.constant 0 : i32
      %dma_start3A_130 = tpu.memref_slice %arg9[%dma_start3A_128, %dma_start3A_129] : memref<80x80xf32, #tpu.memory_space<vmem>> -> memref<50x80xf32, #tpu.memory_space<vmem>>
      tpu.enqueue_dma source(%dma_start3A_130 : memref<50x80xf32, #tpu.memory_space<vmem>>) target(%dma_start3A_127 : memref<50x80xf32, #tpu.memory_space<vmem_shared>>) target_semaphore(%run_scoped3A : memref<!tpu.dma_semaphore, #tpu.memory_space<semaphore_mem>>)
      %dma_wait3A = arith.constant 0 : i32
      %dma_wait3A_131 = arith.constant 0 : i32
      %dma_wait3A_132 = tpu.memref_slice %arg9[%dma_wait3A, %dma_wait3A_131] : memref<80x80xf32, #tpu.memory_space<vmem>> -> memref<50x80xf32, #tpu.memory_space<vmem>>
      %dma_wait3A_133 = arith.constant 0 : i32
      %dma_wait3A_134 = tpu.memref_slice %arg10[%add3A_92, %dma_wait3A_133] : memref<20000x80xf32, #tpu.memory_space<vmem_shared>> -> memref<50x80xf32, #tpu.memory_space<vmem_shared>>
      %dma_wait3A_135 = arith.constant 0 : i32
      %dma_wait3A_136 = tpu.memref_slice %arg10[%add3A_92, %dma_wait3A_135] : memref<20000x80xf32, #tpu.memory_space<vmem_shared>> -> memref<50x80xf32, #tpu.memory_space<vmem_shared>>
      %dma_wait3A_137 = arith.constant 0 : i32
      %dma_wait3A_138 = arith.constant 0 : i32
      %dma_wait3A_139 = tpu.memref_slice %arg9[%dma_wait3A_137, %dma_wait3A_138] : memref<80x80xf32, #tpu.memory_space<vmem>> -> memref<50x80xf32, #tpu.memory_space<vmem>>
      tpu.wait_dma2 semaphore(%run_scoped3A : memref<!tpu.dma_semaphore, #tpu.memory_space<semaphore_mem>>) src(%dma_wait3A_139 : memref<50x80xf32, #tpu.memory_space<vmem>>) dst(%dma_wait3A_136 : memref<50x80xf32, #tpu.memory_space<vmem_shared>>)
      tpu.yield
    }) : () -> ()
    %mul3A_93 = arith.constant 1250 : i32
    %mul3A_94 = arith.muli %arg1, %mul3A_93 : i32
    %add3A_95 = arith.constant 1050 : i32
    %add3A_96 = arith.addi %mul3A_94, %add3A_95 : i32
    "tpu.region"() ({
      %run_scoped3A = tpu.sem_alloc : memref<!tpu.dma_semaphore, #tpu.memory_space<semaphore_mem>>
      %dma_start3A = arith.constant 0 : i32
      %dma_start3A_122 = arith.constant 0 : i32
      %dma_start3A_123 = tpu.memref_slice %arg9[%dma_start3A, %dma_start3A_122] : memref<80x80xf32, #tpu.memory_space<vmem>> -> memref<50x80xf32, #tpu.memory_space<vmem>>
      %dma_start3A_124 = arith.constant 0 : i32
      %dma_start3A_125 = tpu.memref_slice %arg10[%add3A_96, %dma_start3A_124] : memref<20000x80xf32, #tpu.memory_space<vmem_shared>> -> memref<50x80xf32, #tpu.memory_space<vmem_shared>>
      %dma_start3A_126 = arith.constant 0 : i32
      %dma_start3A_127 = tpu.memref_slice %arg10[%add3A_96, %dma_start3A_126] : memref<20000x80xf32, #tpu.memory_space<vmem_shared>> -> memref<50x80xf32, #tpu.memory_space<vmem_shared>>
      %dma_start3A_128 = arith.constant 0 : i32
      %dma_start3A_129 = arith.constant 0 : i32
      %dma_start3A_130 = tpu.memref_slice %arg9[%dma_start3A_128, %dma_start3A_129] : memref<80x80xf32, #tpu.memory_space<vmem>> -> memref<50x80xf32, #tpu.memory_space<vmem>>
      tpu.enqueue_dma source(%dma_start3A_130 : memref<50x80xf32, #tpu.memory_space<vmem>>) target(%dma_start3A_127 : memref<50x80xf32, #tpu.memory_space<vmem_shared>>) target_semaphore(%run_scoped3A : memref<!tpu.dma_semaphore, #tpu.memory_space<semaphore_mem>>)
      %dma_wait3A = arith.constant 0 : i32
      %dma_wait3A_131 = arith.constant 0 : i32
      %dma_wait3A_132 = tpu.memref_slice %arg9[%dma_wait3A, %dma_wait3A_131] : memref<80x80xf32, #tpu.memory_space<vmem>> -> memref<50x80xf32, #tpu.memory_space<vmem>>
      %dma_wait3A_133 = arith.constant 0 : i32
      %dma_wait3A_134 = tpu.memref_slice %arg10[%add3A_96, %dma_wait3A_133] : memref<20000x80xf32, #tpu.memory_space<vmem_shared>> -> memref<50x80xf32, #tpu.memory_space<vmem_shared>>
      %dma_wait3A_135 = arith.constant 0 : i32
      %dma_wait3A_136 = tpu.memref_slice %arg10[%add3A_96, %dma_wait3A_135] : memref<20000x80xf32, #tpu.memory_space<vmem_shared>> -> memref<50x80xf32, #tpu.memory_space<vmem_shared>>
      %dma_wait3A_137 = arith.constant 0 : i32
      %dma_wait3A_138 = arith.constant 0 : i32
      %dma_wait3A_139 = tpu.memref_slice %arg9[%dma_wait3A_137, %dma_wait3A_138] : memref<80x80xf32, #tpu.memory_space<vmem>> -> memref<50x80xf32, #tpu.memory_space<vmem>>
      tpu.wait_dma2 semaphore(%run_scoped3A : memref<!tpu.dma_semaphore, #tpu.memory_space<semaphore_mem>>) src(%dma_wait3A_139 : memref<50x80xf32, #tpu.memory_space<vmem>>) dst(%dma_wait3A_136 : memref<50x80xf32, #tpu.memory_space<vmem_shared>>)
      tpu.yield
    }) : () -> ()
    %mul3A_97 = arith.constant 1250 : i32
    %mul3A_98 = arith.muli %arg1, %mul3A_97 : i32
    %add3A_99 = arith.constant 1100 : i32
    %add3A_100 = arith.addi %mul3A_98, %add3A_99 : i32
    "tpu.region"() ({
      %run_scoped3A = tpu.sem_alloc : memref<!tpu.dma_semaphore, #tpu.memory_space<semaphore_mem>>
      %dma_start3A = arith.constant 0 : i32
      %dma_start3A_122 = arith.constant 0 : i32
      %dma_start3A_123 = tpu.memref_slice %arg9[%dma_start3A, %dma_start3A_122] : memref<80x80xf32, #tpu.memory_space<vmem>> -> memref<50x80xf32, #tpu.memory_space<vmem>>
      %dma_start3A_124 = arith.constant 0 : i32
      %dma_start3A_125 = tpu.memref_slice %arg10[%add3A_100, %dma_start3A_124] : memref<20000x80xf32, #tpu.memory_space<vmem_shared>> -> memref<50x80xf32, #tpu.memory_space<vmem_shared>>
      %dma_start3A_126 = arith.constant 0 : i32
      %dma_start3A_127 = tpu.memref_slice %arg10[%add3A_100, %dma_start3A_126] : memref<20000x80xf32, #tpu.memory_space<vmem_shared>> -> memref<50x80xf32, #tpu.memory_space<vmem_shared>>
      %dma_start3A_128 = arith.constant 0 : i32
      %dma_start3A_129 = arith.constant 0 : i32
      %dma_start3A_130 = tpu.memref_slice %arg9[%dma_start3A_128, %dma_start3A_129] : memref<80x80xf32, #tpu.memory_space<vmem>> -> memref<50x80xf32, #tpu.memory_space<vmem>>
      tpu.enqueue_dma source(%dma_start3A_130 : memref<50x80xf32, #tpu.memory_space<vmem>>) target(%dma_start3A_127 : memref<50x80xf32, #tpu.memory_space<vmem_shared>>) target_semaphore(%run_scoped3A : memref<!tpu.dma_semaphore, #tpu.memory_space<semaphore_mem>>)
      %dma_wait3A = arith.constant 0 : i32
      %dma_wait3A_131 = arith.constant 0 : i32
      %dma_wait3A_132 = tpu.memref_slice %arg9[%dma_wait3A, %dma_wait3A_131] : memref<80x80xf32, #tpu.memory_space<vmem>> -> memref<50x80xf32, #tpu.memory_space<vmem>>
      %dma_wait3A_133 = arith.constant 0 : i32
      %dma_wait3A_134 = tpu.memref_slice %arg10[%add3A_100, %dma_wait3A_133] : memref<20000x80xf32, #tpu.memory_space<vmem_shared>> -> memref<50x80xf32, #tpu.memory_space<vmem_shared>>
      %dma_wait3A_135 = arith.constant 0 : i32
      %dma_wait3A_136 = tpu.memref_slice %arg10[%add3A_100, %dma_wait3A_135] : memref<20000x80xf32, #tpu.memory_space<vmem_shared>> -> memref<50x80xf32, #tpu.memory_space<vmem_shared>>
      %dma_wait3A_137 = arith.constant 0 : i32
      %dma_wait3A_138 = arith.constant 0 : i32
      %dma_wait3A_139 = tpu.memref_slice %arg9[%dma_wait3A_137, %dma_wait3A_138] : memref<80x80xf32, #tpu.memory_space<vmem>> -> memref<50x80xf32, #tpu.memory_space<vmem>>
      tpu.wait_dma2 semaphore(%run_scoped3A : memref<!tpu.dma_semaphore, #tpu.memory_space<semaphore_mem>>) src(%dma_wait3A_139 : memref<50x80xf32, #tpu.memory_space<vmem>>) dst(%dma_wait3A_136 : memref<50x80xf32, #tpu.memory_space<vmem_shared>>)
      tpu.yield
    }) : () -> ()
    %mul3A_101 = arith.constant 1250 : i32
    %mul3A_102 = arith.muli %arg1, %mul3A_101 : i32
    %add3A_103 = arith.constant 1150 : i32
    %add3A_104 = arith.addi %mul3A_102, %add3A_103 : i32
    "tpu.region"() ({
      %run_scoped3A = tpu.sem_alloc : memref<!tpu.dma_semaphore, #tpu.memory_space<semaphore_mem>>
      %dma_start3A = arith.constant 0 : i32
      %dma_start3A_122 = arith.constant 0 : i32
      %dma_start3A_123 = tpu.memref_slice %arg9[%dma_start3A, %dma_start3A_122] : memref<80x80xf32, #tpu.memory_space<vmem>> -> memref<50x80xf32, #tpu.memory_space<vmem>>
      %dma_start3A_124 = arith.constant 0 : i32
      %dma_start3A_125 = tpu.memref_slice %arg10[%add3A_104, %dma_start3A_124] : memref<20000x80xf32, #tpu.memory_space<vmem_shared>> -> memref<50x80xf32, #tpu.memory_space<vmem_shared>>
      %dma_start3A_126 = arith.constant 0 : i32
      %dma_start3A_127 = tpu.memref_slice %arg10[%add3A_104, %dma_start3A_126] : memref<20000x80xf32, #tpu.memory_space<vmem_shared>> -> memref<50x80xf32, #tpu.memory_space<vmem_shared>>
      %dma_start3A_128 = arith.constant 0 : i32
      %dma_start3A_129 = arith.constant 0 : i32
      %dma_start3A_130 = tpu.memref_slice %arg9[%dma_start3A_128, %dma_start3A_129] : memref<80x80xf32, #tpu.memory_space<vmem>> -> memref<50x80xf32, #tpu.memory_space<vmem>>
      tpu.enqueue_dma source(%dma_start3A_130 : memref<50x80xf32, #tpu.memory_space<vmem>>) target(%dma_start3A_127 : memref<50x80xf32, #tpu.memory_space<vmem_shared>>) target_semaphore(%run_scoped3A : memref<!tpu.dma_semaphore, #tpu.memory_space<semaphore_mem>>)
      %dma_wait3A = arith.constant 0 : i32
      %dma_wait3A_131 = arith.constant 0 : i32
      %dma_wait3A_132 = tpu.memref_slice %arg9[%dma_wait3A, %dma_wait3A_131] : memref<80x80xf32, #tpu.memory_space<vmem>> -> memref<50x80xf32, #tpu.memory_space<vmem>>
      %dma_wait3A_133 = arith.constant 0 : i32
      %dma_wait3A_134 = tpu.memref_slice %arg10[%add3A_104, %dma_wait3A_133] : memref<20000x80xf32, #tpu.memory_space<vmem_shared>> -> memref<50x80xf32, #tpu.memory_space<vmem_shared>>
      %dma_wait3A_135 = arith.constant 0 : i32
      %dma_wait3A_136 = tpu.memref_slice %arg10[%add3A_104, %dma_wait3A_135] : memref<20000x80xf32, #tpu.memory_space<vmem_shared>> -> memref<50x80xf32, #tpu.memory_space<vmem_shared>>
      %dma_wait3A_137 = arith.constant 0 : i32
      %dma_wait3A_138 = arith.constant 0 : i32
      %dma_wait3A_139 = tpu.memref_slice %arg9[%dma_wait3A_137, %dma_wait3A_138] : memref<80x80xf32, #tpu.memory_space<vmem>> -> memref<50x80xf32, #tpu.memory_space<vmem>>
      tpu.wait_dma2 semaphore(%run_scoped3A : memref<!tpu.dma_semaphore, #tpu.memory_space<semaphore_mem>>) src(%dma_wait3A_139 : memref<50x80xf32, #tpu.memory_space<vmem>>) dst(%dma_wait3A_136 : memref<50x80xf32, #tpu.memory_space<vmem_shared>>)
      tpu.yield
    }) : () -> ()
    %mul3A_105 = arith.constant 1250 : i32
    %mul3A_106 = arith.muli %arg1, %mul3A_105 : i32
    %add3A_107 = arith.constant 1200 : i32
    %add3A_108 = arith.addi %mul3A_106, %add3A_107 : i32
    "tpu.region"() ({
      %run_scoped3A = tpu.sem_alloc : memref<!tpu.dma_semaphore, #tpu.memory_space<semaphore_mem>>
      %dma_start3A = arith.constant 0 : i32
      %dma_start3A_122 = arith.constant 0 : i32
      %dma_start3A_123 = tpu.memref_slice %arg9[%dma_start3A, %dma_start3A_122] : memref<80x80xf32, #tpu.memory_space<vmem>> -> memref<50x80xf32, #tpu.memory_space<vmem>>
      %dma_start3A_124 = arith.constant 0 : i32
      %dma_start3A_125 = tpu.memref_slice %arg10[%add3A_108, %dma_start3A_124] : memref<20000x80xf32, #tpu.memory_space<vmem_shared>> -> memref<50x80xf32, #tpu.memory_space<vmem_shared>>
      %dma_start3A_126 = arith.constant 0 : i32
      %dma_start3A_127 = tpu.memref_slice %arg10[%add3A_108, %dma_start3A_126] : memref<20000x80xf32, #tpu.memory_space<vmem_shared>> -> memref<50x80xf32, #tpu.memory_space<vmem_shared>>
      %dma_start3A_128 = arith.constant 0 : i32
      %dma_start3A_129 = arith.constant 0 : i32
      %dma_start3A_130 = tpu.memref_slice %arg9[%dma_start3A_128, %dma_start3A_129] : memref<80x80xf32, #tpu.memory_space<vmem>> -> memref<50x80xf32, #tpu.memory_space<vmem>>
      tpu.enqueue_dma source(%dma_start3A_130 : memref<50x80xf32, #tpu.memory_space<vmem>>) target(%dma_start3A_127 : memref<50x80xf32, #tpu.memory_space<vmem_shared>>) target_semaphore(%run_scoped3A : memref<!tpu.dma_semaphore, #tpu.memory_space<semaphore_mem>>)
      %dma_wait3A = arith.constant 0 : i32
      %dma_wait3A_131 = arith.constant 0 : i32
      %dma_wait3A_132 = tpu.memref_slice %arg9[%dma_wait3A, %dma_wait3A_131] : memref<80x80xf32, #tpu.memory_space<vmem>> -> memref<50x80xf32, #tpu.memory_space<vmem>>
      %dma_wait3A_133 = arith.constant 0 : i32
      %dma_wait3A_134 = tpu.memref_slice %arg10[%add3A_108, %dma_wait3A_133] : memref<20000x80xf32, #tpu.memory_space<vmem_shared>> -> memref<50x80xf32, #tpu.memory_space<vmem_shared>>
      %dma_wait3A_135 = arith.constant 0 : i32
      %dma_wait3A_136 = tpu.memref_slice %arg10[%add3A_108, %dma_wait3A_135] : memref<20000x80xf32, #tpu.memory_space<vmem_shared>> -> memref<50x80xf32, #tpu.memory_space<vmem_shared>>
      %dma_wait3A_137 = arith.constant 0 : i32
      %dma_wait3A_138 = arith.constant 0 : i32
      %dma_wait3A_139 = tpu.memref_slice %arg9[%dma_wait3A_137, %dma_wait3A_138] : memref<80x80xf32, #tpu.memory_space<vmem>> -> memref<50x80xf32, #tpu.memory_space<vmem>>
      tpu.wait_dma2 semaphore(%run_scoped3A : memref<!tpu.dma_semaphore, #tpu.memory_space<semaphore_mem>>) src(%dma_wait3A_139 : memref<50x80xf32, #tpu.memory_space<vmem>>) dst(%dma_wait3A_136 : memref<50x80xf32, #tpu.memory_space<vmem_shared>>)
      tpu.yield
    }) : () -> ()
    %barrier3A = arith.constant 0 : index
    tpu.barrier barrier_id(%barrier3A)
    %scan3A_109 = arith.constant 0 : i32
    %scan3A_110 = arith.constant 0 : i32
    %scan3A_111 = arith.constant 125 : i32
    %scan3A_112 = arith.addi %scan3A_110, %scan3A_111 : i32
    %scan3A_113 = arith.constant 1 : i32
    scf.for %scan3A_122 = %scan3A_110 to %scan3A_112 step %scan3A_113  : i32 {
      %mul3A_123 = arith.constant 80 : i32
      %mul3A_124 = arith.muli %scan3A_122, %mul3A_123 : i32
      %add3A_125 = arith.addi %mul3A_2, %mul3A_124 : i32
      %dma_start3A = arith.constant 0 : i32
      %dma_start3A_126 = tpu.memref_slice %arg2[%add3A_125, %dma_start3A] : memref<320000x64xf32, #tpu.memory_space<hbm>> -> memref<80x64xf32, #tpu.memory_space<hbm>>
      %dma_start3A_127 = arith.constant 0 : i32
      %dma_start3A_128 = tpu.memref_slice %arg2[%add3A_125, %dma_start3A_127] : memref<320000x64xf32, #tpu.memory_space<hbm>> -> memref<80x64xf32, #tpu.memory_space<hbm>>
      tpu.enqueue_dma source(%dma_start3A_128 : memref<80x64xf32, #tpu.memory_space<hbm>>) target(%arg7 : memref<80x64xf32, #tpu.memory_space<vmem>>) target_semaphore(%arg11 : memref<!tpu.dma_semaphore, #tpu.memory_space<semaphore_mem>>)
      "tpu.region"() ({
        %run_scoped3A = tpu.sem_alloc : memref<!tpu.dma_semaphore, #tpu.memory_space<semaphore_mem>>
        %dma_start3A_138 = arith.constant 0 : i32
        %dma_start3A_139 = tpu.memref_slice %arg3[%add3A, %scan3A_122, %dma_start3A_138] : memref<32x125x80xf32, #tpu.memory_space<hbm>> -> memref<1x1x80xf32, #tpu.memory_space<hbm>>
        %dma_start3A_140 = tpu.memref_squeeze %dma_start3A_139 : memref<1x1x80xf32, #tpu.memory_space<hbm>> -> memref<80xf32, #tpu.memory_space<hbm>>
        %dma_start3A_141 = arith.constant 0 : i32
        %dma_start3A_142 = tpu.memref_slice %arg3[%add3A, %scan3A_122, %dma_start3A_141] : memref<32x125x80xf32, #tpu.memory_space<hbm>> -> memref<1x1x80xf32, #tpu.memory_space<hbm>>
        %dma_start3A_143 = tpu.memref_squeeze %dma_start3A_142 : memref<1x1x80xf32, #tpu.memory_space<hbm>> -> memref<80xf32, #tpu.memory_space<hbm>>
        tpu.enqueue_dma source(%dma_start3A_143 : memref<80xf32, #tpu.memory_space<hbm>>) target(%arg8 : memref<80xf32, #tpu.memory_space<vmem>>) target_semaphore(%run_scoped3A : memref<!tpu.dma_semaphore, #tpu.memory_space<semaphore_mem>>)
        %dma_wait3A_144 = arith.constant 0 : i32
        %dma_wait3A_145 = tpu.memref_slice %arg3[%add3A, %scan3A_122, %dma_wait3A_144] : memref<32x125x80xf32, #tpu.memory_space<hbm>> -> memref<1x1x80xf32, #tpu.memory_space<hbm>>
        %dma_wait3A_146 = tpu.memref_squeeze %dma_wait3A_145 : memref<1x1x80xf32, #tpu.memory_space<hbm>> -> memref<80xf32, #tpu.memory_space<hbm>>
        %dma_wait3A_147 = arith.constant 0 : i32
        %dma_wait3A_148 = tpu.memref_slice %arg3[%add3A, %scan3A_122, %dma_wait3A_147] : memref<32x125x80xf32, #tpu.memory_space<hbm>> -> memref<1x1x80xf32, #tpu.memory_space<hbm>>
        %dma_wait3A_149 = tpu.memref_squeeze %dma_wait3A_148 : memref<1x1x80xf32, #tpu.memory_space<hbm>> -> memref<80xf32, #tpu.memory_space<hbm>>
        tpu.wait_dma2 semaphore(%run_scoped3A : memref<!tpu.dma_semaphore, #tpu.memory_space<semaphore_mem>>) src(%dma_wait3A_149 : memref<80xf32, #tpu.memory_space<hbm>>) dst(%arg8 : memref<80xf32, #tpu.memory_space<vmem>>)
        tpu.yield
      }) : () -> ()
      %dma_wait3A = arith.constant 0 : i32
      %dma_wait3A_129 = tpu.memref_slice %arg2[%add3A_125, %dma_wait3A] : memref<320000x64xf32, #tpu.memory_space<hbm>> -> memref<80x64xf32, #tpu.memory_space<hbm>>
      %dma_wait3A_130 = arith.constant 0 : i32
      %dma_wait3A_131 = tpu.memref_slice %arg2[%add3A_125, %dma_wait3A_130] : memref<320000x64xf32, #tpu.memory_space<hbm>> -> memref<80x64xf32, #tpu.memory_space<hbm>>
      tpu.wait_dma2 semaphore(%arg11 : memref<!tpu.dma_semaphore, #tpu.memory_space<semaphore_mem>>) src(%dma_wait3A_131 : memref<80x64xf32, #tpu.memory_space<hbm>>) dst(%arg7 : memref<80x64xf32, #tpu.memory_space<vmem>>)
      %scan3A_132 = arith.constant 0 : i32
      %scan3A_133 = arith.constant 0 : i32
      %scan3A_134 = arith.constant 5 : i32
      %scan3A_135 = arith.addi %scan3A_133, %scan3A_134 : i32
      %scan3A_136 = arith.constant 1 : i32
      scf.for %scan3A_138 = %scan3A_133 to %scan3A_135 step %scan3A_136  : i32 {
        %mul3A_139 = arith.constant 16 : i32
        %mul3A_140 = arith.muli %scan3A_138, %mul3A_139 : i32
        %get3A = arith.index_cast %mul3A_140 : i32 to index
        %get3A_141 = tpu.vector_load %arg8[%get3A] {strides = array<i32>} : memref<80xf32, #tpu.memory_space<vmem>>, vector<16xf32>,
        %get3A_142 = vector.shape_cast %get3A_141 : vector<16xf32> to vector<16xf32>
        %mul3A_143 = arith.constant 16 : i32
        %mul3A_144 = arith.muli %scan3A_138, %mul3A_143 : i32
        %add3A_145 = arith.constant 0 : i32
        %add3A_146 = arith.addi %mul3A_144, %add3A_145 : i32
        %slice3A = vector.extract_strided_slice %get3A_142 {offsets = [0], sizes = [1], strides = [1]} : vector<16xf32> to vector<1xf32>
        %squeeze3A = vector.extract %slice3A[0] : f32 from vector<1xf32>
        %get3A_147 = arith.index_cast %add3A_146 : i32 to index
        %get3A_148 = arith.constant 0 : index
        %get3A_149 = tpu.vector_load %arg7[%get3A_147, %get3A_148] {strides = array<i32>} : memref<80x64xf32, #tpu.memory_space<vmem>>, vector<1x16xf32>,
        %get3A_150 = vector.shape_cast %get3A_149 : vector<1x16xf32> to vector<16xf32>
        %mul3A_151 = vector.broadcast %squeeze3A : f32 to vector<16xf32>
        %mul3A_152 = arith.mulf %get3A_150, %mul3A_151 : vector<16xf32>
        %swap3A = arith.index_cast %add3A_146 : i32 to index
        %swap3A_153 = arith.constant 0 : index
        %swap3A_154 = tpu.vector_load %arg9[%swap3A, %swap3A_153] {strides = array<i32>} : memref<80x80xf32, #tpu.memory_space<vmem>>, vector<1x16xf32>,
        %swap3A_155 = vector.shape_cast %swap3A_154 : vector<1x16xf32> to vector<16xf32>
        %swap3A_156 = vector.shape_cast %mul3A_152 : vector<16xf32> to vector<1x16xf32>
        tpu.vector_store %arg9[%swap3A, %swap3A_153], %swap3A_156 {strides = array<i32>} : memref<80x80xf32, #tpu.memory_space<vmem>>, vector<1x16xf32>,
        %get3A_157 = arith.index_cast %add3A_146 : i32 to index
        %get3A_158 = arith.constant 16 : index
        %get3A_159 = tpu.vector_load %arg7[%get3A_157, %get3A_158] {strides = array<i32>} : memref<80x64xf32, #tpu.memory_space<vmem>>, vector<1x16xf32>,
        %get3A_160 = vector.shape_cast %get3A_159 : vector<1x16xf32> to vector<16xf32>
        %mul3A_161 = vector.broadcast %squeeze3A : f32 to vector<16xf32>
        %mul3A_162 = arith.mulf %get3A_160, %mul3A_161 : vector<16xf32>
        %swap3A_163 = arith.index_cast %add3A_146 : i32 to index
        %swap3A_164 = arith.constant 16 : index
        %swap3A_165 = tpu.vector_load %arg9[%swap3A_163, %swap3A_164] {strides = array<i32>} : memref<80x80xf32, #tpu.memory_space<vmem>>, vector<1x16xf32>,
        %swap3A_166 = vector.shape_cast %swap3A_165 : vector<1x16xf32> to vector<16xf32>
        %swap3A_167 = vector.shape_cast %mul3A_162 : vector<16xf32> to vector<1x16xf32>
        tpu.vector_store %arg9[%swap3A_163, %swap3A_164], %swap3A_167 {strides = array<i32>} : memref<80x80xf32, #tpu.memory_space<vmem>>, vector<1x16xf32>,
        %get3A_168 = arith.index_cast %add3A_146 : i32 to index
        %get3A_169 = arith.constant 32 : index
        %get3A_170 = tpu.vector_load %arg7[%get3A_168, %get3A_169] {strides = array<i32>} : memref<80x64xf32, #tpu.memory_space<vmem>>, vector<1x16xf32>,
        %get3A_171 = vector.shape_cast %get3A_170 : vector<1x16xf32> to vector<16xf32>
        %mul3A_172 = vector.broadcast %squeeze3A : f32 to vector<16xf32>
        %mul3A_173 = arith.mulf %get3A_171, %mul3A_172 : vector<16xf32>
        %swap3A_174 = arith.index_cast %add3A_146 : i32 to index
        %swap3A_175 = arith.constant 32 : index
        %swap3A_176 = tpu.vector_load %arg9[%swap3A_174, %swap3A_175] {strides = array<i32>} : memref<80x80xf32, #tpu.memory_space<vmem>>, vector<1x16xf32>,
        %swap3A_177 = vector.shape_cast %swap3A_176 : vector<1x16xf32> to vector<16xf32>
        %swap3A_178 = vector.shape_cast %mul3A_173 : vector<16xf32> to vector<1x16xf32>
        tpu.vector_store %arg9[%swap3A_174, %swap3A_175], %swap3A_178 {strides = array<i32>} : memref<80x80xf32, #tpu.memory_space<vmem>>, vector<1x16xf32>,
        %get3A_179 = arith.index_cast %add3A_146 : i32 to index
        %get3A_180 = arith.constant 48 : index
        %get3A_181 = tpu.vector_load %arg7[%get3A_179, %get3A_180] {strides = array<i32>} : memref<80x64xf32, #tpu.memory_space<vmem>>, vector<1x16xf32>,
        %get3A_182 = vector.shape_cast %get3A_181 : vector<1x16xf32> to vector<16xf32>
        %mul3A_183 = vector.broadcast %squeeze3A : f32 to vector<16xf32>
        %mul3A_184 = arith.mulf %get3A_182, %mul3A_183 : vector<16xf32>
        %swap3A_185 = arith.index_cast %add3A_146 : i32 to index
        %swap3A_186 = arith.constant 48 : index
        %swap3A_187 = tpu.vector_load %arg9[%swap3A_185, %swap3A_186] {strides = array<i32>} : memref<80x80xf32, #tpu.memory_space<vmem>>, vector<1x16xf32>,
        %swap3A_188 = vector.shape_cast %swap3A_187 : vector<1x16xf32> to vector<16xf32>
        %swap3A_189 = vector.shape_cast %mul3A_184 : vector<16xf32> to vector<1x16xf32>
        tpu.vector_store %arg9[%swap3A_185, %swap3A_186], %swap3A_189 {strides = array<i32>} : memref<80x80xf32, #tpu.memory_space<vmem>>, vector<1x16xf32>,
        %broadcast_in_dim3A_190 = vector.broadcast %squeeze3A : f32 to vector<16xf32>
        %swap3A_191 = arith.index_cast %add3A_146 : i32 to index
        %swap3A_192 = arith.constant 64 : index
        %swap3A_193 = tpu.vector_load %arg9[%swap3A_191, %swap3A_192] {strides = array<i32>} : memref<80x80xf32, #tpu.memory_space<vmem>>, vector<1x16xf32>,
        %swap3A_194 = vector.shape_cast %swap3A_193 : vector<1x16xf32> to vector<16xf32>
        %swap3A_195 = vector.shape_cast %broadcast_in_dim3A_190 : vector<16xf32> to vector<1x16xf32>
        tpu.vector_store %arg9[%swap3A_191, %swap3A_192], %swap3A_195 {strides = array<i32>} : memref<80x80xf32, #tpu.memory_space<vmem>>, vector<1x16xf32>,
        %mul3A_196 = arith.constant 16 : i32
        %mul3A_197 = arith.muli %scan3A_138, %mul3A_196 : i32
        %add3A_198 = arith.constant 1 : i32
        %add3A_199 = arith.addi %mul3A_197, %add3A_198 : i32
        %slice3A_200 = vector.extract_strided_slice %get3A_142 {offsets = [1], sizes = [1], strides = [1]} : vector<16xf32> to vector<1xf32>
        %squeeze3A_201 = vector.extract %slice3A_200[0] : f32 from vector<1xf32>
        %get3A_202 = arith.index_cast %add3A_199 : i32 to index
        %get3A_203 = arith.constant 0 : index
        %get3A_204 = tpu.vector_load %arg7[%get3A_202, %get3A_203] {strides = array<i32>} : memref<80x64xf32, #tpu.memory_space<vmem>>, vector<1x16xf32>,
        %get3A_205 = vector.shape_cast %get3A_204 : vector<1x16xf32> to vector<16xf32>
        %mul3A_206 = vector.broadcast %squeeze3A_201 : f32 to vector<16xf32>
        %mul3A_207 = arith.mulf %get3A_205, %mul3A_206 : vector<16xf32>
        %swap3A_208 = arith.index_cast %add3A_199 : i32 to index
        %swap3A_209 = arith.constant 0 : index
        %swap3A_210 = tpu.vector_load %arg9[%swap3A_208, %swap3A_209] {strides = array<i32>} : memref<80x80xf32, #tpu.memory_space<vmem>>, vector<1x16xf32>,
        %swap3A_211 = vector.shape_cast %swap3A_210 : vector<1x16xf32> to vector<16xf32>
        %swap3A_212 = vector.shape_cast %mul3A_207 : vector<16xf32> to vector<1x16xf32>
        tpu.vector_store %arg9[%swap3A_208, %swap3A_209], %swap3A_212 {strides = array<i32>} : memref<80x80xf32, #tpu.memory_space<vmem>>, vector<1x16xf32>,
        %get3A_213 = arith.index_cast %add3A_199 : i32 to index
        %get3A_214 = arith.constant 16 : index
        %get3A_215 = tpu.vector_load %arg7[%get3A_213, %get3A_214] {strides = array<i32>} : memref<80x64xf32, #tpu.memory_space<vmem>>, vector<1x16xf32>,
        %get3A_216 = vector.shape_cast %get3A_215 : vector<1x16xf32> to vector<16xf32>
        %mul3A_217 = vector.broadcast %squeeze3A_201 : f32 to vector<16xf32>
        %mul3A_218 = arith.mulf %get3A_216, %mul3A_217 : vector<16xf32>
        %swap3A_219 = arith.index_cast %add3A_199 : i32 to index
        %swap3A_220 = arith.constant 16 : index
        %swap3A_221 = tpu.vector_load %arg9[%swap3A_219, %swap3A_220] {strides = array<i32>} : memref<80x80xf32, #tpu.memory_space<vmem>>, vector<1x16xf32>,
        %swap3A_222 = vector.shape_cast %swap3A_221 : vector<1x16xf32> to vector<16xf32>
        %swap3A_223 = vector.shape_cast %mul3A_218 : vector<16xf32> to vector<1x16xf32>
        tpu.vector_store %arg9[%swap3A_219, %swap3A_220], %swap3A_223 {strides = array<i32>} : memref<80x80xf32, #tpu.memory_space<vmem>>, vector<1x16xf32>,
        %get3A_224 = arith.index_cast %add3A_199 : i32 to index
        %get3A_225 = arith.constant 32 : index
        %get3A_226 = tpu.vector_load %arg7[%get3A_224, %get3A_225] {strides = array<i32>} : memref<80x64xf32, #tpu.memory_space<vmem>>, vector<1x16xf32>,
        %get3A_227 = vector.shape_cast %get3A_226 : vector<1x16xf32> to vector<16xf32>
        %mul3A_228 = vector.broadcast %squeeze3A_201 : f32 to vector<16xf32>
        %mul3A_229 = arith.mulf %get3A_227, %mul3A_228 : vector<16xf32>
        %swap3A_230 = arith.index_cast %add3A_199 : i32 to index
        %swap3A_231 = arith.constant 32 : index
        %swap3A_232 = tpu.vector_load %arg9[%swap3A_230, %swap3A_231] {strides = array<i32>} : memref<80x80xf32, #tpu.memory_space<vmem>>, vector<1x16xf32>,
        %swap3A_233 = vector.shape_cast %swap3A_232 : vector<1x16xf32> to vector<16xf32>
        %swap3A_234 = vector.shape_cast %mul3A_229 : vector<16xf32> to vector<1x16xf32>
        tpu.vector_store %arg9[%swap3A_230, %swap3A_231], %swap3A_234 {strides = array<i32>} : memref<80x80xf32, #tpu.memory_space<vmem>>, vector<1x16xf32>,
        %get3A_235 = arith.index_cast %add3A_199 : i32 to index
        %get3A_236 = arith.constant 48 : index
        %get3A_237 = tpu.vector_load %arg7[%get3A_235, %get3A_236] {strides = array<i32>} : memref<80x64xf32, #tpu.memory_space<vmem>>, vector<1x16xf32>,
        %get3A_238 = vector.shape_cast %get3A_237 : vector<1x16xf32> to vector<16xf32>
        %mul3A_239 = vector.broadcast %squeeze3A_201 : f32 to vector<16xf32>
        %mul3A_240 = arith.mulf %get3A_238, %mul3A_239 : vector<16xf32>
        %swap3A_241 = arith.index_cast %add3A_199 : i32 to index
        %swap3A_242 = arith.constant 48 : index
        %swap3A_243 = tpu.vector_load %arg9[%swap3A_241, %swap3A_242] {strides = array<i32>} : memref<80x80xf32, #tpu.memory_space<vmem>>, vector<1x16xf32>,
        %swap3A_244 = vector.shape_cast %swap3A_243 : vector<1x16xf32> to vector<16xf32>
        %swap3A_245 = vector.shape_cast %mul3A_240 : vector<16xf32> to vector<1x16xf32>
        tpu.vector_store %arg9[%swap3A_241, %swap3A_242], %swap3A_245 {strides = array<i32>} : memref<80x80xf32, #tpu.memory_space<vmem>>, vector<1x16xf32>,
        %broadcast_in_dim3A_246 = vector.broadcast %squeeze3A_201 : f32 to vector<16xf32>
        %swap3A_247 = arith.index_cast %add3A_199 : i32 to index
        %swap3A_248 = arith.constant 64 : index
        %swap3A_249 = tpu.vector_load %arg9[%swap3A_247, %swap3A_248] {strides = array<i32>} : memref<80x80xf32, #tpu.memory_space<vmem>>, vector<1x16xf32>,
        %swap3A_250 = vector.shape_cast %swap3A_249 : vector<1x16xf32> to vector<16xf32>
        %swap3A_251 = vector.shape_cast %broadcast_in_dim3A_246 : vector<16xf32> to vector<1x16xf32>
        tpu.vector_store %arg9[%swap3A_247, %swap3A_248], %swap3A_251 {strides = array<i32>} : memref<80x80xf32, #tpu.memory_space<vmem>>, vector<1x16xf32>,
        %mul3A_252 = arith.constant 16 : i32
        %mul3A_253 = arith.muli %scan3A_138, %mul3A_252 : i32
        %add3A_254 = arith.constant 2 : i32
        %add3A_255 = arith.addi %mul3A_253, %add3A_254 : i32
        %slice3A_256 = vector.extract_strided_slice %get3A_142 {offsets = [2], sizes = [1], strides = [1]} : vector<16xf32> to vector<1xf32>
        %squeeze3A_257 = vector.extract %slice3A_256[0] : f32 from vector<1xf32>
        %get3A_258 = arith.index_cast %add3A_255 : i32 to index
        %get3A_259 = arith.constant 0 : index
        %get3A_260 = tpu.vector_load %arg7[%get3A_258, %get3A_259] {strides = array<i32>} : memref<80x64xf32, #tpu.memory_space<vmem>>, vector<1x16xf32>,
        %get3A_261 = vector.shape_cast %get3A_260 : vector<1x16xf32> to vector<16xf32>
        %mul3A_262 = vector.broadcast %squeeze3A_257 : f32 to vector<16xf32>
        %mul3A_263 = arith.mulf %get3A_261, %mul3A_262 : vector<16xf32>
        %swap3A_264 = arith.index_cast %add3A_255 : i32 to index
        %swap3A_265 = arith.constant 0 : index
        %swap3A_266 = tpu.vector_load %arg9[%swap3A_264, %swap3A_265] {strides = array<i32>} : memref<80x80xf32, #tpu.memory_space<vmem>>, vector<1x16xf32>,
        %swap3A_267 = vector.shape_cast %swap3A_266 : vector<1x16xf32> to vector<16xf32>
        %swap3A_268 = vector.shape_cast %mul3A_263 : vector<16xf32> to vector<1x16xf32>
        tpu.vector_store %arg9[%swap3A_264, %swap3A_265], %swap3A_268 {strides = array<i32>} : memref<80x80xf32, #tpu.memory_space<vmem>>, vector<1x16xf32>,
        %get3A_269 = arith.index_cast %add3A_255 : i32 to index
        %get3A_270 = arith.constant 16 : index
        %get3A_271 = tpu.vector_load %arg7[%get3A_269, %get3A_270] {strides = array<i32>} : memref<80x64xf32, #tpu.memory_space<vmem>>, vector<1x16xf32>,
        %get3A_272 = vector.shape_cast %get3A_271 : vector<1x16xf32> to vector<16xf32>
        %mul3A_273 = vector.broadcast %squeeze3A_257 : f32 to vector<16xf32>
        %mul3A_274 = arith.mulf %get3A_272, %mul3A_273 : vector<16xf32>
        %swap3A_275 = arith.index_cast %add3A_255 : i32 to index
        %swap3A_276 = arith.constant 16 : index
        %swap3A_277 = tpu.vector_load %arg9[%swap3A_275, %swap3A_276] {strides = array<i32>} : memref<80x80xf32, #tpu.memory_space<vmem>>, vector<1x16xf32>,
        %swap3A_278 = vector.shape_cast %swap3A_277 : vector<1x16xf32> to vector<16xf32>
        %swap3A_279 = vector.shape_cast %mul3A_274 : vector<16xf32> to vector<1x16xf32>
        tpu.vector_store %arg9[%swap3A_275, %swap3A_276], %swap3A_279 {strides = array<i32>} : memref<80x80xf32, #tpu.memory_space<vmem>>, vector<1x16xf32>,
        %get3A_280 = arith.index_cast %add3A_255 : i32 to index
        %get3A_281 = arith.constant 32 : index
        %get3A_282 = tpu.vector_load %arg7[%get3A_280, %get3A_281] {strides = array<i32>} : memref<80x64xf32, #tpu.memory_space<vmem>>, vector<1x16xf32>,
        %get3A_283 = vector.shape_cast %get3A_282 : vector<1x16xf32> to vector<16xf32>
        %mul3A_284 = vector.broadcast %squeeze3A_257 : f32 to vector<16xf32>
        %mul3A_285 = arith.mulf %get3A_283, %mul3A_284 : vector<16xf32>
        %swap3A_286 = arith.index_cast %add3A_255 : i32 to index
        %swap3A_287 = arith.constant 32 : index
        %swap3A_288 = tpu.vector_load %arg9[%swap3A_286, %swap3A_287] {strides = array<i32>} : memref<80x80xf32, #tpu.memory_space<vmem>>, vector<1x16xf32>,
        %swap3A_289 = vector.shape_cast %swap3A_288 : vector<1x16xf32> to vector<16xf32>
        %swap3A_290 = vector.shape_cast %mul3A_285 : vector<16xf32> to vector<1x16xf32>
        tpu.vector_store %arg9[%swap3A_286, %swap3A_287], %swap3A_290 {strides = array<i32>} : memref<80x80xf32, #tpu.memory_space<vmem>>, vector<1x16xf32>,
        %get3A_291 = arith.index_cast %add3A_255 : i32 to index
        %get3A_292 = arith.constant 48 : index
        %get3A_293 = tpu.vector_load %arg7[%get3A_291, %get3A_292] {strides = array<i32>} : memref<80x64xf32, #tpu.memory_space<vmem>>, vector<1x16xf32>,
        %get3A_294 = vector.shape_cast %get3A_293 : vector<1x16xf32> to vector<16xf32>
        %mul3A_295 = vector.broadcast %squeeze3A_257 : f32 to vector<16xf32>
        %mul3A_296 = arith.mulf %get3A_294, %mul3A_295 : vector<16xf32>
        %swap3A_297 = arith.index_cast %add3A_255 : i32 to index
        %swap3A_298 = arith.constant 48 : index
        %swap3A_299 = tpu.vector_load %arg9[%swap3A_297, %swap3A_298] {strides = array<i32>} : memref<80x80xf32, #tpu.memory_space<vmem>>, vector<1x16xf32>,
        %swap3A_300 = vector.shape_cast %swap3A_299 : vector<1x16xf32> to vector<16xf32>
        %swap3A_301 = vector.shape_cast %mul3A_296 : vector<16xf32> to vector<1x16xf32>
        tpu.vector_store %arg9[%swap3A_297, %swap3A_298], %swap3A_301 {strides = array<i32>} : memref<80x80xf32, #tpu.memory_space<vmem>>, vector<1x16xf32>,
        %broadcast_in_dim3A_302 = vector.broadcast %squeeze3A_257 : f32 to vector<16xf32>
        %swap3A_303 = arith.index_cast %add3A_255 : i32 to index
        %swap3A_304 = arith.constant 64 : index
        %swap3A_305 = tpu.vector_load %arg9[%swap3A_303, %swap3A_304] {strides = array<i32>} : memref<80x80xf32, #tpu.memory_space<vmem>>, vector<1x16xf32>,
        %swap3A_306 = vector.shape_cast %swap3A_305 : vector<1x16xf32> to vector<16xf32>
        %swap3A_307 = vector.shape_cast %broadcast_in_dim3A_302 : vector<16xf32> to vector<1x16xf32>
        tpu.vector_store %arg9[%swap3A_303, %swap3A_304], %swap3A_307 {strides = array<i32>} : memref<80x80xf32, #tpu.memory_space<vmem>>, vector<1x16xf32>,
        %mul3A_308 = arith.constant 16 : i32
        %mul3A_309 = arith.muli %scan3A_138, %mul3A_308 : i32
        %add3A_310 = arith.constant 3 : i32
        %add3A_311 = arith.addi %mul3A_309, %add3A_310 : i32
        %slice3A_312 = vector.extract_strided_slice %get3A_142 {offsets = [3], sizes = [1], strides = [1]} : vector<16xf32> to vector<1xf32>
        %squeeze3A_313 = vector.extract %slice3A_312[0] : f32 from vector<1xf32>
        %get3A_314 = arith.index_cast %add3A_311 : i32 to index
        %get3A_315 = arith.constant 0 : index
        %get3A_316 = tpu.vector_load %arg7[%get3A_314, %get3A_315] {strides = array<i32>} : memref<80x64xf32, #tpu.memory_space<vmem>>, vector<1x16xf32>,
        %get3A_317 = vector.shape_cast %get3A_316 : vector<1x16xf32> to vector<16xf32>
        %mul3A_318 = vector.broadcast %squeeze3A_313 : f32 to vector<16xf32>
        %mul3A_319 = arith.mulf %get3A_317, %mul3A_318 : vector<16xf32>
        %swap3A_320 = arith.index_cast %add3A_311 : i32 to index
        %swap3A_321 = arith.constant 0 : index
        %swap3A_322 = tpu.vector_load %arg9[%swap3A_320, %swap3A_321] {strides = array<i32>} : memref<80x80xf32, #tpu.memory_space<vmem>>, vector<1x16xf32>,
        %swap3A_323 = vector.shape_cast %swap3A_322 : vector<1x16xf32> to vector<16xf32>
        %swap3A_324 = vector.shape_cast %mul3A_319 : vector<16xf32> to vector<1x16xf32>
        tpu.vector_store %arg9[%swap3A_320, %swap3A_321], %swap3A_324 {strides = array<i32>} : memref<80x80xf32, #tpu.memory_space<vmem>>, vector<1x16xf32>,
        %get3A_325 = arith.index_cast %add3A_311 : i32 to index
        %get3A_326 = arith.constant 16 : index
        %get3A_327 = tpu.vector_load %arg7[%get3A_325, %get3A_326] {strides = array<i32>} : memref<80x64xf32, #tpu.memory_space<vmem>>, vector<1x16xf32>,
        %get3A_328 = vector.shape_cast %get3A_327 : vector<1x16xf32> to vector<16xf32>
        %mul3A_329 = vector.broadcast %squeeze3A_313 : f32 to vector<16xf32>
        %mul3A_330 = arith.mulf %get3A_328, %mul3A_329 : vector<16xf32>
        %swap3A_331 = arith.index_cast %add3A_311 : i32 to index
        %swap3A_332 = arith.constant 16 : index
        %swap3A_333 = tpu.vector_load %arg9[%swap3A_331, %swap3A_332] {strides = array<i32>} : memref<80x80xf32, #tpu.memory_space<vmem>>, vector<1x16xf32>,
        %swap3A_334 = vector.shape_cast %swap3A_333 : vector<1x16xf32> to vector<16xf32>
        %swap3A_335 = vector.shape_cast %mul3A_330 : vector<16xf32> to vector<1x16xf32>
        tpu.vector_store %arg9[%swap3A_331, %swap3A_332], %swap3A_335 {strides = array<i32>} : memref<80x80xf32, #tpu.memory_space<vmem>>, vector<1x16xf32>,
        %get3A_336 = arith.index_cast %add3A_311 : i32 to index
        %get3A_337 = arith.constant 32 : index
        %get3A_338 = tpu.vector_load %arg7[%get3A_336, %get3A_337] {strides = array<i32>} : memref<80x64xf32, #tpu.memory_space<vmem>>, vector<1x16xf32>,
        %get3A_339 = vector.shape_cast %get3A_338 : vector<1x16xf32> to vector<16xf32>
        %mul3A_340 = vector.broadcast %squeeze3A_313 : f32 to vector<16xf32>
        %mul3A_341 = arith.mulf %get3A_339, %mul3A_340 : vector<16xf32>
        %swap3A_342 = arith.index_cast %add3A_311 : i32 to index
        %swap3A_343 = arith.constant 32 : index
        %swap3A_344 = tpu.vector_load %arg9[%swap3A_342, %swap3A_343] {strides = array<i32>} : memref<80x80xf32, #tpu.memory_space<vmem>>, vector<1x16xf32>,
        %swap3A_345 = vector.shape_cast %swap3A_344 : vector<1x16xf32> to vector<16xf32>
        %swap3A_346 = vector.shape_cast %mul3A_341 : vector<16xf32> to vector<1x16xf32>
        tpu.vector_store %arg9[%swap3A_342, %swap3A_343], %swap3A_346 {strides = array<i32>} : memref<80x80xf32, #tpu.memory_space<vmem>>, vector<1x16xf32>,
        %get3A_347 = arith.index_cast %add3A_311 : i32 to index
        %get3A_348 = arith.constant 48 : index
        %get3A_349 = tpu.vector_load %arg7[%get3A_347, %get3A_348] {strides = array<i32>} : memref<80x64xf32, #tpu.memory_space<vmem>>, vector<1x16xf32>,
        %get3A_350 = vector.shape_cast %get3A_349 : vector<1x16xf32> to vector<16xf32>
        %mul3A_351 = vector.broadcast %squeeze3A_313 : f32 to vector<16xf32>
        %mul3A_352 = arith.mulf %get3A_350, %mul3A_351 : vector<16xf32>
        %swap3A_353 = arith.index_cast %add3A_311 : i32 to index
        %swap3A_354 = arith.constant 48 : index
        %swap3A_355 = tpu.vector_load %arg9[%swap3A_353, %swap3A_354] {strides = array<i32>} : memref<80x80xf32, #tpu.memory_space<vmem>>, vector<1x16xf32>,
        %swap3A_356 = vector.shape_cast %swap3A_355 : vector<1x16xf32> to vector<16xf32>
        %swap3A_357 = vector.shape_cast %mul3A_352 : vector<16xf32> to vector<1x16xf32>
        tpu.vector_store %arg9[%swap3A_353, %swap3A_354], %swap3A_357 {strides = array<i32>} : memref<80x80xf32, #tpu.memory_space<vmem>>, vector<1x16xf32>,
        %broadcast_in_dim3A_358 = vector.broadcast %squeeze3A_313 : f32 to vector<16xf32>
        %swap3A_359 = arith.index_cast %add3A_311 : i32 to index
        %swap3A_360 = arith.constant 64 : index
        %swap3A_361 = tpu.vector_load %arg9[%swap3A_359, %swap3A_360] {strides = array<i32>} : memref<80x80xf32, #tpu.memory_space<vmem>>, vector<1x16xf32>,
        %swap3A_362 = vector.shape_cast %swap3A_361 : vector<1x16xf32> to vector<16xf32>
        %swap3A_363 = vector.shape_cast %broadcast_in_dim3A_358 : vector<16xf32> to vector<1x16xf32>
        tpu.vector_store %arg9[%swap3A_359, %swap3A_360], %swap3A_363 {strides = array<i32>} : memref<80x80xf32, #tpu.memory_space<vmem>>, vector<1x16xf32>,
        %mul3A_364 = arith.constant 16 : i32
        %mul3A_365 = arith.muli %scan3A_138, %mul3A_364 : i32
        %add3A_366 = arith.constant 4 : i32
        %add3A_367 = arith.addi %mul3A_365, %add3A_366 : i32
        %slice3A_368 = vector.extract_strided_slice %get3A_142 {offsets = [4], sizes = [1], strides = [1]} : vector<16xf32> to vector<1xf32>
        %squeeze3A_369 = vector.extract %slice3A_368[0] : f32 from vector<1xf32>
        %get3A_370 = arith.index_cast %add3A_367 : i32 to index
        %get3A_371 = arith.constant 0 : index
        %get3A_372 = tpu.vector_load %arg7[%get3A_370, %get3A_371] {strides = array<i32>} : memref<80x64xf32, #tpu.memory_space<vmem>>, vector<1x16xf32>,
        %get3A_373 = vector.shape_cast %get3A_372 : vector<1x16xf32> to vector<16xf32>
        %mul3A_374 = vector.broadcast %squeeze3A_369 : f32 to vector<16xf32>
        %mul3A_375 = arith.mulf %get3A_373, %mul3A_374 : vector<16xf32>
        %swap3A_376 = arith.index_cast %add3A_367 : i32 to index
        %swap3A_377 = arith.constant 0 : index
        %swap3A_378 = tpu.vector_load %arg9[%swap3A_376, %swap3A_377] {strides = array<i32>} : memref<80x80xf32, #tpu.memory_space<vmem>>, vector<1x16xf32>,
        %swap3A_379 = vector.shape_cast %swap3A_378 : vector<1x16xf32> to vector<16xf32>
        %swap3A_380 = vector.shape_cast %mul3A_375 : vector<16xf32> to vector<1x16xf32>
        tpu.vector_store %arg9[%swap3A_376, %swap3A_377], %swap3A_380 {strides = array<i32>} : memref<80x80xf32, #tpu.memory_space<vmem>>, vector<1x16xf32>,
        %get3A_381 = arith.index_cast %add3A_367 : i32 to index
        %get3A_382 = arith.constant 16 : index
        %get3A_383 = tpu.vector_load %arg7[%get3A_381, %get3A_382] {strides = array<i32>} : memref<80x64xf32, #tpu.memory_space<vmem>>, vector<1x16xf32>,
        %get3A_384 = vector.shape_cast %get3A_383 : vector<1x16xf32> to vector<16xf32>
        %mul3A_385 = vector.broadcast %squeeze3A_369 : f32 to vector<16xf32>
        %mul3A_386 = arith.mulf %get3A_384, %mul3A_385 : vector<16xf32>
        %swap3A_387 = arith.index_cast %add3A_367 : i32 to index
        %swap3A_388 = arith.constant 16 : index
        %swap3A_389 = tpu.vector_load %arg9[%swap3A_387, %swap3A_388] {strides = array<i32>} : memref<80x80xf32, #tpu.memory_space<vmem>>, vector<1x16xf32>,
        %swap3A_390 = vector.shape_cast %swap3A_389 : vector<1x16xf32> to vector<16xf32>
        %swap3A_391 = vector.shape_cast %mul3A_386 : vector<16xf32> to vector<1x16xf32>
        tpu.vector_store %arg9[%swap3A_387, %swap3A_388], %swap3A_391 {strides = array<i32>} : memref<80x80xf32, #tpu.memory_space<vmem>>, vector<1x16xf32>,
        %get3A_392 = arith.index_cast %add3A_367 : i32 to index
        %get3A_393 = arith.constant 32 : index
        %get3A_394 = tpu.vector_load %arg7[%get3A_392, %get3A_393] {strides = array<i32>} : memref<80x64xf32, #tpu.memory_space<vmem>>, vector<1x16xf32>,
        %get3A_395 = vector.shape_cast %get3A_394 : vector<1x16xf32> to vector<16xf32>
        %mul3A_396 = vector.broadcast %squeeze3A_369 : f32 to vector<16xf32>
        %mul3A_397 = arith.mulf %get3A_395, %mul3A_396 : vector<16xf32>
        %swap3A_398 = arith.index_cast %add3A_367 : i32 to index
        %swap3A_399 = arith.constant 32 : index
        %swap3A_400 = tpu.vector_load %arg9[%swap3A_398, %swap3A_399] {strides = array<i32>} : memref<80x80xf32, #tpu.memory_space<vmem>>, vector<1x16xf32>,
        %swap3A_401 = vector.shape_cast %swap3A_400 : vector<1x16xf32> to vector<16xf32>
        %swap3A_402 = vector.shape_cast %mul3A_397 : vector<16xf32> to vector<1x16xf32>
        tpu.vector_store %arg9[%swap3A_398, %swap3A_399], %swap3A_402 {strides = array<i32>} : memref<80x80xf32, #tpu.memory_space<vmem>>, vector<1x16xf32>,
        %get3A_403 = arith.index_cast %add3A_367 : i32 to index
        %get3A_404 = arith.constant 48 : index
        %get3A_405 = tpu.vector_load %arg7[%get3A_403, %get3A_404] {strides = array<i32>} : memref<80x64xf32, #tpu.memory_space<vmem>>, vector<1x16xf32>,
        %get3A_406 = vector.shape_cast %get3A_405 : vector<1x16xf32> to vector<16xf32>
        %mul3A_407 = vector.broadcast %squeeze3A_369 : f32 to vector<16xf32>
        %mul3A_408 = arith.mulf %get3A_406, %mul3A_407 : vector<16xf32>
        %swap3A_409 = arith.index_cast %add3A_367 : i32 to index
        %swap3A_410 = arith.constant 48 : index
        %swap3A_411 = tpu.vector_load %arg9[%swap3A_409, %swap3A_410] {strides = array<i32>} : memref<80x80xf32, #tpu.memory_space<vmem>>, vector<1x16xf32>,
        %swap3A_412 = vector.shape_cast %swap3A_411 : vector<1x16xf32> to vector<16xf32>
        %swap3A_413 = vector.shape_cast %mul3A_408 : vector<16xf32> to vector<1x16xf32>
        tpu.vector_store %arg9[%swap3A_409, %swap3A_410], %swap3A_413 {strides = array<i32>} : memref<80x80xf32, #tpu.memory_space<vmem>>, vector<1x16xf32>,
        %broadcast_in_dim3A_414 = vector.broadcast %squeeze3A_369 : f32 to vector<16xf32>
        %swap3A_415 = arith.index_cast %add3A_367 : i32 to index
        %swap3A_416 = arith.constant 64 : index
        %swap3A_417 = tpu.vector_load %arg9[%swap3A_415, %swap3A_416] {strides = array<i32>} : memref<80x80xf32, #tpu.memory_space<vmem>>, vector<1x16xf32>,
        %swap3A_418 = vector.shape_cast %swap3A_417 : vector<1x16xf32> to vector<16xf32>
        %swap3A_419 = vector.shape_cast %broadcast_in_dim3A_414 : vector<16xf32> to vector<1x16xf32>
        tpu.vector_store %arg9[%swap3A_415, %swap3A_416], %swap3A_419 {strides = array<i32>} : memref<80x80xf32, #tpu.memory_space<vmem>>, vector<1x16xf32>,
        %mul3A_420 = arith.constant 16 : i32
        %mul3A_421 = arith.muli %scan3A_138, %mul3A_420 : i32
        %add3A_422 = arith.constant 5 : i32
        %add3A_423 = arith.addi %mul3A_421, %add3A_422 : i32
        %slice3A_424 = vector.extract_strided_slice %get3A_142 {offsets = [5], sizes = [1], strides = [1]} : vector<16xf32> to vector<1xf32>
        %squeeze3A_425 = vector.extract %slice3A_424[0] : f32 from vector<1xf32>
        %get3A_426 = arith.index_cast %add3A_423 : i32 to index
        %get3A_427 = arith.constant 0 : index
        %get3A_428 = tpu.vector_load %arg7[%get3A_426, %get3A_427] {strides = array<i32>} : memref<80x64xf32, #tpu.memory_space<vmem>>, vector<1x16xf32>,
        %get3A_429 = vector.shape_cast %get3A_428 : vector<1x16xf32> to vector<16xf32>
        %mul3A_430 = vector.broadcast %squeeze3A_425 : f32 to vector<16xf32>
        %mul3A_431 = arith.mulf %get3A_429, %mul3A_430 : vector<16xf32>
        %swap3A_432 = arith.index_cast %add3A_423 : i32 to index
        %swap3A_433 = arith.constant 0 : index
        %swap3A_434 = tpu.vector_load %arg9[%swap3A_432, %swap3A_433] {strides = array<i32>} : memref<80x80xf32, #tpu.memory_space<vmem>>, vector<1x16xf32>,
        %swap3A_435 = vector.shape_cast %swap3A_434 : vector<1x16xf32> to vector<16xf32>
        %swap3A_436 = vector.shape_cast %mul3A_431 : vector<16xf32> to vector<1x16xf32>
        tpu.vector_store %arg9[%swap3A_432, %swap3A_433], %swap3A_436 {strides = array<i32>} : memref<80x80xf32, #tpu.memory_space<vmem>>, vector<1x16xf32>,
        %get3A_437 = arith.index_cast %add3A_423 : i32 to index
        %get3A_438 = arith.constant 16 : index
        %get3A_439 = tpu.vector_load %arg7[%get3A_437, %get3A_438] {strides = array<i32>} : memref<80x64xf32, #tpu.memory_space<vmem>>, vector<1x16xf32>,
        %get3A_440 = vector.shape_cast %get3A_439 : vector<1x16xf32> to vector<16xf32>
        %mul3A_441 = vector.broadcast %squeeze3A_425 : f32 to vector<16xf32>
        %mul3A_442 = arith.mulf %get3A_440, %mul3A_441 : vector<16xf32>
        %swap3A_443 = arith.index_cast %add3A_423 : i32 to index
        %swap3A_444 = arith.constant 16 : index
        %swap3A_445 = tpu.vector_load %arg9[%swap3A_443, %swap3A_444] {strides = array<i32>} : memref<80x80xf32, #tpu.memory_space<vmem>>, vector<1x16xf32>,
        %swap3A_446 = vector.shape_cast %swap3A_445 : vector<1x16xf32> to vector<16xf32>
        %swap3A_447 = vector.shape_cast %mul3A_442 : vector<16xf32> to vector<1x16xf32>
        tpu.vector_store %arg9[%swap3A_443, %swap3A_444], %swap3A_447 {strides = array<i32>} : memref<80x80xf32, #tpu.memory_space<vmem>>, vector<1x16xf32>,
        %get3A_448 = arith.index_cast %add3A_423 : i32 to index
        %get3A_449 = arith.constant 32 : index
        %get3A_450 = tpu.vector_load %arg7[%get3A_448, %get3A_449] {strides = array<i32>} : memref<80x64xf32, #tpu.memory_space<vmem>>, vector<1x16xf32>,
        %get3A_451 = vector.shape_cast %get3A_450 : vector<1x16xf32> to vector<16xf32>
        %mul3A_452 = vector.broadcast %squeeze3A_425 : f32 to vector<16xf32>
        %mul3A_453 = arith.mulf %get3A_451, %mul3A_452 : vector<16xf32>
        %swap3A_454 = arith.index_cast %add3A_423 : i32 to index
        %swap3A_455 = arith.constant 32 : index
        %swap3A_456 = tpu.vector_load %arg9[%swap3A_454, %swap3A_455] {strides = array<i32>} : memref<80x80xf32, #tpu.memory_space<vmem>>, vector<1x16xf32>,
        %swap3A_457 = vector.shape_cast %swap3A_456 : vector<1x16xf32> to vector<16xf32>
        %swap3A_458 = vector.shape_cast %mul3A_453 : vector<16xf32> to vector<1x16xf32>
        tpu.vector_store %arg9[%swap3A_454, %swap3A_455], %swap3A_458 {strides = array<i32>} : memref<80x80xf32, #tpu.memory_space<vmem>>, vector<1x16xf32>,
        %get3A_459 = arith.index_cast %add3A_423 : i32 to index
        %get3A_460 = arith.constant 48 : index
        %get3A_461 = tpu.vector_load %arg7[%get3A_459, %get3A_460] {strides = array<i32>} : memref<80x64xf32, #tpu.memory_space<vmem>>, vector<1x16xf32>,
        %get3A_462 = vector.shape_cast %get3A_461 : vector<1x16xf32> to vector<16xf32>
        %mul3A_463 = vector.broadcast %squeeze3A_425 : f32 to vector<16xf32>
        %mul3A_464 = arith.mulf %get3A_462, %mul3A_463 : vector<16xf32>
        %swap3A_465 = arith.index_cast %add3A_423 : i32 to index
        %swap3A_466 = arith.constant 48 : index
        %swap3A_467 = tpu.vector_load %arg9[%swap3A_465, %swap3A_466] {strides = array<i32>} : memref<80x80xf32, #tpu.memory_space<vmem>>, vector<1x16xf32>,
        %swap3A_468 = vector.shape_cast %swap3A_467 : vector<1x16xf32> to vector<16xf32>
        %swap3A_469 = vector.shape_cast %mul3A_464 : vector<16xf32> to vector<1x16xf32>
        tpu.vector_store %arg9[%swap3A_465, %swap3A_466], %swap3A_469 {strides = array<i32>} : memref<80x80xf32, #tpu.memory_space<vmem>>, vector<1x16xf32>,
        %broadcast_in_dim3A_470 = vector.broadcast %squeeze3A_425 : f32 to vector<16xf32>
        %swap3A_471 = arith.index_cast %add3A_423 : i32 to index
        %swap3A_472 = arith.constant 64 : index
        %swap3A_473 = tpu.vector_load %arg9[%swap3A_471, %swap3A_472] {strides = array<i32>} : memref<80x80xf32, #tpu.memory_space<vmem>>, vector<1x16xf32>,
        %swap3A_474 = vector.shape_cast %swap3A_473 : vector<1x16xf32> to vector<16xf32>
        %swap3A_475 = vector.shape_cast %broadcast_in_dim3A_470 : vector<16xf32> to vector<1x16xf32>
        tpu.vector_store %arg9[%swap3A_471, %swap3A_472], %swap3A_475 {strides = array<i32>} : memref<80x80xf32, #tpu.memory_space<vmem>>, vector<1x16xf32>,
        %mul3A_476 = arith.constant 16 : i32
        %mul3A_477 = arith.muli %scan3A_138, %mul3A_476 : i32
        %add3A_478 = arith.constant 6 : i32
        %add3A_479 = arith.addi %mul3A_477, %add3A_478 : i32
        %slice3A_480 = vector.extract_strided_slice %get3A_142 {offsets = [6], sizes = [1], strides = [1]} : vector<16xf32> to vector<1xf32>
        %squeeze3A_481 = vector.extract %slice3A_480[0] : f32 from vector<1xf32>
        %get3A_482 = arith.index_cast %add3A_479 : i32 to index
        %get3A_483 = arith.constant 0 : index
        %get3A_484 = tpu.vector_load %arg7[%get3A_482, %get3A_483] {strides = array<i32>} : memref<80x64xf32, #tpu.memory_space<vmem>>, vector<1x16xf32>,
        %get3A_485 = vector.shape_cast %get3A_484 : vector<1x16xf32> to vector<16xf32>
        %mul3A_486 = vector.broadcast %squeeze3A_481 : f32 to vector<16xf32>
        %mul3A_487 = arith.mulf %get3A_485, %mul3A_486 : vector<16xf32>
        %swap3A_488 = arith.index_cast %add3A_479 : i32 to index
        %swap3A_489 = arith.constant 0 : index
        %swap3A_490 = tpu.vector_load %arg9[%swap3A_488, %swap3A_489] {strides = array<i32>} : memref<80x80xf32, #tpu.memory_space<vmem>>, vector<1x16xf32>,
        %swap3A_491 = vector.shape_cast %swap3A_490 : vector<1x16xf32> to vector<16xf32>
        %swap3A_492 = vector.shape_cast %mul3A_487 : vector<16xf32> to vector<1x16xf32>
        tpu.vector_store %arg9[%swap3A_488, %swap3A_489], %swap3A_492 {strides = array<i32>} : memref<80x80xf32, #tpu.memory_space<vmem>>, vector<1x16xf32>,
        %get3A_493 = arith.index_cast %add3A_479 : i32 to index
        %get3A_494 = arith.constant 16 : index
        %get3A_495 = tpu.vector_load %arg7[%get3A_493, %get3A_494] {strides = array<i32>} : memref<80x64xf32, #tpu.memory_space<vmem>>, vector<1x16xf32>,
        %get3A_496 = vector.shape_cast %get3A_495 : vector<1x16xf32> to vector<16xf32>
        %mul3A_497 = vector.broadcast %squeeze3A_481 : f32 to vector<16xf32>
        %mul3A_498 = arith.mulf %get3A_496, %mul3A_497 : vector<16xf32>
        %swap3A_499 = arith.index_cast %add3A_479 : i32 to index
        %swap3A_500 = arith.constant 16 : index
        %swap3A_501 = tpu.vector_load %arg9[%swap3A_499, %swap3A_500] {strides = array<i32>} : memref<80x80xf32, #tpu.memory_space<vmem>>, vector<1x16xf32>,
        %swap3A_502 = vector.shape_cast %swap3A_501 : vector<1x16xf32> to vector<16xf32>
        %swap3A_503 = vector.shape_cast %mul3A_498 : vector<16xf32> to vector<1x16xf32>
        tpu.vector_store %arg9[%swap3A_499, %swap3A_500], %swap3A_503 {strides = array<i32>} : memref<80x80xf32, #tpu.memory_space<vmem>>, vector<1x16xf32>,
        %get3A_504 = arith.index_cast %add3A_479 : i32 to index
        %get3A_505 = arith.constant 32 : index
        %get3A_506 = tpu.vector_load %arg7[%get3A_504, %get3A_505] {strides = array<i32>} : memref<80x64xf32, #tpu.memory_space<vmem>>, vector<1x16xf32>,
        %get3A_507 = vector.shape_cast %get3A_506 : vector<1x16xf32> to vector<16xf32>
        %mul3A_508 = vector.broadcast %squeeze3A_481 : f32 to vector<16xf32>
        %mul3A_509 = arith.mulf %get3A_507, %mul3A_508 : vector<16xf32>
        %swap3A_510 = arith.index_cast %add3A_479 : i32 to index
        %swap3A_511 = arith.constant 32 : index
        %swap3A_512 = tpu.vector_load %arg9[%swap3A_510, %swap3A_511] {strides = array<i32>} : memref<80x80xf32, #tpu.memory_space<vmem>>, vector<1x16xf32>,
        %swap3A_513 = vector.shape_cast %swap3A_512 : vector<1x16xf32> to vector<16xf32>
        %swap3A_514 = vector.shape_cast %mul3A_509 : vector<16xf32> to vector<1x16xf32>
        tpu.vector_store %arg9[%swap3A_510, %swap3A_511], %swap3A_514 {strides = array<i32>} : memref<80x80xf32, #tpu.memory_space<vmem>>, vector<1x16xf32>,
        %get3A_515 = arith.index_cast %add3A_479 : i32 to index
        %get3A_516 = arith.constant 48 : index
        %get3A_517 = tpu.vector_load %arg7[%get3A_515, %get3A_516] {strides = array<i32>} : memref<80x64xf32, #tpu.memory_space<vmem>>, vector<1x16xf32>,
        %get3A_518 = vector.shape_cast %get3A_517 : vector<1x16xf32> to vector<16xf32>
        %mul3A_519 = vector.broadcast %squeeze3A_481 : f32 to vector<16xf32>
        %mul3A_520 = arith.mulf %get3A_518, %mul3A_519 : vector<16xf32>
        %swap3A_521 = arith.index_cast %add3A_479 : i32 to index
        %swap3A_522 = arith.constant 48 : index
        %swap3A_523 = tpu.vector_load %arg9[%swap3A_521, %swap3A_522] {strides = array<i32>} : memref<80x80xf32, #tpu.memory_space<vmem>>, vector<1x16xf32>,
        %swap3A_524 = vector.shape_cast %swap3A_523 : vector<1x16xf32> to vector<16xf32>
        %swap3A_525 = vector.shape_cast %mul3A_520 : vector<16xf32> to vector<1x16xf32>
        tpu.vector_store %arg9[%swap3A_521, %swap3A_522], %swap3A_525 {strides = array<i32>} : memref<80x80xf32, #tpu.memory_space<vmem>>, vector<1x16xf32>,
        %broadcast_in_dim3A_526 = vector.broadcast %squeeze3A_481 : f32 to vector<16xf32>
        %swap3A_527 = arith.index_cast %add3A_479 : i32 to index
        %swap3A_528 = arith.constant 64 : index
        %swap3A_529 = tpu.vector_load %arg9[%swap3A_527, %swap3A_528] {strides = array<i32>} : memref<80x80xf32, #tpu.memory_space<vmem>>, vector<1x16xf32>,
        %swap3A_530 = vector.shape_cast %swap3A_529 : vector<1x16xf32> to vector<16xf32>
        %swap3A_531 = vector.shape_cast %broadcast_in_dim3A_526 : vector<16xf32> to vector<1x16xf32>
        tpu.vector_store %arg9[%swap3A_527, %swap3A_528], %swap3A_531 {strides = array<i32>} : memref<80x80xf32, #tpu.memory_space<vmem>>, vector<1x16xf32>,
        %mul3A_532 = arith.constant 16 : i32
        %mul3A_533 = arith.muli %scan3A_138, %mul3A_532 : i32
        %add3A_534 = arith.constant 7 : i32
        %add3A_535 = arith.addi %mul3A_533, %add3A_534 : i32
        %slice3A_536 = vector.extract_strided_slice %get3A_142 {offsets = [7], sizes = [1], strides = [1]} : vector<16xf32> to vector<1xf32>
        %squeeze3A_537 = vector.extract %slice3A_536[0] : f32 from vector<1xf32>
        %get3A_538 = arith.index_cast %add3A_535 : i32 to index
        %get3A_539 = arith.constant 0 : index
        %get3A_540 = tpu.vector_load %arg7[%get3A_538, %get3A_539] {strides = array<i32>} : memref<80x64xf32, #tpu.memory_space<vmem>>, vector<1x16xf32>,
        %get3A_541 = vector.shape_cast %get3A_540 : vector<1x16xf32> to vector<16xf32>
        %mul3A_542 = vector.broadcast %squeeze3A_537 : f32 to vector<16xf32>
        %mul3A_543 = arith.mulf %get3A_541, %mul3A_542 : vector<16xf32>
        %swap3A_544 = arith.index_cast %add3A_535 : i32 to index
        %swap3A_545 = arith.constant 0 : index
        %swap3A_546 = tpu.vector_load %arg9[%swap3A_544, %swap3A_545] {strides = array<i32>} : memref<80x80xf32, #tpu.memory_space<vmem>>, vector<1x16xf32>,
        %swap3A_547 = vector.shape_cast %swap3A_546 : vector<1x16xf32> to vector<16xf32>
        %swap3A_548 = vector.shape_cast %mul3A_543 : vector<16xf32> to vector<1x16xf32>
        tpu.vector_store %arg9[%swap3A_544, %swap3A_545], %swap3A_548 {strides = array<i32>} : memref<80x80xf32, #tpu.memory_space<vmem>>, vector<1x16xf32>,
        %get3A_549 = arith.index_cast %add3A_535 : i32 to index
        %get3A_550 = arith.constant 16 : index
        %get3A_551 = tpu.vector_load %arg7[%get3A_549, %get3A_550] {strides = array<i32>} : memref<80x64xf32, #tpu.memory_space<vmem>>, vector<1x16xf32>,
        %get3A_552 = vector.shape_cast %get3A_551 : vector<1x16xf32> to vector<16xf32>
        %mul3A_553 = vector.broadcast %squeeze3A_537 : f32 to vector<16xf32>
        %mul3A_554 = arith.mulf %get3A_552, %mul3A_553 : vector<16xf32>
        %swap3A_555 = arith.index_cast %add3A_535 : i32 to index
        %swap3A_556 = arith.constant 16 : index
        %swap3A_557 = tpu.vector_load %arg9[%swap3A_555, %swap3A_556] {strides = array<i32>} : memref<80x80xf32, #tpu.memory_space<vmem>>, vector<1x16xf32>,
        %swap3A_558 = vector.shape_cast %swap3A_557 : vector<1x16xf32> to vector<16xf32>
        %swap3A_559 = vector.shape_cast %mul3A_554 : vector<16xf32> to vector<1x16xf32>
        tpu.vector_store %arg9[%swap3A_555, %swap3A_556], %swap3A_559 {strides = array<i32>} : memref<80x80xf32, #tpu.memory_space<vmem>>, vector<1x16xf32>,
        %get3A_560 = arith.index_cast %add3A_535 : i32 to index
        %get3A_561 = arith.constant 32 : index
        %get3A_562 = tpu.vector_load %arg7[%get3A_560, %get3A_561] {strides = array<i32>} : memref<80x64xf32, #tpu.memory_space<vmem>>, vector<1x16xf32>,
        %get3A_563 = vector.shape_cast %get3A_562 : vector<1x16xf32> to vector<16xf32>
        %mul3A_564 = vector.broadcast %squeeze3A_537 : f32 to vector<16xf32>
        %mul3A_565 = arith.mulf %get3A_563, %mul3A_564 : vector<16xf32>
        %swap3A_566 = arith.index_cast %add3A_535 : i32 to index
        %swap3A_567 = arith.constant 32 : index
        %swap3A_568 = tpu.vector_load %arg9[%swap3A_566, %swap3A_567] {strides = array<i32>} : memref<80x80xf32, #tpu.memory_space<vmem>>, vector<1x16xf32>,
        %swap3A_569 = vector.shape_cast %swap3A_568 : vector<1x16xf32> to vector<16xf32>
        %swap3A_570 = vector.shape_cast %mul3A_565 : vector<16xf32> to vector<1x16xf32>
        tpu.vector_store %arg9[%swap3A_566, %swap3A_567], %swap3A_570 {strides = array<i32>} : memref<80x80xf32, #tpu.memory_space<vmem>>, vector<1x16xf32>,
        %get3A_571 = arith.index_cast %add3A_535 : i32 to index
        %get3A_572 = arith.constant 48 : index
        %get3A_573 = tpu.vector_load %arg7[%get3A_571, %get3A_572] {strides = array<i32>} : memref<80x64xf32, #tpu.memory_space<vmem>>, vector<1x16xf32>,
        %get3A_574 = vector.shape_cast %get3A_573 : vector<1x16xf32> to vector<16xf32>
        %mul3A_575 = vector.broadcast %squeeze3A_537 : f32 to vector<16xf32>
        %mul3A_576 = arith.mulf %get3A_574, %mul3A_575 : vector<16xf32>
        %swap3A_577 = arith.index_cast %add3A_535 : i32 to index
        %swap3A_578 = arith.constant 48 : index
        %swap3A_579 = tpu.vector_load %arg9[%swap3A_577, %swap3A_578] {strides = array<i32>} : memref<80x80xf32, #tpu.memory_space<vmem>>, vector<1x16xf32>,
        %swap3A_580 = vector.shape_cast %swap3A_579 : vector<1x16xf32> to vector<16xf32>
        %swap3A_581 = vector.shape_cast %mul3A_576 : vector<16xf32> to vector<1x16xf32>
        tpu.vector_store %arg9[%swap3A_577, %swap3A_578], %swap3A_581 {strides = array<i32>} : memref<80x80xf32, #tpu.memory_space<vmem>>, vector<1x16xf32>,
        %broadcast_in_dim3A_582 = vector.broadcast %squeeze3A_537 : f32 to vector<16xf32>
        %swap3A_583 = arith.index_cast %add3A_535 : i32 to index
        %swap3A_584 = arith.constant 64 : index
        %swap3A_585 = tpu.vector_load %arg9[%swap3A_583, %swap3A_584] {strides = array<i32>} : memref<80x80xf32, #tpu.memory_space<vmem>>, vector<1x16xf32>,
        %swap3A_586 = vector.shape_cast %swap3A_585 : vector<1x16xf32> to vector<16xf32>
        %swap3A_587 = vector.shape_cast %broadcast_in_dim3A_582 : vector<16xf32> to vector<1x16xf32>
        tpu.vector_store %arg9[%swap3A_583, %swap3A_584], %swap3A_587 {strides = array<i32>} : memref<80x80xf32, #tpu.memory_space<vmem>>, vector<1x16xf32>,
        %mul3A_588 = arith.constant 16 : i32
        %mul3A_589 = arith.muli %scan3A_138, %mul3A_588 : i32
        %add3A_590 = arith.constant 8 : i32
        %add3A_591 = arith.addi %mul3A_589, %add3A_590 : i32
        %slice3A_592 = vector.extract_strided_slice %get3A_142 {offsets = [8], sizes = [1], strides = [1]} : vector<16xf32> to vector<1xf32>
        %squeeze3A_593 = vector.extract %slice3A_592[0] : f32 from vector<1xf32>
        %get3A_594 = arith.index_cast %add3A_591 : i32 to index
        %get3A_595 = arith.constant 0 : index
        %get3A_596 = tpu.vector_load %arg7[%get3A_594, %get3A_595] {strides = array<i32>} : memref<80x64xf32, #tpu.memory_space<vmem>>, vector<1x16xf32>,
        %get3A_597 = vector.shape_cast %get3A_596 : vector<1x16xf32> to vector<16xf32>
        %mul3A_598 = vector.broadcast %squeeze3A_593 : f32 to vector<16xf32>
        %mul3A_599 = arith.mulf %get3A_597, %mul3A_598 : vector<16xf32>
        %swap3A_600 = arith.index_cast %add3A_591 : i32 to index
        %swap3A_601 = arith.constant 0 : index
        %swap3A_602 = tpu.vector_load %arg9[%swap3A_600, %swap3A_601] {strides = array<i32>} : memref<80x80xf32, #tpu.memory_space<vmem>>, vector<1x16xf32>,
        %swap3A_603 = vector.shape_cast %swap3A_602 : vector<1x16xf32> to vector<16xf32>
        %swap3A_604 = vector.shape_cast %mul3A_599 : vector<16xf32> to vector<1x16xf32>
        tpu.vector_store %arg9[%swap3A_600, %swap3A_601], %swap3A_604 {strides = array<i32>} : memref<80x80xf32, #tpu.memory_space<vmem>>, vector<1x16xf32>,
        %get3A_605 = arith.index_cast %add3A_591 : i32 to index
        %get3A_606 = arith.constant 16 : index
        %get3A_607 = tpu.vector_load %arg7[%get3A_605, %get3A_606] {strides = array<i32>} : memref<80x64xf32, #tpu.memory_space<vmem>>, vector<1x16xf32>,
        %get3A_608 = vector.shape_cast %get3A_607 : vector<1x16xf32> to vector<16xf32>
        %mul3A_609 = vector.broadcast %squeeze3A_593 : f32 to vector<16xf32>
        %mul3A_610 = arith.mulf %get3A_608, %mul3A_609 : vector<16xf32>
        %swap3A_611 = arith.index_cast %add3A_591 : i32 to index
        %swap3A_612 = arith.constant 16 : index
        %swap3A_613 = tpu.vector_load %arg9[%swap3A_611, %swap3A_612] {strides = array<i32>} : memref<80x80xf32, #tpu.memory_space<vmem>>, vector<1x16xf32>,
        %swap3A_614 = vector.shape_cast %swap3A_613 : vector<1x16xf32> to vector<16xf32>
        %swap3A_615 = vector.shape_cast %mul3A_610 : vector<16xf32> to vector<1x16xf32>
        tpu.vector_store %arg9[%swap3A_611, %swap3A_612], %swap3A_615 {strides = array<i32>} : memref<80x80xf32, #tpu.memory_space<vmem>>, vector<1x16xf32>,
        %get3A_616 = arith.index_cast %add3A_591 : i32 to index
        %get3A_617 = arith.constant 32 : index
        %get3A_618 = tpu.vector_load %arg7[%get3A_616, %get3A_617] {strides = array<i32>} : memref<80x64xf32, #tpu.memory_space<vmem>>, vector<1x16xf32>,
        %get3A_619 = vector.shape_cast %get3A_618 : vector<1x16xf32> to vector<16xf32>
        %mul3A_620 = vector.broadcast %squeeze3A_593 : f32 to vector<16xf32>
        %mul3A_621 = arith.mulf %get3A_619, %mul3A_620 : vector<16xf32>
        %swap3A_622 = arith.index_cast %add3A_591 : i32 to index
        %swap3A_623 = arith.constant 32 : index
        %swap3A_624 = tpu.vector_load %arg9[%swap3A_622, %swap3A_623] {strides = array<i32>} : memref<80x80xf32, #tpu.memory_space<vmem>>, vector<1x16xf32>,
        %swap3A_625 = vector.shape_cast %swap3A_624 : vector<1x16xf32> to vector<16xf32>
        %swap3A_626 = vector.shape_cast %mul3A_621 : vector<16xf32> to vector<1x16xf32>
        tpu.vector_store %arg9[%swap3A_622, %swap3A_623], %swap3A_626 {strides = array<i32>} : memref<80x80xf32, #tpu.memory_space<vmem>>, vector<1x16xf32>,
        %get3A_627 = arith.index_cast %add3A_591 : i32 to index
        %get3A_628 = arith.constant 48 : index
        %get3A_629 = tpu.vector_load %arg7[%get3A_627, %get3A_628] {strides = array<i32>} : memref<80x64xf32, #tpu.memory_space<vmem>>, vector<1x16xf32>,
        %get3A_630 = vector.shape_cast %get3A_629 : vector<1x16xf32> to vector<16xf32>
        %mul3A_631 = vector.broadcast %squeeze3A_593 : f32 to vector<16xf32>
        %mul3A_632 = arith.mulf %get3A_630, %mul3A_631 : vector<16xf32>
        %swap3A_633 = arith.index_cast %add3A_591 : i32 to index
        %swap3A_634 = arith.constant 48 : index
        %swap3A_635 = tpu.vector_load %arg9[%swap3A_633, %swap3A_634] {strides = array<i32>} : memref<80x80xf32, #tpu.memory_space<vmem>>, vector<1x16xf32>,
        %swap3A_636 = vector.shape_cast %swap3A_635 : vector<1x16xf32> to vector<16xf32>
        %swap3A_637 = vector.shape_cast %mul3A_632 : vector<16xf32> to vector<1x16xf32>
        tpu.vector_store %arg9[%swap3A_633, %swap3A_634], %swap3A_637 {strides = array<i32>} : memref<80x80xf32, #tpu.memory_space<vmem>>, vector<1x16xf32>,
        %broadcast_in_dim3A_638 = vector.broadcast %squeeze3A_593 : f32 to vector<16xf32>
        %swap3A_639 = arith.index_cast %add3A_591 : i32 to index
        %swap3A_640 = arith.constant 64 : index
        %swap3A_641 = tpu.vector_load %arg9[%swap3A_639, %swap3A_640] {strides = array<i32>} : memref<80x80xf32, #tpu.memory_space<vmem>>, vector<1x16xf32>,
        %swap3A_642 = vector.shape_cast %swap3A_641 : vector<1x16xf32> to vector<16xf32>
        %swap3A_643 = vector.shape_cast %broadcast_in_dim3A_638 : vector<16xf32> to vector<1x16xf32>
        tpu.vector_store %arg9[%swap3A_639, %swap3A_640], %swap3A_643 {strides = array<i32>} : memref<80x80xf32, #tpu.memory_space<vmem>>, vector<1x16xf32>,
        %mul3A_644 = arith.constant 16 : i32
        %mul3A_645 = arith.muli %scan3A_138, %mul3A_644 : i32
        %add3A_646 = arith.constant 9 : i32
        %add3A_647 = arith.addi %mul3A_645, %add3A_646 : i32
        %slice3A_648 = vector.extract_strided_slice %get3A_142 {offsets = [9], sizes = [1], strides = [1]} : vector<16xf32> to vector<1xf32>
        %squeeze3A_649 = vector.extract %slice3A_648[0] : f32 from vector<1xf32>
        %get3A_650 = arith.index_cast %add3A_647 : i32 to index
        %get3A_651 = arith.constant 0 : index
        %get3A_652 = tpu.vector_load %arg7[%get3A_650, %get3A_651] {strides = array<i32>} : memref<80x64xf32, #tpu.memory_space<vmem>>, vector<1x16xf32>,
        %get3A_653 = vector.shape_cast %get3A_652 : vector<1x16xf32> to vector<16xf32>
        %mul3A_654 = vector.broadcast %squeeze3A_649 : f32 to vector<16xf32>
        %mul3A_655 = arith.mulf %get3A_653, %mul3A_654 : vector<16xf32>
        %swap3A_656 = arith.index_cast %add3A_647 : i32 to index
        %swap3A_657 = arith.constant 0 : index
        %swap3A_658 = tpu.vector_load %arg9[%swap3A_656, %swap3A_657] {strides = array<i32>} : memref<80x80xf32, #tpu.memory_space<vmem>>, vector<1x16xf32>,
        %swap3A_659 = vector.shape_cast %swap3A_658 : vector<1x16xf32> to vector<16xf32>
        %swap3A_660 = vector.shape_cast %mul3A_655 : vector<16xf32> to vector<1x16xf32>
        tpu.vector_store %arg9[%swap3A_656, %swap3A_657], %swap3A_660 {strides = array<i32>} : memref<80x80xf32, #tpu.memory_space<vmem>>, vector<1x16xf32>,
        %get3A_661 = arith.index_cast %add3A_647 : i32 to index
        %get3A_662 = arith.constant 16 : index
        %get3A_663 = tpu.vector_load %arg7[%get3A_661, %get3A_662] {strides = array<i32>} : memref<80x64xf32, #tpu.memory_space<vmem>>, vector<1x16xf32>,
        %get3A_664 = vector.shape_cast %get3A_663 : vector<1x16xf32> to vector<16xf32>
        %mul3A_665 = vector.broadcast %squeeze3A_649 : f32 to vector<16xf32>
        %mul3A_666 = arith.mulf %get3A_664, %mul3A_665 : vector<16xf32>
        %swap3A_667 = arith.index_cast %add3A_647 : i32 to index
        %swap3A_668 = arith.constant 16 : index
        %swap3A_669 = tpu.vector_load %arg9[%swap3A_667, %swap3A_668] {strides = array<i32>} : memref<80x80xf32, #tpu.memory_space<vmem>>, vector<1x16xf32>,
        %swap3A_670 = vector.shape_cast %swap3A_669 : vector<1x16xf32> to vector<16xf32>
        %swap3A_671 = vector.shape_cast %mul3A_666 : vector<16xf32> to vector<1x16xf32>
        tpu.vector_store %arg9[%swap3A_667, %swap3A_668], %swap3A_671 {strides = array<i32>} : memref<80x80xf32, #tpu.memory_space<vmem>>, vector<1x16xf32>,
        %get3A_672 = arith.index_cast %add3A_647 : i32 to index
        %get3A_673 = arith.constant 32 : index
        %get3A_674 = tpu.vector_load %arg7[%get3A_672, %get3A_673] {strides = array<i32>} : memref<80x64xf32, #tpu.memory_space<vmem>>, vector<1x16xf32>,
        %get3A_675 = vector.shape_cast %get3A_674 : vector<1x16xf32> to vector<16xf32>
        %mul3A_676 = vector.broadcast %squeeze3A_649 : f32 to vector<16xf32>
        %mul3A_677 = arith.mulf %get3A_675, %mul3A_676 : vector<16xf32>
        %swap3A_678 = arith.index_cast %add3A_647 : i32 to index
        %swap3A_679 = arith.constant 32 : index
        %swap3A_680 = tpu.vector_load %arg9[%swap3A_678, %swap3A_679] {strides = array<i32>} : memref<80x80xf32, #tpu.memory_space<vmem>>, vector<1x16xf32>,
        %swap3A_681 = vector.shape_cast %swap3A_680 : vector<1x16xf32> to vector<16xf32>
        %swap3A_682 = vector.shape_cast %mul3A_677 : vector<16xf32> to vector<1x16xf32>
        tpu.vector_store %arg9[%swap3A_678, %swap3A_679], %swap3A_682 {strides = array<i32>} : memref<80x80xf32, #tpu.memory_space<vmem>>, vector<1x16xf32>,
        %get3A_683 = arith.index_cast %add3A_647 : i32 to index
        %get3A_684 = arith.constant 48 : index
        %get3A_685 = tpu.vector_load %arg7[%get3A_683, %get3A_684] {strides = array<i32>} : memref<80x64xf32, #tpu.memory_space<vmem>>, vector<1x16xf32>,
        %get3A_686 = vector.shape_cast %get3A_685 : vector<1x16xf32> to vector<16xf32>
        %mul3A_687 = vector.broadcast %squeeze3A_649 : f32 to vector<16xf32>
        %mul3A_688 = arith.mulf %get3A_686, %mul3A_687 : vector<16xf32>
        %swap3A_689 = arith.index_cast %add3A_647 : i32 to index
        %swap3A_690 = arith.constant 48 : index
        %swap3A_691 = tpu.vector_load %arg9[%swap3A_689, %swap3A_690] {strides = array<i32>} : memref<80x80xf32, #tpu.memory_space<vmem>>, vector<1x16xf32>,
        %swap3A_692 = vector.shape_cast %swap3A_691 : vector<1x16xf32> to vector<16xf32>
        %swap3A_693 = vector.shape_cast %mul3A_688 : vector<16xf32> to vector<1x16xf32>
        tpu.vector_store %arg9[%swap3A_689, %swap3A_690], %swap3A_693 {strides = array<i32>} : memref<80x80xf32, #tpu.memory_space<vmem>>, vector<1x16xf32>,
        %broadcast_in_dim3A_694 = vector.broadcast %squeeze3A_649 : f32 to vector<16xf32>
        %swap3A_695 = arith.index_cast %add3A_647 : i32 to index
        %swap3A_696 = arith.constant 64 : index
        %swap3A_697 = tpu.vector_load %arg9[%swap3A_695, %swap3A_696] {strides = array<i32>} : memref<80x80xf32, #tpu.memory_space<vmem>>, vector<1x16xf32>,
        %swap3A_698 = vector.shape_cast %swap3A_697 : vector<1x16xf32> to vector<16xf32>
        %swap3A_699 = vector.shape_cast %broadcast_in_dim3A_694 : vector<16xf32> to vector<1x16xf32>
        tpu.vector_store %arg9[%swap3A_695, %swap3A_696], %swap3A_699 {strides = array<i32>} : memref<80x80xf32, #tpu.memory_space<vmem>>, vector<1x16xf32>,
        %mul3A_700 = arith.constant 16 : i32
        %mul3A_701 = arith.muli %scan3A_138, %mul3A_700 : i32
        %add3A_702 = arith.constant 10 : i32
        %add3A_703 = arith.addi %mul3A_701, %add3A_702 : i32
        %slice3A_704 = vector.extract_strided_slice %get3A_142 {offsets = [10], sizes = [1], strides = [1]} : vector<16xf32> to vector<1xf32>
        %squeeze3A_705 = vector.extract %slice3A_704[0] : f32 from vector<1xf32>
        %get3A_706 = arith.index_cast %add3A_703 : i32 to index
        %get3A_707 = arith.constant 0 : index
        %get3A_708 = tpu.vector_load %arg7[%get3A_706, %get3A_707] {strides = array<i32>} : memref<80x64xf32, #tpu.memory_space<vmem>>, vector<1x16xf32>,
        %get3A_709 = vector.shape_cast %get3A_708 : vector<1x16xf32> to vector<16xf32>
        %mul3A_710 = vector.broadcast %squeeze3A_705 : f32 to vector<16xf32>
        %mul3A_711 = arith.mulf %get3A_709, %mul3A_710 : vector<16xf32>
        %swap3A_712 = arith.index_cast %add3A_703 : i32 to index
        %swap3A_713 = arith.constant 0 : index
        %swap3A_714 = tpu.vector_load %arg9[%swap3A_712, %swap3A_713] {strides = array<i32>} : memref<80x80xf32, #tpu.memory_space<vmem>>, vector<1x16xf32>,
        %swap3A_715 = vector.shape_cast %swap3A_714 : vector<1x16xf32> to vector<16xf32>
        %swap3A_716 = vector.shape_cast %mul3A_711 : vector<16xf32> to vector<1x16xf32>
        tpu.vector_store %arg9[%swap3A_712, %swap3A_713], %swap3A_716 {strides = array<i32>} : memref<80x80xf32, #tpu.memory_space<vmem>>, vector<1x16xf32>,
        %get3A_717 = arith.index_cast %add3A_703 : i32 to index
        %get3A_718 = arith.constant 16 : index
        %get3A_719 = tpu.vector_load %arg7[%get3A_717, %get3A_718] {strides = array<i32>} : memref<80x64xf32, #tpu.memory_space<vmem>>, vector<1x16xf32>,
        %get3A_720 = vector.shape_cast %get3A_719 : vector<1x16xf32> to vector<16xf32>
        %mul3A_721 = vector.broadcast %squeeze3A_705 : f32 to vector<16xf32>
        %mul3A_722 = arith.mulf %get3A_720, %mul3A_721 : vector<16xf32>
        %swap3A_723 = arith.index_cast %add3A_703 : i32 to index
        %swap3A_724 = arith.constant 16 : index
        %swap3A_725 = tpu.vector_load %arg9[%swap3A_723, %swap3A_724] {strides = array<i32>} : memref<80x80xf32, #tpu.memory_space<vmem>>, vector<1x16xf32>,
        %swap3A_726 = vector.shape_cast %swap3A_725 : vector<1x16xf32> to vector<16xf32>
        %swap3A_727 = vector.shape_cast %mul3A_722 : vector<16xf32> to vector<1x16xf32>
        tpu.vector_store %arg9[%swap3A_723, %swap3A_724], %swap3A_727 {strides = array<i32>} : memref<80x80xf32, #tpu.memory_space<vmem>>, vector<1x16xf32>,
        %get3A_728 = arith.index_cast %add3A_703 : i32 to index
        %get3A_729 = arith.constant 32 : index
        %get3A_730 = tpu.vector_load %arg7[%get3A_728, %get3A_729] {strides = array<i32>} : memref<80x64xf32, #tpu.memory_space<vmem>>, vector<1x16xf32>,
        %get3A_731 = vector.shape_cast %get3A_730 : vector<1x16xf32> to vector<16xf32>
        %mul3A_732 = vector.broadcast %squeeze3A_705 : f32 to vector<16xf32>
        %mul3A_733 = arith.mulf %get3A_731, %mul3A_732 : vector<16xf32>
        %swap3A_734 = arith.index_cast %add3A_703 : i32 to index
        %swap3A_735 = arith.constant 32 : index
        %swap3A_736 = tpu.vector_load %arg9[%swap3A_734, %swap3A_735] {strides = array<i32>} : memref<80x80xf32, #tpu.memory_space<vmem>>, vector<1x16xf32>,
        %swap3A_737 = vector.shape_cast %swap3A_736 : vector<1x16xf32> to vector<16xf32>
        %swap3A_738 = vector.shape_cast %mul3A_733 : vector<16xf32> to vector<1x16xf32>
        tpu.vector_store %arg9[%swap3A_734, %swap3A_735], %swap3A_738 {strides = array<i32>} : memref<80x80xf32, #tpu.memory_space<vmem>>, vector<1x16xf32>,
        %get3A_739 = arith.index_cast %add3A_703 : i32 to index
        %get3A_740 = arith.constant 48 : index
        %get3A_741 = tpu.vector_load %arg7[%get3A_739, %get3A_740] {strides = array<i32>} : memref<80x64xf32, #tpu.memory_space<vmem>>, vector<1x16xf32>,
        %get3A_742 = vector.shape_cast %get3A_741 : vector<1x16xf32> to vector<16xf32>
        %mul3A_743 = vector.broadcast %squeeze3A_705 : f32 to vector<16xf32>
        %mul3A_744 = arith.mulf %get3A_742, %mul3A_743 : vector<16xf32>
        %swap3A_745 = arith.index_cast %add3A_703 : i32 to index
        %swap3A_746 = arith.constant 48 : index
        %swap3A_747 = tpu.vector_load %arg9[%swap3A_745, %swap3A_746] {strides = array<i32>} : memref<80x80xf32, #tpu.memory_space<vmem>>, vector<1x16xf32>,
        %swap3A_748 = vector.shape_cast %swap3A_747 : vector<1x16xf32> to vector<16xf32>
        %swap3A_749 = vector.shape_cast %mul3A_744 : vector<16xf32> to vector<1x16xf32>
        tpu.vector_store %arg9[%swap3A_745, %swap3A_746], %swap3A_749 {strides = array<i32>} : memref<80x80xf32, #tpu.memory_space<vmem>>, vector<1x16xf32>,
        %broadcast_in_dim3A_750 = vector.broadcast %squeeze3A_705 : f32 to vector<16xf32>
        %swap3A_751 = arith.index_cast %add3A_703 : i32 to index
        %swap3A_752 = arith.constant 64 : index
        %swap3A_753 = tpu.vector_load %arg9[%swap3A_751, %swap3A_752] {strides = array<i32>} : memref<80x80xf32, #tpu.memory_space<vmem>>, vector<1x16xf32>,
        %swap3A_754 = vector.shape_cast %swap3A_753 : vector<1x16xf32> to vector<16xf32>
        %swap3A_755 = vector.shape_cast %broadcast_in_dim3A_750 : vector<16xf32> to vector<1x16xf32>
        tpu.vector_store %arg9[%swap3A_751, %swap3A_752], %swap3A_755 {strides = array<i32>} : memref<80x80xf32, #tpu.memory_space<vmem>>, vector<1x16xf32>,
        %mul3A_756 = arith.constant 16 : i32
        %mul3A_757 = arith.muli %scan3A_138, %mul3A_756 : i32
        %add3A_758 = arith.constant 11 : i32
        %add3A_759 = arith.addi %mul3A_757, %add3A_758 : i32
        %slice3A_760 = vector.extract_strided_slice %get3A_142 {offsets = [11], sizes = [1], strides = [1]} : vector<16xf32> to vector<1xf32>
        %squeeze3A_761 = vector.extract %slice3A_760[0] : f32 from vector<1xf32>
        %get3A_762 = arith.index_cast %add3A_759 : i32 to index
        %get3A_763 = arith.constant 0 : index
        %get3A_764 = tpu.vector_load %arg7[%get3A_762, %get3A_763] {strides = array<i32>} : memref<80x64xf32, #tpu.memory_space<vmem>>, vector<1x16xf32>,
        %get3A_765 = vector.shape_cast %get3A_764 : vector<1x16xf32> to vector<16xf32>
        %mul3A_766 = vector.broadcast %squeeze3A_761 : f32 to vector<16xf32>
        %mul3A_767 = arith.mulf %get3A_765, %mul3A_766 : vector<16xf32>
        %swap3A_768 = arith.index_cast %add3A_759 : i32 to index
        %swap3A_769 = arith.constant 0 : index
        %swap3A_770 = tpu.vector_load %arg9[%swap3A_768, %swap3A_769] {strides = array<i32>} : memref<80x80xf32, #tpu.memory_space<vmem>>, vector<1x16xf32>,
        %swap3A_771 = vector.shape_cast %swap3A_770 : vector<1x16xf32> to vector<16xf32>
        %swap3A_772 = vector.shape_cast %mul3A_767 : vector<16xf32> to vector<1x16xf32>
        tpu.vector_store %arg9[%swap3A_768, %swap3A_769], %swap3A_772 {strides = array<i32>} : memref<80x80xf32, #tpu.memory_space<vmem>>, vector<1x16xf32>,
        %get3A_773 = arith.index_cast %add3A_759 : i32 to index
        %get3A_774 = arith.constant 16 : index
        %get3A_775 = tpu.vector_load %arg7[%get3A_773, %get3A_774] {strides = array<i32>} : memref<80x64xf32, #tpu.memory_space<vmem>>, vector<1x16xf32>,
        %get3A_776 = vector.shape_cast %get3A_775 : vector<1x16xf32> to vector<16xf32>
        %mul3A_777 = vector.broadcast %squeeze3A_761 : f32 to vector<16xf32>
        %mul3A_778 = arith.mulf %get3A_776, %mul3A_777 : vector<16xf32>
        %swap3A_779 = arith.index_cast %add3A_759 : i32 to index
        %swap3A_780 = arith.constant 16 : index
        %swap3A_781 = tpu.vector_load %arg9[%swap3A_779, %swap3A_780] {strides = array<i32>} : memref<80x80xf32, #tpu.memory_space<vmem>>, vector<1x16xf32>,
        %swap3A_782 = vector.shape_cast %swap3A_781 : vector<1x16xf32> to vector<16xf32>
        %swap3A_783 = vector.shape_cast %mul3A_778 : vector<16xf32> to vector<1x16xf32>
        tpu.vector_store %arg9[%swap3A_779, %swap3A_780], %swap3A_783 {strides = array<i32>} : memref<80x80xf32, #tpu.memory_space<vmem>>, vector<1x16xf32>,
        %get3A_784 = arith.index_cast %add3A_759 : i32 to index
        %get3A_785 = arith.constant 32 : index
        %get3A_786 = tpu.vector_load %arg7[%get3A_784, %get3A_785] {strides = array<i32>} : memref<80x64xf32, #tpu.memory_space<vmem>>, vector<1x16xf32>,
        %get3A_787 = vector.shape_cast %get3A_786 : vector<1x16xf32> to vector<16xf32>
        %mul3A_788 = vector.broadcast %squeeze3A_761 : f32 to vector<16xf32>
        %mul3A_789 = arith.mulf %get3A_787, %mul3A_788 : vector<16xf32>
        %swap3A_790 = arith.index_cast %add3A_759 : i32 to index
        %swap3A_791 = arith.constant 32 : index
        %swap3A_792 = tpu.vector_load %arg9[%swap3A_790, %swap3A_791] {strides = array<i32>} : memref<80x80xf32, #tpu.memory_space<vmem>>, vector<1x16xf32>,
        %swap3A_793 = vector.shape_cast %swap3A_792 : vector<1x16xf32> to vector<16xf32>
        %swap3A_794 = vector.shape_cast %mul3A_789 : vector<16xf32> to vector<1x16xf32>
        tpu.vector_store %arg9[%swap3A_790, %swap3A_791], %swap3A_794 {strides = array<i32>} : memref<80x80xf32, #tpu.memory_space<vmem>>, vector<1x16xf32>,
        %get3A_795 = arith.index_cast %add3A_759 : i32 to index
        %get3A_796 = arith.constant 48 : index
        %get3A_797 = tpu.vector_load %arg7[%get3A_795, %get3A_796] {strides = array<i32>} : memref<80x64xf32, #tpu.memory_space<vmem>>, vector<1x16xf32>,
        %get3A_798 = vector.shape_cast %get3A_797 : vector<1x16xf32> to vector<16xf32>
        %mul3A_799 = vector.broadcast %squeeze3A_761 : f32 to vector<16xf32>
        %mul3A_800 = arith.mulf %get3A_798, %mul3A_799 : vector<16xf32>
        %swap3A_801 = arith.index_cast %add3A_759 : i32 to index
        %swap3A_802 = arith.constant 48 : index
        %swap3A_803 = tpu.vector_load %arg9[%swap3A_801, %swap3A_802] {strides = array<i32>} : memref<80x80xf32, #tpu.memory_space<vmem>>, vector<1x16xf32>,
        %swap3A_804 = vector.shape_cast %swap3A_803 : vector<1x16xf32> to vector<16xf32>
        %swap3A_805 = vector.shape_cast %mul3A_800 : vector<16xf32> to vector<1x16xf32>
        tpu.vector_store %arg9[%swap3A_801, %swap3A_802], %swap3A_805 {strides = array<i32>} : memref<80x80xf32, #tpu.memory_space<vmem>>, vector<1x16xf32>,
        %broadcast_in_dim3A_806 = vector.broadcast %squeeze3A_761 : f32 to vector<16xf32>
        %swap3A_807 = arith.index_cast %add3A_759 : i32 to index
        %swap3A_808 = arith.constant 64 : index
        %swap3A_809 = tpu.vector_load %arg9[%swap3A_807, %swap3A_808] {strides = array<i32>} : memref<80x80xf32, #tpu.memory_space<vmem>>, vector<1x16xf32>,
        %swap3A_810 = vector.shape_cast %swap3A_809 : vector<1x16xf32> to vector<16xf32>
        %swap3A_811 = vector.shape_cast %broadcast_in_dim3A_806 : vector<16xf32> to vector<1x16xf32>
        tpu.vector_store %arg9[%swap3A_807, %swap3A_808], %swap3A_811 {strides = array<i32>} : memref<80x80xf32, #tpu.memory_space<vmem>>, vector<1x16xf32>,
        %mul3A_812 = arith.constant 16 : i32
        %mul3A_813 = arith.muli %scan3A_138, %mul3A_812 : i32
        %add3A_814 = arith.constant 12 : i32
        %add3A_815 = arith.addi %mul3A_813, %add3A_814 : i32
        %slice3A_816 = vector.extract_strided_slice %get3A_142 {offsets = [12], sizes = [1], strides = [1]} : vector<16xf32> to vector<1xf32>
        %squeeze3A_817 = vector.extract %slice3A_816[0] : f32 from vector<1xf32>
        %get3A_818 = arith.index_cast %add3A_815 : i32 to index
        %get3A_819 = arith.constant 0 : index
        %get3A_820 = tpu.vector_load %arg7[%get3A_818, %get3A_819] {strides = array<i32>} : memref<80x64xf32, #tpu.memory_space<vmem>>, vector<1x16xf32>,
        %get3A_821 = vector.shape_cast %get3A_820 : vector<1x16xf32> to vector<16xf32>
        %mul3A_822 = vector.broadcast %squeeze3A_817 : f32 to vector<16xf32>
        %mul3A_823 = arith.mulf %get3A_821, %mul3A_822 : vector<16xf32>
        %swap3A_824 = arith.index_cast %add3A_815 : i32 to index
        %swap3A_825 = arith.constant 0 : index
        %swap3A_826 = tpu.vector_load %arg9[%swap3A_824, %swap3A_825] {strides = array<i32>} : memref<80x80xf32, #tpu.memory_space<vmem>>, vector<1x16xf32>,
        %swap3A_827 = vector.shape_cast %swap3A_826 : vector<1x16xf32> to vector<16xf32>
        %swap3A_828 = vector.shape_cast %mul3A_823 : vector<16xf32> to vector<1x16xf32>
        tpu.vector_store %arg9[%swap3A_824, %swap3A_825], %swap3A_828 {strides = array<i32>} : memref<80x80xf32, #tpu.memory_space<vmem>>, vector<1x16xf32>,
        %get3A_829 = arith.index_cast %add3A_815 : i32 to index
        %get3A_830 = arith.constant 16 : index
        %get3A_831 = tpu.vector_load %arg7[%get3A_829, %get3A_830] {strides = array<i32>} : memref<80x64xf32, #tpu.memory_space<vmem>>, vector<1x16xf32>,
        %get3A_832 = vector.shape_cast %get3A_831 : vector<1x16xf32> to vector<16xf32>
        %mul3A_833 = vector.broadcast %squeeze3A_817 : f32 to vector<16xf32>
        %mul3A_834 = arith.mulf %get3A_832, %mul3A_833 : vector<16xf32>
        %swap3A_835 = arith.index_cast %add3A_815 : i32 to index
        %swap3A_836 = arith.constant 16 : index
        %swap3A_837 = tpu.vector_load %arg9[%swap3A_835, %swap3A_836] {strides = array<i32>} : memref<80x80xf32, #tpu.memory_space<vmem>>, vector<1x16xf32>,
        %swap3A_838 = vector.shape_cast %swap3A_837 : vector<1x16xf32> to vector<16xf32>
        %swap3A_839 = vector.shape_cast %mul3A_834 : vector<16xf32> to vector<1x16xf32>
        tpu.vector_store %arg9[%swap3A_835, %swap3A_836], %swap3A_839 {strides = array<i32>} : memref<80x80xf32, #tpu.memory_space<vmem>>, vector<1x16xf32>,
        %get3A_840 = arith.index_cast %add3A_815 : i32 to index
        %get3A_841 = arith.constant 32 : index
        %get3A_842 = tpu.vector_load %arg7[%get3A_840, %get3A_841] {strides = array<i32>} : memref<80x64xf32, #tpu.memory_space<vmem>>, vector<1x16xf32>,
        %get3A_843 = vector.shape_cast %get3A_842 : vector<1x16xf32> to vector<16xf32>
        %mul3A_844 = vector.broadcast %squeeze3A_817 : f32 to vector<16xf32>
        %mul3A_845 = arith.mulf %get3A_843, %mul3A_844 : vector<16xf32>
        %swap3A_846 = arith.index_cast %add3A_815 : i32 to index
        %swap3A_847 = arith.constant 32 : index
        %swap3A_848 = tpu.vector_load %arg9[%swap3A_846, %swap3A_847] {strides = array<i32>} : memref<80x80xf32, #tpu.memory_space<vmem>>, vector<1x16xf32>,
        %swap3A_849 = vector.shape_cast %swap3A_848 : vector<1x16xf32> to vector<16xf32>
        %swap3A_850 = vector.shape_cast %mul3A_845 : vector<16xf32> to vector<1x16xf32>
        tpu.vector_store %arg9[%swap3A_846, %swap3A_847], %swap3A_850 {strides = array<i32>} : memref<80x80xf32, #tpu.memory_space<vmem>>, vector<1x16xf32>,
        %get3A_851 = arith.index_cast %add3A_815 : i32 to index
        %get3A_852 = arith.constant 48 : index
        %get3A_853 = tpu.vector_load %arg7[%get3A_851, %get3A_852] {strides = array<i32>} : memref<80x64xf32, #tpu.memory_space<vmem>>, vector<1x16xf32>,
        %get3A_854 = vector.shape_cast %get3A_853 : vector<1x16xf32> to vector<16xf32>
        %mul3A_855 = vector.broadcast %squeeze3A_817 : f32 to vector<16xf32>
        %mul3A_856 = arith.mulf %get3A_854, %mul3A_855 : vector<16xf32>
        %swap3A_857 = arith.index_cast %add3A_815 : i32 to index
        %swap3A_858 = arith.constant 48 : index
        %swap3A_859 = tpu.vector_load %arg9[%swap3A_857, %swap3A_858] {strides = array<i32>} : memref<80x80xf32, #tpu.memory_space<vmem>>, vector<1x16xf32>,
        %swap3A_860 = vector.shape_cast %swap3A_859 : vector<1x16xf32> to vector<16xf32>
        %swap3A_861 = vector.shape_cast %mul3A_856 : vector<16xf32> to vector<1x16xf32>
        tpu.vector_store %arg9[%swap3A_857, %swap3A_858], %swap3A_861 {strides = array<i32>} : memref<80x80xf32, #tpu.memory_space<vmem>>, vector<1x16xf32>,
        %broadcast_in_dim3A_862 = vector.broadcast %squeeze3A_817 : f32 to vector<16xf32>
        %swap3A_863 = arith.index_cast %add3A_815 : i32 to index
        %swap3A_864 = arith.constant 64 : index
        %swap3A_865 = tpu.vector_load %arg9[%swap3A_863, %swap3A_864] {strides = array<i32>} : memref<80x80xf32, #tpu.memory_space<vmem>>, vector<1x16xf32>,
        %swap3A_866 = vector.shape_cast %swap3A_865 : vector<1x16xf32> to vector<16xf32>
        %swap3A_867 = vector.shape_cast %broadcast_in_dim3A_862 : vector<16xf32> to vector<1x16xf32>
        tpu.vector_store %arg9[%swap3A_863, %swap3A_864], %swap3A_867 {strides = array<i32>} : memref<80x80xf32, #tpu.memory_space<vmem>>, vector<1x16xf32>,
        %mul3A_868 = arith.constant 16 : i32
        %mul3A_869 = arith.muli %scan3A_138, %mul3A_868 : i32
        %add3A_870 = arith.constant 13 : i32
        %add3A_871 = arith.addi %mul3A_869, %add3A_870 : i32
        %slice3A_872 = vector.extract_strided_slice %get3A_142 {offsets = [13], sizes = [1], strides = [1]} : vector<16xf32> to vector<1xf32>
        %squeeze3A_873 = vector.extract %slice3A_872[0] : f32 from vector<1xf32>
        %get3A_874 = arith.index_cast %add3A_871 : i32 to index
        %get3A_875 = arith.constant 0 : index
        %get3A_876 = tpu.vector_load %arg7[%get3A_874, %get3A_875] {strides = array<i32>} : memref<80x64xf32, #tpu.memory_space<vmem>>, vector<1x16xf32>,
        %get3A_877 = vector.shape_cast %get3A_876 : vector<1x16xf32> to vector<16xf32>
        %mul3A_878 = vector.broadcast %squeeze3A_873 : f32 to vector<16xf32>
        %mul3A_879 = arith.mulf %get3A_877, %mul3A_878 : vector<16xf32>
        %swap3A_880 = arith.index_cast %add3A_871 : i32 to index
        %swap3A_881 = arith.constant 0 : index
        %swap3A_882 = tpu.vector_load %arg9[%swap3A_880, %swap3A_881] {strides = array<i32>} : memref<80x80xf32, #tpu.memory_space<vmem>>, vector<1x16xf32>,
        %swap3A_883 = vector.shape_cast %swap3A_882 : vector<1x16xf32> to vector<16xf32>
        %swap3A_884 = vector.shape_cast %mul3A_879 : vector<16xf32> to vector<1x16xf32>
        tpu.vector_store %arg9[%swap3A_880, %swap3A_881], %swap3A_884 {strides = array<i32>} : memref<80x80xf32, #tpu.memory_space<vmem>>, vector<1x16xf32>,
        %get3A_885 = arith.index_cast %add3A_871 : i32 to index
        %get3A_886 = arith.constant 16 : index
        %get3A_887 = tpu.vector_load %arg7[%get3A_885, %get3A_886] {strides = array<i32>} : memref<80x64xf32, #tpu.memory_space<vmem>>, vector<1x16xf32>,
        %get3A_888 = vector.shape_cast %get3A_887 : vector<1x16xf32> to vector<16xf32>
        %mul3A_889 = vector.broadcast %squeeze3A_873 : f32 to vector<16xf32>
        %mul3A_890 = arith.mulf %get3A_888, %mul3A_889 : vector<16xf32>
        %swap3A_891 = arith.index_cast %add3A_871 : i32 to index
        %swap3A_892 = arith.constant 16 : index
        %swap3A_893 = tpu.vector_load %arg9[%swap3A_891, %swap3A_892] {strides = array<i32>} : memref<80x80xf32, #tpu.memory_space<vmem>>, vector<1x16xf32>,
        %swap3A_894 = vector.shape_cast %swap3A_893 : vector<1x16xf32> to vector<16xf32>
        %swap3A_895 = vector.shape_cast %mul3A_890 : vector<16xf32> to vector<1x16xf32>
        tpu.vector_store %arg9[%swap3A_891, %swap3A_892], %swap3A_895 {strides = array<i32>} : memref<80x80xf32, #tpu.memory_space<vmem>>, vector<1x16xf32>,
        %get3A_896 = arith.index_cast %add3A_871 : i32 to index
        %get3A_897 = arith.constant 32 : index
        %get3A_898 = tpu.vector_load %arg7[%get3A_896, %get3A_897] {strides = array<i32>} : memref<80x64xf32, #tpu.memory_space<vmem>>, vector<1x16xf32>,
        %get3A_899 = vector.shape_cast %get3A_898 : vector<1x16xf32> to vector<16xf32>
        %mul3A_900 = vector.broadcast %squeeze3A_873 : f32 to vector<16xf32>
        %mul3A_901 = arith.mulf %get3A_899, %mul3A_900 : vector<16xf32>
        %swap3A_902 = arith.index_cast %add3A_871 : i32 to index
        %swap3A_903 = arith.constant 32 : index
        %swap3A_904 = tpu.vector_load %arg9[%swap3A_902, %swap3A_903] {strides = array<i32>} : memref<80x80xf32, #tpu.memory_space<vmem>>, vector<1x16xf32>,
        %swap3A_905 = vector.shape_cast %swap3A_904 : vector<1x16xf32> to vector<16xf32>
        %swap3A_906 = vector.shape_cast %mul3A_901 : vector<16xf32> to vector<1x16xf32>
        tpu.vector_store %arg9[%swap3A_902, %swap3A_903], %swap3A_906 {strides = array<i32>} : memref<80x80xf32, #tpu.memory_space<vmem>>, vector<1x16xf32>,
        %get3A_907 = arith.index_cast %add3A_871 : i32 to index
        %get3A_908 = arith.constant 48 : index
        %get3A_909 = tpu.vector_load %arg7[%get3A_907, %get3A_908] {strides = array<i32>} : memref<80x64xf32, #tpu.memory_space<vmem>>, vector<1x16xf32>,
        %get3A_910 = vector.shape_cast %get3A_909 : vector<1x16xf32> to vector<16xf32>
        %mul3A_911 = vector.broadcast %squeeze3A_873 : f32 to vector<16xf32>
        %mul3A_912 = arith.mulf %get3A_910, %mul3A_911 : vector<16xf32>
        %swap3A_913 = arith.index_cast %add3A_871 : i32 to index
        %swap3A_914 = arith.constant 48 : index
        %swap3A_915 = tpu.vector_load %arg9[%swap3A_913, %swap3A_914] {strides = array<i32>} : memref<80x80xf32, #tpu.memory_space<vmem>>, vector<1x16xf32>,
        %swap3A_916 = vector.shape_cast %swap3A_915 : vector<1x16xf32> to vector<16xf32>
        %swap3A_917 = vector.shape_cast %mul3A_912 : vector<16xf32> to vector<1x16xf32>
        tpu.vector_store %arg9[%swap3A_913, %swap3A_914], %swap3A_917 {strides = array<i32>} : memref<80x80xf32, #tpu.memory_space<vmem>>, vector<1x16xf32>,
        %broadcast_in_dim3A_918 = vector.broadcast %squeeze3A_873 : f32 to vector<16xf32>
        %swap3A_919 = arith.index_cast %add3A_871 : i32 to index
        %swap3A_920 = arith.constant 64 : index
        %swap3A_921 = tpu.vector_load %arg9[%swap3A_919, %swap3A_920] {strides = array<i32>} : memref<80x80xf32, #tpu.memory_space<vmem>>, vector<1x16xf32>,
        %swap3A_922 = vector.shape_cast %swap3A_921 : vector<1x16xf32> to vector<16xf32>
        %swap3A_923 = vector.shape_cast %broadcast_in_dim3A_918 : vector<16xf32> to vector<1x16xf32>
        tpu.vector_store %arg9[%swap3A_919, %swap3A_920], %swap3A_923 {strides = array<i32>} : memref<80x80xf32, #tpu.memory_space<vmem>>, vector<1x16xf32>,
        %mul3A_924 = arith.constant 16 : i32
        %mul3A_925 = arith.muli %scan3A_138, %mul3A_924 : i32
        %add3A_926 = arith.constant 14 : i32
        %add3A_927 = arith.addi %mul3A_925, %add3A_926 : i32
        %slice3A_928 = vector.extract_strided_slice %get3A_142 {offsets = [14], sizes = [1], strides = [1]} : vector<16xf32> to vector<1xf32>
        %squeeze3A_929 = vector.extract %slice3A_928[0] : f32 from vector<1xf32>
        %get3A_930 = arith.index_cast %add3A_927 : i32 to index
        %get3A_931 = arith.constant 0 : index
        %get3A_932 = tpu.vector_load %arg7[%get3A_930, %get3A_931] {strides = array<i32>} : memref<80x64xf32, #tpu.memory_space<vmem>>, vector<1x16xf32>,
        %get3A_933 = vector.shape_cast %get3A_932 : vector<1x16xf32> to vector<16xf32>
        %mul3A_934 = vector.broadcast %squeeze3A_929 : f32 to vector<16xf32>
        %mul3A_935 = arith.mulf %get3A_933, %mul3A_934 : vector<16xf32>
        %swap3A_936 = arith.index_cast %add3A_927 : i32 to index
        %swap3A_937 = arith.constant 0 : index
        %swap3A_938 = tpu.vector_load %arg9[%swap3A_936, %swap3A_937] {strides = array<i32>} : memref<80x80xf32, #tpu.memory_space<vmem>>, vector<1x16xf32>,
        %swap3A_939 = vector.shape_cast %swap3A_938 : vector<1x16xf32> to vector<16xf32>
        %swap3A_940 = vector.shape_cast %mul3A_935 : vector<16xf32> to vector<1x16xf32>
        tpu.vector_store %arg9[%swap3A_936, %swap3A_937], %swap3A_940 {strides = array<i32>} : memref<80x80xf32, #tpu.memory_space<vmem>>, vector<1x16xf32>,
        %get3A_941 = arith.index_cast %add3A_927 : i32 to index
        %get3A_942 = arith.constant 16 : index
        %get3A_943 = tpu.vector_load %arg7[%get3A_941, %get3A_942] {strides = array<i32>} : memref<80x64xf32, #tpu.memory_space<vmem>>, vector<1x16xf32>,
        %get3A_944 = vector.shape_cast %get3A_943 : vector<1x16xf32> to vector<16xf32>
        %mul3A_945 = vector.broadcast %squeeze3A_929 : f32 to vector<16xf32>
        %mul3A_946 = arith.mulf %get3A_944, %mul3A_945 : vector<16xf32>
        %swap3A_947 = arith.index_cast %add3A_927 : i32 to index
        %swap3A_948 = arith.constant 16 : index
        %swap3A_949 = tpu.vector_load %arg9[%swap3A_947, %swap3A_948] {strides = array<i32>} : memref<80x80xf32, #tpu.memory_space<vmem>>, vector<1x16xf32>,
        %swap3A_950 = vector.shape_cast %swap3A_949 : vector<1x16xf32> to vector<16xf32>
        %swap3A_951 = vector.shape_cast %mul3A_946 : vector<16xf32> to vector<1x16xf32>
        tpu.vector_store %arg9[%swap3A_947, %swap3A_948], %swap3A_951 {strides = array<i32>} : memref<80x80xf32, #tpu.memory_space<vmem>>, vector<1x16xf32>,
        %get3A_952 = arith.index_cast %add3A_927 : i32 to index
        %get3A_953 = arith.constant 32 : index
        %get3A_954 = tpu.vector_load %arg7[%get3A_952, %get3A_953] {strides = array<i32>} : memref<80x64xf32, #tpu.memory_space<vmem>>, vector<1x16xf32>,
        %get3A_955 = vector.shape_cast %get3A_954 : vector<1x16xf32> to vector<16xf32>
        %mul3A_956 = vector.broadcast %squeeze3A_929 : f32 to vector<16xf32>
        %mul3A_957 = arith.mulf %get3A_955, %mul3A_956 : vector<16xf32>
        %swap3A_958 = arith.index_cast %add3A_927 : i32 to index
        %swap3A_959 = arith.constant 32 : index
        %swap3A_960 = tpu.vector_load %arg9[%swap3A_958, %swap3A_959] {strides = array<i32>} : memref<80x80xf32, #tpu.memory_space<vmem>>, vector<1x16xf32>,
        %swap3A_961 = vector.shape_cast %swap3A_960 : vector<1x16xf32> to vector<16xf32>
        %swap3A_962 = vector.shape_cast %mul3A_957 : vector<16xf32> to vector<1x16xf32>
        tpu.vector_store %arg9[%swap3A_958, %swap3A_959], %swap3A_962 {strides = array<i32>} : memref<80x80xf32, #tpu.memory_space<vmem>>, vector<1x16xf32>,
        %get3A_963 = arith.index_cast %add3A_927 : i32 to index
        %get3A_964 = arith.constant 48 : index
        %get3A_965 = tpu.vector_load %arg7[%get3A_963, %get3A_964] {strides = array<i32>} : memref<80x64xf32, #tpu.memory_space<vmem>>, vector<1x16xf32>,
        %get3A_966 = vector.shape_cast %get3A_965 : vector<1x16xf32> to vector<16xf32>
        %mul3A_967 = vector.broadcast %squeeze3A_929 : f32 to vector<16xf32>
        %mul3A_968 = arith.mulf %get3A_966, %mul3A_967 : vector<16xf32>
        %swap3A_969 = arith.index_cast %add3A_927 : i32 to index
        %swap3A_970 = arith.constant 48 : index
        %swap3A_971 = tpu.vector_load %arg9[%swap3A_969, %swap3A_970] {strides = array<i32>} : memref<80x80xf32, #tpu.memory_space<vmem>>, vector<1x16xf32>,
        %swap3A_972 = vector.shape_cast %swap3A_971 : vector<1x16xf32> to vector<16xf32>
        %swap3A_973 = vector.shape_cast %mul3A_968 : vector<16xf32> to vector<1x16xf32>
        tpu.vector_store %arg9[%swap3A_969, %swap3A_970], %swap3A_973 {strides = array<i32>} : memref<80x80xf32, #tpu.memory_space<vmem>>, vector<1x16xf32>,
        %broadcast_in_dim3A_974 = vector.broadcast %squeeze3A_929 : f32 to vector<16xf32>
        %swap3A_975 = arith.index_cast %add3A_927 : i32 to index
        %swap3A_976 = arith.constant 64 : index
        %swap3A_977 = tpu.vector_load %arg9[%swap3A_975, %swap3A_976] {strides = array<i32>} : memref<80x80xf32, #tpu.memory_space<vmem>>, vector<1x16xf32>,
        %swap3A_978 = vector.shape_cast %swap3A_977 : vector<1x16xf32> to vector<16xf32>
        %swap3A_979 = vector.shape_cast %broadcast_in_dim3A_974 : vector<16xf32> to vector<1x16xf32>
        tpu.vector_store %arg9[%swap3A_975, %swap3A_976], %swap3A_979 {strides = array<i32>} : memref<80x80xf32, #tpu.memory_space<vmem>>, vector<1x16xf32>,
        %mul3A_980 = arith.constant 16 : i32
        %mul3A_981 = arith.muli %scan3A_138, %mul3A_980 : i32
        %add3A_982 = arith.constant 15 : i32
        %add3A_983 = arith.addi %mul3A_981, %add3A_982 : i32
        %slice3A_984 = vector.extract_strided_slice %get3A_142 {offsets = [15], sizes = [1], strides = [1]} : vector<16xf32> to vector<1xf32>
        %squeeze3A_985 = vector.extract %slice3A_984[0] : f32 from vector<1xf32>
        %get3A_986 = arith.index_cast %add3A_983 : i32 to index
        %get3A_987 = arith.constant 0 : index
        %get3A_988 = tpu.vector_load %arg7[%get3A_986, %get3A_987] {strides = array<i32>} : memref<80x64xf32, #tpu.memory_space<vmem>>, vector<1x16xf32>,
        %get3A_989 = vector.shape_cast %get3A_988 : vector<1x16xf32> to vector<16xf32>
        %mul3A_990 = vector.broadcast %squeeze3A_985 : f32 to vector<16xf32>
        %mul3A_991 = arith.mulf %get3A_989, %mul3A_990 : vector<16xf32>
        %swap3A_992 = arith.index_cast %add3A_983 : i32 to index
        %swap3A_993 = arith.constant 0 : index
        %swap3A_994 = tpu.vector_load %arg9[%swap3A_992, %swap3A_993] {strides = array<i32>} : memref<80x80xf32, #tpu.memory_space<vmem>>, vector<1x16xf32>,
        %swap3A_995 = vector.shape_cast %swap3A_994 : vector<1x16xf32> to vector<16xf32>
        %swap3A_996 = vector.shape_cast %mul3A_991 : vector<16xf32> to vector<1x16xf32>
        tpu.vector_store %arg9[%swap3A_992, %swap3A_993], %swap3A_996 {strides = array<i32>} : memref<80x80xf32, #tpu.memory_space<vmem>>, vector<1x16xf32>,
        %get3A_997 = arith.index_cast %add3A_983 : i32 to index
        %get3A_998 = arith.constant 16 : index
        %get3A_999 = tpu.vector_load %arg7[%get3A_997, %get3A_998] {strides = array<i32>} : memref<80x64xf32, #tpu.memory_space<vmem>>, vector<1x16xf32>,
        %get3A_1000 = vector.shape_cast %get3A_999 : vector<1x16xf32> to vector<16xf32>
        %mul3A_1001 = vector.broadcast %squeeze3A_985 : f32 to vector<16xf32>
        %mul3A_1002 = arith.mulf %get3A_1000, %mul3A_1001 : vector<16xf32>
        %swap3A_1003 = arith.index_cast %add3A_983 : i32 to index
        %swap3A_1004 = arith.constant 16 : index
        %swap3A_1005 = tpu.vector_load %arg9[%swap3A_1003, %swap3A_1004] {strides = array<i32>} : memref<80x80xf32, #tpu.memory_space<vmem>>, vector<1x16xf32>,
        %swap3A_1006 = vector.shape_cast %swap3A_1005 : vector<1x16xf32> to vector<16xf32>
        %swap3A_1007 = vector.shape_cast %mul3A_1002 : vector<16xf32> to vector<1x16xf32>
        tpu.vector_store %arg9[%swap3A_1003, %swap3A_1004], %swap3A_1007 {strides = array<i32>} : memref<80x80xf32, #tpu.memory_space<vmem>>, vector<1x16xf32>,
        %get3A_1008 = arith.index_cast %add3A_983 : i32 to index
        %get3A_1009 = arith.constant 32 : index
        %get3A_1010 = tpu.vector_load %arg7[%get3A_1008, %get3A_1009] {strides = array<i32>} : memref<80x64xf32, #tpu.memory_space<vmem>>, vector<1x16xf32>,
        %get3A_1011 = vector.shape_cast %get3A_1010 : vector<1x16xf32> to vector<16xf32>
        %mul3A_1012 = vector.broadcast %squeeze3A_985 : f32 to vector<16xf32>
        %mul3A_1013 = arith.mulf %get3A_1011, %mul3A_1012 : vector<16xf32>
        %swap3A_1014 = arith.index_cast %add3A_983 : i32 to index
        %swap3A_1015 = arith.constant 32 : index
        %swap3A_1016 = tpu.vector_load %arg9[%swap3A_1014, %swap3A_1015] {strides = array<i32>} : memref<80x80xf32, #tpu.memory_space<vmem>>, vector<1x16xf32>,
        %swap3A_1017 = vector.shape_cast %swap3A_1016 : vector<1x16xf32> to vector<16xf32>
        %swap3A_1018 = vector.shape_cast %mul3A_1013 : vector<16xf32> to vector<1x16xf32>
        tpu.vector_store %arg9[%swap3A_1014, %swap3A_1015], %swap3A_1018 {strides = array<i32>} : memref<80x80xf32, #tpu.memory_space<vmem>>, vector<1x16xf32>,
        %get3A_1019 = arith.index_cast %add3A_983 : i32 to index
        %get3A_1020 = arith.constant 48 : index
        %get3A_1021 = tpu.vector_load %arg7[%get3A_1019, %get3A_1020] {strides = array<i32>} : memref<80x64xf32, #tpu.memory_space<vmem>>, vector<1x16xf32>,
        %get3A_1022 = vector.shape_cast %get3A_1021 : vector<1x16xf32> to vector<16xf32>
        %mul3A_1023 = vector.broadcast %squeeze3A_985 : f32 to vector<16xf32>
        %mul3A_1024 = arith.mulf %get3A_1022, %mul3A_1023 : vector<16xf32>
        %swap3A_1025 = arith.index_cast %add3A_983 : i32 to index
        %swap3A_1026 = arith.constant 48 : index
        %swap3A_1027 = tpu.vector_load %arg9[%swap3A_1025, %swap3A_1026] {strides = array<i32>} : memref<80x80xf32, #tpu.memory_space<vmem>>, vector<1x16xf32>,
        %swap3A_1028 = vector.shape_cast %swap3A_1027 : vector<1x16xf32> to vector<16xf32>
        %swap3A_1029 = vector.shape_cast %mul3A_1024 : vector<16xf32> to vector<1x16xf32>
        tpu.vector_store %arg9[%swap3A_1025, %swap3A_1026], %swap3A_1029 {strides = array<i32>} : memref<80x80xf32, #tpu.memory_space<vmem>>, vector<1x16xf32>,
        %broadcast_in_dim3A_1030 = vector.broadcast %squeeze3A_985 : f32 to vector<16xf32>
        %swap3A_1031 = arith.index_cast %add3A_983 : i32 to index
        %swap3A_1032 = arith.constant 64 : index
        %swap3A_1033 = tpu.vector_load %arg9[%swap3A_1031, %swap3A_1032] {strides = array<i32>} : memref<80x80xf32, #tpu.memory_space<vmem>>, vector<1x16xf32>,
        %swap3A_1034 = vector.shape_cast %swap3A_1033 : vector<1x16xf32> to vector<16xf32>
        %swap3A_1035 = vector.shape_cast %broadcast_in_dim3A_1030 : vector<16xf32> to vector<1x16xf32>
        tpu.vector_store %arg9[%swap3A_1031, %swap3A_1032], %swap3A_1035 {strides = array<i32>} : memref<80x80xf32, #tpu.memory_space<vmem>>, vector<1x16xf32>,
      }
      %scan3A_137 = arith.constant 5 : i32
      "tpu.region"() ({
        %run_scoped3A = tpu.sem_alloc : memref<!tpu.dma_semaphore, #tpu.memory_space<semaphore_mem>>
        %dma_start3A_138 = arith.constant 0 : i32
        %dma_start3A_139 = tpu.memref_slice %arg6[%scan3A_122, %dma_start3A_138] : memref<125x80xi32, #tpu.memory_space<vmem>> -> memref<1x80xi32, #tpu.memory_space<vmem>>
        %dma_start3A_140 = tpu.memref_squeeze %dma_start3A_139 : memref<1x80xi32, #tpu.memory_space<vmem>> -> memref<80xi32, #tpu.memory_space<vmem>>
        %dma_start3A_141 = arith.constant 0 : i32
        %dma_start3A_142 = arith.constant 0 : i32
        %dma_start3A_143 = tpu.memref_slice %arg10[%dma_start3A_141, %dma_start3A_142] : memref<20000x80xf32, #tpu.memory_space<vmem_shared>> -> memref<20000x80xf32, #tpu.memory_space<vmem_shared>>
        tpu.enqueue_indirect_dma source(%arg9 : memref<80x80xf32, #tpu.memory_space<vmem>>) target(%dma_start3A_143 : memref<20000x80xf32, #tpu.memory_space<vmem_shared>>) offsets(%dma_start3A_140 : memref<80xi32, #tpu.memory_space<vmem>>) semaphore(%run_scoped3A : memref<!tpu.dma_semaphore, #tpu.memory_space<semaphore_mem>>) {add = true}
        %dma_wait3A_144 = arith.constant 0 : i32
        %dma_wait3A_145 = tpu.memref_slice %arg6[%scan3A_122, %dma_wait3A_144] : memref<125x80xi32, #tpu.memory_space<vmem>> -> memref<1x80xi32, #tpu.memory_space<vmem>>
        %dma_wait3A_146 = tpu.memref_squeeze %dma_wait3A_145 : memref<1x80xi32, #tpu.memory_space<vmem>> -> memref<80xi32, #tpu.memory_space<vmem>>
        %dma_wait3A_147 = arith.constant 0 : i32
        %dma_wait3A_148 = arith.constant 0 : i32
        %dma_wait3A_149 = tpu.memref_slice %arg10[%dma_wait3A_147, %dma_wait3A_148] : memref<20000x80xf32, #tpu.memory_space<vmem_shared>> -> memref<20000x80xf32, #tpu.memory_space<vmem_shared>>
        tpu.wait_indirect_dma semaphore(%run_scoped3A : memref<!tpu.dma_semaphore, #tpu.memory_space<semaphore_mem>>) src(%arg9 : memref<80x80xf32, #tpu.memory_space<vmem>>) dst(%dma_wait3A_149 : memref<20000x80xf32, #tpu.memory_space<vmem_shared>>)
        tpu.yield
      }) : () -> ()
    }
    %scan3A_114 = arith.constant 125 : i32
    %barrier3A_115 = arith.constant 0 : index
    tpu.barrier barrier_id(%barrier3A_115)
    %scan3A_116 = arith.constant 0 : i32
    %scan3A_117 = arith.constant 0 : i32
    %scan3A_118 = arith.constant 25 : i32
    %scan3A_119 = arith.addi %scan3A_117, %scan3A_118 : i32
    %scan3A_120 = arith.constant 1 : i32
    scf.for %scan3A_122 = %scan3A_117 to %scan3A_119 step %scan3A_120  : i32 {
      %mul3A_123 = arith.constant 1250 : i32
      %mul3A_124 = arith.muli %arg1, %mul3A_123 : i32
      %mul3A_125 = arith.constant 50 : i32
      %mul3A_126 = arith.muli %scan3A_122, %mul3A_125 : i32
      %add3A_127 = arith.addi %mul3A_124, %mul3A_126 : i32
      "tpu.region"() ({
        %run_scoped3A = tpu.sem_alloc : memref<!tpu.dma_semaphore, #tpu.memory_space<semaphore_mem>>
        %dma_start3A = arith.constant 0 : i32
        %dma_start3A_131 = arith.constant 0 : i32
        %dma_start3A_132 = tpu.memref_slice %arg9[%dma_start3A, %dma_start3A_131] : memref<80x80xf32, #tpu.memory_space<vmem>> -> memref<50x80xf32, #tpu.memory_space<vmem>>
        %dma_start3A_133 = arith.constant 0 : i32
        %dma_start3A_134 = tpu.memref_slice %arg10[%add3A_127, %dma_start3A_133] : memref<20000x80xf32, #tpu.memory_space<vmem_shared>> -> memref<50x80xf32, #tpu.memory_space<vmem_shared>>
        %dma_start3A_135 = arith.constant 0 : i32
        %dma_start3A_136 = arith.constant 0 : i32
        %dma_start3A_137 = tpu.memref_slice %arg9[%dma_start3A_135, %dma_start3A_136] : memref<80x80xf32, #tpu.memory_space<vmem>> -> memref<50x80xf32, #tpu.memory_space<vmem>>
        %dma_start3A_138 = arith.constant 0 : i32
        %dma_start3A_139 = tpu.memref_slice %arg10[%add3A_127, %dma_start3A_138] : memref<20000x80xf32, #tpu.memory_space<vmem_shared>> -> memref<50x80xf32, #tpu.memory_space<vmem_shared>>
        tpu.enqueue_dma source(%dma_start3A_139 : memref<50x80xf32, #tpu.memory_space<vmem_shared>>) target(%dma_start3A_137 : memref<50x80xf32, #tpu.memory_space<vmem>>) target_semaphore(%run_scoped3A : memref<!tpu.dma_semaphore, #tpu.memory_space<semaphore_mem>>)
        %dma_wait3A = arith.constant 0 : i32
        %dma_wait3A_140 = arith.constant 0 : i32
        %dma_wait3A_141 = tpu.memref_slice %arg9[%dma_wait3A, %dma_wait3A_140] : memref<80x80xf32, #tpu.memory_space<vmem>> -> memref<50x80xf32, #tpu.memory_space<vmem>>
        %dma_wait3A_142 = arith.constant 0 : i32
        %dma_wait3A_143 = tpu.memref_slice %arg10[%add3A_127, %dma_wait3A_142] : memref<20000x80xf32, #tpu.memory_space<vmem_shared>> -> memref<50x80xf32, #tpu.memory_space<vmem_shared>>
        %dma_wait3A_144 = arith.constant 0 : i32
        %dma_wait3A_145 = arith.constant 0 : i32
        %dma_wait3A_146 = tpu.memref_slice %arg9[%dma_wait3A_144, %dma_wait3A_145] : memref<80x80xf32, #tpu.memory_space<vmem>> -> memref<50x80xf32, #tpu.memory_space<vmem>>
        %dma_wait3A_147 = arith.constant 0 : i32
        %dma_wait3A_148 = tpu.memref_slice %arg10[%add3A_127, %dma_wait3A_147] : memref<20000x80xf32, #tpu.memory_space<vmem_shared>> -> memref<50x80xf32, #tpu.memory_space<vmem_shared>>
        tpu.wait_dma2 semaphore(%run_scoped3A : memref<!tpu.dma_semaphore, #tpu.memory_space<semaphore_mem>>) src(%dma_wait3A_148 : memref<50x80xf32, #tpu.memory_space<vmem_shared>>) dst(%dma_wait3A_146 : memref<50x80xf32, #tpu.memory_space<vmem>>)
        tpu.yield
      }) : () -> ()
      %mul3A_128 = arith.constant 20000 : i32
      %mul3A_129 = arith.muli %arg0, %mul3A_128 : i32
      %add3A_130 = arith.addi %mul3A_129, %add3A_127 : i32
      "tpu.region"() ({
        %run_scoped3A = tpu.sem_alloc : memref<!tpu.dma_semaphore, #tpu.memory_space<semaphore_mem>>
        %dma_start3A = arith.constant 0 : i32
        %dma_start3A_131 = arith.constant 0 : i32
        %dma_start3A_132 = tpu.memref_slice %arg9[%dma_start3A, %dma_start3A_131] : memref<80x80xf32, #tpu.memory_space<vmem>> -> memref<50x80xf32, #tpu.memory_space<vmem>>
        %dma_start3A_133 = arith.constant 0 : i32
        %dma_start3A_134 = tpu.memref_slice %arg5[%add3A_130, %dma_start3A_133] : memref<40000x80xf32, #tpu.memory_space<hbm>> -> memref<50x80xf32, #tpu.memory_space<hbm>>
        %dma_start3A_135 = arith.constant 0 : i32
        %dma_start3A_136 = tpu.memref_slice %arg5[%add3A_130, %dma_start3A_135] : memref<40000x80xf32, #tpu.memory_space<hbm>> -> memref<50x80xf32, #tpu.memory_space<hbm>>
        %dma_start3A_137 = arith.constant 0 : i32
        %dma_start3A_138 = arith.constant 0 : i32
        %dma_start3A_139 = tpu.memref_slice %arg9[%dma_start3A_137, %dma_start3A_138] : memref<80x80xf32, #tpu.memory_space<vmem>> -> memref<50x80xf32, #tpu.memory_space<vmem>>
        tpu.enqueue_dma source(%dma_start3A_139 : memref<50x80xf32, #tpu.memory_space<vmem>>) target(%dma_start3A_136 : memref<50x80xf32, #tpu.memory_space<hbm>>) target_semaphore(%run_scoped3A : memref<!tpu.dma_semaphore, #tpu.memory_space<semaphore_mem>>)
        %dma_wait3A = arith.constant 0 : i32
        %dma_wait3A_140 = arith.constant 0 : i32
        %dma_wait3A_141 = tpu.memref_slice %arg9[%dma_wait3A, %dma_wait3A_140] : memref<80x80xf32, #tpu.memory_space<vmem>> -> memref<50x80xf32, #tpu.memory_space<vmem>>
        %dma_wait3A_142 = arith.constant 0 : i32
        %dma_wait3A_143 = tpu.memref_slice %arg5[%add3A_130, %dma_wait3A_142] : memref<40000x80xf32, #tpu.memory_space<hbm>> -> memref<50x80xf32, #tpu.memory_space<hbm>>
        %dma_wait3A_144 = arith.constant 0 : i32
        %dma_wait3A_145 = tpu.memref_slice %arg5[%add3A_130, %dma_wait3A_144] : memref<40000x80xf32, #tpu.memory_space<hbm>> -> memref<50x80xf32, #tpu.memory_space<hbm>>
        %dma_wait3A_146 = arith.constant 0 : i32
        %dma_wait3A_147 = arith.constant 0 : i32
        %dma_wait3A_148 = tpu.memref_slice %arg9[%dma_wait3A_146, %dma_wait3A_147] : memref<80x80xf32, #tpu.memory_space<vmem>> -> memref<50x80xf32, #tpu.memory_space<vmem>>
        tpu.wait_dma2 semaphore(%run_scoped3A : memref<!tpu.dma_semaphore, #tpu.memory_space<semaphore_mem>>) src(%dma_wait3A_148 : memref<50x80xf32, #tpu.memory_space<vmem>>) dst(%dma_wait3A_145 : memref<50x80xf32, #tpu.memory_space<hbm>>)
        tpu.yield
      }) : () -> ()
    }
    %scan3A_121 = arith.constant 25 : i32
    return
  }
}

#map = affine_map<(d0, d1) -> (0, 0)>
#map1 = affine_map<(d0, d1) -> (0)>
module attributes {stable_mosaic.version = 14 : i64} {
  func.func @_k3_body(%arg0: i32, %arg1: i32, %arg2: memref<20000x64xf32, #tpu.memory_space<hbm>>, %arg3: memref<20000x80xf32, #tpu.memory_space<hbm>>, %arg4: memref<320000xi32, #tpu.memory_space<hbm>>, %arg5: memref<320000xi32, #tpu.memory_space<hbm>>, %arg6: memref<320000x64xf32, #tpu.memory_space<hbm>>, %arg7: memref<320000x80xf32, #tpu.memory_space<hbm>>, %arg8: memref<10000xi32, #tpu.memory_space<vmem>>, %arg9: memref<10000xi32, #tpu.memory_space<vmem>>, %arg10: memref<80x64xf32, #tpu.memory_space<vmem>>, %arg11: memref<80x80xf32, #tpu.memory_space<vmem>>, %arg12: memref<!tpu.dma_semaphore, #tpu.memory_space<semaphore_mem>>) attributes {dimension_semantics = [#tpu.dimension_semantics<core_parallel>, #tpu.dimension_semantics<subcore_parallel>], iteration_bounds = array<i64: 2, 16>, scalar_prefetch = 0 : i64, scratch_operands = 5 : i64, tpu.core_type = #tpu.core_type<sc_vector_subcore>, window_params = [{transform_indices = #map}, {transform_indices = #map}, {transform_indices = #map1}, {transform_indices = #map1}, {transform_indices = #map}, {transform_indices = #map}]} {
    %mul3A = arith.constant 2 : i32
    %mul3A_0 = arith.muli %arg1, %mul3A : i32
    %add3A = arith.addi %mul3A_0, %arg0 : i32
    %mul3A_1 = arith.constant 10000 : i32
    %mul3A_2 = arith.muli %add3A, %mul3A_1 : i32
    "tpu.region"() ({
      %run_scoped3A = tpu.sem_alloc : memref<!tpu.dma_semaphore, #tpu.memory_space<semaphore_mem>>
      %dma_start3A = tpu.memref_slice %arg4[%mul3A_2] : memref<320000xi32, #tpu.memory_space<hbm>> -> memref<10000xi32, #tpu.memory_space<hbm>>
      %dma_start3A_8 = tpu.memref_slice %arg4[%mul3A_2] : memref<320000xi32, #tpu.memory_space<hbm>> -> memref<10000xi32, #tpu.memory_space<hbm>>
      tpu.enqueue_dma source(%dma_start3A_8 : memref<10000xi32, #tpu.memory_space<hbm>>) target(%arg8 : memref<10000xi32, #tpu.memory_space<vmem>>) target_semaphore(%run_scoped3A : memref<!tpu.dma_semaphore, #tpu.memory_space<semaphore_mem>>)
      %dma_wait3A = tpu.memref_slice %arg4[%mul3A_2] : memref<320000xi32, #tpu.memory_space<hbm>> -> memref<10000xi32, #tpu.memory_space<hbm>>
      %dma_wait3A_9 = tpu.memref_slice %arg4[%mul3A_2] : memref<320000xi32, #tpu.memory_space<hbm>> -> memref<10000xi32, #tpu.memory_space<hbm>>
      tpu.wait_dma2 semaphore(%run_scoped3A : memref<!tpu.dma_semaphore, #tpu.memory_space<semaphore_mem>>) src(%dma_wait3A_9 : memref<10000xi32, #tpu.memory_space<hbm>>) dst(%arg8 : memref<10000xi32, #tpu.memory_space<vmem>>)
      tpu.yield
    }) : () -> ()
    "tpu.region"() ({
      %run_scoped3A = tpu.sem_alloc : memref<!tpu.dma_semaphore, #tpu.memory_space<semaphore_mem>>
      %dma_start3A = tpu.memref_slice %arg5[%mul3A_2] : memref<320000xi32, #tpu.memory_space<hbm>> -> memref<10000xi32, #tpu.memory_space<hbm>>
      %dma_start3A_8 = tpu.memref_slice %arg5[%mul3A_2] : memref<320000xi32, #tpu.memory_space<hbm>> -> memref<10000xi32, #tpu.memory_space<hbm>>
      tpu.enqueue_dma source(%dma_start3A_8 : memref<10000xi32, #tpu.memory_space<hbm>>) target(%arg9 : memref<10000xi32, #tpu.memory_space<vmem>>) target_semaphore(%run_scoped3A : memref<!tpu.dma_semaphore, #tpu.memory_space<semaphore_mem>>)
      %dma_wait3A = tpu.memref_slice %arg5[%mul3A_2] : memref<320000xi32, #tpu.memory_space<hbm>> -> memref<10000xi32, #tpu.memory_space<hbm>>
      %dma_wait3A_9 = tpu.memref_slice %arg5[%mul3A_2] : memref<320000xi32, #tpu.memory_space<hbm>> -> memref<10000xi32, #tpu.memory_space<hbm>>
      tpu.wait_dma2 semaphore(%run_scoped3A : memref<!tpu.dma_semaphore, #tpu.memory_space<semaphore_mem>>) src(%dma_wait3A_9 : memref<10000xi32, #tpu.memory_space<hbm>>) dst(%arg9 : memref<10000xi32, #tpu.memory_space<vmem>>)
      tpu.yield
    }) : () -> ()
    %scan3A = arith.constant 0 : i32
    %scan3A_3 = arith.constant 0 : i32
    %scan3A_4 = arith.constant 125 : i32
    %scan3A_5 = arith.addi %scan3A_3, %scan3A_4 : i32
    %scan3A_6 = arith.constant 1 : i32
    scf.for %scan3A_8 = %scan3A_3 to %scan3A_5 step %scan3A_6  : i32 {
      %mul3A_9 = arith.constant 80 : i32
      %mul3A_10 = arith.muli %scan3A_8, %mul3A_9 : i32
      %add3A_11 = arith.addi %mul3A_2, %mul3A_10 : i32
      %mul3A_12 = arith.constant 80 : i32
      %mul3A_13 = arith.muli %scan3A_8, %mul3A_12 : i32
      %dma_start3A = tpu.memref_slice %arg8[%mul3A_13] : memref<10000xi32, #tpu.memory_space<vmem>> -> memref<80xi32, #tpu.memory_space<vmem>>
      %dma_start3A_14 = arith.constant 0 : i32
      %dma_start3A_15 = arith.constant 0 : i32
      %dma_start3A_16 = tpu.memref_slice %arg2[%dma_start3A_14, %dma_start3A_15] : memref<20000x64xf32, #tpu.memory_space<hbm>> -> memref<20000x64xf32, #tpu.memory_space<hbm>>
      tpu.enqueue_indirect_dma source(%dma_start3A_16 : memref<20000x64xf32, #tpu.memory_space<hbm>>) target(%arg10 : memref<80x64xf32, #tpu.memory_space<vmem>>) offsets(%dma_start3A : memref<80xi32, #tpu.memory_space<vmem>>) semaphore(%arg12 : memref<!tpu.dma_semaphore, #tpu.memory_space<semaphore_mem>>)
      %mul3A_17 = arith.constant 80 : i32
      %mul3A_18 = arith.muli %scan3A_8, %mul3A_17 : i32
      %dma_start3A_19 = tpu.memref_slice %arg9[%mul3A_18] : memref<10000xi32, #tpu.memory_space<vmem>> -> memref<80xi32, #tpu.memory_space<vmem>>
      %dma_start3A_20 = arith.constant 0 : i32
      %dma_start3A_21 = arith.constant 0 : i32
      %dma_start3A_22 = tpu.memref_slice %arg3[%dma_start3A_20, %dma_start3A_21] : memref<20000x80xf32, #tpu.memory_space<hbm>> -> memref<20000x80xf32, #tpu.memory_space<hbm>>
      tpu.enqueue_indirect_dma source(%dma_start3A_22 : memref<20000x80xf32, #tpu.memory_space<hbm>>) target(%arg11 : memref<80x80xf32, #tpu.memory_space<vmem>>) offsets(%dma_start3A_19 : memref<80xi32, #tpu.memory_space<vmem>>) semaphore(%arg12 : memref<!tpu.dma_semaphore, #tpu.memory_space<semaphore_mem>>)
      %dma_wait3A = tpu.memref_slice %arg8[%mul3A_13] : memref<10000xi32, #tpu.memory_space<vmem>> -> memref<80xi32, #tpu.memory_space<vmem>>
      %dma_wait3A_23 = arith.constant 0 : i32
      %dma_wait3A_24 = arith.constant 0 : i32
      %dma_wait3A_25 = tpu.memref_slice %arg2[%dma_wait3A_23, %dma_wait3A_24] : memref<20000x64xf32, #tpu.memory_space<hbm>> -> memref<20000x64xf32, #tpu.memory_space<hbm>>
      tpu.wait_indirect_dma semaphore(%arg12 : memref<!tpu.dma_semaphore, #tpu.memory_space<semaphore_mem>>) src(%dma_wait3A_25 : memref<20000x64xf32, #tpu.memory_space<hbm>>) dst(%arg10 : memref<80x64xf32, #tpu.memory_space<vmem>>)
      %dma_wait3A_26 = tpu.memref_slice %arg9[%mul3A_18] : memref<10000xi32, #tpu.memory_space<vmem>> -> memref<80xi32, #tpu.memory_space<vmem>>
      %dma_wait3A_27 = arith.constant 0 : i32
      %dma_wait3A_28 = arith.constant 0 : i32
      %dma_wait3A_29 = tpu.memref_slice %arg3[%dma_wait3A_27, %dma_wait3A_28] : memref<20000x80xf32, #tpu.memory_space<hbm>> -> memref<20000x80xf32, #tpu.memory_space<hbm>>
      tpu.wait_indirect_dma semaphore(%arg12 : memref<!tpu.dma_semaphore, #tpu.memory_space<semaphore_mem>>) src(%dma_wait3A_29 : memref<20000x80xf32, #tpu.memory_space<hbm>>) dst(%arg11 : memref<80x80xf32, #tpu.memory_space<vmem>>)
      "tpu.region"() ({
        %run_scoped3A = tpu.sem_alloc : memref<!tpu.dma_semaphore, #tpu.memory_space<semaphore_mem>>
        %dma_start3A_30 = arith.constant 0 : i32
        %dma_start3A_31 = tpu.memref_slice %arg6[%add3A_11, %dma_start3A_30] : memref<320000x64xf32, #tpu.memory_space<hbm>> -> memref<80x64xf32, #tpu.memory_space<hbm>>
        %dma_start3A_32 = arith.constant 0 : i32
        %dma_start3A_33 = tpu.memref_slice %arg6[%add3A_11, %dma_start3A_32] : memref<320000x64xf32, #tpu.memory_space<hbm>> -> memref<80x64xf32, #tpu.memory_space<hbm>>
        tpu.enqueue_dma source(%arg10 : memref<80x64xf32, #tpu.memory_space<vmem>>) target(%dma_start3A_33 : memref<80x64xf32, #tpu.memory_space<hbm>>) target_semaphore(%run_scoped3A : memref<!tpu.dma_semaphore, #tpu.memory_space<semaphore_mem>>)
        %dma_wait3A_34 = arith.constant 0 : i32
        %dma_wait3A_35 = tpu.memref_slice %arg6[%add3A_11, %dma_wait3A_34] : memref<320000x64xf32, #tpu.memory_space<hbm>> -> memref<80x64xf32, #tpu.memory_space<hbm>>
        %dma_wait3A_36 = arith.constant 0 : i32
        %dma_wait3A_37 = tpu.memref_slice %arg6[%add3A_11, %dma_wait3A_36] : memref<320000x64xf32, #tpu.memory_space<hbm>> -> memref<80x64xf32, #tpu.memory_space<hbm>>
        tpu.wait_dma2 semaphore(%run_scoped3A : memref<!tpu.dma_semaphore, #tpu.memory_space<semaphore_mem>>) src(%arg10 : memref<80x64xf32, #tpu.memory_space<vmem>>) dst(%dma_wait3A_37 : memref<80x64xf32, #tpu.memory_space<hbm>>)
        tpu.yield
      }) : () -> ()
      "tpu.region"() ({
        %run_scoped3A = tpu.sem_alloc : memref<!tpu.dma_semaphore, #tpu.memory_space<semaphore_mem>>
        %dma_start3A_30 = arith.constant 0 : i32
        %dma_start3A_31 = tpu.memref_slice %arg7[%add3A_11, %dma_start3A_30] : memref<320000x80xf32, #tpu.memory_space<hbm>> -> memref<80x80xf32, #tpu.memory_space<hbm>>
        %dma_start3A_32 = arith.constant 0 : i32
        %dma_start3A_33 = tpu.memref_slice %arg7[%add3A_11, %dma_start3A_32] : memref<320000x80xf32, #tpu.memory_space<hbm>> -> memref<80x80xf32, #tpu.memory_space<hbm>>
        tpu.enqueue_dma source(%arg11 : memref<80x80xf32, #tpu.memory_space<vmem>>) target(%dma_start3A_33 : memref<80x80xf32, #tpu.memory_space<hbm>>) target_semaphore(%run_scoped3A : memref<!tpu.dma_semaphore, #tpu.memory_space<semaphore_mem>>)
        %dma_wait3A_34 = arith.constant 0 : i32
        %dma_wait3A_35 = tpu.memref_slice %arg7[%add3A_11, %dma_wait3A_34] : memref<320000x80xf32, #tpu.memory_space<hbm>> -> memref<80x80xf32, #tpu.memory_space<hbm>>
        %dma_wait3A_36 = arith.constant 0 : i32
        %dma_wait3A_37 = tpu.memref_slice %arg7[%add3A_11, %dma_wait3A_36] : memref<320000x80xf32, #tpu.memory_space<hbm>> -> memref<80x80xf32, #tpu.memory_space<hbm>>
        tpu.wait_dma2 semaphore(%run_scoped3A : memref<!tpu.dma_semaphore, #tpu.memory_space<semaphore_mem>>) src(%arg11 : memref<80x80xf32, #tpu.memory_space<vmem>>) dst(%dma_wait3A_37 : memref<80x80xf32, #tpu.memory_space<hbm>>)
        tpu.yield
      }) : () -> ()
    }
    %scan3A_7 = arith.constant 125 : i32
    return
  }
}

module attributes {stable_mosaic.version = 14 : i64} {
  func.func @_k1_body(%arg0: i32, %arg1: memref<2000x128xf32, #tpu.memory_space<vmem>>, %arg2: memref<128x64xf32, #tpu.memory_space<vmem>>, %arg3: memref<1x64xf32, #tpu.memory_space<vmem>>, %arg4: memref<64x64xf32, #tpu.memory_space<vmem>>, %arg5: memref<1x64xf32, #tpu.memory_space<vmem>>, %arg6: memref<64x64xf32, #tpu.memory_space<vmem>>, %arg7: memref<1x64xf32, #tpu.memory_space<vmem>>, %arg8: memref<128x64xf32, #tpu.memory_space<vmem>>, %arg9: memref<1x64xf32, #tpu.memory_space<vmem>>, %arg10: memref<1x64xf32, #tpu.memory_space<vmem>>, %arg11: memref<1x64xf32, #tpu.memory_space<vmem>>, %arg12: memref<64x64xf32, #tpu.memory_space<vmem>>, %arg13: memref<1x64xf32, #tpu.memory_space<vmem>>, %arg14: memref<64x64xf32, #tpu.memory_space<vmem>>, %arg15: memref<1x64xf32, #tpu.memory_space<vmem>>, %arg16: memref<64x80xf32, #tpu.memory_space<vmem>>, %arg17: memref<2000x64xf32, #tpu.memory_space<vmem>>, %arg18: memref<2000x64xf32, #tpu.memory_space<vmem>>, %arg19: memref<2000x80xf32, #tpu.memory_space<vmem>>) attributes {dimension_semantics = [#tpu.dimension_semantics<arbitrary>], iteration_bounds = array<i64: 10>, scalar_prefetch = 0 : i64, scratch_operands = 0 : i64, tpu.core_type = #tpu.core_type<tc>, window_params = [{transform_indices = @transform_0, window_bounds = array<i64: 2000, 128>}, {pipeline_mode = #tpu.pipeline_mode<synchronous>, transform_indices = @transform_1, window_bounds = array<i64: 128, 64>}, {pipeline_mode = #tpu.pipeline_mode<synchronous>, transform_indices = @transform_2, window_bounds = array<i64: 1, 64>}, {pipeline_mode = #tpu.pipeline_mode<synchronous>, transform_indices = @transform_3, window_bounds = array<i64: 64, 64>}, {pipeline_mode = #tpu.pipeline_mode<synchronous>, transform_indices = @transform_4, window_bounds = array<i64: 1, 64>}, {pipeline_mode = #tpu.pipeline_mode<synchronous>, transform_indices = @transform_5, window_bounds = array<i64: 64, 64>}, {pipeline_mode = #tpu.pipeline_mode<synchronous>, transform_indices = @transform_6, window_bounds = array<i64: 1, 64>}, {pipeline_mode = #tpu.pipeline_mode<synchronous>, transform_indices = @transform_7, window_bounds = array<i64: 128, 64>}, {pipeline_mode = #tpu.pipeline_mode<synchronous>, transform_indices = @transform_8, window_bounds = array<i64: 1, 64>}, {pipeline_mode = #tpu.pipeline_mode<synchronous>, transform_indices = @transform_9, window_bounds = array<i64: 1, 64>}, {pipeline_mode = #tpu.pipeline_mode<synchronous>, transform_indices = @transform_10, window_bounds = array<i64: 1, 64>}, {pipeline_mode = #tpu.pipeline_mode<synchronous>, transform_indices = @transform_11, window_bounds = array<i64: 64, 64>}, {pipeline_mode = #tpu.pipeline_mode<synchronous>, transform_indices = @transform_12, window_bounds = array<i64: 1, 64>}, {pipeline_mode = #tpu.pipeline_mode<synchronous>, transform_indices = @transform_13, window_bounds = array<i64: 64, 64>}, {pipeline_mode = #tpu.pipeline_mode<synchronous>, transform_indices = @transform_14, window_bounds = array<i64: 1, 64>}, {pipeline_mode = #tpu.pipeline_mode<synchronous>, transform_indices = @transform_15, window_bounds = array<i64: 64, 80>}, {transform_indices = @transform_16, window_bounds = array<i64: 2000, 64>}, {transform_indices = @transform_17, window_bounds = array<i64: 2000, 64>}, {transform_indices = @transform_18, window_bounds = array<i64: 2000, 80>}]} {
    %get3A = arith.constant 0 : index
    %get3A_0 = arith.constant 0 : index
    %get3A_1 = vector.load %arg1[%get3A, %get3A_0] : memref<2000x128xf32, #tpu.memory_space<vmem>>, vector<2000x128xf32>
    %get3A_2 = arith.constant 0 : index
    %get3A_3 = arith.constant 0 : index
    %get3A_4 = vector.load %arg2[%get3A_2, %get3A_3] : memref<128x64xf32, #tpu.memory_space<vmem>>, vector<128x64xf32>
    %dot_general3A = arith.constant dense<0.000000e+00> : vector<2000x64xf32>
    %dot_general3A_5 = tpu.matmul %get3A_1, %get3A_4, %dot_general3A {dimension_numbers = #tpu.dot_dimension_numbers<[1], [0], [0], [1], [0, 0, 1, 1], [], []>, transpose_lhs_hint = false} : vector<2000x128xf32>, vector<128x64xf32>, vector<2000x64xf32> -> vector<2000x64xf32>
    %get3A_6 = arith.constant 0 : index
    %get3A_7 = arith.constant 0 : index
    %get3A_8 = vector.load %arg3[%get3A_6, %get3A_7] : memref<1x64xf32, #tpu.memory_space<vmem>>, vector<1x64xf32>
    %add3A = vector.broadcast %get3A_8 : vector<1x64xf32> to vector<2000x64xf32>
    %add3A_9 = arith.addf %dot_general3A_5, %add3A : vector<2000x64xf32>
    %max3A = arith.constant 0.000000e+00 : f32
    %max3A_10 = vector.broadcast %max3A : f32 to vector<2000x64xf32>
    %max3A_11 = arith.maximumf %add3A_9, %max3A_10 : vector<2000x64xf32>
    %get3A_12 = arith.constant 0 : index
    %get3A_13 = arith.constant 0 : index
    %get3A_14 = vector.load %arg4[%get3A_12, %get3A_13] : memref<64x64xf32, #tpu.memory_space<vmem>>, vector<64x64xf32>
    %dot_general3A_15 = arith.constant dense<0.000000e+00> : vector<2000x64xf32>
    %dot_general3A_16 = tpu.matmul %max3A_11, %get3A_14, %dot_general3A_15 {dimension_numbers = #tpu.dot_dimension_numbers<[1], [0], [0], [1], [0, 0, 1, 1], [], []>, transpose_lhs_hint = false} : vector<2000x64xf32>, vector<64x64xf32>, vector<2000x64xf32> -> vector<2000x64xf32>
    %get3A_17 = arith.constant 0 : index
    %get3A_18 = arith.constant 0 : index
    %get3A_19 = vector.load %arg5[%get3A_17, %get3A_18] : memref<1x64xf32, #tpu.memory_space<vmem>>, vector<1x64xf32>
    %add3A_20 = vector.broadcast %get3A_19 : vector<1x64xf32> to vector<2000x64xf32>
    %add3A_21 = arith.addf %dot_general3A_16, %add3A_20 : vector<2000x64xf32>
    %max3A_22 = arith.constant 0.000000e+00 : f32
    %max3A_23 = vector.broadcast %max3A_22 : f32 to vector<2000x64xf32>
    %max3A_24 = arith.maximumf %add3A_21, %max3A_23 : vector<2000x64xf32>
    %get3A_25 = arith.constant 0 : index
    %get3A_26 = arith.constant 0 : index
    %get3A_27 = vector.load %arg6[%get3A_25, %get3A_26] : memref<64x64xf32, #tpu.memory_space<vmem>>, vector<64x64xf32>
    %dot_general3A_28 = arith.constant dense<0.000000e+00> : vector<2000x64xf32>
    %dot_general3A_29 = tpu.matmul %max3A_24, %get3A_27, %dot_general3A_28 {dimension_numbers = #tpu.dot_dimension_numbers<[1], [0], [0], [1], [0, 0, 1, 1], [], []>, transpose_lhs_hint = false} : vector<2000x64xf32>, vector<64x64xf32>, vector<2000x64xf32> -> vector<2000x64xf32>
    %get3A_30 = arith.constant 0 : index
    %get3A_31 = arith.constant 0 : index
    %get3A_32 = vector.load %arg7[%get3A_30, %get3A_31] : memref<1x64xf32, #tpu.memory_space<vmem>>, vector<1x64xf32>
    %add3A_33 = vector.broadcast %get3A_32 : vector<1x64xf32> to vector<2000x64xf32>
    %add3A_34 = arith.addf %dot_general3A_29, %add3A_33 : vector<2000x64xf32>
    %swap3A = arith.constant 0 : index
    %swap3A_35 = arith.constant 0 : index
    %swap3A_36 = vector.load %arg17[%swap3A, %swap3A_35] : memref<2000x64xf32, #tpu.memory_space<vmem>>, vector<2000x64xf32>
    tpu.vector_store %arg17[%swap3A, %swap3A_35], %add3A_34 {strides = array<i32>} : memref<2000x64xf32, #tpu.memory_space<vmem>>, vector<2000x64xf32>,
    %get3A_37 = arith.constant 0 : index
    %get3A_38 = arith.constant 0 : index
    %get3A_39 = vector.load %arg14[%get3A_37, %get3A_38] : memref<64x64xf32, #tpu.memory_space<vmem>>, vector<64x64xf32>
    %dot_general3A_40 = arith.constant dense<0.000000e+00> : vector<2000x64xf32>
    %dot_general3A_41 = tpu.matmul %add3A_34, %get3A_39, %dot_general3A_40 {dimension_numbers = #tpu.dot_dimension_numbers<[1], [0], [0], [1], [0, 0, 1, 1], [], []>, transpose_lhs_hint = false} : vector<2000x64xf32>, vector<64x64xf32>, vector<2000x64xf32> -> vector<2000x64xf32>
    %get3A_42 = arith.constant 0 : index
    %get3A_43 = arith.constant 0 : index
    %get3A_44 = vector.load %arg15[%get3A_42, %get3A_43] : memref<1x64xf32, #tpu.memory_space<vmem>>, vector<1x64xf32>
    %add3A_45 = vector.broadcast %get3A_44 : vector<1x64xf32> to vector<2000x64xf32>
    %add3A_46 = arith.addf %dot_general3A_41, %add3A_45 : vector<2000x64xf32>
    %get3A_47 = arith.constant 0 : index
    %get3A_48 = arith.constant 0 : index
    %get3A_49 = vector.load %arg16[%get3A_47, %get3A_48] : memref<64x80xf32, #tpu.memory_space<vmem>>, vector<64x80xf32>
    %dot_general3A_50 = arith.constant dense<0.000000e+00> : vector<2000x80xf32>
    %dot_general3A_51 = tpu.matmul %add3A_46, %get3A_49, %dot_general3A_50 {dimension_numbers = #tpu.dot_dimension_numbers<[1], [0], [0], [1], [0, 0, 1, 1], [], []>, transpose_lhs_hint = false} : vector<2000x64xf32>, vector<64x80xf32>, vector<2000x80xf32> -> vector<2000x80xf32>
    %swap3A_52 = arith.constant 0 : index
    %swap3A_53 = arith.constant 0 : index
    %swap3A_54 = vector.load %arg19[%swap3A_52, %swap3A_53] : memref<2000x80xf32, #tpu.memory_space<vmem>>, vector<2000x80xf32>
    tpu.vector_store %arg19[%swap3A_52, %swap3A_53], %dot_general3A_51 {strides = array<i32>} : memref<2000x80xf32, #tpu.memory_space<vmem>>, vector<2000x80xf32>,
    %get3A_55 = arith.constant 0 : index
    %get3A_56 = arith.constant 0 : index
    %get3A_57 = vector.load %arg8[%get3A_55, %get3A_56] : memref<128x64xf32, #tpu.memory_space<vmem>>, vector<128x64xf32>
    %dot_general3A_58 = arith.constant dense<0.000000e+00> : vector<2000x64xf32>
    %dot_general3A_59 = tpu.matmul %get3A_1, %get3A_57, %dot_general3A_58 {dimension_numbers = #tpu.dot_dimension_numbers<[1], [0], [0], [1], [0, 0, 1, 1], [], []>, transpose_lhs_hint = false} : vector<2000x128xf32>, vector<128x64xf32>, vector<2000x64xf32> -> vector<2000x64xf32>
    %get3A_60 = arith.constant 0 : index
    %get3A_61 = arith.constant 0 : index
    %get3A_62 = vector.load %arg9[%get3A_60, %get3A_61] : memref<1x64xf32, #tpu.memory_space<vmem>>, vector<1x64xf32>
    %add3A_63 = vector.broadcast %get3A_62 : vector<1x64xf32> to vector<2000x64xf32>
    %add3A_64 = arith.addf %dot_general3A_59, %add3A_63 : vector<2000x64xf32>
    %get3A_65 = arith.constant 0 : index
    %get3A_66 = arith.constant 0 : index
    %get3A_67 = vector.load %arg10[%get3A_65, %get3A_66] : memref<1x64xf32, #tpu.memory_space<vmem>>, vector<1x64xf32>
    %get3A_68 = arith.constant 0 : index
    %get3A_69 = arith.constant 0 : index
    %get3A_70 = vector.load %arg11[%get3A_68, %get3A_69] : memref<1x64xf32, #tpu.memory_space<vmem>>, vector<1x64xf32>
    %reduce_sum3A = arith.constant dense<0.000000e+00> : vector<2000xf32>
    %reduce_sum3A_71 = vector.multi_reduction <add>, %add3A_64, %reduce_sum3A [1] : vector<2000x64xf32> to vector<2000xf32>
    %broadcast_in_dim3A = vector.shape_cast %reduce_sum3A_71 : vector<2000xf32> to vector<2000x1xf32>
    %div3A = arith.constant 6.400000e+01 : f32
    %div3A_72 = vector.broadcast %div3A : f32 to vector<2000x1xf32>
    %div3A_73 = arith.divf %broadcast_in_dim3A, %div3A_72 : vector<2000x1xf32>
    %sub3A = vector.broadcast %div3A_73 : vector<2000x1xf32> to vector<2000x64xf32>
    %sub3A_74 = arith.subf %add3A_64, %sub3A : vector<2000x64xf32>
    %integer_pow3A = arith.mulf %sub3A_74, %sub3A_74 : vector<2000x64xf32>
    %reduce_sum3A_75 = arith.constant dense<0.000000e+00> : vector<2000xf32>
    %reduce_sum3A_76 = vector.multi_reduction <add>, %integer_pow3A, %reduce_sum3A_75 [1] : vector<2000x64xf32> to vector<2000xf32>
    %broadcast_in_dim3A_77 = vector.shape_cast %reduce_sum3A_76 : vector<2000xf32> to vector<2000x1xf32>
    %div3A_78 = arith.constant 6.400000e+01 : f32
    %div3A_79 = vector.broadcast %div3A_78 : f32 to vector<2000x1xf32>
    %div3A_80 = arith.divf %broadcast_in_dim3A_77, %div3A_79 : vector<2000x1xf32>
    %sub3A_81 = vector.broadcast %div3A_73 : vector<2000x1xf32> to vector<2000x64xf32>
    %sub3A_82 = arith.subf %add3A_64, %sub3A_81 : vector<2000x64xf32>
    %add3A_83 = arith.constant 9.99999974E-6 : f32
    %add3A_84 = vector.broadcast %add3A_83 : f32 to vector<2000x1xf32>
    %add3A_85 = arith.addf %div3A_80, %add3A_84 : vector<2000x1xf32>
    %sqrt3A = math.sqrt %add3A_85 : vector<2000x1xf32>
    %div3A_86 = vector.broadcast %sqrt3A : vector<2000x1xf32> to vector<2000x64xf32>
    %div3A_87 = arith.divf %sub3A_82, %div3A_86 : vector<2000x64xf32>
    %mul3A = vector.broadcast %get3A_67 : vector<1x64xf32> to vector<2000x64xf32>
    %mul3A_88 = arith.mulf %div3A_87, %mul3A : vector<2000x64xf32>
    %add3A_89 = vector.broadcast %get3A_70 : vector<1x64xf32> to vector<2000x64xf32>
    %add3A_90 = arith.addf %mul3A_88, %add3A_89 : vector<2000x64xf32>
    %max3A_91 = arith.constant 0.000000e+00 : f32
    %max3A_92 = vector.broadcast %max3A_91 : f32 to vector<2000x64xf32>
    %max3A_93 = arith.maximumf %add3A_90, %max3A_92 : vector<2000x64xf32>
    %get3A_94 = arith.constant 0 : index
    %get3A_95 = arith.constant 0 : index
    %get3A_96 = vector.load %arg12[%get3A_94, %get3A_95] : memref<64x64xf32, #tpu.memory_space<vmem>>, vector<64x64xf32>
    %dot_general3A_97 = arith.constant dense<0.000000e+00> : vector<2000x64xf32>
    %dot_general3A_98 = tpu.matmul %max3A_93, %get3A_96, %dot_general3A_97 {dimension_numbers = #tpu.dot_dimension_numbers<[1], [0], [0], [1], [0, 0, 1, 1], [], []>, transpose_lhs_hint = false} : vector<2000x64xf32>, vector<64x64xf32>, vector<2000x64xf32> -> vector<2000x64xf32>
    %get3A_99 = arith.constant 0 : index
    %get3A_100 = arith.constant 0 : index
    %get3A_101 = vector.load %arg13[%get3A_99, %get3A_100] : memref<1x64xf32, #tpu.memory_space<vmem>>, vector<1x64xf32>
    %add3A_102 = vector.broadcast %get3A_101 : vector<1x64xf32> to vector<2000x64xf32>
    %add3A_103 = arith.addf %dot_general3A_98, %add3A_102 : vector<2000x64xf32>
    %swap3A_104 = arith.constant 0 : index
    %swap3A_105 = arith.constant 0 : index
    %swap3A_106 = vector.load %arg18[%swap3A_104, %swap3A_105] : memref<2000x64xf32, #tpu.memory_space<vmem>>, vector<2000x64xf32>
    tpu.vector_store %arg18[%swap3A_104, %swap3A_105], %add3A_103 {strides = array<i32>} : memref<2000x64xf32, #tpu.memory_space<vmem>>, vector<2000x64xf32>,
    return
  }
  func.func @transform_0(%arg0: i32) -> (i32, i32) {
    %c0_i32 = arith.constant 0 : i32
    %c0_i32_0 = arith.constant 0 : i32
    return %arg0, %c0_i32 : i32, i32
  }
  func.func @transform_1(%arg0: i32) -> (i32, i32) {
    %c0_i32 = arith.constant 0 : i32
    %c0_i32_0 = arith.constant 0 : i32
    %c0_i32_1 = arith.constant 0 : i32
    return %c0_i32, %c0_i32_0 : i32, i32
  }
  func.func @transform_2(%arg0: i32) -> (i32, i32) {
    %c0_i32 = arith.constant 0 : i32
    %c0_i32_0 = arith.constant 0 : i32
    %c0_i32_1 = arith.constant 0 : i32
    return %c0_i32, %c0_i32_0 : i32, i32
  }
  func.func @transform_3(%arg0: i32) -> (i32, i32) {
    %c0_i32 = arith.constant 0 : i32
    %c0_i32_0 = arith.constant 0 : i32
    %c0_i32_1 = arith.constant 0 : i32
    return %c0_i32, %c0_i32_0 : i32, i32
  }
  func.func @transform_4(%arg0: i32) -> (i32, i32) {
    %c0_i32 = arith.constant 0 : i32
    %c0_i32_0 = arith.constant 0 : i32
    %c0_i32_1 = arith.constant 0 : i32
    return %c0_i32, %c0_i32_0 : i32, i32
  }
  func.func @transform_5(%arg0: i32) -> (i32, i32) {
    %c0_i32 = arith.constant 0 : i32
    %c0_i32_0 = arith.constant 0 : i32
    %c0_i32_1 = arith.constant 0 : i32
    return %c0_i32, %c0_i32_0 : i32, i32
  }
  func.func @transform_6(%arg0: i32) -> (i32, i32) {
    %c0_i32 = arith.constant 0 : i32
    %c0_i32_0 = arith.constant 0 : i32
    %c0_i32_1 = arith.constant 0 : i32
    return %c0_i32, %c0_i32_0 : i32, i32
  }
  func.func @transform_7(%arg0: i32) -> (i32, i32) {
    %c0_i32 = arith.constant 0 : i32
    %c0_i32_0 = arith.constant 0 : i32
    %c0_i32_1 = arith.constant 0 : i32
    return %c0_i32, %c0_i32_0 : i32, i32
  }
  func.func @transform_8(%arg0: i32) -> (i32, i32) {
    %c0_i32 = arith.constant 0 : i32
    %c0_i32_0 = arith.constant 0 : i32
    %c0_i32_1 = arith.constant 0 : i32
    return %c0_i32, %c0_i32_0 : i32, i32
  }
  func.func @transform_9(%arg0: i32) -> (i32, i32) {
    %c0_i32 = arith.constant 0 : i32
    %c0_i32_0 = arith.constant 0 : i32
    %c0_i32_1 = arith.constant 0 : i32
    return %c0_i32, %c0_i32_0 : i32, i32
  }
  func.func @transform_10(%arg0: i32) -> (i32, i32) {
    %c0_i32 = arith.constant 0 : i32
    %c0_i32_0 = arith.constant 0 : i32
    %c0_i32_1 = arith.constant 0 : i32
    return %c0_i32, %c0_i32_0 : i32, i32
  }
  func.func @transform_11(%arg0: i32) -> (i32, i32) {
    %c0_i32 = arith.constant 0 : i32
    %c0_i32_0 = arith.constant 0 : i32
    %c0_i32_1 = arith.constant 0 : i32
    return %c0_i32, %c0_i32_0 : i32, i32
  }
  func.func @transform_12(%arg0: i32) -> (i32, i32) {
    %c0_i32 = arith.constant 0 : i32
    %c0_i32_0 = arith.constant 0 : i32
    %c0_i32_1 = arith.constant 0 : i32
    return %c0_i32, %c0_i32_0 : i32, i32
  }
  func.func @transform_13(%arg0: i32) -> (i32, i32) {
    %c0_i32 = arith.constant 0 : i32
    %c0_i32_0 = arith.constant 0 : i32
    %c0_i32_1 = arith.constant 0 : i32
    return %c0_i32, %c0_i32_0 : i32, i32
  }
  func.func @transform_14(%arg0: i32) -> (i32, i32) {
    %c0_i32 = arith.constant 0 : i32
    %c0_i32_0 = arith.constant 0 : i32
    %c0_i32_1 = arith.constant 0 : i32
    return %c0_i32, %c0_i32_0 : i32, i32
  }
  func.func @transform_15(%arg0: i32) -> (i32, i32) {
    %c0_i32 = arith.constant 0 : i32
    %c0_i32_0 = arith.constant 0 : i32
    %c0_i32_1 = arith.constant 0 : i32
    return %c0_i32, %c0_i32_0 : i32, i32
  }
  func.func @transform_16(%arg0: i32) -> (i32, i32) {
    %c0_i32 = arith.constant 0 : i32
    %c0_i32_0 = arith.constant 0 : i32
    return %arg0, %c0_i32 : i32, i32
  }
  func.func @transform_17(%arg0: i32) -> (i32, i32) {
    %c0_i32 = arith.constant 0 : i32
    %c0_i32_0 = arith.constant 0 : i32
    return %arg0, %c0_i32 : i32, i32
  }
  func.func @transform_18(%arg0: i32) -> (i32, i32) {
    %c0_i32 = arith.constant 0 : i32
    %c0_i32_0 = arith.constant 0 : i32
    return %arg0, %c0_i32 : i32, i32
  }
}

module attributes {stable_mosaic.version = 14 : i64} {
  func.func @_k2_body(%arg0: i32, %arg1: memref<4000x16xf32, #tpu.memory_space<vmem>>, %arg2: memref<16x64xf32, #tpu.memory_space<vmem>>, %arg3: memref<1x64xf32, #tpu.memory_space<vmem>>, %arg4: memref<1x64xf32, #tpu.memory_space<vmem>>, %arg5: memref<1x64xf32, #tpu.memory_space<vmem>>, %arg6: memref<64x64xf32, #tpu.memory_space<vmem>>, %arg7: memref<1x64xf32, #tpu.memory_space<vmem>>, %arg8: memref<4000x64xf32, #tpu.memory_space<vmem>>) attributes {dimension_semantics = [#tpu.dimension_semantics<arbitrary>], iteration_bounds = array<i64: 40>, scalar_prefetch = 0 : i64, scratch_operands = 0 : i64, tpu.core_type = #tpu.core_type<tc>, window_params = [{transform_indices = @transform_0, window_bounds = array<i64: 4000, 16>}, {pipeline_mode = #tpu.pipeline_mode<synchronous>, transform_indices = @transform_1, window_bounds = array<i64: 16, 64>}, {pipeline_mode = #tpu.pipeline_mode<synchronous>, transform_indices = @transform_2, window_bounds = array<i64: 1, 64>}, {pipeline_mode = #tpu.pipeline_mode<synchronous>, transform_indices = @transform_3, window_bounds = array<i64: 1, 64>}, {pipeline_mode = #tpu.pipeline_mode<synchronous>, transform_indices = @transform_4, window_bounds = array<i64: 1, 64>}, {pipeline_mode = #tpu.pipeline_mode<synchronous>, transform_indices = @transform_5, window_bounds = array<i64: 64, 64>}, {pipeline_mode = #tpu.pipeline_mode<synchronous>, transform_indices = @transform_6, window_bounds = array<i64: 1, 64>}, {transform_indices = @transform_7, window_bounds = array<i64: 4000, 64>}]} {
    %get3A = arith.constant 0 : index
    %get3A_0 = arith.constant 0 : index
    %get3A_1 = vector.load %arg1[%get3A, %get3A_0] : memref<4000x16xf32, #tpu.memory_space<vmem>>, vector<4000x16xf32>
    %get3A_2 = arith.constant 0 : index
    %get3A_3 = arith.constant 0 : index
    %get3A_4 = vector.load %arg2[%get3A_2, %get3A_3] : memref<16x64xf32, #tpu.memory_space<vmem>>, vector<16x64xf32>
    %dot_general3A = arith.constant dense<0.000000e+00> : vector<4000x64xf32>
    %dot_general3A_5 = tpu.matmul %get3A_1, %get3A_4, %dot_general3A {dimension_numbers = #tpu.dot_dimension_numbers<[1], [0], [0], [1], [0, 0, 1, 1], [], []>, transpose_lhs_hint = false} : vector<4000x16xf32>, vector<16x64xf32>, vector<4000x64xf32> -> vector<4000x64xf32>
    %get3A_6 = arith.constant 0 : index
    %get3A_7 = arith.constant 0 : index
    %get3A_8 = vector.load %arg3[%get3A_6, %get3A_7] : memref<1x64xf32, #tpu.memory_space<vmem>>, vector<1x64xf32>
    %add3A = vector.broadcast %get3A_8 : vector<1x64xf32> to vector<4000x64xf32>
    %add3A_9 = arith.addf %dot_general3A_5, %add3A : vector<4000x64xf32>
    %get3A_10 = arith.constant 0 : index
    %get3A_11 = arith.constant 0 : index
    %get3A_12 = vector.load %arg4[%get3A_10, %get3A_11] : memref<1x64xf32, #tpu.memory_space<vmem>>, vector<1x64xf32>
    %get3A_13 = arith.constant 0 : index
    %get3A_14 = arith.constant 0 : index
    %get3A_15 = vector.load %arg5[%get3A_13, %get3A_14] : memref<1x64xf32, #tpu.memory_space<vmem>>, vector<1x64xf32>
    %reduce_sum3A = arith.constant dense<0.000000e+00> : vector<4000xf32>
    %reduce_sum3A_16 = vector.multi_reduction <add>, %add3A_9, %reduce_sum3A [1] : vector<4000x64xf32> to vector<4000xf32>
    %broadcast_in_dim3A = vector.shape_cast %reduce_sum3A_16 : vector<4000xf32> to vector<4000x1xf32>
    %div3A = arith.constant 6.400000e+01 : f32
    %div3A_17 = vector.broadcast %div3A : f32 to vector<4000x1xf32>
    %div3A_18 = arith.divf %broadcast_in_dim3A, %div3A_17 : vector<4000x1xf32>
    %sub3A = vector.broadcast %div3A_18 : vector<4000x1xf32> to vector<4000x64xf32>
    %sub3A_19 = arith.subf %add3A_9, %sub3A : vector<4000x64xf32>
    %integer_pow3A = arith.mulf %sub3A_19, %sub3A_19 : vector<4000x64xf32>
    %reduce_sum3A_20 = arith.constant dense<0.000000e+00> : vector<4000xf32>
    %reduce_sum3A_21 = vector.multi_reduction <add>, %integer_pow3A, %reduce_sum3A_20 [1] : vector<4000x64xf32> to vector<4000xf32>
    %broadcast_in_dim3A_22 = vector.shape_cast %reduce_sum3A_21 : vector<4000xf32> to vector<4000x1xf32>
    %div3A_23 = arith.constant 6.400000e+01 : f32
    %div3A_24 = vector.broadcast %div3A_23 : f32 to vector<4000x1xf32>
    %div3A_25 = arith.divf %broadcast_in_dim3A_22, %div3A_24 : vector<4000x1xf32>
    %sub3A_26 = vector.broadcast %div3A_18 : vector<4000x1xf32> to vector<4000x64xf32>
    %sub3A_27 = arith.subf %add3A_9, %sub3A_26 : vector<4000x64xf32>
    %add3A_28 = arith.constant 9.99999974E-6 : f32
    %add3A_29 = vector.broadcast %add3A_28 : f32 to vector<4000x1xf32>
    %add3A_30 = arith.addf %div3A_25, %add3A_29 : vector<4000x1xf32>
    %sqrt3A = math.sqrt %add3A_30 : vector<4000x1xf32>
    %div3A_31 = vector.broadcast %sqrt3A : vector<4000x1xf32> to vector<4000x64xf32>
    %div3A_32 = arith.divf %sub3A_27, %div3A_31 : vector<4000x64xf32>
    %mul3A = vector.broadcast %get3A_12 : vector<1x64xf32> to vector<4000x64xf32>
    %mul3A_33 = arith.mulf %div3A_32, %mul3A : vector<4000x64xf32>
    %add3A_34 = vector.broadcast %get3A_15 : vector<1x64xf32> to vector<4000x64xf32>
    %add3A_35 = arith.addf %mul3A_33, %add3A_34 : vector<4000x64xf32>
    %max3A = arith.constant 0.000000e+00 : f32
    %max3A_36 = vector.broadcast %max3A : f32 to vector<4000x64xf32>
    %max3A_37 = arith.maximumf %add3A_35, %max3A_36 : vector<4000x64xf32>
    %get3A_38 = arith.constant 0 : index
    %get3A_39 = arith.constant 0 : index
    %get3A_40 = vector.load %arg6[%get3A_38, %get3A_39] : memref<64x64xf32, #tpu.memory_space<vmem>>, vector<64x64xf32>
    %dot_general3A_41 = arith.constant dense<0.000000e+00> : vector<4000x64xf32>
    %dot_general3A_42 = tpu.matmul %max3A_37, %get3A_40, %dot_general3A_41 {dimension_numbers = #tpu.dot_dimension_numbers<[1], [0], [0], [1], [0, 0, 1, 1], [], []>, transpose_lhs_hint = false} : vector<4000x64xf32>, vector<64x64xf32>, vector<4000x64xf32> -> vector<4000x64xf32>
    %get3A_43 = arith.constant 0 : index
    %get3A_44 = arith.constant 0 : index
    %get3A_45 = vector.load %arg7[%get3A_43, %get3A_44] : memref<1x64xf32, #tpu.memory_space<vmem>>, vector<1x64xf32>
    %add3A_46 = vector.broadcast %get3A_45 : vector<1x64xf32> to vector<4000x64xf32>
    %add3A_47 = arith.addf %dot_general3A_42, %add3A_46 : vector<4000x64xf32>
    %swap3A = arith.constant 0 : index
    %swap3A_48 = arith.constant 0 : index
    %swap3A_49 = vector.load %arg8[%swap3A, %swap3A_48] : memref<4000x64xf32, #tpu.memory_space<vmem>>, vector<4000x64xf32>
    tpu.vector_store %arg8[%swap3A, %swap3A_48], %add3A_47 {strides = array<i32>} : memref<4000x64xf32, #tpu.memory_space<vmem>>, vector<4000x64xf32>,
    return
  }
  func.func @transform_0(%arg0: i32) -> (i32, i32) {
    %c0_i32 = arith.constant 0 : i32
    %c0_i32_0 = arith.constant 0 : i32
    return %arg0, %c0_i32 : i32, i32
  }
  func.func @transform_1(%arg0: i32) -> (i32, i32) {
    %c0_i32 = arith.constant 0 : i32
    %c0_i32_0 = arith.constant 0 : i32
    %c0_i32_1 = arith.constant 0 : i32
    return %c0_i32, %c0_i32_0 : i32, i32
  }
  func.func @transform_2(%arg0: i32) -> (i32, i32) {
    %c0_i32 = arith.constant 0 : i32
    %c0_i32_0 = arith.constant 0 : i32
    %c0_i32_1 = arith.constant 0 : i32
    return %c0_i32, %c0_i32_0 : i32, i32
  }
  func.func @transform_3(%arg0: i32) -> (i32, i32) {
    %c0_i32 = arith.constant 0 : i32
    %c0_i32_0 = arith.constant 0 : i32
    %c0_i32_1 = arith.constant 0 : i32
    return %c0_i32, %c0_i32_0 : i32, i32
  }
  func.func @transform_4(%arg0: i32) -> (i32, i32) {
    %c0_i32 = arith.constant 0 : i32
    %c0_i32_0 = arith.constant 0 : i32
    %c0_i32_1 = arith.constant 0 : i32
    return %c0_i32, %c0_i32_0 : i32, i32
  }
  func.func @transform_5(%arg0: i32) -> (i32, i32) {
    %c0_i32 = arith.constant 0 : i32
    %c0_i32_0 = arith.constant 0 : i32
    %c0_i32_1 = arith.constant 0 : i32
    return %c0_i32, %c0_i32_0 : i32, i32
  }
  func.func @transform_6(%arg0: i32) -> (i32, i32) {
    %c0_i32 = arith.constant 0 : i32
    %c0_i32_0 = arith.constant 0 : i32
    %c0_i32_1 = arith.constant 0 : i32
    return %c0_i32, %c0_i32_0 : i32, i32
  }
  func.func @transform_7(%arg0: i32) -> (i32, i32) {
    %c0_i32 = arith.constant 0 : i32
    %c0_i32_0 = arith.constant 0 : i32
    return %arg0, %c0_i32 : i32, i32
  }
}

module attributes {stable_mosaic.version = 14 : i64} {
  func.func @_k4_body(%arg0: i32, %arg1: i32, %arg2: memref<3200x64xf32, #tpu.memory_space<vmem>>, %arg3: memref<3200x64xf32, #tpu.memory_space<vmem>>, %arg4: memref<3200x80xf32, #tpu.memory_space<vmem>>, %arg5: memref<1x64xf32, #tpu.memory_space<vmem>>, %arg6: memref<1x64xf32, #tpu.memory_space<vmem>>, %arg7: memref<64x64xf32, #tpu.memory_space<vmem>>, %arg8: memref<1x64xf32, #tpu.memory_space<vmem>>, %arg9: memref<1x64xf32, #tpu.memory_space<vmem>>, %arg10: memref<1x64xf32, #tpu.memory_space<vmem>>, %arg11: memref<3200x64xf32, #tpu.memory_space<vmem>>, %arg12: memref<1x25x128xf32, #tpu.memory_space<vmem>>) attributes {dimension_semantics = [#tpu.dimension_semantics<arbitrary>, #tpu.dimension_semantics<arbitrary>], iteration_bounds = array<i64: 2, 50>, scalar_prefetch = 0 : i64, scratch_operands = 0 : i64, tpu.core_type = #tpu.core_type<tc>, window_params = [{transform_indices = @transform_0, window_bounds = array<i64: 3200, 64>}, {transform_indices = @transform_1, window_bounds = array<i64: 3200, 64>}, {transform_indices = @transform_2, window_bounds = array<i64: 3200, 80>}, {pipeline_mode = #tpu.pipeline_mode<synchronous>, transform_indices = @transform_3, window_bounds = array<i64: 1, 64>}, {pipeline_mode = #tpu.pipeline_mode<synchronous>, transform_indices = @transform_4, window_bounds = array<i64: 1, 64>}, {pipeline_mode = #tpu.pipeline_mode<synchronous>, transform_indices = @transform_5, window_bounds = array<i64: 64, 64>}, {pipeline_mode = #tpu.pipeline_mode<synchronous>, transform_indices = @transform_6, window_bounds = array<i64: 1, 64>}, {pipeline_mode = #tpu.pipeline_mode<synchronous>, transform_indices = @transform_7, window_bounds = array<i64: 1, 64>}, {pipeline_mode = #tpu.pipeline_mode<synchronous>, transform_indices = @transform_8, window_bounds = array<i64: 1, 64>}, {transform_indices = @transform_9, window_bounds = array<i64: 3200, 64>}, {transform_indices = @transform_10, window_bounds = array<i64: 1, 25, 128>}]} {
    %get3A = arith.constant 0 : index
    %get3A_0 = arith.constant 0 : index
    %get3A_1 = vector.load %arg2[%get3A, %get3A_0] : memref<3200x64xf32, #tpu.memory_space<vmem>>, vector<3200x64xf32>
    %get3A_2 = arith.constant 0 : index
    %get3A_3 = arith.constant 0 : index
    %get3A_4 = vector.load %arg3[%get3A_2, %get3A_3] : memref<3200x64xf32, #tpu.memory_space<vmem>>, vector<3200x64xf32>
    %add3A = arith.addf %get3A_1, %get3A_4 : vector<3200x64xf32>
    %get3A_5 = arith.constant 0 : index
    %get3A_6 = arith.constant 0 : index
    %get3A_7 = vector.load %arg5[%get3A_5, %get3A_6] : memref<1x64xf32, #tpu.memory_space<vmem>>, vector<1x64xf32>
    %get3A_8 = arith.constant 0 : index
    %get3A_9 = arith.constant 0 : index
    %get3A_10 = vector.load %arg6[%get3A_8, %get3A_9] : memref<1x64xf32, #tpu.memory_space<vmem>>, vector<1x64xf32>
    %reduce_sum3A = arith.constant dense<0.000000e+00> : vector<3200xf32>
    %reduce_sum3A_11 = vector.multi_reduction <add>, %add3A, %reduce_sum3A [1] : vector<3200x64xf32> to vector<3200xf32>
    %broadcast_in_dim3A = vector.shape_cast %reduce_sum3A_11 : vector<3200xf32> to vector<3200x1xf32>
    %div3A = arith.constant 6.400000e+01 : f32
    %div3A_12 = vector.broadcast %div3A : f32 to vector<3200x1xf32>
    %div3A_13 = arith.divf %broadcast_in_dim3A, %div3A_12 : vector<3200x1xf32>
    %sub3A = vector.broadcast %div3A_13 : vector<3200x1xf32> to vector<3200x64xf32>
    %sub3A_14 = arith.subf %add3A, %sub3A : vector<3200x64xf32>
    %integer_pow3A = arith.mulf %sub3A_14, %sub3A_14 : vector<3200x64xf32>
    %reduce_sum3A_15 = arith.constant dense<0.000000e+00> : vector<3200xf32>
    %reduce_sum3A_16 = vector.multi_reduction <add>, %integer_pow3A, %reduce_sum3A_15 [1] : vector<3200x64xf32> to vector<3200xf32>
    %broadcast_in_dim3A_17 = vector.shape_cast %reduce_sum3A_16 : vector<3200xf32> to vector<3200x1xf32>
    %div3A_18 = arith.constant 6.400000e+01 : f32
    %div3A_19 = vector.broadcast %div3A_18 : f32 to vector<3200x1xf32>
    %div3A_20 = arith.divf %broadcast_in_dim3A_17, %div3A_19 : vector<3200x1xf32>
    %sub3A_21 = vector.broadcast %div3A_13 : vector<3200x1xf32> to vector<3200x64xf32>
    %sub3A_22 = arith.subf %add3A, %sub3A_21 : vector<3200x64xf32>
    %add3A_23 = arith.constant 9.99999974E-6 : f32
    %add3A_24 = vector.broadcast %add3A_23 : f32 to vector<3200x1xf32>
    %add3A_25 = arith.addf %div3A_20, %add3A_24 : vector<3200x1xf32>
    %sqrt3A = math.sqrt %add3A_25 : vector<3200x1xf32>
    %div3A_26 = vector.broadcast %sqrt3A : vector<3200x1xf32> to vector<3200x64xf32>
    %div3A_27 = arith.divf %sub3A_22, %div3A_26 : vector<3200x64xf32>
    %mul3A = vector.broadcast %get3A_7 : vector<1x64xf32> to vector<3200x64xf32>
    %mul3A_28 = arith.mulf %div3A_27, %mul3A : vector<3200x64xf32>
    %add3A_29 = vector.broadcast %get3A_10 : vector<1x64xf32> to vector<3200x64xf32>
    %add3A_30 = arith.addf %mul3A_28, %add3A_29 : vector<3200x64xf32>
    %max3A = arith.constant 0.000000e+00 : f32
    %max3A_31 = vector.broadcast %max3A : f32 to vector<3200x64xf32>
    %max3A_32 = arith.maximumf %add3A_30, %max3A_31 : vector<3200x64xf32>
    %get3A_33 = arith.constant 0 : index
    %get3A_34 = arith.constant 0 : index
    %get3A_35 = vector.load %arg7[%get3A_33, %get3A_34] : memref<64x64xf32, #tpu.memory_space<vmem>>, vector<64x64xf32>
    %dot_general3A = arith.constant dense<0.000000e+00> : vector<3200x64xf32>
    %dot_general3A_36 = tpu.matmul %max3A_32, %get3A_35, %dot_general3A {dimension_numbers = #tpu.dot_dimension_numbers<[1], [0], [0], [1], [0, 0, 1, 1], [], []>, transpose_lhs_hint = false} : vector<3200x64xf32>, vector<64x64xf32>, vector<3200x64xf32> -> vector<3200x64xf32>
    %get3A_37 = arith.constant 0 : index
    %get3A_38 = arith.constant 0 : index
    %get3A_39 = vector.load %arg8[%get3A_37, %get3A_38] : memref<1x64xf32, #tpu.memory_space<vmem>>, vector<1x64xf32>
    %add3A_40 = vector.broadcast %get3A_39 : vector<1x64xf32> to vector<3200x64xf32>
    %add3A_41 = arith.addf %dot_general3A_36, %add3A_40 : vector<3200x64xf32>
    %get3A_42 = arith.constant 0 : index
    %get3A_43 = arith.constant 0 : index
    %get3A_44 = vector.load %arg9[%get3A_42, %get3A_43] : memref<1x64xf32, #tpu.memory_space<vmem>>, vector<1x64xf32>
    %get3A_45 = arith.constant 0 : index
    %get3A_46 = arith.constant 0 : index
    %get3A_47 = vector.load %arg10[%get3A_45, %get3A_46] : memref<1x64xf32, #tpu.memory_space<vmem>>, vector<1x64xf32>
    %reduce_sum3A_48 = arith.constant dense<0.000000e+00> : vector<3200xf32>
    %reduce_sum3A_49 = vector.multi_reduction <add>, %add3A_41, %reduce_sum3A_48 [1] : vector<3200x64xf32> to vector<3200xf32>
    %broadcast_in_dim3A_50 = vector.shape_cast %reduce_sum3A_49 : vector<3200xf32> to vector<3200x1xf32>
    %div3A_51 = arith.constant 6.400000e+01 : f32
    %div3A_52 = vector.broadcast %div3A_51 : f32 to vector<3200x1xf32>
    %div3A_53 = arith.divf %broadcast_in_dim3A_50, %div3A_52 : vector<3200x1xf32>
    %sub3A_54 = vector.broadcast %div3A_53 : vector<3200x1xf32> to vector<3200x64xf32>
    %sub3A_55 = arith.subf %add3A_41, %sub3A_54 : vector<3200x64xf32>
    %integer_pow3A_56 = arith.mulf %sub3A_55, %sub3A_55 : vector<3200x64xf32>
    %reduce_sum3A_57 = arith.constant dense<0.000000e+00> : vector<3200xf32>
    %reduce_sum3A_58 = vector.multi_reduction <add>, %integer_pow3A_56, %reduce_sum3A_57 [1] : vector<3200x64xf32> to vector<3200xf32>
    %broadcast_in_dim3A_59 = vector.shape_cast %reduce_sum3A_58 : vector<3200xf32> to vector<3200x1xf32>
    %div3A_60 = arith.constant 6.400000e+01 : f32
    %div3A_61 = vector.broadcast %div3A_60 : f32 to vector<3200x1xf32>
    %div3A_62 = arith.divf %broadcast_in_dim3A_59, %div3A_61 : vector<3200x1xf32>
    %sub3A_63 = vector.broadcast %div3A_53 : vector<3200x1xf32> to vector<3200x64xf32>
    %sub3A_64 = arith.subf %add3A_41, %sub3A_63 : vector<3200x64xf32>
    %add3A_65 = arith.constant 9.99999974E-6 : f32
    %add3A_66 = vector.broadcast %add3A_65 : f32 to vector<3200x1xf32>
    %add3A_67 = arith.addf %div3A_62, %add3A_66 : vector<3200x1xf32>
    %sqrt3A_68 = math.sqrt %add3A_67 : vector<3200x1xf32>
    %div3A_69 = vector.broadcast %sqrt3A_68 : vector<3200x1xf32> to vector<3200x64xf32>
    %div3A_70 = arith.divf %sub3A_64, %div3A_69 : vector<3200x64xf32>
    %mul3A_71 = vector.broadcast %get3A_44 : vector<1x64xf32> to vector<3200x64xf32>
    %mul3A_72 = arith.mulf %div3A_70, %mul3A_71 : vector<3200x64xf32>
    %add3A_73 = vector.broadcast %get3A_47 : vector<1x64xf32> to vector<3200x64xf32>
    %add3A_74 = arith.addf %mul3A_72, %add3A_73 : vector<3200x64xf32>
    %swap3A = arith.constant 0 : index
    %swap3A_75 = arith.constant 0 : index
    %swap3A_76 = vector.load %arg11[%swap3A, %swap3A_75] : memref<3200x64xf32, #tpu.memory_space<vmem>>, vector<3200x64xf32>
    tpu.vector_store %arg11[%swap3A, %swap3A_75], %add3A_74 {strides = array<i32>} : memref<3200x64xf32, #tpu.memory_space<vmem>>, vector<3200x64xf32>,
    %get3A_77 = arith.constant 0 : index
    %get3A_78 = arith.constant 0 : index
    %get3A_79 = vector.load %arg4[%get3A_77, %get3A_78] : memref<3200x80xf32, #tpu.memory_space<vmem>>, vector<3200x64xf32>
    %mul3A_80 = arith.mulf %get3A_79, %add3A_74 : vector<3200x64xf32>
    %reduce_sum3A_81 = arith.constant dense<0.000000e+00> : vector<3200xf32>
    %reduce_sum3A_82 = vector.multi_reduction <add>, %mul3A_80, %reduce_sum3A_81 [1] : vector<3200x64xf32> to vector<3200xf32>
    %get3A_83 = arith.constant 0 : index
    %get3A_84 = arith.constant 64 : index
    %get3A_85 = vector.load %arg4[%get3A_83, %get3A_84] : memref<3200x80xf32, #tpu.memory_space<vmem>>, vector<3200x1xf32>
    %get3A_86 = vector.shape_cast %get3A_85 : vector<3200x1xf32> to vector<3200xf32>
    %add3A_87 = arith.addf %reduce_sum3A_82, %get3A_86 : vector<3200xf32>
    %reshape3A = vector.shape_cast %add3A_87 : vector<3200xf32> to vector<1x25x128xf32>
    %swap3A_88 = arith.constant 0 : index
    %swap3A_89 = arith.constant 0 : index
    %swap3A_90 = arith.constant 0 : index
    %swap3A_91 = vector.load %arg12[%swap3A_88, %swap3A_89, %swap3A_90] : memref<1x25x128xf32, #tpu.memory_space<vmem>>, vector<1x25x128xf32>
    tpu.vector_store %arg12[%swap3A_88, %swap3A_89, %swap3A_90], %reshape3A {strides = array<i32>} : memref<1x25x128xf32, #tpu.memory_space<vmem>>, vector<1x25x128xf32>,
    return
  }
  func.func @transform_0(%arg0: i32, %arg1: i32) -> (i32, i32) {
    %mul3A = arith.constant 50 : i32
    %mul3A_0 = arith.muli %arg0, %mul3A : i32
    %add3A = arith.addi %mul3A_0, %arg1 : i32
    %c0_i32 = arith.constant 0 : i32
    %c0_i32_1 = arith.constant 0 : i32
    return %add3A, %c0_i32 : i32, i32
  }
  func.func @transform_1(%arg0: i32, %arg1: i32) -> (i32, i32) {
    %c0_i32 = arith.constant 0 : i32
    %c0_i32_0 = arith.constant 0 : i32
    return %arg1, %c0_i32 : i32, i32
  }
  func.func @transform_2(%arg0: i32, %arg1: i32) -> (i32, i32) {
    %mul3A = arith.constant 50 : i32
    %mul3A_0 = arith.muli %arg0, %mul3A : i32
    %add3A = arith.addi %mul3A_0, %arg1 : i32
    %c0_i32 = arith.constant 0 : i32
    %c0_i32_1 = arith.constant 0 : i32
    return %add3A, %c0_i32 : i32, i32
  }
  func.func @transform_3(%arg0: i32, %arg1: i32) -> (i32, i32) {
    %c0_i32 = arith.constant 0 : i32
    %c0_i32_0 = arith.constant 0 : i32
    %c0_i32_1 = arith.constant 0 : i32
    return %c0_i32, %c0_i32_0 : i32, i32
  }
  func.func @transform_4(%arg0: i32, %arg1: i32) -> (i32, i32) {
    %c0_i32 = arith.constant 0 : i32
    %c0_i32_0 = arith.constant 0 : i32
    %c0_i32_1 = arith.constant 0 : i32
    return %c0_i32, %c0_i32_0 : i32, i32
  }
  func.func @transform_5(%arg0: i32, %arg1: i32) -> (i32, i32) {
    %c0_i32 = arith.constant 0 : i32
    %c0_i32_0 = arith.constant 0 : i32
    %c0_i32_1 = arith.constant 0 : i32
    return %c0_i32, %c0_i32_0 : i32, i32
  }
  func.func @transform_6(%arg0: i32, %arg1: i32) -> (i32, i32) {
    %c0_i32 = arith.constant 0 : i32
    %c0_i32_0 = arith.constant 0 : i32
    %c0_i32_1 = arith.constant 0 : i32
    return %c0_i32, %c0_i32_0 : i32, i32
  }
  func.func @transform_7(%arg0: i32, %arg1: i32) -> (i32, i32) {
    %c0_i32 = arith.constant 0 : i32
    %c0_i32_0 = arith.constant 0 : i32
    %c0_i32_1 = arith.constant 0 : i32
    return %c0_i32, %c0_i32_0 : i32, i32
  }
  func.func @transform_8(%arg0: i32, %arg1: i32) -> (i32, i32) {
    %c0_i32 = arith.constant 0 : i32
    %c0_i32_0 = arith.constant 0 : i32
    %c0_i32_1 = arith.constant 0 : i32
    return %c0_i32, %c0_i32_0 : i32, i32
  }
  func.func @transform_9(%arg0: i32, %arg1: i32) -> (i32, i32) {
    %mul3A = arith.constant 50 : i32
    %mul3A_0 = arith.muli %arg0, %mul3A : i32
    %add3A = arith.addi %mul3A_0, %arg1 : i32
    %c0_i32 = arith.constant 0 : i32
    %c0_i32_1 = arith.constant 0 : i32
    return %add3A, %c0_i32 : i32, i32
  }
  func.func @transform_10(%arg0: i32, %arg1: i32) -> (i32, i32, i32) {
    %mul3A = arith.constant 50 : i32
    %mul3A_0 = arith.muli %arg0, %mul3A : i32
    %add3A = arith.addi %mul3A_0, %arg1 : i32
    %c0_i32 = arith.constant 0 : i32
    %c0_i32_1 = arith.constant 0 : i32
    %c0_i32_2 = arith.constant 0 : i32
    return %add3A, %c0_i32, %c0_i32_1 : i32, i32, i32
  }
}

module attributes {stable_mosaic.version = 14 : i64} {
  func.func @_k5_body(%arg0: i32, %arg1: memref<1x1250x128xf32, #tpu.memory_space<vmem>>, %arg2: memref<1x1250x128xf32, #tpu.memory_space<vmem>>, %arg3: memref<1x8x128xf32, #tpu.memory_space<vmem>>) attributes {dimension_semantics = [#tpu.dimension_semantics<arbitrary>], iteration_bounds = array<i64: 2>, scalar_prefetch = 0 : i64, scratch_operands = 0 : i64, tpu.core_type = #tpu.core_type<tc>, window_params = [{transform_indices = @transform_0, window_bounds = array<i64: 1, 1250, 128>}, {transform_indices = @transform_1, window_bounds = array<i64: 1, 1250, 128>}, {transform_indices = @transform_2, window_bounds = array<i64: 1, 8, 128>}]} {
    %get3A = arith.constant 0 : index
    %get3A_0 = arith.constant 0 : index
    %get3A_1 = arith.constant 0 : index
    %get3A_2 = vector.load %arg1[%get3A, %get3A_0, %get3A_1] : memref<1x1250x128xf32, #tpu.memory_space<vmem>>, vector<1x1250x128xf32>
    %get3A_3 = vector.shape_cast %get3A_2 : vector<1x1250x128xf32> to vector<1250x128xf32>
    %reduce_max3A = vector.shape_cast %get3A_3 : vector<1250x128xf32> to vector<1x1250x128xf32>
    %reduce_max3A_4 = arith.constant dense<0xFF800000> : vector<1xf32>
    %reduce_max3A_5 = vector.multi_reduction <maximumf>, %reduce_max3A, %reduce_max3A_4 [1, 2] : vector<1x1250x128xf32> to vector<1xf32>
    %reduce_max3A_6 = vector.shape_cast %reduce_max3A_5 : vector<1xf32> to vector<1x1x1xf32>
    %reduce_max3A_7 = vector.extract %reduce_max3A_6[0, 0, 0] : f32 from vector<1x1x1xf32>
    %sub3A = vector.broadcast %reduce_max3A_7 : f32 to vector<1250x128xf32>
    %sub3A_8 = arith.subf %get3A_3, %sub3A : vector<1250x128xf32>
    %exp3A = math.exp %sub3A_8 : vector<1250x128xf32>
    %swap3A = arith.constant 0 : index
    %swap3A_9 = arith.constant 0 : index
    %swap3A_10 = arith.constant 0 : index
    %swap3A_11 = vector.load %arg2[%swap3A, %swap3A_9, %swap3A_10] : memref<1x1250x128xf32, #tpu.memory_space<vmem>>, vector<1x1250x128xf32>
    %swap3A_12 = vector.shape_cast %swap3A_11 : vector<1x1250x128xf32> to vector<1250x128xf32>
    %swap3A_13 = vector.shape_cast %exp3A : vector<1250x128xf32> to vector<1x1250x128xf32>
    tpu.vector_store %arg2[%swap3A, %swap3A_9, %swap3A_10], %swap3A_13 {strides = array<i32>} : memref<1x1250x128xf32, #tpu.memory_space<vmem>>, vector<1x1250x128xf32>,
    %reduce_sum3A = vector.shape_cast %exp3A : vector<1250x128xf32> to vector<1x1250x128xf32>
    %reduce_sum3A_14 = arith.constant dense<0.000000e+00> : vector<1xf32>
    %reduce_sum3A_15 = vector.multi_reduction <add>, %reduce_sum3A, %reduce_sum3A_14 [1, 2] : vector<1x1250x128xf32> to vector<1xf32>
    %reduce_sum3A_16 = vector.shape_cast %reduce_sum3A_15 : vector<1xf32> to vector<1x1x1xf32>
    %reduce_sum3A_17 = vector.extract %reduce_sum3A_16[0, 0, 0] : f32 from vector<1x1x1xf32>
    %broadcast_in_dim3A = vector.broadcast %reduce_sum3A_17 : f32 to vector<8x128xf32>
    %swap3A_18 = arith.constant 0 : index
    %swap3A_19 = arith.constant 0 : index
    %swap3A_20 = arith.constant 0 : index
    %swap3A_21 = vector.load %arg3[%swap3A_18, %swap3A_19, %swap3A_20] : memref<1x8x128xf32, #tpu.memory_space<vmem>>, vector<1x8x128xf32>
    %swap3A_22 = vector.shape_cast %swap3A_21 : vector<1x8x128xf32> to vector<8x128xf32>
    %swap3A_23 = vector.shape_cast %broadcast_in_dim3A : vector<8x128xf32> to vector<1x8x128xf32>
    tpu.vector_store %arg3[%swap3A_18, %swap3A_19, %swap3A_20], %swap3A_23 {strides = array<i32>} : memref<1x8x128xf32, #tpu.memory_space<vmem>>, vector<1x8x128xf32>,
    return
  }
  func.func @transform_0(%arg0: i32) -> (i32, i32, i32) {
    %c0_i32 = arith.constant 0 : i32
    %c0_i32_0 = arith.constant 0 : i32
    %c0_i32_1 = arith.constant 0 : i32
    return %arg0, %c0_i32, %c0_i32_0 : i32, i32, i32
  }
  func.func @transform_1(%arg0: i32) -> (i32, i32, i32) {
    %c0_i32 = arith.constant 0 : i32
    %c0_i32_0 = arith.constant 0 : i32
    %c0_i32_1 = arith.constant 0 : i32
    return %arg0, %c0_i32, %c0_i32_0 : i32, i32, i32
  }
  func.func @transform_2(%arg0: i32) -> (i32, i32, i32) {
    %c0_i32 = arith.constant 0 : i32
    %c0_i32_0 = arith.constant 0 : i32
    %c0_i32_1 = arith.constant 0 : i32
    return %arg0, %c0_i32, %c0_i32_0 : i32, i32, i32
  }
}

module attributes {stable_mosaic.version = 14 : i64} {
  func.func @_k7_body(%arg0: i32, %arg1: memref<2000x64xf32, #tpu.memory_space<vmem>>, %arg2: memref<2x2000x80xf32, #tpu.memory_space<vmem>>, %arg3: memref<1x8x128xf32, #tpu.memory_space<vmem>>, %arg4: memref<64x64xf32, #tpu.memory_space<vmem>>, %arg5: memref<1x64xf32, #tpu.memory_space<vmem>>, %arg6: memref<64x64xf32, #tpu.memory_space<vmem>>, %arg7: memref<64x64xf32, #tpu.memory_space<vmem>>, %arg8: memref<1x64xf32, #tpu.memory_space<vmem>>, %arg9: memref<64x64xf32, #tpu.memory_space<vmem>>, %arg10: memref<1x64xf32, #tpu.memory_space<vmem>>, %arg11: memref<1x64xf32, #tpu.memory_space<vmem>>, %arg12: memref<1x64xf32, #tpu.memory_space<vmem>>, %arg13: memref<64x256xf32, #tpu.memory_space<vmem>>, %arg14: memref<1x256xf32, #tpu.memory_space<vmem>>, %arg15: memref<256x64xf32, #tpu.memory_space<vmem>>, %arg16: memref<1x64xf32, #tpu.memory_space<vmem>>, %arg17: memref<1x64xf32, #tpu.memory_space<vmem>>, %arg18: memref<1x64xf32, #tpu.memory_space<vmem>>, %arg19: memref<2000x64xf32, #tpu.memory_space<vmem>>) attributes {dimension_semantics = [#tpu.dimension_semantics<arbitrary>], iteration_bounds = array<i64: 10>, scalar_prefetch = 0 : i64, scratch_operands = 0 : i64, tpu.core_type = #tpu.core_type<tc>, window_params = [{transform_indices = @transform_0, window_bounds = array<i64: 2000, 64>}, {transform_indices = @transform_1, window_bounds = array<i64: 2, 2000, 80>}, {transform_indices = @transform_2, window_bounds = array<i64: 1, 8, 128>}, {pipeline_mode = #tpu.pipeline_mode<synchronous>, transform_indices = @transform_3, window_bounds = array<i64: 64, 64>}, {pipeline_mode = #tpu.pipeline_mode<synchronous>, transform_indices = @transform_4, window_bounds = array<i64: 1, 64>}, {pipeline_mode = #tpu.pipeline_mode<synchronous>, transform_indices = @transform_5, window_bounds = array<i64: 64, 64>}, {pipeline_mode = #tpu.pipeline_mode<synchronous>, transform_indices = @transform_6, window_bounds = array<i64: 64, 64>}, {pipeline_mode = #tpu.pipeline_mode<synchronous>, transform_indices = @transform_7, window_bounds = array<i64: 1, 64>}, {pipeline_mode = #tpu.pipeline_mode<synchronous>, transform_indices = @transform_8, window_bounds = array<i64: 64, 64>}, {pipeline_mode = #tpu.pipeline_mode<synchronous>, transform_indices = @transform_9, window_bounds = array<i64: 1, 64>}, {pipeline_mode = #tpu.pipeline_mode<synchronous>, transform_indices = @transform_10, window_bounds = array<i64: 1, 64>}, {pipeline_mode = #tpu.pipeline_mode<synchronous>, transform_indices = @transform_11, window_bounds = array<i64: 1, 64>}, {pipeline_mode = #tpu.pipeline_mode<synchronous>, transform_indices = @transform_12, window_bounds = array<i64: 64, 256>}, {pipeline_mode = #tpu.pipeline_mode<synchronous>, transform_indices = @transform_13, window_bounds = array<i64: 1, 256>}, {pipeline_mode = #tpu.pipeline_mode<synchronous>, transform_indices = @transform_14, window_bounds = array<i64: 256, 64>}, {pipeline_mode = #tpu.pipeline_mode<synchronous>, transform_indices = @transform_15, window_bounds = array<i64: 1, 64>}, {pipeline_mode = #tpu.pipeline_mode<synchronous>, transform_indices = @transform_16, window_bounds = array<i64: 1, 64>}, {pipeline_mode = #tpu.pipeline_mode<synchronous>, transform_indices = @transform_17, window_bounds = array<i64: 1, 64>}, {transform_indices = @transform_18, window_bounds = array<i64: 2000, 64>}]} {
    %get3A = arith.constant 0 : index
    %get3A_0 = arith.constant 0 : index
    %get3A_1 = arith.constant 0 : index
    %get3A_2 = vector.load %arg2[%get3A, %get3A_0, %get3A_1] : memref<2x2000x80xf32, #tpu.memory_space<vmem>>, vector<1x2000x80xf32>
    %get3A_3 = vector.shape_cast %get3A_2 : vector<1x2000x80xf32> to vector<2000x80xf32>
    %get3A_4 = arith.constant 1 : index
    %get3A_5 = arith.constant 0 : index
    %get3A_6 = arith.constant 0 : index
    %get3A_7 = vector.load %arg2[%get3A_4, %get3A_5, %get3A_6] : memref<2x2000x80xf32, #tpu.memory_space<vmem>>, vector<1x2000x80xf32>
    %get3A_8 = vector.shape_cast %get3A_7 : vector<1x2000x80xf32> to vector<2000x80xf32>
    %add3A = arith.addf %get3A_3, %get3A_8 : vector<2000x80xf32>
    %slice3A = vector.extract_strided_slice %add3A {offsets = [0, 0], sizes = [2000, 64], strides = [1, 1]} : vector<2000x80xf32> to vector<2000x64xf32>
    %slice3A_9 = vector.extract_strided_slice %add3A {offsets = [0, 64], sizes = [2000, 1], strides = [1, 1]} : vector<2000x80xf32> to vector<2000x1xf32>
    %get3A_10 = arith.constant 0 : index
    %get3A_11 = arith.constant 0 : index
    %get3A_12 = arith.constant 0 : index
    %get3A_13 = vector.load %arg3[%get3A_10, %get3A_11, %get3A_12] : memref<1x8x128xf32, #tpu.memory_space<vmem>>, vector<1x1x1xf32>
    %get3A_14 = vector.extract %get3A_13[0, 0, 0] : f32 from vector<1x1x1xf32>
    %get3A_15 = arith.constant 0 : index
    %get3A_16 = arith.constant 0 : index
    %get3A_17 = vector.load %arg4[%get3A_15, %get3A_16] : memref<64x64xf32, #tpu.memory_space<vmem>>, vector<64x64xf32>
    %dot_general3A = arith.constant dense<0.000000e+00> : vector<2000x64xf32>
    %dot_general3A_18 = tpu.matmul %slice3A, %get3A_17, %dot_general3A {dimension_numbers = #tpu.dot_dimension_numbers<[1], [0], [0], [1], [0, 0, 1, 1], [], []>, transpose_lhs_hint = false} : vector<2000x64xf32>, vector<64x64xf32>, vector<2000x64xf32> -> vector<2000x64xf32>
    %get3A_19 = arith.constant 0 : index
    %get3A_20 = arith.constant 0 : index
    %get3A_21 = vector.load %arg5[%get3A_19, %get3A_20] : memref<1x64xf32, #tpu.memory_space<vmem>>, vector<1x64xf32>
    %mul3A = vector.broadcast %slice3A_9 : vector<2000x1xf32> to vector<2000x64xf32>
    %mul3A_22 = vector.broadcast %get3A_21 : vector<1x64xf32> to vector<2000x64xf32>
    %mul3A_23 = arith.mulf %mul3A, %mul3A_22 : vector<2000x64xf32>
    %add3A_24 = arith.addf %dot_general3A_18, %mul3A_23 : vector<2000x64xf32>
    %div3A = vector.broadcast %get3A_14 : f32 to vector<2000x64xf32>
    %div3A_25 = arith.divf %add3A_24, %div3A : vector<2000x64xf32>
    %get3A_26 = arith.constant 0 : index
    %get3A_27 = arith.constant 0 : index
    %get3A_28 = vector.load %arg1[%get3A_26, %get3A_27] : memref<2000x64xf32, #tpu.memory_space<vmem>>, vector<2000x64xf32>
    %get3A_29 = arith.constant 0 : index
    %get3A_30 = arith.constant 0 : index
    %get3A_31 = vector.load %arg6[%get3A_29, %get3A_30] : memref<64x64xf32, #tpu.memory_space<vmem>>, vector<64x64xf32>
    %dot_general3A_32 = arith.constant dense<0.000000e+00> : vector<2000x64xf32>
    %dot_general3A_33 = tpu.matmul %get3A_28, %get3A_31, %dot_general3A_32 {dimension_numbers = #tpu.dot_dimension_numbers<[1], [0], [0], [1], [0, 0, 1, 1], [], []>, transpose_lhs_hint = false} : vector<2000x64xf32>, vector<64x64xf32>, vector<2000x64xf32> -> vector<2000x64xf32>
    %get3A_34 = arith.constant 0 : index
    %get3A_35 = arith.constant 0 : index
    %get3A_36 = vector.load %arg7[%get3A_34, %get3A_35] : memref<64x64xf32, #tpu.memory_space<vmem>>, vector<64x64xf32>
    %dot_general3A_37 = arith.constant dense<0.000000e+00> : vector<2000x64xf32>
    %dot_general3A_38 = tpu.matmul %div3A_25, %get3A_36, %dot_general3A_37 {dimension_numbers = #tpu.dot_dimension_numbers<[1], [0], [0], [1], [0, 0, 1, 1], [], []>, transpose_lhs_hint = false} : vector<2000x64xf32>, vector<64x64xf32>, vector<2000x64xf32> -> vector<2000x64xf32>
    %add3A_39 = arith.addf %dot_general3A_33, %dot_general3A_38 : vector<2000x64xf32>
    %get3A_40 = arith.constant 0 : index
    %get3A_41 = arith.constant 0 : index
    %get3A_42 = vector.load %arg8[%get3A_40, %get3A_41] : memref<1x64xf32, #tpu.memory_space<vmem>>, vector<1x64xf32>
    %add3A_43 = vector.broadcast %get3A_42 : vector<1x64xf32> to vector<2000x64xf32>
    %add3A_44 = arith.addf %add3A_39, %add3A_43 : vector<2000x64xf32>
    %logistic3A = arith.negf %add3A_44 : vector<2000x64xf32>
    %logistic3A_45 = math.exp %logistic3A : vector<2000x64xf32>
    %logistic3A_46 = arith.constant 1.000000e+00 : f32
    %logistic3A_47 = vector.broadcast %logistic3A_46 : f32 to vector<2000x64xf32>
    %logistic3A_48 = arith.addf %logistic3A_47, %logistic3A_45 : vector<2000x64xf32>
    %logistic3A_49 = arith.divf %logistic3A_47, %logistic3A_48 : vector<2000x64xf32>
    %get3A_50 = arith.constant 0 : index
    %get3A_51 = arith.constant 0 : index
    %get3A_52 = vector.load %arg9[%get3A_50, %get3A_51] : memref<64x64xf32, #tpu.memory_space<vmem>>, vector<64x64xf32>
    %dot_general3A_53 = arith.constant dense<0.000000e+00> : vector<2000x64xf32>
    %dot_general3A_54 = tpu.matmul %get3A_28, %get3A_52, %dot_general3A_53 {dimension_numbers = #tpu.dot_dimension_numbers<[1], [0], [0], [1], [0, 0, 1, 1], [], []>, transpose_lhs_hint = false} : vector<2000x64xf32>, vector<64x64xf32>, vector<2000x64xf32> -> vector<2000x64xf32>
    %get3A_55 = arith.constant 0 : index
    %get3A_56 = arith.constant 0 : index
    %get3A_57 = vector.load %arg10[%get3A_55, %get3A_56] : memref<1x64xf32, #tpu.memory_space<vmem>>, vector<1x64xf32>
    %add3A_58 = vector.broadcast %get3A_57 : vector<1x64xf32> to vector<2000x64xf32>
    %add3A_59 = arith.addf %dot_general3A_54, %add3A_58 : vector<2000x64xf32>
    %mul3A_60 = arith.mulf %logistic3A_49, %add3A_59 : vector<2000x64xf32>
    %sub3A = arith.constant 1.000000e+00 : f32
    %sub3A_61 = vector.broadcast %sub3A : f32 to vector<2000x64xf32>
    %sub3A_62 = arith.subf %sub3A_61, %logistic3A_49 : vector<2000x64xf32>
    %mul3A_63 = arith.mulf %sub3A_62, %div3A_25 : vector<2000x64xf32>
    %add3A_64 = arith.addf %mul3A_60, %mul3A_63 : vector<2000x64xf32>
    %get3A_65 = arith.constant 0 : index
    %get3A_66 = arith.constant 0 : index
    %get3A_67 = vector.load %arg11[%get3A_65, %get3A_66] : memref<1x64xf32, #tpu.memory_space<vmem>>, vector<1x64xf32>
    %get3A_68 = arith.constant 0 : index
    %get3A_69 = arith.constant 0 : index
    %get3A_70 = vector.load %arg12[%get3A_68, %get3A_69] : memref<1x64xf32, #tpu.memory_space<vmem>>, vector<1x64xf32>
    %reduce_sum3A = arith.constant dense<0.000000e+00> : vector<2000xf32>
    %reduce_sum3A_71 = vector.multi_reduction <add>, %add3A_64, %reduce_sum3A [1] : vector<2000x64xf32> to vector<2000xf32>
    %broadcast_in_dim3A = vector.shape_cast %reduce_sum3A_71 : vector<2000xf32> to vector<2000x1xf32>
    %div3A_72 = arith.constant 6.400000e+01 : f32
    %div3A_73 = vector.broadcast %div3A_72 : f32 to vector<2000x1xf32>
    %div3A_74 = arith.divf %broadcast_in_dim3A, %div3A_73 : vector<2000x1xf32>
    %sub3A_75 = vector.broadcast %div3A_74 : vector<2000x1xf32> to vector<2000x64xf32>
    %sub3A_76 = arith.subf %add3A_64, %sub3A_75 : vector<2000x64xf32>
    %integer_pow3A = arith.mulf %sub3A_76, %sub3A_76 : vector<2000x64xf32>
    %reduce_sum3A_77 = arith.constant dense<0.000000e+00> : vector<2000xf32>
    %reduce_sum3A_78 = vector.multi_reduction <add>, %integer_pow3A, %reduce_sum3A_77 [1] : vector<2000x64xf32> to vector<2000xf32>
    %broadcast_in_dim3A_79 = vector.shape_cast %reduce_sum3A_78 : vector<2000xf32> to vector<2000x1xf32>
    %div3A_80 = arith.constant 6.400000e+01 : f32
    %div3A_81 = vector.broadcast %div3A_80 : f32 to vector<2000x1xf32>
    %div3A_82 = arith.divf %broadcast_in_dim3A_79, %div3A_81 : vector<2000x1xf32>
    %sub3A_83 = vector.broadcast %div3A_74 : vector<2000x1xf32> to vector<2000x64xf32>
    %sub3A_84 = arith.subf %add3A_64, %sub3A_83 : vector<2000x64xf32>
    %add3A_85 = arith.constant 9.99999974E-6 : f32
    %add3A_86 = vector.broadcast %add3A_85 : f32 to vector<2000x1xf32>
    %add3A_87 = arith.addf %div3A_82, %add3A_86 : vector<2000x1xf32>
    %sqrt3A = math.sqrt %add3A_87 : vector<2000x1xf32>
    %div3A_88 = vector.broadcast %sqrt3A : vector<2000x1xf32> to vector<2000x64xf32>
    %div3A_89 = arith.divf %sub3A_84, %div3A_88 : vector<2000x64xf32>
    %mul3A_90 = vector.broadcast %get3A_67 : vector<1x64xf32> to vector<2000x64xf32>
    %mul3A_91 = arith.mulf %div3A_89, %mul3A_90 : vector<2000x64xf32>
    %add3A_92 = vector.broadcast %get3A_70 : vector<1x64xf32> to vector<2000x64xf32>
    %add3A_93 = arith.addf %mul3A_91, %add3A_92 : vector<2000x64xf32>
    %add3A_94 = arith.addf %get3A_28, %add3A_93 : vector<2000x64xf32>
    %get3A_95 = arith.constant 0 : index
    %get3A_96 = arith.constant 0 : index
    %get3A_97 = vector.load %arg13[%get3A_95, %get3A_96] : memref<64x256xf32, #tpu.memory_space<vmem>>, vector<64x256xf32>
    %dot_general3A_98 = arith.constant dense<0.000000e+00> : vector<2000x256xf32>
    %dot_general3A_99 = tpu.matmul %add3A_94, %get3A_97, %dot_general3A_98 {dimension_numbers = #tpu.dot_dimension_numbers<[1], [0], [0], [1], [0, 0, 1, 1], [], []>, transpose_lhs_hint = false} : vector<2000x64xf32>, vector<64x256xf32>, vector<2000x256xf32> -> vector<2000x256xf32>
    %get3A_100 = arith.constant 0 : index
    %get3A_101 = arith.constant 0 : index
    %get3A_102 = vector.load %arg14[%get3A_100, %get3A_101] : memref<1x256xf32, #tpu.memory_space<vmem>>, vector<1x256xf32>
    %add3A_103 = vector.broadcast %get3A_102 : vector<1x256xf32> to vector<2000x256xf32>
    %add3A_104 = arith.addf %dot_general3A_99, %add3A_103 : vector<2000x256xf32>
    %max3A = arith.constant 0.000000e+00 : f32
    %max3A_105 = vector.broadcast %max3A : f32 to vector<2000x256xf32>
    %max3A_106 = arith.maximumf %add3A_104, %max3A_105 : vector<2000x256xf32>
    %get3A_107 = arith.constant 0 : index
    %get3A_108 = arith.constant 0 : index
    %get3A_109 = vector.load %arg15[%get3A_107, %get3A_108] : memref<256x64xf32, #tpu.memory_space<vmem>>, vector<256x64xf32>
    %dot_general3A_110 = arith.constant dense<0.000000e+00> : vector<2000x64xf32>
    %dot_general3A_111 = tpu.matmul %max3A_106, %get3A_109, %dot_general3A_110 {dimension_numbers = #tpu.dot_dimension_numbers<[1], [0], [0], [1], [0, 0, 1, 1], [], []>, transpose_lhs_hint = false} : vector<2000x256xf32>, vector<256x64xf32>, vector<2000x64xf32> -> vector<2000x64xf32>
    %get3A_112 = arith.constant 0 : index
    %get3A_113 = arith.constant 0 : index
    %get3A_114 = vector.load %arg16[%get3A_112, %get3A_113] : memref<1x64xf32, #tpu.memory_space<vmem>>, vector<1x64xf32>
    %add3A_115 = vector.broadcast %get3A_114 : vector<1x64xf32> to vector<2000x64xf32>
    %add3A_116 = arith.addf %dot_general3A_111, %add3A_115 : vector<2000x64xf32>
    %get3A_117 = arith.constant 0 : index
    %get3A_118 = arith.constant 0 : index
    %get3A_119 = vector.load %arg17[%get3A_117, %get3A_118] : memref<1x64xf32, #tpu.memory_space<vmem>>, vector<1x64xf32>
    %get3A_120 = arith.constant 0 : index
    %get3A_121 = arith.constant 0 : index
    %get3A_122 = vector.load %arg18[%get3A_120, %get3A_121] : memref<1x64xf32, #tpu.memory_space<vmem>>, vector<1x64xf32>
    %reduce_sum3A_123 = arith.constant dense<0.000000e+00> : vector<2000xf32>
    %reduce_sum3A_124 = vector.multi_reduction <add>, %add3A_116, %reduce_sum3A_123 [1] : vector<2000x64xf32> to vector<2000xf32>
    %broadcast_in_dim3A_125 = vector.shape_cast %reduce_sum3A_124 : vector<2000xf32> to vector<2000x1xf32>
    %div3A_126 = arith.constant 6.400000e+01 : f32
    %div3A_127 = vector.broadcast %div3A_126 : f32 to vector<2000x1xf32>
    %div3A_128 = arith.divf %broadcast_in_dim3A_125, %div3A_127 : vector<2000x1xf32>
    %sub3A_129 = vector.broadcast %div3A_128 : vector<2000x1xf32> to vector<2000x64xf32>
    %sub3A_130 = arith.subf %add3A_116, %sub3A_129 : vector<2000x64xf32>
    %integer_pow3A_131 = arith.mulf %sub3A_130, %sub3A_130 : vector<2000x64xf32>
    %reduce_sum3A_132 = arith.constant dense<0.000000e+00> : vector<2000xf32>
    %reduce_sum3A_133 = vector.multi_reduction <add>, %integer_pow3A_131, %reduce_sum3A_132 [1] : vector<2000x64xf32> to vector<2000xf32>
    %broadcast_in_dim3A_134 = vector.shape_cast %reduce_sum3A_133 : vector<2000xf32> to vector<2000x1xf32>
    %div3A_135 = arith.constant 6.400000e+01 : f32
    %div3A_136 = vector.broadcast %div3A_135 : f32 to vector<2000x1xf32>
    %div3A_137 = arith.divf %broadcast_in_dim3A_134, %div3A_136 : vector<2000x1xf32>
    %sub3A_138 = vector.broadcast %div3A_128 : vector<2000x1xf32> to vector<2000x64xf32>
    %sub3A_139 = arith.subf %add3A_116, %sub3A_138 : vector<2000x64xf32>
    %add3A_140 = arith.constant 9.99999974E-6 : f32
    %add3A_141 = vector.broadcast %add3A_140 : f32 to vector<2000x1xf32>
    %add3A_142 = arith.addf %div3A_137, %add3A_141 : vector<2000x1xf32>
    %sqrt3A_143 = math.sqrt %add3A_142 : vector<2000x1xf32>
    %div3A_144 = vector.broadcast %sqrt3A_143 : vector<2000x1xf32> to vector<2000x64xf32>
    %div3A_145 = arith.divf %sub3A_139, %div3A_144 : vector<2000x64xf32>
    %mul3A_146 = vector.broadcast %get3A_119 : vector<1x64xf32> to vector<2000x64xf32>
    %mul3A_147 = arith.mulf %div3A_145, %mul3A_146 : vector<2000x64xf32>
    %add3A_148 = vector.broadcast %get3A_122 : vector<1x64xf32> to vector<2000x64xf32>
    %add3A_149 = arith.addf %mul3A_147, %add3A_148 : vector<2000x64xf32>
    %add3A_150 = arith.addf %add3A_94, %add3A_149 : vector<2000x64xf32>
    %swap3A = arith.constant 0 : index
    %swap3A_151 = arith.constant 0 : index
    %swap3A_152 = vector.load %arg19[%swap3A, %swap3A_151] : memref<2000x64xf32, #tpu.memory_space<vmem>>, vector<2000x64xf32>
    tpu.vector_store %arg19[%swap3A, %swap3A_151], %add3A_150 {strides = array<i32>} : memref<2000x64xf32, #tpu.memory_space<vmem>>, vector<2000x64xf32>,
    return
  }
  func.func @transform_0(%arg0: i32) -> (i32, i32) {
    %c0_i32 = arith.constant 0 : i32
    %c0_i32_0 = arith.constant 0 : i32
    return %arg0, %c0_i32 : i32, i32
  }
  func.func @transform_1(%arg0: i32) -> (i32, i32, i32) {
    %c0_i32 = arith.constant 0 : i32
    %c0_i32_0 = arith.constant 0 : i32
    %c0_i32_1 = arith.constant 0 : i32
    return %c0_i32, %arg0, %c0_i32_0 : i32, i32, i32
  }
  func.func @transform_2(%arg0: i32) -> (i32, i32, i32) {
    %jit3A = arith.constant 5 : i32
    %div3A = arith.divsi %arg0, %jit3A : i32
    %sign3A = arith.constant 0 : i32
    %sign3A_0 = arith.cmpi sgt, %arg0, %sign3A : i32
    %sign3A_1 = arith.extui %sign3A_0 : i1 to i32
    %sign3A_2 = arith.constant 0 : i32
    %sign3A_3 = arith.cmpi slt, %arg0, %sign3A_2 : i32
    %sign3A_4 = arith.extui %sign3A_3 : i1 to i32
    %sign3A_5 = arith.subi %sign3A_1, %sign3A_4 : i32
    %sign3A_6 = arith.constant 0 : i32
    %sign3A_7 = arith.cmpi sgt, %jit3A, %sign3A_6 : i32
    %sign3A_8 = arith.extui %sign3A_7 : i1 to i32
    %sign3A_9 = arith.constant 0 : i32
    %sign3A_10 = arith.cmpi slt, %jit3A, %sign3A_9 : i32
    %sign3A_11 = arith.extui %sign3A_10 : i1 to i32
    %sign3A_12 = arith.subi %sign3A_8, %sign3A_11 : i32
    %ne3A = arith.cmpi ne, %sign3A_5, %sign3A_12 : i32
    %rem3A = arith.remsi %arg0, %jit3A : i32
    %ne3A_13 = arith.constant 0 : i32
    %ne3A_14 = arith.cmpi ne, %rem3A, %ne3A_13 : i32
    %and3A = arith.andi %ne3A, %ne3A_14 : i1
    %sub3A = arith.constant 1 : i32
    %sub3A_15 = arith.subi %div3A, %sub3A : i32
    %select_n3A = arith.select %and3A, %sub3A_15, %div3A : i32
    %c0_i32 = arith.constant 0 : i32
    %c0_i32_16 = arith.constant 0 : i32
    %c0_i32_17 = arith.constant 0 : i32
    return %select_n3A, %c0_i32, %c0_i32_16 : i32, i32, i32
  }
  func.func @transform_3(%arg0: i32) -> (i32, i32) {
    %c0_i32 = arith.constant 0 : i32
    %c0_i32_0 = arith.constant 0 : i32
    %c0_i32_1 = arith.constant 0 : i32
    return %c0_i32, %c0_i32_0 : i32, i32
  }
  func.func @transform_4(%arg0: i32) -> (i32, i32) {
    %c0_i32 = arith.constant 0 : i32
    %c0_i32_0 = arith.constant 0 : i32
    %c0_i32_1 = arith.constant 0 : i32
    return %c0_i32, %c0_i32_0 : i32, i32
  }
  func.func @transform_5(%arg0: i32) -> (i32, i32) {
    %c0_i32 = arith.constant 0 : i32
    %c0_i32_0 = arith.constant 0 : i32
    %c0_i32_1 = arith.constant 0 : i32
    return %c0_i32, %c0_i32_0 : i32, i32
  }
  func.func @transform_6(%arg0: i32) -> (i32, i32) {
    %c0_i32 = arith.constant 0 : i32
    %c0_i32_0 = arith.constant 0 : i32
    %c0_i32_1 = arith.constant 0 : i32
    return %c0_i32, %c0_i32_0 : i32, i32
  }
  func.func @transform_7(%arg0: i32) -> (i32, i32) {
    %c0_i32 = arith.constant 0 : i32
    %c0_i32_0 = arith.constant 0 : i32
    %c0_i32_1 = arith.constant 0 : i32
    return %c0_i32, %c0_i32_0 : i32, i32
  }
  func.func @transform_8(%arg0: i32) -> (i32, i32) {
    %c0_i32 = arith.constant 0 : i32
    %c0_i32_0 = arith.constant 0 : i32
    %c0_i32_1 = arith.constant 0 : i32
    return %c0_i32, %c0_i32_0 : i32, i32
  }
  func.func @transform_9(%arg0: i32) -> (i32, i32) {
    %c0_i32 = arith.constant 0 : i32
    %c0_i32_0 = arith.constant 0 : i32
    %c0_i32_1 = arith.constant 0 : i32
    return %c0_i32, %c0_i32_0 : i32, i32
  }
  func.func @transform_10(%arg0: i32) -> (i32, i32) {
    %c0_i32 = arith.constant 0 : i32
    %c0_i32_0 = arith.constant 0 : i32
    %c0_i32_1 = arith.constant 0 : i32
    return %c0_i32, %c0_i32_0 : i32, i32
  }
  func.func @transform_11(%arg0: i32) -> (i32, i32) {
    %c0_i32 = arith.constant 0 : i32
    %c0_i32_0 = arith.constant 0 : i32
    %c0_i32_1 = arith.constant 0 : i32
    return %c0_i32, %c0_i32_0 : i32, i32
  }
  func.func @transform_12(%arg0: i32) -> (i32, i32) {
    %c0_i32 = arith.constant 0 : i32
    %c0_i32_0 = arith.constant 0 : i32
    %c0_i32_1 = arith.constant 0 : i32
    return %c0_i32, %c0_i32_0 : i32, i32
  }
  func.func @transform_13(%arg0: i32) -> (i32, i32) {
    %c0_i32 = arith.constant 0 : i32
    %c0_i32_0 = arith.constant 0 : i32
    %c0_i32_1 = arith.constant 0 : i32
    return %c0_i32, %c0_i32_0 : i32, i32
  }
  func.func @transform_14(%arg0: i32) -> (i32, i32) {
    %c0_i32 = arith.constant 0 : i32
    %c0_i32_0 = arith.constant 0 : i32
    %c0_i32_1 = arith.constant 0 : i32
    return %c0_i32, %c0_i32_0 : i32, i32
  }
  func.func @transform_15(%arg0: i32) -> (i32, i32) {
    %c0_i32 = arith.constant 0 : i32
    %c0_i32_0 = arith.constant 0 : i32
    %c0_i32_1 = arith.constant 0 : i32
    return %c0_i32, %c0_i32_0 : i32, i32
  }
  func.func @transform_16(%arg0: i32) -> (i32, i32) {
    %c0_i32 = arith.constant 0 : i32
    %c0_i32_0 = arith.constant 0 : i32
    %c0_i32_1 = arith.constant 0 : i32
    return %c0_i32, %c0_i32_0 : i32, i32
  }
  func.func @transform_17(%arg0: i32) -> (i32, i32) {
    %c0_i32 = arith.constant 0 : i32
    %c0_i32_0 = arith.constant 0 : i32
    %c0_i32_1 = arith.constant 0 : i32
    return %c0_i32, %c0_i32_0 : i32, i32
  }
  func.func @transform_18(%arg0: i32) -> (i32, i32) {
    %c0_i32 = arith.constant 0 : i32
    %c0_i32_0 = arith.constant 0 : i32
    return %arg0, %c0_i32 : i32, i32
  }
}

</mosaic_0001>

<sc_bundles>
// kernel: kernel.12.cloned.1.call-start
scs
__scs_entry_jumppad:
0x0: {  	(pc) =	sbr.rel $0x88, $3  }
0x1: {  	(tag) =	ssettag $0x0;
	lr =	simm.s32 $0x1  }
0x2: {  	[smem:$0x3F74] =	sst lr;
	_ =	strace $0xD0000000  }
0x3: {  	_ = 	snop  }
0x4: {  	_ = 	snop  }
0x5: {  	_ = 	snop  }
0x6: {  	_ = 	snop  }
0x7: {  	_ = 	snop  }
__scs_overlays_trampoline_lowered:
0x8: {  	[smem:$0x3F83] =	sst s0  }
0x9: {  	[smem:$0x3F84] =	sst s1  }
0xa: {  	[smem:$0x3F85] =	sst s2  }
0xb: {  	[smem:$0x3F86] =	sst s3  }
0xc: {  	[smem:$0x3F87] =	sst s4  }
0xd: {  	[smem:$0x3F88] =	sst s5  }
0xe: {  	[smem:$0x3F89] =	sst s6  }
0xf: {  	[smem:$0x3F8A] =	sst s7  }
0x10: {  	[smem:$0x3F8B] =	sst s8  }
0x11: {  	[smem:$0x3F8C] =	sst s9;
	s0 =	simm.s32 @!p0 $0x0  }
0x12: {  	s1 =	sld [smem:$0x3F72];
	s0 =	simm.s32 @p0 $0x1  }
0x13: {  	[smem:$0x3F8D] =	sst s0;
	s0 =	simm.s32 @!p1 $0x0  }
0x14: {  	s2 =	sld [smem:$0x3F71];
	s0 =	simm.s32 @p1 $0x1  }
0x15: {  	[smem:$0x3F8E] =	sst s0;
	s0 =	simm.s32 @!p2 $0x0  }
0x16: {  	s3 =	sld [smem:$0x3FDB];
	s0 =	simm.s32 @p2 $0x1  }
0x17: {  	s4 =	simm.s32 $0x1BF5;
	[smem:$0x3F90] =	sst s0  }
0x18: {  	s0 =	sld [smem:$0x3F73];
	_ =	swait.ge [sflag:s4], $0x0  }
0x19: {  	s7 =	sld [smem:$0x3F74]  }
0x1a: {  	s8 =	sadd.s32 $0xFFFFE003, lr  }
0x1b: {  	s9 =	sadd.s32 $0xFFFFFEF7, lr;
	s5 =	simm.s32 $0xFFFFFFFF;
	p2 =	slt.u32 s8, $0xFFFFF086  }
0x1c: {  	p1 =	slt.u32 s9, $0xF7A;
	s5 =	simm.s32 @!p2 $0x0  }
0x1d: {  	s5 =	simm.s32 @p1 $0x1;
	p0 =	seq.s32 s7, s2  }
0x1e: {  	s7 =	smul.u32 @!p0 $0xF7A, s2;
	p2 =	seq.s32 @!p0 s5, $0x0  }
0x1f: {  	s9 =	smul.u32 $0xF7A, s1;
	s8 =	simm.s32 @!p0 $0x1BF5;
	p2 =	por !p2, p0  }
0x20: {  	[sflag:s8] =	ssyncset.s32 @!p0 $0xFFFFF086;
	s6 =	sadd.s32 @!p0 s3, s7;
	s7 =	simm.s32 @!p0 $0x108  }
0x21: {  	s3 =	sadd.s32 s3, s9;
	s6 =	sadd.s32 @!p0 $0x88, s6;
	s7 =	simm.s32 @p2 $0x1082  }
0x22: {  	[simem:s7], [sflag:s8] =	dma.local @!p0 [hbm:s6], $0xF7A  }
0x23: {  	s9 =	sor.u32 $0xD0000000, s2;
	s6 =	simm.s32 $0x108;
	_ =	swait.ge @!p0 [sflag:s8], $0x0  }
0x24: {  	s3 =	sadd.s32 $0x88, s3;
	s6 =	simm.s32 @!p1 $0x1082;
	[sflag:s4] =	ssyncset.s32 $0xFFFFF086  }
0x25: {  	[simem:s6], [sflag:s4] =	dma.local [hbm:s3], $0xF7A  }
0x26: {  	[smem:$0x3F74] =	sst s1;
	(tag) =	ssettag s2;
	_ =	strace s9  }
0x27: {  	s1 =	sld [smem:$0x3F84]  }
0x28: {  	s2 =	sld [smem:$0x3F85]  }
0x29: {  	s4 =	sld [smem:$0x3F87]  }
0x2a: {  	p0 =	seq.s32 s5, $0x0;
	s5 =	sld [smem:$0x3F88]  }
0x2b: {  	s6 =	sld [smem:$0x3F89]  }
0x2c: {  	s7 =	sld [smem:$0x3F8A]  }
0x2d: {  	s3 =	simm.s32 $0x108;
	s8 =	sld [smem:$0x3F8B]  }
0x2e: {  	s3 =	simm.s32 @!p0 $0x1082;
	s9 =	sld [smem:$0x3F8C]  }
0x2f: {  	lr =	sadd.s32 s0, s3;
	s0 =	sld [smem:$0x3F83]  }
0x30: {  	s3 =	sld [smem:$0x3F86]  }
0x31: {  	[smem:$0x3F8F] =	sst s10  }
0x32: {  	s10 =	sld [smem:$0x3F8D];
	_ =	sdelay $0x3  }
0x33: {  	p0 =	seq.s32 s10, $0x1;
	s10 =	sld [smem:$0x3F8F];
	_ =	sdelay $0x3  }
0x34: {  	[smem:$0x3F8F] =	sst s10  }
0x35: {  	s10 =	sld [smem:$0x3F8E];
	_ =	sdelay $0x3  }
0x36: {  	p1 =	seq.s32 s10, $0x1;
	s10 =	sld [smem:$0x3F8F];
	_ =	sdelay $0x3  }
0x37: {  	[smem:$0x3F8F] =	sst s10  }
0x38: {  	s10 =	sld [smem:$0x3F90]  }
0x39: {  	_ = 	snop;
	(pc) =	sbr.ind lr, $3  }
0x3a: {  	_ = 	snop  }
0x3b: {  	_ = 	snop  }
0x3c: {  	p2 =	seq.s32 s10, $0x1;
	s10 =	sld [smem:$0x3F8F]  }
0x3d: {  	_ =	shalt  }
0x3e: {  	_ =	shalt  }
0x3f: {  	_ =	shalt  }
0x40: {  	_ =	shalt  }
0x41: {  	_ =	shalt  }
0x42: {  	_ =	shalt  }
0x43: {  	_ =	shalt  }
0x44: {  	_ =	shalt  }
0x45: {  	_ =	shalt  }
0x46: {  	_ =	shalt  }
0x47: {  	_ =	shalt  }
0x48: {  	_ =	shalt  }
0x49: {  	_ =	shalt  }
0x4a: {  	_ =	shalt  }
0x4b: {  	_ =	shalt  }
0x4c: {  	_ =	shalt  }
0x4d: {  	_ =	shalt  }
0x4e: {  	_ =	shalt  }
0x4f: {  	_ =	shalt  }
0x50: {  	_ =	shalt  }
0x51: {  	_ =	shalt  }
0x52: {  	_ =	shalt  }
0x53: {  	_ =	shalt  }
0x54: {  	_ =	shalt  }
0x55: {  	_ =	shalt  }
0x56: {  	_ =	shalt  }
0x57: {  	_ =	shalt  }
0x58: {  	_ =	shalt  }
0x59: {  	_ =	shalt  }
0x5a: {  	_ =	shalt  }
0x5b: {  	_ =	shalt  }
0x5c: {  	_ =	shalt  }
0x5d: {  	_ =	shalt  }
0x5e: {  	_ =	shalt  }
0x5f: {  	_ =	shalt  }
0x60: {  	_ =	shalt  }
0x61: {  	_ =	shalt  }
0x62: {  	_ =	shalt  }
0x63: {  	_ =	shalt  }
0x64: {  	_ =	shalt  }
0x65: {  	_ =	shalt  }
0x66: {  	_ =	shalt  }
0x67: {  	_ =	shalt  }
0x68: {  	_ =	shalt  }
0x69: {  	_ =	shalt  }
0x6a: {  	_ =	shalt  }
0x6b: {  	_ =	shalt  }
0x6c: {  	_ =	shalt  }
0x6d: {  	_ =	shalt  }
0x6e: {  	_ =	shalt  }
0x6f: {  	_ =	shalt  }
0x70: {  	_ =	shalt  }
0x71: {  	_ =	shalt  }
0x72: {  	_ =	shalt  }
0x73: {  	_ =	shalt  }
0x74: {  	_ =	shalt  }
0x75: {  	_ =	shalt  }
0x76: {  	_ =	shalt  }
0x77: {  	_ =	shalt  }
0x78: {  	_ =	shalt  }
0x79: {  	_ =	shalt  }
0x7a: {  	_ =	shalt  }
0x7b: {  	_ =	shalt  }
0x7c: {  	_ =	shalt  }
0x7d: {  	_ =	shalt  }
0x7e: {  	_ =	shalt  }
0x7f: {  	_ =	shalt  }
0x80: {  	_ =	shalt  }
0x81: {  	_ =	shalt  }
0x82: {  	_ =	shalt  }
0x83: {  	_ =	shalt  }
0x84: {  	_ =	shalt  }
0x85: {  	_ =	shalt  }
0x86: {  	_ =	shalt  }
0x87: {  	_ =	shalt  }
.Lfunc_end0:
.L_simem_size_0:
called_computation.1_lowered:
.L_overlay_start_0:
0x88: {  	s2 =	sld [smem:$0x3FD9]  }
0x89: {  	s3 =	sld [smem:$0x3FFE];
	_ =	sdelay $0x1  }
0x8a: {  	s1 =	srdreg.scid  }
0x8b: {  	s0 =	sand.u32 $0x1, s1  }
0x8c: {  	s17 =	sshll.u32 s0, $0xA;
	s2 =	sadd.s32 s3, s2  }
0x8d: {  	s2 =	sadd.s32 s2, s17  }
0x8e: {  	[smem:$0x3F9B] =	sst s2  }
0x8f: {  	_ = 	snop  }
0x90: {  	s2 =	sld [smem:$0x3FD0];
	(tm) =	ssettm $0x1  }
0x91: {  	s18 =	sld [smem:$0x3FFB];
	_ =	sdelay $0x3  }
0x92: {  	_ =	strace s18  }
0x93: {  	s3 =	sld [smem:$0x3FFC];
	_ =	sdelay $0x3  }
0x94: {  	_ =	strace s3  }
0x95: {  	s3 =	sld [smem:$0x3FFD];
	_ =	sdelay $0x3  }
0x96: {  	_ =	strace s3  }
0x97: {  	_ =	strace $0x8FFFFFFF  }
0x98: {  	s19 =	sld [smem:$0x3FDB];
	_ =	sdelay $0x1  }
0x99: {  	s4 =	simm.s32 $_scs_section_size  }
0x9a: {  	s5 =	simm.s32 $_size__tile_overlayer_lowered;
	s6 =	simm.s32 $_tile_overlayer_lowered  }
0x9b: {  	s22 =	simm.s32 $0x1BFF;
	s21 =	sshll.u32 s6, $0x1;
	s3 =	sadd.s32 s4, s19  }
0x9c: {  	s7 =	simm.s32 $0x0;
	s20 =	sshll.u32 s5, $0x1;
	s5 =	sadd.s32 s21, s3  }
0x9d: {  	[timem:s7], [sflag:s22] =	dma.local [hbm:s5], s20  }
0x9e: {  	_ =	swait.ge [sflag:s22], s20  }
0x9f: {  	s4 =	ssub.s32 $0x0, s20;
	[sflag:s22] =	ssyncset.done $0x0  }
0xa0: {  	[sflag:s22] =	ssyncadd.s32 s4;
	_ =	sdelay $0x1  }
0xa1: {  	s23 =	simm.s32 $0x1B8B  }
0xa2: {  	_ =	swait.ge [sflag:s23], $0x1  }
0xa3: {  	[sflag:s23] =	ssyncset.done $0x0  }
0xa4: {  	s25 =	simm.s32 $0x1B8E;
	s24 =	sld [smem:$0x3FFE];
	[sflag:s23] =	ssyncadd.s32 $0xFFFFFFFF  }
0xa5: {  	s26 =	simm.s32 $execute0_lowered;
	[smem:$0x3FD2] =	sst s25  }
0xa6: {  	s5 =	sshll.u32 s26, $0x1;
	_ =	strace $0x80000049;
	[dreg:$0x1] =	wrdreg $0xFFFFFFFF  }
0xa7: {  	s28 =	simm.s32 $_size_execute0_lowered;
	s3 =	sadd.s32 s3, s5;
	[dreg:$0x0] =	wrdreg $0x0  }
0xa8: {  	s5 =	sshll.u32 s28, $0x1;
	[dreg:$0x2] =	wrdreg s3  }
0xa9: {  	[dreg:$0x3] =	wrdreg s5  }
0xaa: {  	[dreg:$0x4] =	wrdreg $0xC0  }
0xab: {  	_ =	task [dreg:s7], $0x5FFFF  }
0xac: {  	[dreg:$0x1] =	wrdreg $0xFFFFFFFF  }
0xad: {  	[dreg:$0x0] =	wrdreg $0x60  }
0xae: {  	[dreg:$0x2] =	wrdreg s24  }
0xaf: {  	[dreg:$0x3] =	wrdreg s2  }
0xb0: {  	[dreg:$0x4] =	wrdreg $0x54600  }
0xb1: {  	[dreg:$0x5] =	wrdreg $0x9  }
0xb2: {  	_ =	task.clear_ibuf [dreg:s7], $0x6FFFF;
	_ =	strace $0x90000049  }
0xb3: {  	s29 =	simm.s32 $0x9;
	_ =	strace $0x8000004B  }
0xb4: {  	_ =	swait.ge [sflag:s29], $0x1  }
0xb5: {  	[sflag:s29] =	ssyncadd.s32 $0xFFFFFFFF  }
0xb6: {  	_ =	strace $0x9000004B  }
0xb7: {  	_ =	sfence  }
0xb8: {  	s30 =	sld [smem:$0x0];
	_ =	sdelay $0x2  }
0xb9: {  	s31 =	sshll.u32 s1, $0xD;
	s1 =	sshrl.u32 s1, $0x2  }
0xba: {  	s3 =	sand.u32 $0x4000, s31;
	s1 =	sadd.s32 s1, s30  }
0xbb: {  	s0 =	sor.u32 s3, s0;
	s1 =	sshll.u32 s1, $0x11  }
0xbc: {  	s0 =	sor.u32 s1, s0  }
0xbd: {  	s0 =	sadd.s32 $0x8F2B, s0  }
0xbe: {  	[sflag:s0] =	ssyncadd.remote.s32 $0x1  }
0xbf: {  	_ =	sfence.sel $0xFFFF  }
0xc0: {  	[dreg:$0x0] =	wrdreg $0xFFFFFFFF;
	(pc) =	sbr.abs _section_cstart, $3  }
0xc1: {  	[dreg:$0x1] =	wrdreg $0xFFFFFFFF  }
0xc2: {  	_ =	task.clear_ibuf [dreg:s7], $0x2FFFF;
	_ =	strace $0x9FFFFFFF  }
0xc3: {  	(tm) =	ssettm $0x7FFFFFFF  }
tec
execute0_lowered:
.L_overlay_start_1:
0x0: {  	(tag) =	ssettag $0x1  }
0x1: {  	s0 =	rddreg [dreg:$0x0]  }
0x2: {  	s2 =	rddreg [dreg:$0x1]  }
0x3: {  	s1 =	srdreg.scid;
	s11 =	stileid.u32  }
0x4: {  	s1 =	sand.u32 $0x1, s1;
	s5 =	sshll.u32 s11, $0x1;
	s7 =	smul.u32 $0x61A80, s11  }
0x5: {  	s3 =	rddreg [dreg:$0x2];
	s5 =	sor.u32 s1, s5  }
0x6: {  	s9 =	smul.u32 $0x30D40, s1;
	s1 =	ssub.s32 $0x2, s1;
	s7 =	sshrl.u32 s7, $0x2  }
0x7: {  	s4 =	simm.s32 $0x0;
	s10 =	sshrl.u32 s1, $0x1;
	s7 =	sadd.s32 s7, s3  }
0x8: {  	[smem:$0x7FF] =	sst s4;
	s1 =	ssub.s32 s1, s10;
	s10 =	sadd.s32 $0xFA0, s7  }
0x9: {  	_ =	strace $0x8000004A;
	s12 =	sadd.s32 $0x1F40, s7;
	[dreg:$0x5] =	wrdreg s10  }
0xa: {  	s13 =	sadd.s32 $0x2EE0, s7;
	[dreg:$0x6] =	wrdreg s12  }
0xb: {  	s14 =	sadd.s32 $0x3E80, s7;
	[dreg:$0x7] =	wrdreg s13  }
0xc: {  	s15 =	sadd.s32 $0x4E20, s7;
	[dreg:$0x8] =	wrdreg s14  }
0xd: {  	s6 =	sadd.s32 $0x585600, s0;
	s16 =	sadd.s32 $0x5DC0, s7;
	[dreg:$0x9] =	wrdreg s15  }
0xe: {  	s21 =	smul.u32 $0x30D4, s11;
	s17 =	sadd.s32 $0x6D60, s7;
	[dreg:$0xa] =	wrdreg s16  }
0xf: {  	s5 =	smul.u32 $0x2710, s5;
	s18 =	sadd.s32 $0x7D00, s7;
	[dreg:$0xb] =	wrdreg s17  }
0x10: {  	s11 =	simm.s32 $0x3B60;
	s19 =	sadd.s32 $0x8CA0, s7;
	[dreg:$0xc] =	wrdreg s18  }
0x11: {  	s8 =	sshrl.u32 s5, $0x3;
	s20 =	sadd.s32 $0x9C40, s7;
	[dreg:$0xd] =	wrdreg s19  }
0x12: {  	s22 =	sadd.s32 $0xABE0, s7;
	s23 =	sadd.s32 $0xBB80, s7;
	[dreg:$0xe] =	wrdreg s20  }
0x13: {  	s24 =	sadd.s32 $0xCB20, s7;
	s25 =	sadd.s32 $0xDAC0, s7;
	[dreg:$0xf] =	wrdreg s22  }
0x14: {  	s26 =	sadd.s32 $0xEA60, s7;
	s28 =	sadd.s32 $0x109A0, s7;
	[dreg:$0x10] =	wrdreg s23  }
0x15: {  	s29 =	sadd.s32 $0x11940, s7;
	s30 =	sadd.s32 $0x128E0, s7;
	[dreg:$0x11] =	wrdreg s24  }
0x16: {  	s31 =	sadd.s32 $0x13880, s7;
	s8 =	sadd.s32 s8, s0;
	[dreg:$0x12] =	wrdreg s25  }
0x17: {  	s0 =	sadd.s32 s9, s0;
	[dreg:$0x13] =	wrdreg s26;
	s24 =	smax.u32 s1, $0x1  }
0x18: {  	s26 =	sadd.s32 $0xFA00, s7;
	s1 =	sadd.s32 $0x157C0, s7;
	s9 =	sadd.s32 $0x17700, s7  }
0x19: {  	s10 =	simm.s32 $0x2;
	s12 =	simm.s32 $0x2710;
	s13 =	simm.s32 $0x3B10  }
0x1a: {  	s14 =	simm.s32 $0x1;
	s15 =	simm.s32 $0x50;
	s8 =	sadd.s32 $0x892A00, s8  }
0x1b: {  	s16 =	simm.s32 $0x0;
	s0 =	sadd.s32 s21, s0;
	[dreg:$0x4] =	wrdreg s8  }
0x1c: {  	v0 =	vimm.f32 $0.0e+00;
	s25 =	sadd.s32 $0x7F6600, s0;
	s0 =	sadd.s32 $0x14820, s7;
	s8 =	sadd.s32 $0x16760, s7  }
.LBB2_1:
0x1d: {  	s17 =	rddreg [dreg:$0x4]  }
0x1e: {  	[tilespmem:s4], [sflag:$0x2] =	stream.linear.gather [hbm4b:s17+s4], $0x2710, $0x38;
	[tilespmem:$0x1DB00] =	vst v63  }
0x1f: {  	_ =	swait.ge [sflag:s10], $0x2710  }
0x20: {  	[sflag:s10] =	ssyncset.done $0x0  }
0x21: {  	s18 =	simm.s32 $0x140;
	s17 =	simm.s32 $0x0;
	[sflag:s10] =	ssyncadd.s32 $0xFFFFD8F0  }
.LBB2_2:
0x22: {  	p0 =	sne.s32 s18, $0x3D40;
	[tilespmem:s17+$0x3BA0] =	vst v0;
	s19 =	smov.u32 s18;
	s18 =	sadd.s32 $0x140, s18  }
.Ltmp0:
0x23: {  	[tilespmem:s17+$0x3B90] =	vst v0;
	(pc) =	sbr.rel @p0 .LBB2_2-.Ltmp0, $4  }
0x24: {  	[tilespmem:s17+$0x3B80] =	vst v0  }
0x25: {  	[tilespmem:s17+$0x3B60] =	vst v0  }
0x26: {  	[tilespmem:s17+$0x3B70] =	vst v0  }
0x27: {  	s17 =	sshra.s32 s19, $0x2  }
0x28: {  	[tilespmem:s17+$0x3BA0] =	vst v0  }
0x29: {  	[tilespmem:s17+$0x3B90] =	vst v0  }
0x2a: {  	[tilespmem:s17+$0x3B80] =	vst v0  }
0x2b: {  	[tilespmem:s17+$0x3B60] =	vst v0  }
0x2c: {  	[tilespmem:s17+$0x3B70] =	vst v0  }
0x2d: {  	[spmem:s7] =	stream.linear.scatter [tilespmem:s11], [sflag:$0x2], $0xFA0, $0x38;
	[tilespmem:$0x1DB00] =	vst v63  }
0x2e: {  	_ =	swait.ge [sflag:s10], $0xFA0  }
0x2f: {  	[sflag:s10] =	ssyncset.done $0x0  }
0x30: {  	s21 =	rddreg [dreg:$0x5];
	[sflag:s10] =	ssyncadd.s32 $0xFFFFF060  }
0x31: {  	[spmem:s21] =	stream.linear.scatter [tilespmem:s11], [sflag:$0x2], $0xFA0, $0x38;
	[tilespmem:$0x1DB00] =	vst v63  }
0x32: {  	_ =	swait.ge [sflag:s10], $0xFA0  }
0x33: {  	[sflag:s10] =	ssyncset.done $0x0  }
0x34: {  	s22 =	rddreg [dreg:$0x6];
	[sflag:s10] =	ssyncadd.s32 $0xFFFFF060  }
0x35: {  	[spmem:s22] =	stream.linear.scatter [tilespmem:s11], [sflag:$0x2], $0xFA0, $0x38;
	[tilespmem:$0x1DB00] =	vst v63  }
0x36: {  	_ =	swait.ge [sflag:s10], $0xFA0  }
0x37: {  	[sflag:s10] =	ssyncset.done $0x0  }
0x38: {  	s23 =	rddreg [dreg:$0x7];
	[sflag:s10] =	ssyncadd.s32 $0xFFFFF060  }
0x39: {  	[spmem:s23] =	stream.linear.scatter [tilespmem:s11], [sflag:$0x2], $0xFA0, $0x38;
	[tilespmem:$0x1DB00] =	vst v63  }
0x3a: {  	_ =	swait.ge [sflag:s10], $0xFA0  }
0x3b: {  	[sflag:s10] =	ssyncset.done $0x0  }
0x3c: {  	s18 =	rddreg [dreg:$0x8];
	[sflag:s10] =	ssyncadd.s32 $0xFFFFF060  }
0x3d: {  	[spmem:s18] =	stream.linear.scatter [tilespmem:s11], [sflag:$0x2], $0xFA0, $0x38;
	[tilespmem:$0x1DB00] =	vst v63  }
0x3e: {  	_ =	swait.ge [sflag:s10], $0xFA0  }
0x3f: {  	[sflag:s10] =	ssyncset.done $0x0  }
0x40: {  	s19 =	rddreg [dreg:$0x9];
	[sflag:s10] =	ssyncadd.s32 $0xFFFFF060  }
0x41: {  	[spmem:s19] =	stream.linear.scatter [tilespmem:s11], [sflag:$0x2], $0xFA0, $0x38;
	[tilespmem:$0x1DB00] =	vst v63  }
0x42: {  	_ =	swait.ge [sflag:s10], $0xFA0  }
0x43: {  	[sflag:s10] =	ssyncset.done $0x0  }
0x44: {  	s20 =	rddreg [dreg:$0xa];
	[sflag:s10] =	ssyncadd.s32 $0xFFFFF060  }
0x45: {  	[spmem:s20] =	stream.linear.scatter [tilespmem:s11], [sflag:$0x2], $0xFA0, $0x38;
	[tilespmem:$0x1DB00] =	vst v63  }
0x46: {  	_ =	swait.ge [sflag:s10], $0xFA0  }
0x47: {  	[sflag:s10] =	ssyncset.done $0x0  }
0x48: {  	s21 =	rddreg [dreg:$0xb];
	[sflag:s10] =	ssyncadd.s32 $0xFFFFF060  }
0x49: {  	[spmem:s21] =	stream.linear.scatter [tilespmem:s11], [sflag:$0x2], $0xFA0, $0x38;
	[tilespmem:$0x1DB00] =	vst v63  }
0x4a: {  	_ =	swait.ge [sflag:s10], $0xFA0  }
0x4b: {  	[sflag:s10] =	ssyncset.done $0x0  }
0x4c: {  	s22 =	rddreg [dreg:$0xc];
	[sflag:s10] =	ssyncadd.s32 $0xFFFFF060  }
0x4d: {  	[spmem:s22] =	stream.linear.scatter [tilespmem:s11], [sflag:$0x2], $0xFA0, $0x38;
	[tilespmem:$0x1DB00] =	vst v63  }
0x4e: {  	_ =	swait.ge [sflag:s10], $0xFA0  }
0x4f: {  	[sflag:s10] =	ssyncset.done $0x0  }
0x50: {  	s23 =	rddreg [dreg:$0xd];
	[sflag:s10] =	ssyncadd.s32 $0xFFFFF060  }
0x51: {  	[spmem:s23] =	stream.linear.scatter [tilespmem:s11], [sflag:$0x2], $0xFA0, $0x38;
	[tilespmem:$0x1DB00] =	vst v63  }
0x52: {  	_ =	swait.ge [sflag:s10], $0xFA0  }
0x53: {  	[sflag:s10] =	ssyncset.done $0x0  }
0x54: {  	s18 =	rddreg [dreg:$0xe];
	[sflag:s10] =	ssyncadd.s32 $0xFFFFF060  }
0x55: {  	[spmem:s18] =	stream.linear.scatter [tilespmem:s11], [sflag:$0x2], $0xFA0, $0x38;
	[tilespmem:$0x1DB00] =	vst v63  }
0x56: {  	_ =	swait.ge [sflag:s10], $0xFA0  }
0x57: {  	[sflag:s10] =	ssyncset.done $0x0  }
0x58: {  	s19 =	rddreg [dreg:$0xf];
	[sflag:s10] =	ssyncadd.s32 $0xFFFFF060  }
0x59: {  	[spmem:s19] =	stream.linear.scatter [tilespmem:s11], [sflag:$0x2], $0xFA0, $0x38;
	[tilespmem:$0x1DB00] =	vst v63  }
0x5a: {  	_ =	swait.ge [sflag:s10], $0xFA0  }
0x5b: {  	[sflag:s10] =	ssyncset.done $0x0  }
0x5c: {  	s20 =	rddreg [dreg:$0x10];
	[sflag:s10] =	ssyncadd.s32 $0xFFFFF060  }
0x5d: {  	[spmem:s20] =	stream.linear.scatter [tilespmem:s11], [sflag:$0x2], $0xFA0, $0x38;
	[tilespmem:$0x1DB00] =	vst v63  }
0x5e: {  	_ =	swait.ge [sflag:s10], $0xFA0  }
0x5f: {  	[sflag:s10] =	ssyncset.done $0x0  }
0x60: {  	s21 =	rddreg [dreg:$0x11];
	[sflag:s10] =	ssyncadd.s32 $0xFFFFF060  }
0x61: {  	[spmem:s21] =	stream.linear.scatter [tilespmem:s11], [sflag:$0x2], $0xFA0, $0x38;
	[tilespmem:$0x1DB00] =	vst v63  }
0x62: {  	_ =	swait.ge [sflag:s10], $0xFA0  }
0x63: {  	[sflag:s10] =	ssyncset.done $0x0  }
0x64: {  	s22 =	rddreg [dreg:$0x12];
	[sflag:s10] =	ssyncadd.s32 $0xFFFFF060  }
0x65: {  	[spmem:s22] =	stream.linear.scatter [tilespmem:s11], [sflag:$0x2], $0xFA0, $0x38;
	[tilespmem:$0x1DB00] =	vst v63  }
0x66: {  	_ =	swait.ge [sflag:s10], $0xFA0  }
0x67: {  	[sflag:s10] =	ssyncset.done $0x0  }
0x68: {  	s23 =	rddreg [dreg:$0x13];
	[sflag:s10] =	ssyncadd.s32 $0xFFFFF060  }
0x69: {  	[spmem:s23] =	stream.linear.scatter [tilespmem:s11], [sflag:$0x2], $0xFA0, $0x38;
	[tilespmem:$0x1DB00] =	vst v63  }
0x6a: {  	_ =	swait.ge [sflag:s10], $0xFA0  }
0x6b: {  	[sflag:s10] =	ssyncset.done $0x0  }
0x6c: {  	[sflag:s10] =	ssyncadd.s32 $0xFFFFF060  }
0x6d: {  	[spmem:s26] =	stream.linear.scatter [tilespmem:s11], [sflag:$0x2], $0xFA0, $0x38;
	[tilespmem:$0x1DB00] =	vst v63  }
0x6e: {  	_ =	swait.ge [sflag:s10], $0xFA0  }
0x6f: {  	[sflag:s10] =	ssyncset.done $0x0  }
0x70: {  	[sflag:s10] =	ssyncadd.s32 $0xFFFFF060  }
0x71: {  	[spmem:s28] =	stream.linear.scatter [tilespmem:s11], [sflag:$0x2], $0xFA0, $0x38;
	[tilespmem:$0x1DB00] =	vst v63  }
0x72: {  	_ =	swait.ge [sflag:s10], $0xFA0  }
0x73: {  	[sflag:s10] =	ssyncset.done $0x0  }
0x74: {  	[sflag:s10] =	ssyncadd.s32 $0xFFFFF060  }
0x75: {  	[spmem:s29] =	stream.linear.scatter [tilespmem:s11], [sflag:$0x2], $0xFA0, $0x38;
	[tilespmem:$0x1DB00] =	vst v63  }
0x76: {  	_ =	swait.ge [sflag:s10], $0xFA0  }
0x77: {  	[sflag:s10] =	ssyncset.done $0x0  }
0x78: {  	[sflag:s10] =	ssyncadd.s32 $0xFFFFF060  }
0x79: {  	[spmem:s30] =	stream.linear.scatter [tilespmem:s11], [sflag:$0x2], $0xFA0, $0x38;
	[tilespmem:$0x1DB00] =	vst v63  }
0x7a: {  	_ =	swait.ge [sflag:s10], $0xFA0  }
0x7b: {  	[sflag:s10] =	ssyncset.done $0x0  }
0x7c: {  	[sflag:s10] =	ssyncadd.s32 $0xFFFFF060  }
0x7d: {  	[spmem:s31] =	stream.linear.scatter [tilespmem:s11], [sflag:$0x2], $0xFA0, $0x38;
	[tilespmem:$0x1DB00] =	vst v63  }
0x7e: {  	_ =	swait.ge [sflag:s10], $0xFA0  }
0x7f: {  	[sflag:s10] =	ssyncset.done $0x0  }
0x80: {  	[sflag:s10] =	ssyncadd.s32 $0xFFFFF060  }
0x81: {  	[spmem:s0] =	stream.linear.scatter [tilespmem:s11], [sflag:$0x2], $0xFA0, $0x38;
	[tilespmem:$0x1DB00] =	vst v63  }
0x82: {  	_ =	swait.ge [sflag:s10], $0xFA0  }
0x83: {  	[sflag:s10] =	ssyncset.done $0x0  }
0x84: {  	[sflag:s10] =	ssyncadd.s32 $0xFFFFF060  }
0x85: {  	[spmem:s1] =	stream.linear.scatter [tilespmem:s11], [sflag:$0x2], $0xFA0, $0x38;
	[tilespmem:$0x1DB00] =	vst v63  }
0x86: {  	_ =	swait.ge [sflag:s10], $0xFA0  }
0x87: {  	[sflag:s10] =	ssyncset.done $0x0  }
0x88: {  	[sflag:s10] =	ssyncadd.s32 $0xFFFFF060  }
0x89: {  	[spmem:s8] =	stream.linear.scatter [tilespmem:s11], [sflag:$0x2], $0xFA0, $0x38;
	[tilespmem:$0x1DB00] =	vst v63  }
0x8a: {  	_ =	swait.ge [sflag:s10], $0xFA0  }
0x8b: {  	[sflag:s10] =	ssyncset.done $0x0  }
0x8c: {  	[sflag:s10] =	ssyncadd.s32 $0xFFFFF060  }
0x8d: {  	[spmem:s9] =	stream.linear.scatter [tilespmem:s11], [sflag:$0x2], $0xFA0, $0x38;
	[tilespmem:$0x1DB00] =	vst v63  }
0x8e: {  	_ =	swait.ge [sflag:s10], $0xFA0  }
0x8f: {  	[sflag:s10] =	ssyncset.done $0x0  }
0x90: {  	[sflag:s10] =	ssyncadd.s32 $0xFFFFF060  }
0x91: {  	s17 =	simm.s32 $0x0;
	s18 =	simm.s32 $0x0;
	[bflag:$0x0] =	sbarrier.arrive $0xFFFF  }
.LBB2_4:
0x92: {  	s19 =	smul.u32 $0x50, s18;
	_ =	sdelay $0x1  }
0x93: {  	s20 =	sadd.s32 s5, s19  }
0x94: {  	s21 =	sshll.u32 s20, $0x3  }
0x95: {  	s20 =	sshrl.u32 s20, $0x3;
	s21 =	sadd.s32 s6, s21  }
0x96: {  	[tilespmem:s12], [sflag:$0x1] =	stream.linear.gather [hbm4b:s21+s17], $0x1400, $0x38;
	[tilespmem:$0x1DB00] =	vst v63  }
0x97: {  	s20 =	sadd.s32 s2, s20  }
0x98: {  	[tilespmem:s13], [sflag:$0x2] =	stream.linear.gather [hbm4b:s20+s17], $0x50, $0x38;
	[tilespmem:$0x1DB00] =	vst v63  }
0x99: {  	_ =	swait.ge [sflag:s10], $0x50  }
0x9a: {  	[sflag:s10] =	ssyncset.done $0x0  }
0x9b: {  	[sflag:s10] =	ssyncadd.s32 $0xFFFFFFB0  }
0x9c: {  	_ =	swait.ge [sflag:s14], $0x1400  }
0x9d: {  	s22 =	simm.s32 $0x0;
	[sflag:s14] =	ssyncset.done $0x0  }
0x9e: {  	s21 =	simm.s32 $0x3DE0;
	s20 =	simm.s32 $0x2910;
	[sflag:s14] =	ssyncadd.s32 $0xFFFFEC00  }
.LBB2_5:
0x9f: {  	s23 =	sshra.s32 s22, $0x2  }
0xa0: {  	v1 =	vld [tilespmem:s23+$0x3B10];
	_ =	sdelay $0x1  }
0xa1: {  	v2 =	vld [tilespmem:s20+$0xFFFFFE00];
	_ =	sdelay $0x2  }
0xa2: {  	v3 =	vbroadcast v1, $0x0;
	_ =	sdelay $0x1  }
0xa3: {  	v2 =	vmul.f32 v3, v2;
	_ =	sdelay $0x1  }
0xa4: {  	[tilespmem:s21+$0xFFFFFD80] =	vst v2  }
0xa5: {  	v2 =	vld [tilespmem:s20+$0xFFFFFE10];
	_ =	sdelay $0x4  }
0xa6: {  	v2 =	vmul.f32 v2, v3;
	_ =	sdelay $0x1  }
0xa7: {  	[tilespmem:s21+$0xFFFFFD90] =	vst v2  }
0xa8: {  	v2 =	vld [tilespmem:s20+$0xFFFFFE20];
	_ =	sdelay $0x4  }
0xa9: {  	v2 =	vmul.f32 v2, v3;
	_ =	sdelay $0x1  }
0xaa: {  	[tilespmem:s21+$0xFFFFFDA0] =	vst v2  }
0xab: {  	v2 =	vld [tilespmem:s20+$0xFFFFFE30];
	_ =	sdelay $0x4  }
0xac: {  	v2 =	vmul.f32 v2, v3  }
0xad: {  	[tilespmem:s21+$0xFFFFFDC0] =	vst v3  }
0xae: {  	[tilespmem:s21+$0xFFFFFDB0] =	vst v2  }
0xaf: {  	v2 =	vld [tilespmem:s20+$0xFFFFFE40];
	_ =	sdelay $0x2  }
0xb0: {  	v3 =	vbroadcast v1, $0x1;
	_ =	sdelay $0x1  }
0xb1: {  	v2 =	vmul.f32 v2, v3;
	_ =	sdelay $0x1  }
0xb2: {  	[tilespmem:s21+$0xFFFFFDD0] =	vst v2  }
0xb3: {  	v2 =	vld [tilespmem:s20+$0xFFFFFE50];
	_ =	sdelay $0x4  }
0xb4: {  	v2 =	vmul.f32 v2, v3;
	_ =	sdelay $0x1  }
0xb5: {  	[tilespmem:s21+$0xFFFFFDE0] =	vst v2  }
0xb6: {  	v2 =	vld [tilespmem:s20+$0xFFFFFE60];
	_ =	sdelay $0x4  }
0xb7: {  	v2 =	vmul.f32 v2, v3;
	_ =	sdelay $0x1  }
0xb8: {  	[tilespmem:s21+$0xFFFFFDF0] =	vst v2  }
0xb9: {  	v2 =	vld [tilespmem:s20+$0xFFFFFE70];
	_ =	sdelay $0x4  }
0xba: {  	v2 =	vmul.f32 v2, v3  }
0xbb: {  	[tilespmem:s21+$0xFFFFFE10] =	vst v3  }
0xbc: {  	[tilespmem:s21+$0xFFFFFE00] =	vst v2  }
0xbd: {  	v2 =	vld [tilespmem:s20+$0xFFFFFE80];
	_ =	sdelay $0x2  }
0xbe: {  	v3 =	vbroadcast v1, $0x2;
	_ =	sdelay $0x1  }
0xbf: {  	v2 =	vmul.f32 v2, v3;
	_ =	sdelay $0x1  }
0xc0: {  	[tilespmem:s21+$0xFFFFFE20] =	vst v2  }
0xc1: {  	v2 =	vld [tilespmem:s20+$0xFFFFFE90];
	_ =	sdelay $0x4  }
0xc2: {  	v2 =	vmul.f32 v2, v3;
	_ =	sdelay $0x1  }
0xc3: {  	[tilespmem:s21+$0xFFFFFE30] =	vst v2  }
0xc4: {  	v2 =	vld [tilespmem:s20+$0xFFFFFEA0];
	_ =	sdelay $0x4  }
0xc5: {  	v2 =	vmul.f32 v2, v3;
	_ =	sdelay $0x1  }
0xc6: {  	[tilespmem:s21+$0xFFFFFE40] =	vst v2  }
0xc7: {  	v2 =	vld [tilespmem:s20+$0xFFFFFEB0];
	_ =	sdelay $0x4  }
0xc8: {  	v2 =	vmul.f32 v2, v3  }
0xc9: {  	[tilespmem:s21+$0xFFFFFE60] =	vst v3  }
0xca: {  	[tilespmem:s21+$0xFFFFFE50] =	vst v2  }
0xcb: {  	v2 =	vld [tilespmem:s20+$0xFFFFFEC0];
	_ =	sdelay $0x2  }
0xcc: {  	v3 =	vbroadcast v1, $0x3;
	_ =	sdelay $0x1  }
0xcd: {  	v2 =	vmul.f32 v2, v3;
	_ =	sdelay $0x1  }
0xce: {  	[tilespmem:s21+$0xFFFFFE70] =	vst v2  }
0xcf: {  	v2 =	vld [tilespmem:s20+$0xFFFFFED0];
	_ =	sdelay $0x4  }
0xd0: {  	v2 =	vmul.f32 v2, v3;
	_ =	sdelay $0x1  }
0xd1: {  	[tilespmem:s21+$0xFFFFFE80] =	vst v2  }
0xd2: {  	v2 =	vld [tilespmem:s20+$0xFFFFFEE0];
	_ =	sdelay $0x4  }
0xd3: {  	v2 =	vmul.f32 v2, v3;
	_ =	sdelay $0x1  }
0xd4: {  	[tilespmem:s21+$0xFFFFFE90] =	vst v2  }
0xd5: {  	v2 =	vld [tilespmem:s20+$0xFFFFFEF0];
	_ =	sdelay $0x4  }
0xd6: {  	v2 =	vmul.f32 v2, v3  }
0xd7: {  	[tilespmem:s21+$0xFFFFFEB0] =	vst v3  }
0xd8: {  	[tilespmem:s21+$0xFFFFFEA0] =	vst v2  }
0xd9: {  	v2 =	vld [tilespmem:s20+$0xFFFFFF00];
	_ =	sdelay $0x2  }
0xda: {  	v3 =	vbroadcast v1, $0x4;
	_ =	sdelay $0x1  }
0xdb: {  	v2 =	vmul.f32 v2, v3;
	_ =	sdelay $0x1  }
0xdc: {  	[tilespmem:s21+$0xFFFFFEC0] =	vst v2  }
0xdd: {  	v2 =	vld [tilespmem:s20+$0xFFFFFF10];
	_ =	sdelay $0x4  }
0xde: {  	v2 =	vmul.f32 v2, v3;
	_ =	sdelay $0x1  }
0xdf: {  	[tilespmem:s21+$0xFFFFFED0] =	vst v2  }
0xe0: {  	v2 =	vld [tilespmem:s20+$0xFFFFFF20];
	_ =	sdelay $0x4  }
0xe1: {  	v2 =	vmul.f32 v2, v3;
	_ =	sdelay $0x1  }
0xe2: {  	[tilespmem:s21+$0xFFFFFEE0] =	vst v2  }
0xe3: {  	v2 =	vld [tilespmem:s20+$0xFFFFFF30];
	_ =	sdelay $0x4  }
0xe4: {  	v2 =	vmul.f32 v2, v3  }
0xe5: {  	[tilespmem:s21+$0xFFFFFF00] =	vst v3  }
0xe6: {  	[tilespmem:s21+$0xFFFFFEF0] =	vst v2  }
0xe7: {  	v2 =	vld [tilespmem:s20+$0xFFFFFF40];
	_ =	sdelay $0x2  }
0xe8: {  	v3 =	vbroadcast v1, $0x5;
	_ =	sdelay $0x1  }
0xe9: {  	v2 =	vmul.f32 v2, v3;
	_ =	sdelay $0x1  }
0xea: {  	[tilespmem:s21+$0xFFFFFF10] =	vst v2  }
0xeb: {  	v2 =	vld [tilespmem:s20+$0xFFFFFF50];
	_ =	sdelay $0x4  }
0xec: {  	v2 =	vmul.f32 v2, v3;
	_ =	sdelay $0x1  }
0xed: {  	[tilespmem:s21+$0xFFFFFF20] =	vst v2  }
0xee: {  	v2 =	vld [tilespmem:s20+$0xFFFFFF60];
	_ =	sdelay $0x4  }
0xef: {  	v2 =	vmul.f32 v2, v3;
	_ =	sdelay $0x1  }
0xf0: {  	[tilespmem:s21+$0xFFFFFF30] =	vst v2  }
0xf1: {  	v2 =	vld [tilespmem:s20+$0xFFFFFF70];
	_ =	sdelay $0x4  }
0xf2: {  	v2 =	vmul.f32 v2, v3  }
0xf3: {  	[tilespmem:s21+$0xFFFFFF50] =	vst v3  }
0xf4: {  	[tilespmem:s21+$0xFFFFFF40] =	vst v2  }
0xf5: {  	v2 =	vld [tilespmem:s20+$0xFFFFFF80];
	_ =	sdelay $0x2  }
0xf6: {  	v3 =	vbroadcast v1, $0x6;
	_ =	sdelay $0x1  }
0xf7: {  	v2 =	vmul.f32 v2, v3;
	_ =	sdelay $0x1  }
0xf8: {  	[tilespmem:s21+$0xFFFFFF60] =	vst v2  }
0xf9: {  	v2 =	vld [tilespmem:s20+$0xFFFFFF90];
	_ =	sdelay $0x4  }
0xfa: {  	v2 =	vmul.f32 v2, v3;
	_ =	sdelay $0x1  }
0xfb: {  	[tilespmem:s21+$0xFFFFFF70] =	vst v2  }
0xfc: {  	v2 =	vld [tilespmem:s20+$0xFFFFFFA0];
	_ =	sdelay $0x4  }
0xfd: {  	v2 =	vmul.f32 v2, v3;
	_ =	sdelay $0x1  }
0xfe: {  	[tilespmem:s21+$0xFFFFFF80] =	vst v2  }
0xff: {  	v2 =	vld [tilespmem:s20+$0xFFFFFFB0];
	_ =	sdelay $0x4  }
0x100: {  	v2 =	vmul.f32 v2, v3  }
0x101: {  	[tilespmem:s21+$0xFFFFFFA0] =	vst v3  }
0x102: {  	[tilespmem:s21+$0xFFFFFF90] =	vst v2  }
0x103: {  	v2 =	vld [tilespmem:s20+$0xFFFFFFC0];
	_ =	sdelay $0x2  }
0x104: {  	v3 =	vbroadcast v1, $0x7;
	_ =	sdelay $0x1  }
0x105: {  	v2 =	vmul.f32 v2, v3;
	_ =	sdelay $0x1  }
0x106: {  	[tilespmem:s21+$0xFFFFFFB0] =	vst v2  }
0x107: {  	v2 =	vld [tilespmem:s20+$0xFFFFFFD0];
	_ =	sdelay $0x4  }
0x108: {  	v2 =	vmul.f32 v2, v3;
	_ =	sdelay $0x1  }
0x109: {  	[tilespmem:s21+$0xFFFFFFC0] =	vst v2  }
0x10a: {  	v2 =	vld [tilespmem:s20+$0xFFFFFFE0];
	_ =	sdelay $0x4  }
0x10b: {  	v2 =	vmul.f32 v2, v3;
	_ =	sdelay $0x1  }
0x10c: {  	[tilespmem:s21+$0xFFFFFFD0] =	vst v2  }
0x10d: {  	v2 =	vld [tilespmem:s20+$0xFFFFFFF0];
	_ =	sdelay $0x4  }
0x10e: {  	v2 =	vmul.f32 v2, v3  }
0x10f: {  	[tilespmem:s21+$0xFFFFFFF0] =	vst v3  }
0x110: {  	[tilespmem:s21+$0xFFFFFFE0] =	vst v2  }
0x111: {  	v2 =	vld [tilespmem:s20+$0x0];
	_ =	sdelay $0x2  }
0x112: {  	v3 =	vbroadcast v1, $0x8;
	_ =	sdelay $0x1  }
0x113: {  	v2 =	vmul.f32 v2, v3;
	_ =	sdelay $0x1  }
0x114: {  	[tilespmem:s21+$0x0] =	vst v2  }
0x115: {  	v2 =	vld [tilespmem:s20+$0x10];
	_ =	sdelay $0x4  }
0x116: {  	v2 =	vmul.f32 v2, v3;
	_ =	sdelay $0x1  }
0x117: {  	[tilespmem:s21+$0x10] =	vst v2  }
0x118: {  	v2 =	vld [tilespmem:s20+$0x20];
	_ =	sdelay $0x4  }
0x119: {  	v2 =	vmul.f32 v2, v3;
	_ =	sdelay $0x1  }
0x11a: {  	[tilespmem:s21+$0x20] =	vst v2  }
0x11b: {  	v2 =	vld [tilespmem:s20+$0x30];
	_ =	sdelay $0x4  }
0x11c: {  	v2 =	vmul.f32 v2, v3  }
0x11d: {  	[tilespmem:s21+$0x40] =	vst v3  }
0x11e: {  	[tilespmem:s21+$0x30] =	vst v2  }
0x11f: {  	v2 =	vld [tilespmem:s20+$0x40];
	_ =	sdelay $0x2  }
0x120: {  	v3 =	vbroadcast v1, $0x9;
	_ =	sdelay $0x1  }
0x121: {  	v2 =	vmul.f32 v2, v3;
	_ =	sdelay $0x1  }
0x122: {  	[tilespmem:s21+$0x50] =	vst v2  }
0x123: {  	v2 =	vld [tilespmem:s20+$0x50];
	_ =	sdelay $0x4  }
0x124: {  	v2 =	vmul.f32 v2, v3;
	_ =	sdelay $0x1  }
0x125: {  	[tilespmem:s21+$0x60] =	vst v2  }
0x126: {  	v2 =	vld [tilespmem:s20+$0x60];
	_ =	sdelay $0x4  }
0x127: {  	v2 =	vmul.f32 v2, v3;
	_ =	sdelay $0x1  }
0x128: {  	[tilespmem:s21+$0x70] =	vst v2  }
0x129: {  	v2 =	vld [tilespmem:s20+$0x70];
	_ =	sdelay $0x4  }
0x12a: {  	v2 =	vmul.f32 v2, v3  }
0x12b: {  	[tilespmem:s21+$0x90] =	vst v3  }
0x12c: {  	[tilespmem:s21+$0x80] =	vst v2  }
0x12d: {  	v2 =	vld [tilespmem:s20+$0x80];
	_ =	sdelay $0x2  }
0x12e: {  	v3 =	vbroadcast v1, $0xA;
	_ =	sdelay $0x1  }
0x12f: {  	v2 =	vmul.f32 v2, v3;
	_ =	sdelay $0x1  }
0x130: {  	[tilespmem:s21+$0xA0] =	vst v2  }
0x131: {  	v2 =	vld [tilespmem:s20+$0x90];
	_ =	sdelay $0x4  }
0x132: {  	v2 =	vmul.f32 v2, v3;
	_ =	sdelay $0x1  }
0x133: {  	[tilespmem:s21+$0xB0] =	vst v2  }
0x134: {  	v2 =	vld [tilespmem:s20+$0xA0];
	_ =	sdelay $0x4  }
0x135: {  	v2 =	vmul.f32 v2, v3;
	_ =	sdelay $0x1  }
0x136: {  	[tilespmem:s21+$0xC0] =	vst v2  }
0x137: {  	v2 =	vld [tilespmem:s20+$0xB0];
	_ =	sdelay $0x4  }
0x138: {  	v2 =	vmul.f32 v2, v3  }
0x139: {  	[tilespmem:s21+$0xE0] =	vst v3  }
0x13a: {  	[tilespmem:s21+$0xD0] =	vst v2  }
0x13b: {  	v2 =	vld [tilespmem:s20+$0xC0];
	_ =	sdelay $0x2  }
0x13c: {  	v3 =	vbroadcast v1, $0xB;
	_ =	sdelay $0x1  }
0x13d: {  	v2 =	vmul.f32 v2, v3;
	_ =	sdelay $0x1  }
0x13e: {  	[tilespmem:s21+$0xF0] =	vst v2  }
0x13f: {  	v2 =	vld [tilespmem:s20+$0xD0];
	_ =	sdelay $0x4  }
0x140: {  	v2 =	vmul.f32 v2, v3;
	_ =	sdelay $0x1  }
0x141: {  	[tilespmem:s21+$0x100] =	vst v2  }
0x142: {  	v2 =	vld [tilespmem:s20+$0xE0];
	_ =	sdelay $0x4  }
0x143: {  	v2 =	vmul.f32 v2, v3;
	_ =	sdelay $0x1  }
0x144: {  	[tilespmem:s21+$0x110] =	vst v2  }
0x145: {  	v2 =	vld [tilespmem:s20+$0xF0];
	_ =	sdelay $0x4  }
0x146: {  	v2 =	vmul.f32 v2, v3  }
0x147: {  	[tilespmem:s21+$0x130] =	vst v3  }
0x148: {  	[tilespmem:s21+$0x120] =	vst v2  }
0x149: {  	v2 =	vld [tilespmem:s20+$0x100];
	_ =	sdelay $0x2  }
0x14a: {  	v3 =	vbroadcast v1, $0xC;
	_ =	sdelay $0x1  }
0x14b: {  	v2 =	vmul.f32 v2, v3;
	_ =	sdelay $0x1  }
0x14c: {  	[tilespmem:s21+$0x140] =	vst v2  }
0x14d: {  	v2 =	vld [tilespmem:s20+$0x110];
	_ =	sdelay $0x4  }
0x14e: {  	v2 =	vmul.f32 v2, v3;
	_ =	sdelay $0x1  }
0x14f: {  	[tilespmem:s21+$0x150] =	vst v2  }
0x150: {  	v2 =	vld [tilespmem:s20+$0x120];
	_ =	sdelay $0x4  }
0x151: {  	v2 =	vmul.f32 v2, v3;
	_ =	sdelay $0x1  }
0x152: {  	[tilespmem:s21+$0x160] =	vst v2  }
0x153: {  	v2 =	vld [tilespmem:s20+$0x130];
	_ =	sdelay $0x4  }
0x154: {  	v2 =	vmul.f32 v2, v3  }
0x155: {  	[tilespmem:s21+$0x180] =	vst v3  }
0x156: {  	[tilespmem:s21+$0x170] =	vst v2  }
0x157: {  	v2 =	vld [tilespmem:s20+$0x140];
	_ =	sdelay $0x2  }
0x158: {  	v3 =	vbroadcast v1, $0xD;
	_ =	sdelay $0x1  }
0x159: {  	v2 =	vmul.f32 v2, v3;
	_ =	sdelay $0x1  }
0x15a: {  	[tilespmem:s21+$0x190] =	vst v2  }
0x15b: {  	v2 =	vld [tilespmem:s20+$0x150];
	_ =	sdelay $0x4  }
0x15c: {  	v2 =	vmul.f32 v2, v3;
	_ =	sdelay $0x1  }
0x15d: {  	[tilespmem:s21+$0x1A0] =	vst v2  }
0x15e: {  	v2 =	vld [tilespmem:s20+$0x160];
	_ =	sdelay $0x4  }
0x15f: {  	v2 =	vmul.f32 v2, v3;
	_ =	sdelay $0x1  }
0x160: {  	[tilespmem:s21+$0x1B0] =	vst v2  }
0x161: {  	v2 =	vld [tilespmem:s20+$0x170];
	_ =	sdelay $0x4  }
0x162: {  	v2 =	vmul.f32 v2, v3  }
0x163: {  	[tilespmem:s21+$0x1D0] =	vst v3  }
0x164: {  	[tilespmem:s21+$0x1C0] =	vst v2  }
0x165: {  	v2 =	vld [tilespmem:s20+$0x180];
	_ =	sdelay $0x2  }
0x166: {  	v3 =	vbroadcast v1, $0xE;
	_ =	sdelay $0x1  }
0x167: {  	v2 =	vmul.f32 v2, v3;
	_ =	sdelay $0x1  }
0x168: {  	[tilespmem:s21+$0x1E0] =	vst v2  }
0x169: {  	v2 =	vld [tilespmem:s20+$0x190];
	_ =	sdelay $0x4  }
0x16a: {  	v2 =	vmul.f32 v2, v3;
	_ =	sdelay $0x1  }
0x16b: {  	[tilespmem:s21+$0x1F0] =	vst v2  }
0x16c: {  	v2 =	vld [tilespmem:s20+$0x1A0];
	_ =	sdelay $0x4  }
0x16d: {  	v2 =	vmul.f32 v2, v3;
	_ =	sdelay $0x1  }
0x16e: {  	[tilespmem:s21+$0x200] =	vst v2  }
0x16f: {  	v2 =	vld [tilespmem:s20+$0x1B0];
	_ =	sdelay $0x4  }
0x170: {  	v2 =	vmul.f32 v2, v3  }
0x171: {  	[tilespmem:s21+$0x220] =	vst v3  }
0x172: {  	[tilespmem:s21+$0x210] =	vst v2  }
0x173: {  	v2 =	vld [tilespmem:s20+$0x1C0];
	_ =	sdelay $0x2  }
0x174: {  	v1 =	vbroadcast v1, $0xF;
	_ =	sdelay $0x1  }
0x175: {  	v2 =	vmul.f32 v2, v1;
	_ =	sdelay $0x1  }
0x176: {  	[tilespmem:s21+$0x230] =	vst v2  }
0x177: {  	v2 =	vld [tilespmem:s20+$0x1D0];
	_ =	sdelay $0x4  }
0x178: {  	v2 =	vmul.f32 v2, v1;
	_ =	sdelay $0x1  }
0x179: {  	[tilespmem:s21+$0x240] =	vst v2  }
0x17a: {  	v2 =	vld [tilespmem:s20+$0x1E0];
	_ =	sdelay $0x4  }
0x17b: {  	v2 =	vmul.f32 v2, v1;
	_ =	sdelay $0x1  }
0x17c: {  	[tilespmem:s21+$0x250] =	vst v2  }
0x17d: {  	v2 =	vld [tilespmem:s20+$0x1F0];
	_ =	sdelay $0x1  }
0x17e: {  	p0 =	sne.s32 s22, $0x100  }
.Ltmp1:
0x17f: {  	_ = 	snop;
	(pc) =	sbr.rel @p0 .LBB2_5-.Ltmp1, $4  }
0x180: {  	_ = 	snop  }
0x181: {  	v2 =	vmul.f32 v2, v1  }
0x182: {  	[tilespmem:s21+$0x270] =	vst v1  }
0x183: {  	s22 =	sadd.s32 $0x40, s22;
	s20 =	sadd.s32 $0x400, s20;
	[tilespmem:s21+$0x260] =	vst v2;
	s21 =	sadd.s32 $0x500, s21  }
0x184: {  	s18 =	sadd.s32 $0x1, s18  }
0x185: {  	p0 =	sne.s32 s18, $0x7D  }
.Ltmp2:
0x186: {  	_ = 	snop;
	(pc) =	sbr.rel @p0 .LBB2_4-.Ltmp2, $4  }
0x187: {  	[spmem:s3] =	stream.indirect.scatter.add.f32 [tilespmem:s11], [sflag:$0x2], $0x50, s19, s15, $0xb8;
	[tilespmem:$0x1DB00] =	vst v63  }
0x188: {  	_ =	swait.ge [sflag:s10], $0x1900  }
0x189: {  	[sflag:s10] =	ssyncset.done $0x0  }
0x18a: {  	[sflag:s10] =	ssyncadd.s32 $0xFFFFE700  }
0x18b: {  	[bflag:$0x0] =	sbarrier.arrive $0xFFFF  }
0x18c: {  	[tilespmem:s11], [sflag:$0x2] =	stream.linear.gather [spmem:s7], $0xFA0, $0x38;
	[tilespmem:$0x1DB00] =	vst v63  }
0x18d: {  	_ =	swait.ge [sflag:s10], $0xFA0  }
0x18e: {  	[sflag:s10] =	ssyncset.done $0x0  }
0x18f: {  	s17 =	sadd.s32 $0x0, s25;
	[sflag:s10] =	ssyncadd.s32 $0xFFFFF060  }
0x190: {  	[hbm4b:s17+s4] =	stream.linear.scatter [tilespmem:s11], [sflag:$0x2], $0xFA0, $0x38;
	[tilespmem:$0x1DB00] =	vst v63  }
0x191: {  	_ =	swait.ge [sflag:s10], $0xFA0  }
0x192: {  	s18 =	smov.u32 s7;
	s17 =	simm.s32 $0x1F4;
	[sflag:s10] =	ssyncset.done $0x0  }
.LBB2_8:
0x193: {  	p0 =	sne.s32 s17, $0x2EE0;
	[sflag:s10] =	ssyncadd.s32 $0xFFFFF060;
	s18 =	sadd.s32 $0xFA0, s18  }
0x194: {  	[tilespmem:s11], [sflag:$0x2] =	stream.linear.gather [spmem:s18], $0xFA0, $0x38;
	[tilespmem:$0x1DB00] =	vst v63  }
0x195: {  	s19 =	smov.u32 s17;
	s17 =	sadd.s32 $0x1F4, s17;
	_ =	swait.ge [sflag:s10], $0xFA0  }
.Ltmp3:
0x196: {  	[sflag:s10] =	ssyncset.done $0x0;
	(pc) =	sbr.rel @p0 .LBB2_8-.Ltmp3, $4  }
0x197: {  	s19 =	sadd.s32 s19, s25;
	[sflag:s10] =	ssyncadd.s32 $0xFFFFF060  }
0x198: {  	[hbm4b:s19+s4] =	stream.linear.scatter [tilespmem:s11], [sflag:$0x2], $0xFA0, $0x38;
	[tilespmem:$0x1DB00] =	vst v63  }
0x199: {  	_ =	swait.ge [sflag:s10], $0xFA0  }
0x19a: {  	[sflag:s10] =	ssyncset.done $0x0  }
0x19b: {  	s16 =	sadd.s32 $0x1, s16  }
0x19c: {  	p0 =	sne.s32 s16, s24  }
.Ltmp4:
0x19d: {  	_ = 	snop;
	(pc) =	sbr.rel @p0 .LBB2_1-.Ltmp4, $2  }
0x19e: {  	_ =	sdelay $0x2  }
0x19f: {  	[sflag:s10] =	ssyncadd.s32 $0xFFFFF060  }
0x1a0: {  	_ =	sfence.sel $0x180000  }
0x1a1: {  	[bflag:$0x0] =	sbarrier.arrive $0xFFFF  }
0x1a2: {  	_ =	strace $0x9000004A  }
0x1a3: {  	s0 =	stileid.u32;
	[bflag:$0x2] =	sbarrier.arrive $0xFFFF  }
0x1a4: {  	p0 =	sne.s32 s0, $0x0;
	s0 =	rddreg [dreg:$0x3]  }
0x1a5: {  	s0 =	sadd.s32 @!p0 $0x100000, s0  }
0x1a6: {  	[sflag:s0] =	ssyncadd.tile.s32 @!p0 $0x1;
	_ =	shalt  }
.Lfunc_end2:
_tile_overlayer_lowered:
.L_overlay_start_2:
0x1a7: {  	(tag) =	ssettag $0x2  }
0x1a8: {  	s0 =	rddreg [dreg:$0x0];
	s2 =	stileid.u32  }
0x1a9: {  	s1 =	rddreg [dreg:$0x1];
	p0 =	sne.s32 s2, $0x0  }
0x1aa: {  	s3 =	rddreg [dreg:$0x2];
	[bflag:$0x3] =	sbarrier.arrive $0xFFFF;
	s2 =	simm.s32 @!p0 $0x1C02  }
0x1ab: {  	[timem:s3], [sflag:s2] =	dma.local @!p0 [hbm:s0], s1  }
0x1ac: {  	s0 =	simm.s32 @!p0 $0x2  }
0x1ad: {  	_ =	swait.ge @!p0 [sflag:s0], s1  }
0x1ae: {  	s1 =	ssub.s32 @!p0 $0x0, s1;
	[sflag:s0] =	ssyncset.done @!p0 $0x0  }
0x1af: {  	[sflag:s0] =	ssyncadd.s32 @!p0 s1  }
0x1b0: {  	[bflag:$0x3] =	sbarrier.arrive $0xFFFF  }
0x1b1: {  	_ =	shalt  }

// kernel: kernel.9.cloned.1.call-start
scs
__scs_entry_jumppad:
0x0: {  	(pc) =	sbr.rel $0x88, $3  }
0x1: {  	(tag) =	ssettag $0x0;
	lr =	simm.s32 $0x1  }
0x2: {  	[smem:$0x3F74] =	sst lr;
	_ =	strace $0xD0000000  }
0x3: {  	_ = 	snop  }
0x4: {  	_ = 	snop  }
0x5: {  	_ = 	snop  }
0x6: {  	_ = 	snop  }
0x7: {  	_ = 	snop  }
__scs_overlays_trampoline_lowered:
0x8: {  	[smem:$0x3F83] =	sst s0  }
0x9: {  	[smem:$0x3F84] =	sst s1  }
0xa: {  	[smem:$0x3F85] =	sst s2  }
0xb: {  	[smem:$0x3F86] =	sst s3  }
0xc: {  	[smem:$0x3F87] =	sst s4  }
0xd: {  	[smem:$0x3F88] =	sst s5  }
0xe: {  	[smem:$0x3F89] =	sst s6  }
0xf: {  	[smem:$0x3F8A] =	sst s7  }
0x10: {  	[smem:$0x3F8B] =	sst s8  }
0x11: {  	[smem:$0x3F8C] =	sst s9;
	s0 =	simm.s32 @!p0 $0x0  }
0x12: {  	s1 =	sld [smem:$0x3F72];
	s0 =	simm.s32 @p0 $0x1  }
0x13: {  	[smem:$0x3F8D] =	sst s0;
	s0 =	simm.s32 @!p1 $0x0  }
0x14: {  	s2 =	sld [smem:$0x3F71];
	s0 =	simm.s32 @p1 $0x1  }
0x15: {  	[smem:$0x3F8E] =	sst s0;
	s0 =	simm.s32 @!p2 $0x0  }
0x16: {  	s3 =	sld [smem:$0x3FDB];
	s0 =	simm.s32 @p2 $0x1  }
0x17: {  	s4 =	simm.s32 $0x1BF5;
	[smem:$0x3F90] =	sst s0  }
0x18: {  	s0 =	sld [smem:$0x3F73];
	_ =	swait.ge [sflag:s4], $0x0  }
0x19: {  	s7 =	sld [smem:$0x3F74]  }
0x1a: {  	s8 =	sadd.s32 $0xFFFFE003, lr  }
0x1b: {  	s9 =	sadd.s32 $0xFFFFFEF7, lr;
	s5 =	simm.s32 $0xFFFFFFFF;
	p2 =	slt.u32 s8, $0xFFFFF086  }
0x1c: {  	p1 =	slt.u32 s9, $0xF7A;
	s5 =	simm.s32 @!p2 $0x0  }
0x1d: {  	s5 =	simm.s32 @p1 $0x1;
	p0 =	seq.s32 s7, s2  }
0x1e: {  	s7 =	smul.u32 @!p0 $0xF7A, s2;
	p2 =	seq.s32 @!p0 s5, $0x0  }
0x1f: {  	s9 =	smul.u32 $0xF7A, s1;
	s8 =	simm.s32 @!p0 $0x1BF5;
	p2 =	por !p2, p0  }
0x20: {  	[sflag:s8] =	ssyncset.s32 @!p0 $0xFFFFF086;
	s6 =	sadd.s32 @!p0 s3, s7;
	s7 =	simm.s32 @!p0 $0x108  }
0x21: {  	s3 =	sadd.s32 s3, s9;
	s6 =	sadd.s32 @!p0 $0x88, s6;
	s7 =	simm.s32 @p2 $0x1082  }
0x22: {  	[simem:s7], [sflag:s8] =	dma.local @!p0 [hbm:s6], $0xF7A  }
0x23: {  	s9 =	sor.u32 $0xD0000000, s2;
	s6 =	simm.s32 $0x108;
	_ =	swait.ge @!p0 [sflag:s8], $0x0  }
0x24: {  	s3 =	sadd.s32 $0x88, s3;
	s6 =	simm.s32 @!p1 $0x1082;
	[sflag:s4] =	ssyncset.s32 $0xFFFFF086  }
0x25: {  	[simem:s6], [sflag:s4] =	dma.local [hbm:s3], $0xF7A  }
0x26: {  	[smem:$0x3F74] =	sst s1;
	(tag) =	ssettag s2;
	_ =	strace s9  }
0x27: {  	s1 =	sld [smem:$0x3F84]  }
0x28: {  	s2 =	sld [smem:$0x3F85]  }
0x29: {  	s4 =	sld [smem:$0x3F87]  }
0x2a: {  	p0 =	seq.s32 s5, $0x0;
	s5 =	sld [smem:$0x3F88]  }
0x2b: {  	s6 =	sld [smem:$0x3F89]  }
0x2c: {  	s7 =	sld [smem:$0x3F8A]  }
0x2d: {  	s3 =	simm.s32 $0x108;
	s8 =	sld [smem:$0x3F8B]  }
0x2e: {  	s3 =	simm.s32 @!p0 $0x1082;
	s9 =	sld [smem:$0x3F8C]  }
0x2f: {  	lr =	sadd.s32 s0, s3;
	s0 =	sld [smem:$0x3F83]  }
0x30: {  	s3 =	sld [smem:$0x3F86]  }
0x31: {  	[smem:$0x3F8F] =	sst s10  }
0x32: {  	s10 =	sld [smem:$0x3F8D];
	_ =	sdelay $0x3  }
0x33: {  	p0 =	seq.s32 s10, $0x1;
	s10 =	sld [smem:$0x3F8F];
	_ =	sdelay $0x3  }
0x34: {  	[smem:$0x3F8F] =	sst s10  }
0x35: {  	s10 =	sld [smem:$0x3F8E];
	_ =	sdelay $0x3  }
0x36: {  	p1 =	seq.s32 s10, $0x1;
	s10 =	sld [smem:$0x3F8F];
	_ =	sdelay $0x3  }
0x37: {  	[smem:$0x3F8F] =	sst s10  }
0x38: {  	s10 =	sld [smem:$0x3F90]  }
0x39: {  	_ = 	snop;
	(pc) =	sbr.ind lr, $3  }
0x3a: {  	_ = 	snop  }
0x3b: {  	_ = 	snop  }
0x3c: {  	p2 =	seq.s32 s10, $0x1;
	s10 =	sld [smem:$0x3F8F]  }
0x3d: {  	_ =	shalt  }
0x3e: {  	_ =	shalt  }
0x3f: {  	_ =	shalt  }
0x40: {  	_ =	shalt  }
0x41: {  	_ =	shalt  }
0x42: {  	_ =	shalt  }
0x43: {  	_ =	shalt  }
0x44: {  	_ =	shalt  }
0x45: {  	_ =	shalt  }
0x46: {  	_ =	shalt  }
0x47: {  	_ =	shalt  }
0x48: {  	_ =	shalt  }
0x49: {  	_ =	shalt  }
0x4a: {  	_ =	shalt  }
0x4b: {  	_ =	shalt  }
0x4c: {  	_ =	shalt  }
0x4d: {  	_ =	shalt  }
0x4e: {  	_ =	shalt  }
0x4f: {  	_ =	shalt  }
0x50: {  	_ =	shalt  }
0x51: {  	_ =	shalt  }
0x52: {  	_ =	shalt  }
0x53: {  	_ =	shalt  }
0x54: {  	_ =	shalt  }
0x55: {  	_ =	shalt  }
0x56: {  	_ =	shalt  }
0x57: {  	_ =	shalt  }
0x58: {  	_ =	shalt  }
0x59: {  	_ =	shalt  }
0x5a: {  	_ =	shalt  }
0x5b: {  	_ =	shalt  }
0x5c: {  	_ =	shalt  }
0x5d: {  	_ =	shalt  }
0x5e: {  	_ =	shalt  }
0x5f: {  	_ =	shalt  }
0x60: {  	_ =	shalt  }
0x61: {  	_ =	shalt  }
0x62: {  	_ =	shalt  }
0x63: {  	_ =	shalt  }
0x64: {  	_ =	shalt  }
0x65: {  	_ =	shalt  }
0x66: {  	_ =	shalt  }
0x67: {  	_ =	shalt  }
0x68: {  	_ =	shalt  }
0x69: {  	_ =	shalt  }
0x6a: {  	_ =	shalt  }
0x6b: {  	_ =	shalt  }
0x6c: {  	_ =	shalt  }
0x6d: {  	_ =	shalt  }
0x6e: {  	_ =	shalt  }
0x6f: {  	_ =	shalt  }
0x70: {  	_ =	shalt  }
0x71: {  	_ =	shalt  }
0x72: {  	_ =	shalt  }
0x73: {  	_ =	shalt  }
0x74: {  	_ =	shalt  }
0x75: {  	_ =	shalt  }
0x76: {  	_ =	shalt  }
0x77: {  	_ =	shalt  }
0x78: {  	_ =	shalt  }
0x79: {  	_ =	shalt  }
0x7a: {  	_ =	shalt  }
0x7b: {  	_ =	shalt  }
0x7c: {  	_ =	shalt  }
0x7d: {  	_ =	shalt  }
0x7e: {  	_ =	shalt  }
0x7f: {  	_ =	shalt  }
0x80: {  	_ =	shalt  }
0x81: {  	_ =	shalt  }
0x82: {  	_ =	shalt  }
0x83: {  	_ =	shalt  }
0x84: {  	_ =	shalt  }
0x85: {  	_ =	shalt  }
0x86: {  	_ =	shalt  }
0x87: {  	_ =	shalt  }
.Lfunc_end0:
.L_simem_size_0:
called_computation_lowered:
.L_overlay_start_0:
0x88: {  	s2 =	sld [smem:$0x3FD9]  }
0x89: {  	s3 =	sld [smem:$0x3FFE];
	_ =	sdelay $0x1  }
0x8a: {  	s1 =	srdreg.scid  }
0x8b: {  	s0 =	sand.u32 $0x1, s1  }
0x8c: {  	s17 =	sshll.u32 s0, $0xA;
	s2 =	sadd.s32 s3, s2  }
0x8d: {  	s2 =	sadd.s32 s2, s17  }
0x8e: {  	[smem:$0x3F9B] =	sst s2  }
0x8f: {  	_ = 	snop  }
0x90: {  	s2 =	sld [smem:$0x3FD0];
	(tm) =	ssettm $0x1  }
0x91: {  	s18 =	sld [smem:$0x3FFB];
	_ =	sdelay $0x3  }
0x92: {  	_ =	strace s18  }
0x93: {  	s3 =	sld [smem:$0x3FFC];
	_ =	sdelay $0x3  }
0x94: {  	_ =	strace s3  }
0x95: {  	s3 =	sld [smem:$0x3FFD];
	_ =	sdelay $0x3  }
0x96: {  	_ =	strace s3  }
0x97: {  	_ =	strace $0x8FFFFFFF  }
0x98: {  	s19 =	sld [smem:$0x3FDB];
	_ =	sdelay $0x1  }
0x99: {  	s4 =	simm.s32 $_scs_section_size  }
0x9a: {  	s5 =	simm.s32 $_size__tile_overlayer_lowered;
	s6 =	simm.s32 $_tile_overlayer_lowered  }
0x9b: {  	s22 =	simm.s32 $0x1BFF;
	s21 =	sshll.u32 s6, $0x1;
	s3 =	sadd.s32 s4, s19  }
0x9c: {  	s7 =	simm.s32 $0x0;
	s20 =	sshll.u32 s5, $0x1;
	s5 =	sadd.s32 s21, s3  }
0x9d: {  	[timem:s7], [sflag:s22] =	dma.local [hbm:s5], s20  }
0x9e: {  	_ =	swait.ge [sflag:s22], s20  }
0x9f: {  	s4 =	ssub.s32 $0x0, s20;
	[sflag:s22] =	ssyncset.done $0x0  }
0xa0: {  	[sflag:s22] =	ssyncadd.s32 s4;
	_ =	sdelay $0x1  }
0xa1: {  	s23 =	simm.s32 $0x1B8B  }
0xa2: {  	_ =	swait.ge [sflag:s23], $0x1  }
0xa3: {  	[sflag:s23] =	ssyncset.done $0x0  }
0xa4: {  	s25 =	simm.s32 $0x1B8E;
	s24 =	sld [smem:$0x3FFE];
	[sflag:s23] =	ssyncadd.s32 $0xFFFFFFFF  }
0xa5: {  	s26 =	simm.s32 $execute0_lowered;
	[smem:$0x3FD2] =	sst s25  }
0xa6: {  	s5 =	sshll.u32 s26, $0x1;
	_ =	strace $0x80000046;
	[dreg:$0x1] =	wrdreg $0xFFFFFFFF  }
0xa7: {  	s28 =	simm.s32 $_size_execute0_lowered;
	s3 =	sadd.s32 s3, s5;
	[dreg:$0x0] =	wrdreg $0x0  }
0xa8: {  	s5 =	sshll.u32 s28, $0x1;
	[dreg:$0x2] =	wrdreg s3  }
0xa9: {  	[dreg:$0x3] =	wrdreg s5  }
0xaa: {  	[dreg:$0x4] =	wrdreg $0xC0  }
0xab: {  	_ =	task [dreg:s7], $0x5FFFF  }
0xac: {  	[dreg:$0x1] =	wrdreg $0xFFFFFFFF  }
0xad: {  	[dreg:$0x0] =	wrdreg $0x60  }
0xae: {  	[dreg:$0x2] =	wrdreg s2  }
0xaf: {  	[dreg:$0x3] =	wrdreg s24  }
0xb0: {  	[dreg:$0x4] =	wrdreg $0x9  }
0xb1: {  	_ =	task.clear_ibuf [dreg:s7], $0x5FFFF;
	_ =	strace $0x90000046  }
0xb2: {  	s29 =	simm.s32 $0x9;
	_ =	strace $0x80000048  }
0xb3: {  	_ =	swait.ge [sflag:s29], $0x1  }
0xb4: {  	[sflag:s29] =	ssyncadd.s32 $0xFFFFFFFF  }
0xb5: {  	_ =	strace $0x90000048  }
0xb6: {  	_ =	sfence  }
0xb7: {  	s30 =	sld [smem:$0x0];
	_ =	sdelay $0x2  }
0xb8: {  	s31 =	sshll.u32 s1, $0xD;
	s1 =	sshrl.u32 s1, $0x2  }
0xb9: {  	s3 =	sand.u32 $0x4000, s31;
	s1 =	sadd.s32 s1, s30  }
0xba: {  	s0 =	sor.u32 s3, s0;
	s1 =	sshll.u32 s1, $0x11  }
0xbb: {  	s0 =	sor.u32 s1, s0  }
0xbc: {  	s0 =	sadd.s32 $0x8F2B, s0  }
0xbd: {  	[sflag:s0] =	ssyncadd.remote.s32 $0x1  }
0xbe: {  	_ =	sfence.sel $0xFFFF  }
0xbf: {  	[dreg:$0x0] =	wrdreg $0xFFFFFFFF;
	(pc) =	sbr.abs _section_cstart, $3  }
0xc0: {  	[dreg:$0x1] =	wrdreg $0xFFFFFFFF  }
0xc1: {  	_ =	task.clear_ibuf [dreg:s7], $0x2FFFF;
	_ =	strace $0x9FFFFFFF  }
0xc2: {  	(tm) =	ssettm $0x7FFFFFFF  }
0xc3: {  	_ =	shalt  }
tec
execute0_lowered:
.L_overlay_start_1:
0x0: {  	(tag) =	ssettag $0x1  }
0x1: {  	s1 =	srdreg.scid;
	s2 =	rddreg [dreg:$0x0]  }
0x2: {  	s0 =	stileid.u32;
	s6 =	rddreg [dreg:$0x1];
	s3 =	simm.s32 $0x0  }
0x3: {  	s13 =	simm.s32 $0x4E20;
	s14 =	simm.s32 $0x6220;
	s15 =	simm.s32 $0x1  }
0x4: {  	s16 =	simm.s32 $0x0;
	s5 =	sand.u32 $0x1, s1;
	s8 =	smul.u32 $0x27100, s0  }
0x5: {  	s29 =	sshll.u32 s0, $0x1;
	s1 =	rddreg [dreg:$0x2];
	s9 =	smul.u32 $0x30D40, s0  }
0x6: {  	[smem:$0x7FF] =	sst s3;
	s4 =	sor.u32 s5, s29;
	s11 =	smul.u32 $0x186A0, s5  }
0x7: {  	_ =	strace $0x80000047;
	s10 =	ssub.s32 $0x2, s5;
	s12 =	smul.u32 $0x13880, s5  }
0x8: {  	s4 =	smul.u32 $0x2710, s4;
	s9 =	sadd.s32 s9, s6;
	s30 =	sshrl.u32 s10, $0x1  }
0x9: {  	s8 =	sadd.s32 s8, s6;
	s10 =	ssub.s32 s10, s30;
	s9 =	sadd.s32 s11, s9  }
0xa: {  	s31 =	sadd.s32 s12, s8;
	s11 =	simm.s32 $0x2710;
	s7 =	sshrl.u32 s4, $0x3  }
0xb: {  	s12 =	simm.s32 $0x50;
	s4 =	sadd.s32 $0x7200, s6;
	s7 =	sadd.s32 s7, s6  }
0xc: {  	s8 =	sadd.s32 $0x314600, s9;
	s9 =	sadd.s32 $0xA3600, s31;
	s5 =	sadd.s32 $0x38000, s7  }
0xd: {  	s6 =	sadd.s32 $0x41E00, s7;
	s7 =	smax.u32 s10, $0x1;
	s10 =	simm.s32 $0x2  }
.LBB2_1:
0xe: {  	[tilespmem:s3], [sflag:$0x2] =	stream.linear.gather [hbm4b:s5+s3], $0x2710, $0x38;
	[tilespmem:$0x7B20] =	vst v63  }
0xf: {  	_ =	swait.ge [sflag:s10], $0x2710  }
0x10: {  	[sflag:s10] =	ssyncset.done $0x0  }
0x11: {  	[sflag:s10] =	ssyncadd.s32 $0xFFFFD8F0  }
0x12: {  	[tilespmem:s11], [sflag:$0x2] =	stream.linear.gather [hbm4b:s6+s3], $0x2710, $0x38;
	[tilespmem:$0x7B20] =	vst v63  }
0x13: {  	_ =	swait.ge [sflag:s10], $0x2710  }
0x14: {  	[sflag:s10] =	ssyncset.done $0x0  }
0x15: {  	s17 =	simm.s32 $0x0;
	[sflag:s10] =	ssyncadd.s32 $0xFFFFD8F0  }
0x16: {  	[tilespmem:s13], [sflag:$0x1] =	stream.indirect.gather [hbm4b:s2+s12], $0x40, s17, s12, $0xb8;
	[tilespmem:$0x7B20] =	vst v63  }
0x17: {  	s31 =	simm.s32 $0x2710  }
0x18: {  	[tilespmem:s14], [sflag:$0x1] =	stream.indirect.gather [hbm4b:s4+s12], $0x50, s31, s12, $0xb8;
	[tilespmem:$0x7B20] =	vst v63  }
0x19: {  	_ =	swait.ge [sflag:s15], $0x1400  }
0x1a: {  	[sflag:s15] =	ssyncset.done $0x0  }
0x1b: {  	[sflag:s15] =	ssyncadd.s32 $0xFFFFEC00  }
0x1c: {  	_ =	swait.ge [sflag:s15], $0x1900  }
0x1d: {  	[sflag:s15] =	ssyncset.done $0x0  }
0x1e: {  	[sflag:s15] =	ssyncadd.s32 $0xFFFFE700  }
0x1f: {  	[hbm4b:s9+s3] =	stream.linear.scatter [tilespmem:s13], [sflag:$0x2], $0x1400, $0x38;
	[tilespmem:$0x7B20] =	vst v63  }
0x20: {  	_ =	swait.ge [sflag:s10], $0x1400  }
0x21: {  	[sflag:s10] =	ssyncset.done $0x0  }
0x22: {  	[sflag:s10] =	ssyncadd.s32 $0xFFFFEC00  }
0x23: {  	[hbm4b:s8+s3] =	stream.linear.scatter [tilespmem:s14], [sflag:$0x2], $0x1900, $0x38;
	[tilespmem:$0x7B20] =	vst v63  }
0x24: {  	s19 =	simm.s32 $0x140;
	s20 =	simm.s32 $0x280;
	_ =	swait.ge [sflag:s10], $0x1900  }
0x25: {  	s18 =	sadd.s32 $0x280, s9;
	s17 =	sadd.s32 $0x320, s8;
	[sflag:s10] =	ssyncset.done $0x0  }
.LBB2_2:
0x26: {  	s21 =	sshra.s32 s19, $0x2  }
0x27: {  	[sflag:s10] =	ssyncadd.s32 $0xFFFFE700;
	s19 =	smov.u32 s20;
	s22 =	sadd.s32 $0x140, s20  }
0x28: {  	[tilespmem:s13], [sflag:$0x1] =	stream.indirect.gather [hbm4b:s2+s12], $0x40, s21, s12, $0xb8;
	[tilespmem:$0x7B20] =	vst v63  }
0x29: {  	p0 =	sne.s32 s20, $0x9B00;
	s20 =	sadd.s32 $0x2710, s21  }
0x2a: {  	[tilespmem:s14], [sflag:$0x1] =	stream.indirect.gather [hbm4b:s4+s12], $0x50, s20, s12, $0xb8;
	[tilespmem:$0x7B20] =	vst v63  }
0x2b: {  	_ =	swait.ge [sflag:s15], $0x1400  }
0x2c: {  	[sflag:s15] =	ssyncset.done $0x0  }
0x2d: {  	[sflag:s15] =	ssyncadd.s32 $0xFFFFEC00  }
0x2e: {  	_ =	swait.ge [sflag:s15], $0x1900  }
0x2f: {  	[sflag:s15] =	ssyncset.done $0x0  }
0x30: {  	[sflag:s15] =	ssyncadd.s32 $0xFFFFE700  }
0x31: {  	[hbm4b:s18+s3] =	stream.linear.scatter [tilespmem:s13], [sflag:$0x2], $0x1400, $0x38;
	[tilespmem:$0x7B20] =	vst v63  }
0x32: {  	_ =	swait.ge [sflag:s10], $0x1400  }
.Ltmp0:
0x33: {  	[sflag:s10] =	ssyncset.done $0x0;
	(pc) =	sbr.rel @p0 .LBB2_2-.Ltmp0, $4  }
0x34: {  	[sflag:s10] =	ssyncadd.s32 $0xFFFFEC00  }
0x35: {  	[hbm4b:s17+s3] =	stream.linear.scatter [tilespmem:s14], [sflag:$0x2], $0x1900, $0x38;
	[tilespmem:$0x7B20] =	vst v63  }
0x36: {  	s20 =	smov.u32 s22;
	_ =	swait.ge [sflag:s10], $0x1900  }
0x37: {  	s18 =	sadd.s32 $0x280, s18;
	s17 =	sadd.s32 $0x320, s17;
	[sflag:s10] =	ssyncset.done $0x0  }
0x38: {  	s19 =	sshra.s32 s19, $0x2;
	[sflag:s10] =	ssyncadd.s32 $0xFFFFE700  }
0x39: {  	[tilespmem:s13], [sflag:$0x1] =	stream.indirect.gather [hbm4b:s2+s12], $0x40, s19, s12, $0xb8;
	[tilespmem:$0x7B20] =	vst v63  }
0x3a: {  	s19 =	sadd.s32 $0x2710, s19  }
0x3b: {  	[tilespmem:s14], [sflag:$0x1] =	stream.indirect.gather [hbm4b:s4+s12], $0x50, s19, s12, $0xb8;
	[tilespmem:$0x7B20] =	vst v63  }
0x3c: {  	_ =	swait.ge [sflag:s15], $0x1400  }
0x3d: {  	[sflag:s15] =	ssyncset.done $0x0  }
0x3e: {  	[sflag:s15] =	ssyncadd.s32 $0xFFFFEC00  }
0x3f: {  	_ =	swait.ge [sflag:s15], $0x1900  }
0x40: {  	[sflag:s15] =	ssyncset.done $0x0  }
0x41: {  	[sflag:s15] =	ssyncadd.s32 $0xFFFFE700  }
0x42: {  	[hbm4b:s18+s3] =	stream.linear.scatter [tilespmem:s13], [sflag:$0x2], $0x1400, $0x38;
	[tilespmem:$0x7B20] =	vst v63  }
0x43: {  	s16 =	sadd.s32 $0x1, s16;
	_ =	swait.ge [sflag:s10], $0x1400  }
0x44: {  	p0 =	sne.s32 s16, s7;
	[sflag:s10] =	ssyncset.done $0x0  }
.Ltmp1:
0x45: {  	[sflag:s10] =	ssyncadd.s32 $0xFFFFEC00;
	(pc) =	sbr.rel @p0 .LBB2_1-.Ltmp1, $4  }
0x46: {  	[hbm4b:s17+s3] =	stream.linear.scatter [tilespmem:s14], [sflag:$0x2], $0x1900, $0x38;
	[tilespmem:$0x7B20] =	vst v63  }
0x47: {  	_ =	swait.ge [sflag:s10], $0x1900  }
0x48: {  	[sflag:s10] =	ssyncset.done $0x0  }
0x49: {  	[sflag:s10] =	ssyncadd.s32 $0xFFFFE700  }
0x4a: {  	_ =	sfence.sel $0x180000  }
0x4b: {  	[bflag:$0x0] =	sbarrier.arrive $0xFFFF  }
0x4c: {  	p0 =	sne.s32 s0, $0x0;
	_ =	strace $0x90000047  }
0x4d: {  	s0 =	sadd.s32 @!p0 $0x100000, s1;
	[bflag:$0x2] =	sbarrier.arrive $0xFFFF  }
0x4e: {  	[sflag:s0] =	ssyncadd.tile.s32 @!p0 $0x1;
	_ =	shalt  }
.Lfunc_end2:
_tile_overlayer_lowered:
.L_overlay_start_2:
0x4f: {  	(tag) =	ssettag $0x2  }
0x50: {  	s0 =	rddreg [dreg:$0x0];
	s2 =	stileid.u32  }
0x51: {  	s1 =	rddreg [dreg:$0x1];
	p0 =	sne.s32 s2, $0x0  }
0x52: {  	s3 =	rddreg [dreg:$0x2];
	[bflag:$0x3] =	sbarrier.arrive $0xFFFF;
	s2 =	simm.s32 @!p0 $0x1C02  }
0x53: {  	[timem:s3], [sflag:s2] =	dma.local @!p0 [hbm:s0], s1  }
0x54: {  	s0 =	simm.s32 @!p0 $0x2  }
0x55: {  	_ =	swait.ge @!p0 [sflag:s0], s1  }
0x56: {  	s1 =	ssub.s32 @!p0 $0x0, s1;
	[sflag:s0] =	ssyncset.done @!p0 $0x0  }
0x57: {  	[sflag:s0] =	ssyncadd.s32 @!p0 s1  }
0x58: {  	[bflag:$0x3] =	sbarrier.arrive $0xFFFF  }
0x59: {  	_ =	shalt  }

</sc_bundles>
